<compile_context>
chip_gen: v7x
topology: tpu7x:2x2x1
jax: 0.10.2.dev20260603
libtpu: 0.0.44.dev20260713+nightly
codegen_flags: <defaults>
</compile_context>

<pallas_src>
import functools

import jax
import jax.numpy as jnp
from jax import lax
from jax.experimental import pallas as pl
from jax.experimental.pallas import tpu as pltpu
from jax.experimental.pallas import tpu_sc as plsc

N = 10000
D = 128
E = 320000
NC = 2
NS = 16
NW = NC * NS
EPW = E // NW
K = 80
NCHUNK = 128
EPWP = NCHUNK * K
NQ = NCHUNK // 4
NPAD = 10240
RPT = NPAD // NS
WBC = RPT

_sc_mesh = plsc.VectorSubcoreMesh(core_axis_name="c", subcore_axis_name="s")


@functools.partial(
    pl.kernel,
    mesh=_sc_mesh,
    out_type=jax.ShapeDtypeStruct((NC * NPAD, D), jnp.float32),
    scratch_types=[
        pltpu.VMEM((NQ, K), jnp.int32),
        pltpu.VMEM((NQ, K), jnp.int32),
        pltpu.VMEM((NQ, K), jnp.int32),
        pltpu.VMEM((NQ, K), jnp.int32),
        pltpu.VMEM((K, D), jnp.float32),
        pltpu.VMEM((K, D), jnp.float32),
        pltpu.VMEM((K, D), jnp.float32),
        pltpu.VMEM_SHARED((NPAD, D), jnp.float32),
        pltpu.SemaphoreType.DMA,
        pltpu.SemaphoreType.DMA,
        pltpu.SemaphoreType.DMA,
        pltpu.SemaphoreType.DMA,
        pltpu.SemaphoreType.DMA,
    ],
)
def _sc_agg(x_hbm, src_hbm, dst_hbm, zeros_hbm, out_hbm,
            src_a, src_b, dst_a, dst_b, rows0_v, rows1_v, rows2_v, acc_sh,
            sem0, sem1, sem2, sem_is, sem_id):
    c = lax.axis_index("c")
    s = lax.axis_index("s")
    wid = s * NC + c

    for j in range(RPT // WBC):
        pltpu.sync_copy(zeros_hbm, acc_sh.at[pl.ds(s * RPT + j * WBC, WBC)])
    plsc.subcore_barrier()

    rows = (rows0_v, rows1_v, rows2_v)
    sems = (sem0, sem1, sem2)
    srcq = (src_a, src_b)
    dstq = (dst_a, dst_b)

    def idx_load(q, sync):
        sl = pl.ds(q * NQ, NQ)
        a = q % 2
        if sync:
            pltpu.sync_copy(src_hbm.at[wid, sl], srcq[a])
            pltpu.sync_copy(dst_hbm.at[wid, sl], dstq[a])
        else:
            pltpu.async_copy(src_hbm.at[wid, sl], srcq[a], sem_is)
            pltpu.async_copy(dst_hbm.at[wid, sl], dstq[a], sem_id)

    def idx_wait(q):
        sl = pl.ds(q * NQ, NQ)
        a = q % 2
        pltpu.make_async_copy(src_hbm.at[wid, sl], srcq[a], sem_is).wait()
        pltpu.make_async_copy(dst_hbm.at[wid, sl], dstq[a], sem_id).wait()

    def start(q, rel, rb):
        pltpu.async_copy(x_hbm.at[srcq[q % 2].at[rel]], rows[rb], sems[rb])

    def finish(q, rel, rb):
        pltpu.make_async_copy(
            x_hbm.at[srcq[q % 2].at[rel]], rows[rb], sems[rb]).wait()
        pltpu.sync_copy(rows[rb], acc_sh.at[dstq[q % 2].at[rel]], add=True)

    idx_load(0, sync=True)
    idx_load(1, sync=False)
    start(0, 0, 0)
    start(0, 1, 1)
    for q in range(4):
        ph = (NQ * q) % 3

        def body(i, carry, q=q, ph=ph):
            r0 = 3 * i
            for d in range(3):
                start(q, r0 + d + 2, (ph + d + 2) % 3)
                finish(q, r0 + d, (ph + d) % 3)
            return carry

        lax.fori_loop(0, (NQ - 2) // 3, body, 0)
        if q < 3:
            idx_wait(q + 1)
            start(q + 1, 0, (ph + NQ) % 3)
            finish(q, NQ - 2, (ph + NQ - 2) % 3)
            start(q + 1, 1, (ph + NQ + 1) % 3)
            finish(q, NQ - 1, (ph + NQ - 1) % 3)
            if q < 2:
                idx_load(q + 2, sync=False)
        else:
            finish(q, NQ - 2, (ph + NQ - 2) % 3)
            finish(q, NQ - 1, (ph + NQ - 1) % 3)
    plsc.subcore_barrier()

    for j in range(RPT // WBC):
        r = s * RPT + j * WBC
        pltpu.sync_copy(acc_sh.at[pl.ds(r, WBC)],
                        out_hbm.at[pl.ds(c * NPAD + r, WBC)])


def _tc_mlp_body(x_ref, p_ref, w1_ref, b1_ref, g_ref, be_ref, w2_ref, b2_ref,
                 o_ref):
    h = x_ref[...] + p_ref[0:N, :] + p_ref[NPAD:NPAD + N, :]
    y = jnp.dot(h, w1_ref[...], preferred_element_type=jnp.float32) + b1_ref[...]
    mean = jnp.mean(y, axis=0, keepdims=True)
    yc = y - mean
    var = jnp.mean(yc * yc, axis=0, keepdims=True)
    yn = yc * lax.rsqrt(var + 1e-5) * g_ref[...] + be_ref[...]
    yr = jnp.maximum(yn, 0.0)
    z = jnp.dot(yr, w2_ref[...], preferred_element_type=jnp.float32) + b2_ref[...]
    o_ref[...] = jnp.maximum(z, 0.0)


def _tc_mlp(x, p, w1, b1, g, be, w2, b2):
    return pl.pallas_call(
        _tc_mlp_body,
        out_shape=jax.ShapeDtypeStruct((N, D), jnp.float32),
    )(x, p, w1, b1.reshape(1, D), g.reshape(1, D), be.reshape(1, D), w2,
      b2.reshape(1, D))


def kernel(x, edge_index, W1a, b1a, ga, ba, W2a, b2a, W1b, b1b, gb, bb, W2b,
           b2b):
    srcw = edge_index[0].astype(jnp.int32).reshape(NW, EPW)
    dstw = edge_index[1].astype(jnp.int32).reshape(NW, EPW)
    npad = EPWP - EPW
    pad_src = (jnp.arange(NW, dtype=jnp.int32)[:, None] * 601
               + jnp.arange(npad, dtype=jnp.int32)[None, :] * 41) % N
    src = jnp.concatenate([srcw, pad_src], axis=1).reshape(NW, NCHUNK, K)
    pad_dst = jnp.broadcast_to(
        N + jnp.arange(npad, dtype=jnp.int32) % (NPAD - N), (NW, npad))
    dst = jnp.concatenate([dstw, pad_dst], axis=1).reshape(NW, NCHUNK, K)
    zeros = jnp.zeros((WBC, D), jnp.float32)
    p1 = _sc_agg(x, src, dst, zeros)
    h1 = _tc_mlp(x, p1, W1a, b1a, ga, ba, W2a, b2a)
    p2 = _sc_agg(h1, src, dst, zeros)
    h2 = _tc_mlp(h1, p2, W1b, b1b, gb, bb, W2b, b2b)
    return (h1, h2)

# --- scband reference (transcript-rebuilt; emitter-appended) ---
"""Pipeline reference for scband-module-gin-9122510537161 (READ-ONLY COPY).

The authoritative reference and input builder live on the scoring server;
editing this copy changes nothing except your own understanding.
"""

import jax, jax.numpy as jnp
import numpy as np

N = 10000
E = 320000
D = 128
UNITS = [128, 128]
BN_EPS = 1e-5
GIN_EPS = 0.0


def _init_layer_params(key, d_in, d_out):
    k1, k2 = jax.random.split(key)
    lim1 = 1.0 / np.sqrt(d_in)
    lim2 = 1.0 / np.sqrt(d_out)
    W1 = jax.random.uniform(k1, (d_in, d_out), minval=-lim1, maxval=lim1, dtype=jnp.float32)
    b1 = jnp.zeros((d_out,), dtype=jnp.float32)
    gamma = jnp.ones((d_out,), dtype=jnp.float32)
    beta = jnp.zeros((d_out,), dtype=jnp.float32)
    W2 = jax.random.uniform(k2, (d_out, d_out), minval=-lim2, maxval=lim2, dtype=jnp.float32)
    b2 = jnp.zeros((d_out,), dtype=jnp.float32)
    return W1, b1, gamma, beta, W2, b2


def setup_inputs(seed: int = 0) -> dict:
    key = jax.random.key(seed)
    kx, kei, kp0, kp1 = jax.random.split(key, 4)
    x = jax.random.normal(kx, (N, D), dtype=jnp.float32)
    edge_index = jax.random.randint(kei, (2, E), 0, N, dtype=jnp.int64)
    W1a, b1a, ga, ba, W2a, b2a = _init_layer_params(kp0, D, UNITS[0])
    W1b, b1b, gb, bb, W2b, b2b = _init_layer_params(kp1, UNITS[0], UNITS[1])
    return {"x": x, "edge_index": edge_index,
            "W1a": W1a, "b1a": b1a, "ga": ga, "ba": ba, "W2a": W2a, "b2a": b2a,
            "W1b": W1b, "b1b": b1b, "gb": gb, "bb": bb, "W2b": W2b, "b2b": b2b}


def _gin_layer(x, src, dst, W1, b1, gamma, beta, W2, b2):
    # neighbor sum aggregation: out_i = sum_{j: (j->i) in E} x_j
    agg = jnp.zeros_like(x).at[dst].add(x[src])
    h = (1.0 + GIN_EPS) * x + agg
    # MLP: Linear -> BatchNorm1d (training-mode batch stats) -> ReLU -> Linear -> ReLU
    h = h @ W1 + b1
    mean = jnp.mean(h, axis=0)
    var = jnp.var(h, axis=0)
    h = (h - mean) / jnp.sqrt(var + BN_EPS) * gamma + beta
    h = jax.nn.relu(h)
    h = h @ W2 + b2
    h = jax.nn.relu(h)
    return h


def reference(x, edge_index, W1a, b1a, ga, ba, W2a, b2a, W1b, b1b, gb, bb, W2b, b2b):
    src = edge_index[0]
    dst = edge_index[1]
    h1 = _gin_layer(x, src, dst, W1a, b1a, ga, ba, W2a, b2a)
    h2 = _gin_layer(h1, src, dst, W1b, b1b, gb, bb, W2b, b2b)
    return (h1, h2)

if __name__ == "__main__":
    import jax
    _d = setup_inputs()
    print(jax.jit(kernel)(*tuple(_d.values())))

</pallas_src>

<mosaic_0001>
#map = affine_map<(d0, d1) -> (0, 0)>
#map1 = affine_map<(d0, d1) -> (0, 0, 0)>
module attributes {stable_mosaic.version = 14 : i64} {
  func.func @_sc_agg(%arg0: i32, %arg1: i32, %arg2: memref<10000x128xf32, #tpu.memory_space<hbm>>, %arg3: memref<32x128x80xi32, #tpu.memory_space<hbm>>, %arg4: memref<32x128x80xi32, #tpu.memory_space<hbm>>, %arg5: memref<640x128xf32, #tpu.memory_space<hbm>>, %arg6: memref<20480x128xf32, #tpu.memory_space<hbm>>, %arg7: memref<32x80xi32, #tpu.memory_space<vmem>>, %arg8: memref<32x80xi32, #tpu.memory_space<vmem>>, %arg9: memref<32x80xi32, #tpu.memory_space<vmem>>, %arg10: memref<32x80xi32, #tpu.memory_space<vmem>>, %arg11: memref<80x128xf32, #tpu.memory_space<vmem>>, %arg12: memref<80x128xf32, #tpu.memory_space<vmem>>, %arg13: memref<80x128xf32, #tpu.memory_space<vmem>>, %arg14: memref<10240x128xf32, #tpu.memory_space<vmem_shared>>, %arg15: memref<!tpu.dma_semaphore, #tpu.memory_space<semaphore_mem>>, %arg16: memref<!tpu.dma_semaphore, #tpu.memory_space<semaphore_mem>>, %arg17: memref<!tpu.dma_semaphore, #tpu.memory_space<semaphore_mem>>, %arg18: memref<!tpu.dma_semaphore, #tpu.memory_space<semaphore_mem>>, %arg19: memref<!tpu.dma_semaphore, #tpu.memory_space<semaphore_mem>>) attributes {dimension_semantics = [#tpu.dimension_semantics<core_parallel>, #tpu.dimension_semantics<subcore_parallel>], iteration_bounds = array<i64: 2, 16>, scalar_prefetch = 0 : i64, scratch_operands = 13 : i64, tpu.core_type = #tpu.core_type<sc_vector_subcore>, window_params = [{transform_indices = #map}, {transform_indices = #map1}, {transform_indices = #map1}, {transform_indices = #map}, {transform_indices = #map}]} {
    %mul3A = arith.constant 2 : i32
    %mul3A_0 = arith.muli %arg1, %mul3A : i32
    %add3A = arith.addi %mul3A_0, %arg0 : i32
    %mul3A_1 = arith.constant 640 : i32
    %mul3A_2 = arith.muli %arg1, %mul3A_1 : i32
    %add3A_3 = arith.constant 0 : i32
    %add3A_4 = arith.addi %mul3A_2, %add3A_3 : i32
    "tpu.region"() ({
      %run_scoped3A_249 = tpu.sem_alloc : memref<!tpu.dma_semaphore, #tpu.memory_space<semaphore_mem>>
      %dma_start3A_250 = arith.constant 0 : i32
      %dma_start3A_251 = tpu.memref_slice %arg14[%add3A_4, %dma_start3A_250] : memref<10240x128xf32, #tpu.memory_space<vmem_shared>> -> memref<640x128xf32, #tpu.memory_space<vmem_shared>>
      tpu.enqueue_dma source(%arg5 : memref<640x128xf32, #tpu.memory_space<hbm>>) target(%dma_start3A_251 : memref<640x128xf32, #tpu.memory_space<vmem_shared>>) target_semaphore(%run_scoped3A_249 : memref<!tpu.dma_semaphore, #tpu.memory_space<semaphore_mem>>)
      %dma_wait3A_252 = arith.constant 0 : i32
      %dma_wait3A_253 = tpu.memref_slice %arg14[%add3A_4, %dma_wait3A_252] : memref<10240x128xf32, #tpu.memory_space<vmem_shared>> -> memref<640x128xf32, #tpu.memory_space<vmem_shared>>
      tpu.wait_dma2 semaphore(%run_scoped3A_249 : memref<!tpu.dma_semaphore, #tpu.memory_space<semaphore_mem>>) src(%arg5 : memref<640x128xf32, #tpu.memory_space<hbm>>) dst(%dma_wait3A_253 : memref<640x128xf32, #tpu.memory_space<vmem_shared>>)
      tpu.yield
    }) : () -> ()
    %barrier3A = arith.constant 0 : index
    tpu.barrier barrier_id(%barrier3A)
    "tpu.region"() ({
      %run_scoped3A_249 = tpu.sem_alloc : memref<!tpu.dma_semaphore, #tpu.memory_space<semaphore_mem>>
      %dma_start3A_250 = arith.constant 0 : i32
      %dma_start3A_251 = arith.constant 0 : i32
      %dma_start3A_252 = tpu.memref_slice %arg3[%add3A, %dma_start3A_250, %dma_start3A_251] : memref<32x128x80xi32, #tpu.memory_space<hbm>> -> memref<1x32x80xi32, #tpu.memory_space<hbm>>
      %dma_start3A_253 = tpu.memref_squeeze %dma_start3A_252 : memref<1x32x80xi32, #tpu.memory_space<hbm>> -> memref<32x80xi32, #tpu.memory_space<hbm>>
      %dma_start3A_254 = arith.constant 0 : i32
      %dma_start3A_255 = arith.constant 0 : i32
      %dma_start3A_256 = tpu.memref_slice %arg3[%add3A, %dma_start3A_254, %dma_start3A_255] : memref<32x128x80xi32, #tpu.memory_space<hbm>> -> memref<1x32x80xi32, #tpu.memory_space<hbm>>
      %dma_start3A_257 = tpu.memref_squeeze %dma_start3A_256 : memref<1x32x80xi32, #tpu.memory_space<hbm>> -> memref<32x80xi32, #tpu.memory_space<hbm>>
      tpu.enqueue_dma source(%dma_start3A_257 : memref<32x80xi32, #tpu.memory_space<hbm>>) target(%arg7 : memref<32x80xi32, #tpu.memory_space<vmem>>) target_semaphore(%run_scoped3A_249 : memref<!tpu.dma_semaphore, #tpu.memory_space<semaphore_mem>>)
      %dma_wait3A_258 = arith.constant 0 : i32
      %dma_wait3A_259 = arith.constant 0 : i32
      %dma_wait3A_260 = tpu.memref_slice %arg3[%add3A, %dma_wait3A_258, %dma_wait3A_259] : memref<32x128x80xi32, #tpu.memory_space<hbm>> -> memref<1x32x80xi32, #tpu.memory_space<hbm>>
      %dma_wait3A_261 = tpu.memref_squeeze %dma_wait3A_260 : memref<1x32x80xi32, #tpu.memory_space<hbm>> -> memref<32x80xi32, #tpu.memory_space<hbm>>
      %dma_wait3A_262 = arith.constant 0 : i32
      %dma_wait3A_263 = arith.constant 0 : i32
      %dma_wait3A_264 = tpu.memref_slice %arg3[%add3A, %dma_wait3A_262, %dma_wait3A_263] : memref<32x128x80xi32, #tpu.memory_space<hbm>> -> memref<1x32x80xi32, #tpu.memory_space<hbm>>
      %dma_wait3A_265 = tpu.memref_squeeze %dma_wait3A_264 : memref<1x32x80xi32, #tpu.memory_space<hbm>> -> memref<32x80xi32, #tpu.memory_space<hbm>>
      tpu.wait_dma2 semaphore(%run_scoped3A_249 : memref<!tpu.dma_semaphore, #tpu.memory_space<semaphore_mem>>) src(%dma_wait3A_265 : memref<32x80xi32, #tpu.memory_space<hbm>>) dst(%arg7 : memref<32x80xi32, #tpu.memory_space<vmem>>)
      tpu.yield
    }) : () -> ()
    "tpu.region"() ({
      %run_scoped3A_249 = tpu.sem_alloc : memref<!tpu.dma_semaphore, #tpu.memory_space<semaphore_mem>>
      %dma_start3A_250 = arith.constant 0 : i32
      %dma_start3A_251 = arith.constant 0 : i32
      %dma_start3A_252 = tpu.memref_slice %arg4[%add3A, %dma_start3A_250, %dma_start3A_251] : memref<32x128x80xi32, #tpu.memory_space<hbm>> -> memref<1x32x80xi32, #tpu.memory_space<hbm>>
      %dma_start3A_253 = tpu.memref_squeeze %dma_start3A_252 : memref<1x32x80xi32, #tpu.memory_space<hbm>> -> memref<32x80xi32, #tpu.memory_space<hbm>>
      %dma_start3A_254 = arith.constant 0 : i32
      %dma_start3A_255 = arith.constant 0 : i32
      %dma_start3A_256 = tpu.memref_slice %arg4[%add3A, %dma_start3A_254, %dma_start3A_255] : memref<32x128x80xi32, #tpu.memory_space<hbm>> -> memref<1x32x80xi32, #tpu.memory_space<hbm>>
      %dma_start3A_257 = tpu.memref_squeeze %dma_start3A_256 : memref<1x32x80xi32, #tpu.memory_space<hbm>> -> memref<32x80xi32, #tpu.memory_space<hbm>>
      tpu.enqueue_dma source(%dma_start3A_257 : memref<32x80xi32, #tpu.memory_space<hbm>>) target(%arg9 : memref<32x80xi32, #tpu.memory_space<vmem>>) target_semaphore(%run_scoped3A_249 : memref<!tpu.dma_semaphore, #tpu.memory_space<semaphore_mem>>)
      %dma_wait3A_258 = arith.constant 0 : i32
      %dma_wait3A_259 = arith.constant 0 : i32
      %dma_wait3A_260 = tpu.memref_slice %arg4[%add3A, %dma_wait3A_258, %dma_wait3A_259] : memref<32x128x80xi32, #tpu.memory_space<hbm>> -> memref<1x32x80xi32, #tpu.memory_space<hbm>>
      %dma_wait3A_261 = tpu.memref_squeeze %dma_wait3A_260 : memref<1x32x80xi32, #tpu.memory_space<hbm>> -> memref<32x80xi32, #tpu.memory_space<hbm>>
      %dma_wait3A_262 = arith.constant 0 : i32
      %dma_wait3A_263 = arith.constant 0 : i32
      %dma_wait3A_264 = tpu.memref_slice %arg4[%add3A, %dma_wait3A_262, %dma_wait3A_263] : memref<32x128x80xi32, #tpu.memory_space<hbm>> -> memref<1x32x80xi32, #tpu.memory_space<hbm>>
      %dma_wait3A_265 = tpu.memref_squeeze %dma_wait3A_264 : memref<1x32x80xi32, #tpu.memory_space<hbm>> -> memref<32x80xi32, #tpu.memory_space<hbm>>
      tpu.wait_dma2 semaphore(%run_scoped3A_249 : memref<!tpu.dma_semaphore, #tpu.memory_space<semaphore_mem>>) src(%dma_wait3A_265 : memref<32x80xi32, #tpu.memory_space<hbm>>) dst(%arg9 : memref<32x80xi32, #tpu.memory_space<vmem>>)
      tpu.yield
    }) : () -> ()
    %dma_start3A = arith.constant 32 : i32
    %dma_start3A_5 = arith.constant 0 : i32
    %dma_start3A_6 = tpu.memref_slice %arg3[%add3A, %dma_start3A, %dma_start3A_5] : memref<32x128x80xi32, #tpu.memory_space<hbm>> -> memref<1x32x80xi32, #tpu.memory_space<hbm>>
    %dma_start3A_7 = tpu.memref_squeeze %dma_start3A_6 : memref<1x32x80xi32, #tpu.memory_space<hbm>> -> memref<32x80xi32, #tpu.memory_space<hbm>>
    %dma_start3A_8 = arith.constant 32 : i32
    %dma_start3A_9 = arith.constant 0 : i32
    %dma_start3A_10 = tpu.memref_slice %arg3[%add3A, %dma_start3A_8, %dma_start3A_9] : memref<32x128x80xi32, #tpu.memory_space<hbm>> -> memref<1x32x80xi32, #tpu.memory_space<hbm>>
    %dma_start3A_11 = tpu.memref_squeeze %dma_start3A_10 : memref<1x32x80xi32, #tpu.memory_space<hbm>> -> memref<32x80xi32, #tpu.memory_space<hbm>>
    tpu.enqueue_dma source(%dma_start3A_11 : memref<32x80xi32, #tpu.memory_space<hbm>>) target(%arg8 : memref<32x80xi32, #tpu.memory_space<vmem>>) target_semaphore(%arg18 : memref<!tpu.dma_semaphore, #tpu.memory_space<semaphore_mem>>)
    %dma_start3A_12 = arith.constant 32 : i32
    %dma_start3A_13 = arith.constant 0 : i32
    %dma_start3A_14 = tpu.memref_slice %arg4[%add3A, %dma_start3A_12, %dma_start3A_13] : memref<32x128x80xi32, #tpu.memory_space<hbm>> -> memref<1x32x80xi32, #tpu.memory_space<hbm>>
    %dma_start3A_15 = tpu.memref_squeeze %dma_start3A_14 : memref<1x32x80xi32, #tpu.memory_space<hbm>> -> memref<32x80xi32, #tpu.memory_space<hbm>>
    %dma_start3A_16 = arith.constant 32 : i32
    %dma_start3A_17 = arith.constant 0 : i32
    %dma_start3A_18 = tpu.memref_slice %arg4[%add3A, %dma_start3A_16, %dma_start3A_17] : memref<32x128x80xi32, #tpu.memory_space<hbm>> -> memref<1x32x80xi32, #tpu.memory_space<hbm>>
    %dma_start3A_19 = tpu.memref_squeeze %dma_start3A_18 : memref<1x32x80xi32, #tpu.memory_space<hbm>> -> memref<32x80xi32, #tpu.memory_space<hbm>>
    tpu.enqueue_dma source(%dma_start3A_19 : memref<32x80xi32, #tpu.memory_space<hbm>>) target(%arg10 : memref<32x80xi32, #tpu.memory_space<vmem>>) target_semaphore(%arg19 : memref<!tpu.dma_semaphore, #tpu.memory_space<semaphore_mem>>)
    %dma_start3A_20 = arith.constant 0 : i32
    %dma_start3A_21 = arith.constant 0 : i32
    %dma_start3A_22 = tpu.memref_slice %arg7[%dma_start3A_20, %dma_start3A_21] : memref<32x80xi32, #tpu.memory_space<vmem>> -> memref<1x80xi32, #tpu.memory_space<vmem>>
    %dma_start3A_23 = tpu.memref_squeeze %dma_start3A_22 : memref<1x80xi32, #tpu.memory_space<vmem>> -> memref<80xi32, #tpu.memory_space<vmem>>
    %dma_start3A_24 = arith.constant 0 : i32
    %dma_start3A_25 = arith.constant 0 : i32
    %dma_start3A_26 = tpu.memref_slice %arg2[%dma_start3A_24, %dma_start3A_25] : memref<10000x128xf32, #tpu.memory_space<hbm>> -> memref<10000x128xf32, #tpu.memory_space<hbm>>
    tpu.enqueue_indirect_dma source(%dma_start3A_26 : memref<10000x128xf32, #tpu.memory_space<hbm>>) target(%arg11 : memref<80x128xf32, #tpu.memory_space<vmem>>) offsets(%dma_start3A_23 : memref<80xi32, #tpu.memory_space<vmem>>) semaphore(%arg15 : memref<!tpu.dma_semaphore, #tpu.memory_space<semaphore_mem>>)
    %dma_start3A_27 = arith.constant 1 : i32
    %dma_start3A_28 = arith.constant 0 : i32
    %dma_start3A_29 = tpu.memref_slice %arg7[%dma_start3A_27, %dma_start3A_28] : memref<32x80xi32, #tpu.memory_space<vmem>> -> memref<1x80xi32, #tpu.memory_space<vmem>>
    %dma_start3A_30 = tpu.memref_squeeze %dma_start3A_29 : memref<1x80xi32, #tpu.memory_space<vmem>> -> memref<80xi32, #tpu.memory_space<vmem>>
    %dma_start3A_31 = arith.constant 0 : i32
    %dma_start3A_32 = arith.constant 0 : i32
    %dma_start3A_33 = tpu.memref_slice %arg2[%dma_start3A_31, %dma_start3A_32] : memref<10000x128xf32, #tpu.memory_space<hbm>> -> memref<10000x128xf32, #tpu.memory_space<hbm>>
    tpu.enqueue_indirect_dma source(%dma_start3A_33 : memref<10000x128xf32, #tpu.memory_space<hbm>>) target(%arg12 : memref<80x128xf32, #tpu.memory_space<vmem>>) offsets(%dma_start3A_30 : memref<80xi32, #tpu.memory_space<vmem>>) semaphore(%arg16 : memref<!tpu.dma_semaphore, #tpu.memory_space<semaphore_mem>>)
    %scan3A = arith.constant 0 : i32
    %scan3A_34 = arith.constant 0 : i32
    %scan3A_35 = arith.constant 10 : i32
    %scan3A_36 = arith.addi %scan3A_34, %scan3A_35 : i32
    %scan3A_37 = arith.constant 1 : i32
    scf.for %scan3A_249 = %scan3A_34 to %scan3A_36 step %scan3A_37  : i32 {
      %mul3A_250 = arith.constant 3 : i32
      %mul3A_251 = arith.muli %mul3A_250, %scan3A_249 : i32
      %add3A_252 = arith.constant 0 : i32
      %add3A_253 = arith.addi %mul3A_251, %add3A_252 : i32
      %add3A_254 = arith.constant 2 : i32
      %add3A_255 = arith.addi %add3A_253, %add3A_254 : i32
      %dma_start3A_256 = arith.constant 0 : i32
      %dma_start3A_257 = tpu.memref_slice %arg7[%add3A_255, %dma_start3A_256] : memref<32x80xi32, #tpu.memory_space<vmem>> -> memref<1x80xi32, #tpu.memory_space<vmem>>
      %dma_start3A_258 = tpu.memref_squeeze %dma_start3A_257 : memref<1x80xi32, #tpu.memory_space<vmem>> -> memref<80xi32, #tpu.memory_space<vmem>>
      %dma_start3A_259 = arith.constant 0 : i32
      %dma_start3A_260 = arith.constant 0 : i32
      %dma_start3A_261 = tpu.memref_slice %arg2[%dma_start3A_259, %dma_start3A_260] : memref<10000x128xf32, #tpu.memory_space<hbm>> -> memref<10000x128xf32, #tpu.memory_space<hbm>>
      tpu.enqueue_indirect_dma source(%dma_start3A_261 : memref<10000x128xf32, #tpu.memory_space<hbm>>) target(%arg13 : memref<80x128xf32, #tpu.memory_space<vmem>>) offsets(%dma_start3A_258 : memref<80xi32, #tpu.memory_space<vmem>>) semaphore(%arg17 : memref<!tpu.dma_semaphore, #tpu.memory_space<semaphore_mem>>)
      %add3A_262 = arith.constant 0 : i32
      %add3A_263 = arith.addi %mul3A_251, %add3A_262 : i32
      %dma_wait3A_264 = arith.constant 0 : i32
      %dma_wait3A_265 = tpu.memref_slice %arg7[%add3A_263, %dma_wait3A_264] : memref<32x80xi32, #tpu.memory_space<vmem>> -> memref<1x80xi32, #tpu.memory_space<vmem>>
      %dma_wait3A_266 = tpu.memref_squeeze %dma_wait3A_265 : memref<1x80xi32, #tpu.memory_space<vmem>> -> memref<80xi32, #tpu.memory_space<vmem>>
      %dma_wait3A_267 = arith.constant 0 : i32
      %dma_wait3A_268 = arith.constant 0 : i32
      %dma_wait3A_269 = tpu.memref_slice %arg2[%dma_wait3A_267, %dma_wait3A_268] : memref<10000x128xf32, #tpu.memory_space<hbm>> -> memref<10000x128xf32, #tpu.memory_space<hbm>>
      tpu.wait_indirect_dma semaphore(%arg15 : memref<!tpu.dma_semaphore, #tpu.memory_space<semaphore_mem>>) src(%dma_wait3A_269 : memref<10000x128xf32, #tpu.memory_space<hbm>>) dst(%arg11 : memref<80x128xf32, #tpu.memory_space<vmem>>)
      "tpu.region"() ({
        %run_scoped3A_306 = tpu.sem_alloc : memref<!tpu.dma_semaphore, #tpu.memory_space<semaphore_mem>>
        %dma_start3A_307 = arith.constant 0 : i32
        %dma_start3A_308 = tpu.memref_slice %arg9[%add3A_263, %dma_start3A_307] : memref<32x80xi32, #tpu.memory_space<vmem>> -> memref<1x80xi32, #tpu.memory_space<vmem>>
        %dma_start3A_309 = tpu.memref_squeeze %dma_start3A_308 : memref<1x80xi32, #tpu.memory_space<vmem>> -> memref<80xi32, #tpu.memory_space<vmem>>
        %dma_start3A_310 = arith.constant 0 : i32
        %dma_start3A_311 = arith.constant 0 : i32
        %dma_start3A_312 = tpu.memref_slice %arg14[%dma_start3A_310, %dma_start3A_311] : memref<10240x128xf32, #tpu.memory_space<vmem_shared>> -> memref<10240x128xf32, #tpu.memory_space<vmem_shared>>
        tpu.enqueue_indirect_dma source(%arg11 : memref<80x128xf32, #tpu.memory_space<vmem>>) target(%dma_start3A_312 : memref<10240x128xf32, #tpu.memory_space<vmem_shared>>) offsets(%dma_start3A_309 : memref<80xi32, #tpu.memory_space<vmem>>) semaphore(%run_scoped3A_306 : memref<!tpu.dma_semaphore, #tpu.memory_space<semaphore_mem>>) {add = true}
        %dma_wait3A_313 = arith.constant 0 : i32
        %dma_wait3A_314 = tpu.memref_slice %arg9[%add3A_263, %dma_wait3A_313] : memref<32x80xi32, #tpu.memory_space<vmem>> -> memref<1x80xi32, #tpu.memory_space<vmem>>
        %dma_wait3A_315 = tpu.memref_squeeze %dma_wait3A_314 : memref<1x80xi32, #tpu.memory_space<vmem>> -> memref<80xi32, #tpu.memory_space<vmem>>
        %dma_wait3A_316 = arith.constant 0 : i32
        %dma_wait3A_317 = arith.constant 0 : i32
        %dma_wait3A_318 = tpu.memref_slice %arg14[%dma_wait3A_316, %dma_wait3A_317] : memref<10240x128xf32, #tpu.memory_space<vmem_shared>> -> memref<10240x128xf32, #tpu.memory_space<vmem_shared>>
        tpu.wait_indirect_dma semaphore(%run_scoped3A_306 : memref<!tpu.dma_semaphore, #tpu.memory_space<semaphore_mem>>) src(%arg11 : memref<80x128xf32, #tpu.memory_space<vmem>>) dst(%dma_wait3A_318 : memref<10240x128xf32, #tpu.memory_space<vmem_shared>>)
        tpu.yield
      }) : () -> ()
      %add3A_270 = arith.constant 1 : i32
      %add3A_271 = arith.addi %mul3A_251, %add3A_270 : i32
      %add3A_272 = arith.constant 2 : i32
      %add3A_273 = arith.addi %add3A_271, %add3A_272 : i32
      %dma_start3A_274 = arith.constant 0 : i32
      %dma_start3A_275 = tpu.memref_slice %arg7[%add3A_273, %dma_start3A_274] : memref<32x80xi32, #tpu.memory_space<vmem>> -> memref<1x80xi32, #tpu.memory_space<vmem>>
      %dma_start3A_276 = tpu.memref_squeeze %dma_start3A_275 : memref<1x80xi32, #tpu.memory_space<vmem>> -> memref<80xi32, #tpu.memory_space<vmem>>
      %dma_start3A_277 = arith.constant 0 : i32
      %dma_start3A_278 = arith.constant 0 : i32
      %dma_start3A_279 = tpu.memref_slice %arg2[%dma_start3A_277, %dma_start3A_278] : memref<10000x128xf32, #tpu.memory_space<hbm>> -> memref<10000x128xf32, #tpu.memory_space<hbm>>
      tpu.enqueue_indirect_dma source(%dma_start3A_279 : memref<10000x128xf32, #tpu.memory_space<hbm>>) target(%arg11 : memref<80x128xf32, #tpu.memory_space<vmem>>) offsets(%dma_start3A_276 : memref<80xi32, #tpu.memory_space<vmem>>) semaphore(%arg15 : memref<!tpu.dma_semaphore, #tpu.memory_space<semaphore_mem>>)
      %add3A_280 = arith.constant 1 : i32
      %add3A_281 = arith.addi %mul3A_251, %add3A_280 : i32
      %dma_wait3A_282 = arith.constant 0 : i32
      %dma_wait3A_283 = tpu.memref_slice %arg7[%add3A_281, %dma_wait3A_282] : memref<32x80xi32, #tpu.memory_space<vmem>> -> memref<1x80xi32, #tpu.memory_space<vmem>>
      %dma_wait3A_284 = tpu.memref_squeeze %dma_wait3A_283 : memref<1x80xi32, #tpu.memory_space<vmem>> -> memref<80xi32, #tpu.memory_space<vmem>>
      %dma_wait3A_285 = arith.constant 0 : i32
      %dma_wait3A_286 = arith.constant 0 : i32
      %dma_wait3A_287 = tpu.memref_slice %arg2[%dma_wait3A_285, %dma_wait3A_286] : memref<10000x128xf32, #tpu.memory_space<hbm>> -> memref<10000x128xf32, #tpu.memory_space<hbm>>
      tpu.wait_indirect_dma semaphore(%arg16 : memref<!tpu.dma_semaphore, #tpu.memory_space<semaphore_mem>>) src(%dma_wait3A_287 : memref<10000x128xf32, #tpu.memory_space<hbm>>) dst(%arg12 : memref<80x128xf32, #tpu.memory_space<vmem>>)
      "tpu.region"() ({
        %run_scoped3A_306 = tpu.sem_alloc : memref<!tpu.dma_semaphore, #tpu.memory_space<semaphore_mem>>
        %dma_start3A_307 = arith.constant 0 : i32
        %dma_start3A_308 = tpu.memref_slice %arg9[%add3A_281, %dma_start3A_307] : memref<32x80xi32, #tpu.memory_space<vmem>> -> memref<1x80xi32, #tpu.memory_space<vmem>>
        %dma_start3A_309 = tpu.memref_squeeze %dma_start3A_308 : memref<1x80xi32, #tpu.memory_space<vmem>> -> memref<80xi32, #tpu.memory_space<vmem>>
        %dma_start3A_310 = arith.constant 0 : i32
        %dma_start3A_311 = arith.constant 0 : i32
        %dma_start3A_312 = tpu.memref_slice %arg14[%dma_start3A_310, %dma_start3A_311] : memref<10240x128xf32, #tpu.memory_space<vmem_shared>> -> memref<10240x128xf32, #tpu.memory_space<vmem_shared>>
        tpu.enqueue_indirect_dma source(%arg12 : memref<80x128xf32, #tpu.memory_space<vmem>>) target(%dma_start3A_312 : memref<10240x128xf32, #tpu.memory_space<vmem_shared>>) offsets(%dma_start3A_309 : memref<80xi32, #tpu.memory_space<vmem>>) semaphore(%run_scoped3A_306 : memref<!tpu.dma_semaphore, #tpu.memory_space<semaphore_mem>>) {add = true}
        %dma_wait3A_313 = arith.constant 0 : i32
        %dma_wait3A_314 = tpu.memref_slice %arg9[%add3A_281, %dma_wait3A_313] : memref<32x80xi32, #tpu.memory_space<vmem>> -> memref<1x80xi32, #tpu.memory_space<vmem>>
        %dma_wait3A_315 = tpu.memref_squeeze %dma_wait3A_314 : memref<1x80xi32, #tpu.memory_space<vmem>> -> memref<80xi32, #tpu.memory_space<vmem>>
        %dma_wait3A_316 = arith.constant 0 : i32
        %dma_wait3A_317 = arith.constant 0 : i32
        %dma_wait3A_318 = tpu.memref_slice %arg14[%dma_wait3A_316, %dma_wait3A_317] : memref<10240x128xf32, #tpu.memory_space<vmem_shared>> -> memref<10240x128xf32, #tpu.memory_space<vmem_shared>>
        tpu.wait_indirect_dma semaphore(%run_scoped3A_306 : memref<!tpu.dma_semaphore, #tpu.memory_space<semaphore_mem>>) src(%arg12 : memref<80x128xf32, #tpu.memory_space<vmem>>) dst(%dma_wait3A_318 : memref<10240x128xf32, #tpu.memory_space<vmem_shared>>)
        tpu.yield
      }) : () -> ()
      %add3A_288 = arith.constant 2 : i32
      %add3A_289 = arith.addi %mul3A_251, %add3A_288 : i32
      %add3A_290 = arith.constant 2 : i32
      %add3A_291 = arith.addi %add3A_289, %add3A_290 : i32
      %dma_start3A_292 = arith.constant 0 : i32
      %dma_start3A_293 = tpu.memref_slice %arg7[%add3A_291, %dma_start3A_292] : memref<32x80xi32, #tpu.memory_space<vmem>> -> memref<1x80xi32, #tpu.memory_space<vmem>>
      %dma_start3A_294 = tpu.memref_squeeze %dma_start3A_293 : memref<1x80xi32, #tpu.memory_space<vmem>> -> memref<80xi32, #tpu.memory_space<vmem>>
      %dma_start3A_295 = arith.constant 0 : i32
      %dma_start3A_296 = arith.constant 0 : i32
      %dma_start3A_297 = tpu.memref_slice %arg2[%dma_start3A_295, %dma_start3A_296] : memref<10000x128xf32, #tpu.memory_space<hbm>> -> memref<10000x128xf32, #tpu.memory_space<hbm>>
      tpu.enqueue_indirect_dma source(%dma_start3A_297 : memref<10000x128xf32, #tpu.memory_space<hbm>>) target(%arg12 : memref<80x128xf32, #tpu.memory_space<vmem>>) offsets(%dma_start3A_294 : memref<80xi32, #tpu.memory_space<vmem>>) semaphore(%arg16 : memref<!tpu.dma_semaphore, #tpu.memory_space<semaphore_mem>>)
      %add3A_298 = arith.constant 2 : i32
      %add3A_299 = arith.addi %mul3A_251, %add3A_298 : i32
      %dma_wait3A_300 = arith.constant 0 : i32
      %dma_wait3A_301 = tpu.memref_slice %arg7[%add3A_299, %dma_wait3A_300] : memref<32x80xi32, #tpu.memory_space<vmem>> -> memref<1x80xi32, #tpu.memory_space<vmem>>
      %dma_wait3A_302 = tpu.memref_squeeze %dma_wait3A_301 : memref<1x80xi32, #tpu.memory_space<vmem>> -> memref<80xi32, #tpu.memory_space<vmem>>
      %dma_wait3A_303 = arith.constant 0 : i32
      %dma_wait3A_304 = arith.constant 0 : i32
      %dma_wait3A_305 = tpu.memref_slice %arg2[%dma_wait3A_303, %dma_wait3A_304] : memref<10000x128xf32, #tpu.memory_space<hbm>> -> memref<10000x128xf32, #tpu.memory_space<hbm>>
      tpu.wait_indirect_dma semaphore(%arg17 : memref<!tpu.dma_semaphore, #tpu.memory_space<semaphore_mem>>) src(%dma_wait3A_305 : memref<10000x128xf32, #tpu.memory_space<hbm>>) dst(%arg13 : memref<80x128xf32, #tpu.memory_space<vmem>>)
      "tpu.region"() ({
        %run_scoped3A_306 = tpu.sem_alloc : memref<!tpu.dma_semaphore, #tpu.memory_space<semaphore_mem>>
        %dma_start3A_307 = arith.constant 0 : i32
        %dma_start3A_308 = tpu.memref_slice %arg9[%add3A_299, %dma_start3A_307] : memref<32x80xi32, #tpu.memory_space<vmem>> -> memref<1x80xi32, #tpu.memory_space<vmem>>
        %dma_start3A_309 = tpu.memref_squeeze %dma_start3A_308 : memref<1x80xi32, #tpu.memory_space<vmem>> -> memref<80xi32, #tpu.memory_space<vmem>>
        %dma_start3A_310 = arith.constant 0 : i32
        %dma_start3A_311 = arith.constant 0 : i32
        %dma_start3A_312 = tpu.memref_slice %arg14[%dma_start3A_310, %dma_start3A_311] : memref<10240x128xf32, #tpu.memory_space<vmem_shared>> -> memref<10240x128xf32, #tpu.memory_space<vmem_shared>>
        tpu.enqueue_indirect_dma source(%arg13 : memref<80x128xf32, #tpu.memory_space<vmem>>) target(%dma_start3A_312 : memref<10240x128xf32, #tpu.memory_space<vmem_shared>>) offsets(%dma_start3A_309 : memref<80xi32, #tpu.memory_space<vmem>>) semaphore(%run_scoped3A_306 : memref<!tpu.dma_semaphore, #tpu.memory_space<semaphore_mem>>) {add = true}
        %dma_wait3A_313 = arith.constant 0 : i32
        %dma_wait3A_314 = tpu.memref_slice %arg9[%add3A_299, %dma_wait3A_313] : memref<32x80xi32, #tpu.memory_space<vmem>> -> memref<1x80xi32, #tpu.memory_space<vmem>>
        %dma_wait3A_315 = tpu.memref_squeeze %dma_wait3A_314 : memref<1x80xi32, #tpu.memory_space<vmem>> -> memref<80xi32, #tpu.memory_space<vmem>>
        %dma_wait3A_316 = arith.constant 0 : i32
        %dma_wait3A_317 = arith.constant 0 : i32
        %dma_wait3A_318 = tpu.memref_slice %arg14[%dma_wait3A_316, %dma_wait3A_317] : memref<10240x128xf32, #tpu.memory_space<vmem_shared>> -> memref<10240x128xf32, #tpu.memory_space<vmem_shared>>
        tpu.wait_indirect_dma semaphore(%run_scoped3A_306 : memref<!tpu.dma_semaphore, #tpu.memory_space<semaphore_mem>>) src(%arg13 : memref<80x128xf32, #tpu.memory_space<vmem>>) dst(%dma_wait3A_318 : memref<10240x128xf32, #tpu.memory_space<vmem_shared>>)
        tpu.yield
      }) : () -> ()
    }
    %scan3A_38 = arith.constant 10 : i32
    %dma_wait3A = arith.constant 32 : i32
    %dma_wait3A_39 = arith.constant 0 : i32
    %dma_wait3A_40 = tpu.memref_slice %arg3[%add3A, %dma_wait3A, %dma_wait3A_39] : memref<32x128x80xi32, #tpu.memory_space<hbm>> -> memref<1x32x80xi32, #tpu.memory_space<hbm>>
    %dma_wait3A_41 = tpu.memref_squeeze %dma_wait3A_40 : memref<1x32x80xi32, #tpu.memory_space<hbm>> -> memref<32x80xi32, #tpu.memory_space<hbm>>
    %dma_wait3A_42 = arith.constant 32 : i32
    %dma_wait3A_43 = arith.constant 0 : i32
    %dma_wait3A_44 = tpu.memref_slice %arg3[%add3A, %dma_wait3A_42, %dma_wait3A_43] : memref<32x128x80xi32, #tpu.memory_space<hbm>> -> memref<1x32x80xi32, #tpu.memory_space<hbm>>
    %dma_wait3A_45 = tpu.memref_squeeze %dma_wait3A_44 : memref<1x32x80xi32, #tpu.memory_space<hbm>> -> memref<32x80xi32, #tpu.memory_space<hbm>>
    tpu.wait_dma2 semaphore(%arg18 : memref<!tpu.dma_semaphore, #tpu.memory_space<semaphore_mem>>) src(%dma_wait3A_45 : memref<32x80xi32, #tpu.memory_space<hbm>>) dst(%arg8 : memref<32x80xi32, #tpu.memory_space<vmem>>)
    %dma_wait3A_46 = arith.constant 32 : i32
    %dma_wait3A_47 = arith.constant 0 : i32
    %dma_wait3A_48 = tpu.memref_slice %arg4[%add3A, %dma_wait3A_46, %dma_wait3A_47] : memref<32x128x80xi32, #tpu.memory_space<hbm>> -> memref<1x32x80xi32, #tpu.memory_space<hbm>>
    %dma_wait3A_49 = tpu.memref_squeeze %dma_wait3A_48 : memref<1x32x80xi32, #tpu.memory_space<hbm>> -> memref<32x80xi32, #tpu.memory_space<hbm>>
    %dma_wait3A_50 = arith.constant 32 : i32
    %dma_wait3A_51 = arith.constant 0 : i32
    %dma_wait3A_52 = tpu.memref_slice %arg4[%add3A, %dma_wait3A_50, %dma_wait3A_51] : memref<32x128x80xi32, #tpu.memory_space<hbm>> -> memref<1x32x80xi32, #tpu.memory_space<hbm>>
    %dma_wait3A_53 = tpu.memref_squeeze %dma_wait3A_52 : memref<1x32x80xi32, #tpu.memory_space<hbm>> -> memref<32x80xi32, #tpu.memory_space<hbm>>
    tpu.wait_dma2 semaphore(%arg19 : memref<!tpu.dma_semaphore, #tpu.memory_space<semaphore_mem>>) src(%dma_wait3A_53 : memref<32x80xi32, #tpu.memory_space<hbm>>) dst(%arg10 : memref<32x80xi32, #tpu.memory_space<vmem>>)
    %dma_start3A_54 = arith.constant 0 : i32
    %dma_start3A_55 = arith.constant 0 : i32
    %dma_start3A_56 = tpu.memref_slice %arg8[%dma_start3A_54, %dma_start3A_55] : memref<32x80xi32, #tpu.memory_space<vmem>> -> memref<1x80xi32, #tpu.memory_space<vmem>>
    %dma_start3A_57 = tpu.memref_squeeze %dma_start3A_56 : memref<1x80xi32, #tpu.memory_space<vmem>> -> memref<80xi32, #tpu.memory_space<vmem>>
    %dma_start3A_58 = arith.constant 0 : i32
    %dma_start3A_59 = arith.constant 0 : i32
    %dma_start3A_60 = tpu.memref_slice %arg2[%dma_start3A_58, %dma_start3A_59] : memref<10000x128xf32, #tpu.memory_space<hbm>> -> memref<10000x128xf32, #tpu.memory_space<hbm>>
    tpu.enqueue_indirect_dma source(%dma_start3A_60 : memref<10000x128xf32, #tpu.memory_space<hbm>>) target(%arg13 : memref<80x128xf32, #tpu.memory_space<vmem>>) offsets(%dma_start3A_57 : memref<80xi32, #tpu.memory_space<vmem>>) semaphore(%arg17 : memref<!tpu.dma_semaphore, #tpu.memory_space<semaphore_mem>>)
    %dma_wait3A_61 = arith.constant 30 : i32
    %dma_wait3A_62 = arith.constant 0 : i32
    %dma_wait3A_63 = tpu.memref_slice %arg7[%dma_wait3A_61, %dma_wait3A_62] : memref<32x80xi32, #tpu.memory_space<vmem>> -> memref<1x80xi32, #tpu.memory_space<vmem>>
    %dma_wait3A_64 = tpu.memref_squeeze %dma_wait3A_63 : memref<1x80xi32, #tpu.memory_space<vmem>> -> memref<80xi32, #tpu.memory_space<vmem>>
    %dma_wait3A_65 = arith.constant 0 : i32
    %dma_wait3A_66 = arith.constant 0 : i32
    %dma_wait3A_67 = tpu.memref_slice %arg2[%dma_wait3A_65, %dma_wait3A_66] : memref<10000x128xf32, #tpu.memory_space<hbm>> -> memref<10000x128xf32, #tpu.memory_space<hbm>>
    tpu.wait_indirect_dma semaphore(%arg15 : memref<!tpu.dma_semaphore, #tpu.memory_space<semaphore_mem>>) src(%dma_wait3A_67 : memref<10000x128xf32, #tpu.memory_space<hbm>>) dst(%arg11 : memref<80x128xf32, #tpu.memory_space<vmem>>)
    %run_scoped3A = arith.constant 30 : i32
    "tpu.region"() ({
      %run_scoped3A_249 = tpu.sem_alloc : memref<!tpu.dma_semaphore, #tpu.memory_space<semaphore_mem>>
      %dma_start3A_250 = arith.constant 0 : i32
      %dma_start3A_251 = tpu.memref_slice %arg9[%run_scoped3A, %dma_start3A_250] : memref<32x80xi32, #tpu.memory_space<vmem>> -> memref<1x80xi32, #tpu.memory_space<vmem>>
      %dma_start3A_252 = tpu.memref_squeeze %dma_start3A_251 : memref<1x80xi32, #tpu.memory_space<vmem>> -> memref<80xi32, #tpu.memory_space<vmem>>
      %dma_start3A_253 = arith.constant 0 : i32
      %dma_start3A_254 = arith.constant 0 : i32
      %dma_start3A_255 = tpu.memref_slice %arg14[%dma_start3A_253, %dma_start3A_254] : memref<10240x128xf32, #tpu.memory_space<vmem_shared>> -> memref<10240x128xf32, #tpu.memory_space<vmem_shared>>
      tpu.enqueue_indirect_dma source(%arg11 : memref<80x128xf32, #tpu.memory_space<vmem>>) target(%dma_start3A_255 : memref<10240x128xf32, #tpu.memory_space<vmem_shared>>) offsets(%dma_start3A_252 : memref<80xi32, #tpu.memory_space<vmem>>) semaphore(%run_scoped3A_249 : memref<!tpu.dma_semaphore, #tpu.memory_space<semaphore_mem>>) {add = true}
      %dma_wait3A_256 = arith.constant 0 : i32
      %dma_wait3A_257 = tpu.memref_slice %arg9[%run_scoped3A, %dma_wait3A_256] : memref<32x80xi32, #tpu.memory_space<vmem>> -> memref<1x80xi32, #tpu.memory_space<vmem>>
      %dma_wait3A_258 = tpu.memref_squeeze %dma_wait3A_257 : memref<1x80xi32, #tpu.memory_space<vmem>> -> memref<80xi32, #tpu.memory_space<vmem>>
      %dma_wait3A_259 = arith.constant 0 : i32
      %dma_wait3A_260 = arith.constant 0 : i32
      %dma_wait3A_261 = tpu.memref_slice %arg14[%dma_wait3A_259, %dma_wait3A_260] : memref<10240x128xf32, #tpu.memory_space<vmem_shared>> -> memref<10240x128xf32, #tpu.memory_space<vmem_shared>>
      tpu.wait_indirect_dma semaphore(%run_scoped3A_249 : memref<!tpu.dma_semaphore, #tpu.memory_space<semaphore_mem>>) src(%arg11 : memref<80x128xf32, #tpu.memory_space<vmem>>) dst(%dma_wait3A_261 : memref<10240x128xf32, #tpu.memory_space<vmem_shared>>)
      tpu.yield
    }) : () -> ()
    %dma_start3A_68 = arith.constant 1 : i32
    %dma_start3A_69 = arith.constant 0 : i32
    %dma_start3A_70 = tpu.memref_slice %arg8[%dma_start3A_68, %dma_start3A_69] : memref<32x80xi32, #tpu.memory_space<vmem>> -> memref<1x80xi32, #tpu.memory_space<vmem>>
    %dma_start3A_71 = tpu.memref_squeeze %dma_start3A_70 : memref<1x80xi32, #tpu.memory_space<vmem>> -> memref<80xi32, #tpu.memory_space<vmem>>
    %dma_start3A_72 = arith.constant 0 : i32
    %dma_start3A_73 = arith.constant 0 : i32
    %dma_start3A_74 = tpu.memref_slice %arg2[%dma_start3A_72, %dma_start3A_73] : memref<10000x128xf32, #tpu.memory_space<hbm>> -> memref<10000x128xf32, #tpu.memory_space<hbm>>
    tpu.enqueue_indirect_dma source(%dma_start3A_74 : memref<10000x128xf32, #tpu.memory_space<hbm>>) target(%arg11 : memref<80x128xf32, #tpu.memory_space<vmem>>) offsets(%dma_start3A_71 : memref<80xi32, #tpu.memory_space<vmem>>) semaphore(%arg15 : memref<!tpu.dma_semaphore, #tpu.memory_space<semaphore_mem>>)
    %dma_wait3A_75 = arith.constant 31 : i32
    %dma_wait3A_76 = arith.constant 0 : i32
    %dma_wait3A_77 = tpu.memref_slice %arg7[%dma_wait3A_75, %dma_wait3A_76] : memref<32x80xi32, #tpu.memory_space<vmem>> -> memref<1x80xi32, #tpu.memory_space<vmem>>
    %dma_wait3A_78 = tpu.memref_squeeze %dma_wait3A_77 : memref<1x80xi32, #tpu.memory_space<vmem>> -> memref<80xi32, #tpu.memory_space<vmem>>
    %dma_wait3A_79 = arith.constant 0 : i32
    %dma_wait3A_80 = arith.constant 0 : i32
    %dma_wait3A_81 = tpu.memref_slice %arg2[%dma_wait3A_79, %dma_wait3A_80] : memref<10000x128xf32, #tpu.memory_space<hbm>> -> memref<10000x128xf32, #tpu.memory_space<hbm>>
    tpu.wait_indirect_dma semaphore(%arg16 : memref<!tpu.dma_semaphore, #tpu.memory_space<semaphore_mem>>) src(%dma_wait3A_81 : memref<10000x128xf32, #tpu.memory_space<hbm>>) dst(%arg12 : memref<80x128xf32, #tpu.memory_space<vmem>>)
    %run_scoped3A_82 = arith.constant 31 : i32
    "tpu.region"() ({
      %run_scoped3A_249 = tpu.sem_alloc : memref<!tpu.dma_semaphore, #tpu.memory_space<semaphore_mem>>
      %dma_start3A_250 = arith.constant 0 : i32
      %dma_start3A_251 = tpu.memref_slice %arg9[%run_scoped3A_82, %dma_start3A_250] : memref<32x80xi32, #tpu.memory_space<vmem>> -> memref<1x80xi32, #tpu.memory_space<vmem>>
      %dma_start3A_252 = tpu.memref_squeeze %dma_start3A_251 : memref<1x80xi32, #tpu.memory_space<vmem>> -> memref<80xi32, #tpu.memory_space<vmem>>
      %dma_start3A_253 = arith.constant 0 : i32
      %dma_start3A_254 = arith.constant 0 : i32
      %dma_start3A_255 = tpu.memref_slice %arg14[%dma_start3A_253, %dma_start3A_254] : memref<10240x128xf32, #tpu.memory_space<vmem_shared>> -> memref<10240x128xf32, #tpu.memory_space<vmem_shared>>
      tpu.enqueue_indirect_dma source(%arg12 : memref<80x128xf32, #tpu.memory_space<vmem>>) target(%dma_start3A_255 : memref<10240x128xf32, #tpu.memory_space<vmem_shared>>) offsets(%dma_start3A_252 : memref<80xi32, #tpu.memory_space<vmem>>) semaphore(%run_scoped3A_249 : memref<!tpu.dma_semaphore, #tpu.memory_space<semaphore_mem>>) {add = true}
      %dma_wait3A_256 = arith.constant 0 : i32
      %dma_wait3A_257 = tpu.memref_slice %arg9[%run_scoped3A_82, %dma_wait3A_256] : memref<32x80xi32, #tpu.memory_space<vmem>> -> memref<1x80xi32, #tpu.memory_space<vmem>>
      %dma_wait3A_258 = tpu.memref_squeeze %dma_wait3A_257 : memref<1x80xi32, #tpu.memory_space<vmem>> -> memref<80xi32, #tpu.memory_space<vmem>>
      %dma_wait3A_259 = arith.constant 0 : i32
      %dma_wait3A_260 = arith.constant 0 : i32
      %dma_wait3A_261 = tpu.memref_slice %arg14[%dma_wait3A_259, %dma_wait3A_260] : memref<10240x128xf32, #tpu.memory_space<vmem_shared>> -> memref<10240x128xf32, #tpu.memory_space<vmem_shared>>
      tpu.wait_indirect_dma semaphore(%run_scoped3A_249 : memref<!tpu.dma_semaphore, #tpu.memory_space<semaphore_mem>>) src(%arg12 : memref<80x128xf32, #tpu.memory_space<vmem>>) dst(%dma_wait3A_261 : memref<10240x128xf32, #tpu.memory_space<vmem_shared>>)
      tpu.yield
    }) : () -> ()
    %dma_start3A_83 = arith.constant 64 : i32
    %dma_start3A_84 = arith.constant 0 : i32
    %dma_start3A_85 = tpu.memref_slice %arg3[%add3A, %dma_start3A_83, %dma_start3A_84] : memref<32x128x80xi32, #tpu.memory_space<hbm>> -> memref<1x32x80xi32, #tpu.memory_space<hbm>>
    %dma_start3A_86 = tpu.memref_squeeze %dma_start3A_85 : memref<1x32x80xi32, #tpu.memory_space<hbm>> -> memref<32x80xi32, #tpu.memory_space<hbm>>
    %dma_start3A_87 = arith.constant 64 : i32
    %dma_start3A_88 = arith.constant 0 : i32
    %dma_start3A_89 = tpu.memref_slice %arg3[%add3A, %dma_start3A_87, %dma_start3A_88] : memref<32x128x80xi32, #tpu.memory_space<hbm>> -> memref<1x32x80xi32, #tpu.memory_space<hbm>>
    %dma_start3A_90 = tpu.memref_squeeze %dma_start3A_89 : memref<1x32x80xi32, #tpu.memory_space<hbm>> -> memref<32x80xi32, #tpu.memory_space<hbm>>
    tpu.enqueue_dma source(%dma_start3A_90 : memref<32x80xi32, #tpu.memory_space<hbm>>) target(%arg7 : memref<32x80xi32, #tpu.memory_space<vmem>>) target_semaphore(%arg18 : memref<!tpu.dma_semaphore, #tpu.memory_space<semaphore_mem>>)
    %dma_start3A_91 = arith.constant 64 : i32
    %dma_start3A_92 = arith.constant 0 : i32
    %dma_start3A_93 = tpu.memref_slice %arg4[%add3A, %dma_start3A_91, %dma_start3A_92] : memref<32x128x80xi32, #tpu.memory_space<hbm>> -> memref<1x32x80xi32, #tpu.memory_space<hbm>>
    %dma_start3A_94 = tpu.memref_squeeze %dma_start3A_93 : memref<1x32x80xi32, #tpu.memory_space<hbm>> -> memref<32x80xi32, #tpu.memory_space<hbm>>
    %dma_start3A_95 = arith.constant 64 : i32
    %dma_start3A_96 = arith.constant 0 : i32
    %dma_start3A_97 = tpu.memref_slice %arg4[%add3A, %dma_start3A_95, %dma_start3A_96] : memref<32x128x80xi32, #tpu.memory_space<hbm>> -> memref<1x32x80xi32, #tpu.memory_space<hbm>>
    %dma_start3A_98 = tpu.memref_squeeze %dma_start3A_97 : memref<1x32x80xi32, #tpu.memory_space<hbm>> -> memref<32x80xi32, #tpu.memory_space<hbm>>
    tpu.enqueue_dma source(%dma_start3A_98 : memref<32x80xi32, #tpu.memory_space<hbm>>) target(%arg9 : memref<32x80xi32, #tpu.memory_space<vmem>>) target_semaphore(%arg19 : memref<!tpu.dma_semaphore, #tpu.memory_space<semaphore_mem>>)
    %scan3A_99 = arith.constant 0 : i32
    %scan3A_100 = arith.constant 0 : i32
    %scan3A_101 = arith.constant 10 : i32
    %scan3A_102 = arith.addi %scan3A_100, %scan3A_101 : i32
    %scan3A_103 = arith.constant 1 : i32
    scf.for %scan3A_249 = %scan3A_100 to %scan3A_102 step %scan3A_103  : i32 {
      %mul3A_250 = arith.constant 3 : i32
      %mul3A_251 = arith.muli %mul3A_250, %scan3A_249 : i32
      %add3A_252 = arith.constant 0 : i32
      %add3A_253 = arith.addi %mul3A_251, %add3A_252 : i32
      %add3A_254 = arith.constant 2 : i32
      %add3A_255 = arith.addi %add3A_253, %add3A_254 : i32
      %dma_start3A_256 = arith.constant 0 : i32
      %dma_start3A_257 = tpu.memref_slice %arg8[%add3A_255, %dma_start3A_256] : memref<32x80xi32, #tpu.memory_space<vmem>> -> memref<1x80xi32, #tpu.memory_space<vmem>>
      %dma_start3A_258 = tpu.memref_squeeze %dma_start3A_257 : memref<1x80xi32, #tpu.memory_space<vmem>> -> memref<80xi32, #tpu.memory_space<vmem>>
      %dma_start3A_259 = arith.constant 0 : i32
      %dma_start3A_260 = arith.constant 0 : i32
      %dma_start3A_261 = tpu.memref_slice %arg2[%dma_start3A_259, %dma_start3A_260] : memref<10000x128xf32, #tpu.memory_space<hbm>> -> memref<10000x128xf32, #tpu.memory_space<hbm>>
      tpu.enqueue_indirect_dma source(%dma_start3A_261 : memref<10000x128xf32, #tpu.memory_space<hbm>>) target(%arg12 : memref<80x128xf32, #tpu.memory_space<vmem>>) offsets(%dma_start3A_258 : memref<80xi32, #tpu.memory_space<vmem>>) semaphore(%arg16 : memref<!tpu.dma_semaphore, #tpu.memory_space<semaphore_mem>>)
      %add3A_262 = arith.constant 0 : i32
      %add3A_263 = arith.addi %mul3A_251, %add3A_262 : i32
      %dma_wait3A_264 = arith.constant 0 : i32
      %dma_wait3A_265 = tpu.memref_slice %arg8[%add3A_263, %dma_wait3A_264] : memref<32x80xi32, #tpu.memory_space<vmem>> -> memref<1x80xi32, #tpu.memory_space<vmem>>
      %dma_wait3A_266 = tpu.memref_squeeze %dma_wait3A_265 : memref<1x80xi32, #tpu.memory_space<vmem>> -> memref<80xi32, #tpu.memory_space<vmem>>
      %dma_wait3A_267 = arith.constant 0 : i32
      %dma_wait3A_268 = arith.constant 0 : i32
      %dma_wait3A_269 = tpu.memref_slice %arg2[%dma_wait3A_267, %dma_wait3A_268] : memref<10000x128xf32, #tpu.memory_space<hbm>> -> memref<10000x128xf32, #tpu.memory_space<hbm>>
      tpu.wait_indirect_dma semaphore(%arg17 : memref<!tpu.dma_semaphore, #tpu.memory_space<semaphore_mem>>) src(%dma_wait3A_269 : memref<10000x128xf32, #tpu.memory_space<hbm>>) dst(%arg13 : memref<80x128xf32, #tpu.memory_space<vmem>>)
      "tpu.region"() ({
        %run_scoped3A_306 = tpu.sem_alloc : memref<!tpu.dma_semaphore, #tpu.memory_space<semaphore_mem>>
        %dma_start3A_307 = arith.constant 0 : i32
        %dma_start3A_308 = tpu.memref_slice %arg10[%add3A_263, %dma_start3A_307] : memref<32x80xi32, #tpu.memory_space<vmem>> -> memref<1x80xi32, #tpu.memory_space<vmem>>
        %dma_start3A_309 = tpu.memref_squeeze %dma_start3A_308 : memref<1x80xi32, #tpu.memory_space<vmem>> -> memref<80xi32, #tpu.memory_space<vmem>>
        %dma_start3A_310 = arith.constant 0 : i32
        %dma_start3A_311 = arith.constant 0 : i32
        %dma_start3A_312 = tpu.memref_slice %arg14[%dma_start3A_310, %dma_start3A_311] : memref<10240x128xf32, #tpu.memory_space<vmem_shared>> -> memref<10240x128xf32, #tpu.memory_space<vmem_shared>>
        tpu.enqueue_indirect_dma source(%arg13 : memref<80x128xf32, #tpu.memory_space<vmem>>) target(%dma_start3A_312 : memref<10240x128xf32, #tpu.memory_space<vmem_shared>>) offsets(%dma_start3A_309 : memref<80xi32, #tpu.memory_space<vmem>>) semaphore(%run_scoped3A_306 : memref<!tpu.dma_semaphore, #tpu.memory_space<semaphore_mem>>) {add = true}
        %dma_wait3A_313 = arith.constant 0 : i32
        %dma_wait3A_314 = tpu.memref_slice %arg10[%add3A_263, %dma_wait3A_313] : memref<32x80xi32, #tpu.memory_space<vmem>> -> memref<1x80xi32, #tpu.memory_space<vmem>>
        %dma_wait3A_315 = tpu.memref_squeeze %dma_wait3A_314 : memref<1x80xi32, #tpu.memory_space<vmem>> -> memref<80xi32, #tpu.memory_space<vmem>>
        %dma_wait3A_316 = arith.constant 0 : i32
        %dma_wait3A_317 = arith.constant 0 : i32
        %dma_wait3A_318 = tpu.memref_slice %arg14[%dma_wait3A_316, %dma_wait3A_317] : memref<10240x128xf32, #tpu.memory_space<vmem_shared>> -> memref<10240x128xf32, #tpu.memory_space<vmem_shared>>
        tpu.wait_indirect_dma semaphore(%run_scoped3A_306 : memref<!tpu.dma_semaphore, #tpu.memory_space<semaphore_mem>>) src(%arg13 : memref<80x128xf32, #tpu.memory_space<vmem>>) dst(%dma_wait3A_318 : memref<10240x128xf32, #tpu.memory_space<vmem_shared>>)
        tpu.yield
      }) : () -> ()
      %add3A_270 = arith.constant 1 : i32
      %add3A_271 = arith.addi %mul3A_251, %add3A_270 : i32
      %add3A_272 = arith.constant 2 : i32
      %add3A_273 = arith.addi %add3A_271, %add3A_272 : i32
      %dma_start3A_274 = arith.constant 0 : i32
      %dma_start3A_275 = tpu.memref_slice %arg8[%add3A_273, %dma_start3A_274] : memref<32x80xi32, #tpu.memory_space<vmem>> -> memref<1x80xi32, #tpu.memory_space<vmem>>
      %dma_start3A_276 = tpu.memref_squeeze %dma_start3A_275 : memref<1x80xi32, #tpu.memory_space<vmem>> -> memref<80xi32, #tpu.memory_space<vmem>>
      %dma_start3A_277 = arith.constant 0 : i32
      %dma_start3A_278 = arith.constant 0 : i32
      %dma_start3A_279 = tpu.memref_slice %arg2[%dma_start3A_277, %dma_start3A_278] : memref<10000x128xf32, #tpu.memory_space<hbm>> -> memref<10000x128xf32, #tpu.memory_space<hbm>>
      tpu.enqueue_indirect_dma source(%dma_start3A_279 : memref<10000x128xf32, #tpu.memory_space<hbm>>) target(%arg13 : memref<80x128xf32, #tpu.memory_space<vmem>>) offsets(%dma_start3A_276 : memref<80xi32, #tpu.memory_space<vmem>>) semaphore(%arg17 : memref<!tpu.dma_semaphore, #tpu.memory_space<semaphore_mem>>)
      %add3A_280 = arith.constant 1 : i32
      %add3A_281 = arith.addi %mul3A_251, %add3A_280 : i32
      %dma_wait3A_282 = arith.constant 0 : i32
      %dma_wait3A_283 = tpu.memref_slice %arg8[%add3A_281, %dma_wait3A_282] : memref<32x80xi32, #tpu.memory_space<vmem>> -> memref<1x80xi32, #tpu.memory_space<vmem>>
      %dma_wait3A_284 = tpu.memref_squeeze %dma_wait3A_283 : memref<1x80xi32, #tpu.memory_space<vmem>> -> memref<80xi32, #tpu.memory_space<vmem>>
      %dma_wait3A_285 = arith.constant 0 : i32
      %dma_wait3A_286 = arith.constant 0 : i32
      %dma_wait3A_287 = tpu.memref_slice %arg2[%dma_wait3A_285, %dma_wait3A_286] : memref<10000x128xf32, #tpu.memory_space<hbm>> -> memref<10000x128xf32, #tpu.memory_space<hbm>>
      tpu.wait_indirect_dma semaphore(%arg15 : memref<!tpu.dma_semaphore, #tpu.memory_space<semaphore_mem>>) src(%dma_wait3A_287 : memref<10000x128xf32, #tpu.memory_space<hbm>>) dst(%arg11 : memref<80x128xf32, #tpu.memory_space<vmem>>)
      "tpu.region"() ({
        %run_scoped3A_306 = tpu.sem_alloc : memref<!tpu.dma_semaphore, #tpu.memory_space<semaphore_mem>>
        %dma_start3A_307 = arith.constant 0 : i32
        %dma_start3A_308 = tpu.memref_slice %arg10[%add3A_281, %dma_start3A_307] : memref<32x80xi32, #tpu.memory_space<vmem>> -> memref<1x80xi32, #tpu.memory_space<vmem>>
        %dma_start3A_309 = tpu.memref_squeeze %dma_start3A_308 : memref<1x80xi32, #tpu.memory_space<vmem>> -> memref<80xi32, #tpu.memory_space<vmem>>
        %dma_start3A_310 = arith.constant 0 : i32
        %dma_start3A_311 = arith.constant 0 : i32
        %dma_start3A_312 = tpu.memref_slice %arg14[%dma_start3A_310, %dma_start3A_311] : memref<10240x128xf32, #tpu.memory_space<vmem_shared>> -> memref<10240x128xf32, #tpu.memory_space<vmem_shared>>
        tpu.enqueue_indirect_dma source(%arg11 : memref<80x128xf32, #tpu.memory_space<vmem>>) target(%dma_start3A_312 : memref<10240x128xf32, #tpu.memory_space<vmem_shared>>) offsets(%dma_start3A_309 : memref<80xi32, #tpu.memory_space<vmem>>) semaphore(%run_scoped3A_306 : memref<!tpu.dma_semaphore, #tpu.memory_space<semaphore_mem>>) {add = true}
        %dma_wait3A_313 = arith.constant 0 : i32
        %dma_wait3A_314 = tpu.memref_slice %arg10[%add3A_281, %dma_wait3A_313] : memref<32x80xi32, #tpu.memory_space<vmem>> -> memref<1x80xi32, #tpu.memory_space<vmem>>
        %dma_wait3A_315 = tpu.memref_squeeze %dma_wait3A_314 : memref<1x80xi32, #tpu.memory_space<vmem>> -> memref<80xi32, #tpu.memory_space<vmem>>
        %dma_wait3A_316 = arith.constant 0 : i32
        %dma_wait3A_317 = arith.constant 0 : i32
        %dma_wait3A_318 = tpu.memref_slice %arg14[%dma_wait3A_316, %dma_wait3A_317] : memref<10240x128xf32, #tpu.memory_space<vmem_shared>> -> memref<10240x128xf32, #tpu.memory_space<vmem_shared>>
        tpu.wait_indirect_dma semaphore(%run_scoped3A_306 : memref<!tpu.dma_semaphore, #tpu.memory_space<semaphore_mem>>) src(%arg11 : memref<80x128xf32, #tpu.memory_space<vmem>>) dst(%dma_wait3A_318 : memref<10240x128xf32, #tpu.memory_space<vmem_shared>>)
        tpu.yield
      }) : () -> ()
      %add3A_288 = arith.constant 2 : i32
      %add3A_289 = arith.addi %mul3A_251, %add3A_288 : i32
      %add3A_290 = arith.constant 2 : i32
      %add3A_291 = arith.addi %add3A_289, %add3A_290 : i32
      %dma_start3A_292 = arith.constant 0 : i32
      %dma_start3A_293 = tpu.memref_slice %arg8[%add3A_291, %dma_start3A_292] : memref<32x80xi32, #tpu.memory_space<vmem>> -> memref<1x80xi32, #tpu.memory_space<vmem>>
      %dma_start3A_294 = tpu.memref_squeeze %dma_start3A_293 : memref<1x80xi32, #tpu.memory_space<vmem>> -> memref<80xi32, #tpu.memory_space<vmem>>
      %dma_start3A_295 = arith.constant 0 : i32
      %dma_start3A_296 = arith.constant 0 : i32
      %dma_start3A_297 = tpu.memref_slice %arg2[%dma_start3A_295, %dma_start3A_296] : memref<10000x128xf32, #tpu.memory_space<hbm>> -> memref<10000x128xf32, #tpu.memory_space<hbm>>
      tpu.enqueue_indirect_dma source(%dma_start3A_297 : memref<10000x128xf32, #tpu.memory_space<hbm>>) target(%arg11 : memref<80x128xf32, #tpu.memory_space<vmem>>) offsets(%dma_start3A_294 : memref<80xi32, #tpu.memory_space<vmem>>) semaphore(%arg15 : memref<!tpu.dma_semaphore, #tpu.memory_space<semaphore_mem>>)
      %add3A_298 = arith.constant 2 : i32
      %add3A_299 = arith.addi %mul3A_251, %add3A_298 : i32
      %dma_wait3A_300 = arith.constant 0 : i32
      %dma_wait3A_301 = tpu.memref_slice %arg8[%add3A_299, %dma_wait3A_300] : memref<32x80xi32, #tpu.memory_space<vmem>> -> memref<1x80xi32, #tpu.memory_space<vmem>>
      %dma_wait3A_302 = tpu.memref_squeeze %dma_wait3A_301 : memref<1x80xi32, #tpu.memory_space<vmem>> -> memref<80xi32, #tpu.memory_space<vmem>>
      %dma_wait3A_303 = arith.constant 0 : i32
      %dma_wait3A_304 = arith.constant 0 : i32
      %dma_wait3A_305 = tpu.memref_slice %arg2[%dma_wait3A_303, %dma_wait3A_304] : memref<10000x128xf32, #tpu.memory_space<hbm>> -> memref<10000x128xf32, #tpu.memory_space<hbm>>
      tpu.wait_indirect_dma semaphore(%arg16 : memref<!tpu.dma_semaphore, #tpu.memory_space<semaphore_mem>>) src(%dma_wait3A_305 : memref<10000x128xf32, #tpu.memory_space<hbm>>) dst(%arg12 : memref<80x128xf32, #tpu.memory_space<vmem>>)
      "tpu.region"() ({
        %run_scoped3A_306 = tpu.sem_alloc : memref<!tpu.dma_semaphore, #tpu.memory_space<semaphore_mem>>
        %dma_start3A_307 = arith.constant 0 : i32
        %dma_start3A_308 = tpu.memref_slice %arg10[%add3A_299, %dma_start3A_307] : memref<32x80xi32, #tpu.memory_space<vmem>> -> memref<1x80xi32, #tpu.memory_space<vmem>>
        %dma_start3A_309 = tpu.memref_squeeze %dma_start3A_308 : memref<1x80xi32, #tpu.memory_space<vmem>> -> memref<80xi32, #tpu.memory_space<vmem>>
        %dma_start3A_310 = arith.constant 0 : i32
        %dma_start3A_311 = arith.constant 0 : i32
        %dma_start3A_312 = tpu.memref_slice %arg14[%dma_start3A_310, %dma_start3A_311] : memref<10240x128xf32, #tpu.memory_space<vmem_shared>> -> memref<10240x128xf32, #tpu.memory_space<vmem_shared>>
        tpu.enqueue_indirect_dma source(%arg12 : memref<80x128xf32, #tpu.memory_space<vmem>>) target(%dma_start3A_312 : memref<10240x128xf32, #tpu.memory_space<vmem_shared>>) offsets(%dma_start3A_309 : memref<80xi32, #tpu.memory_space<vmem>>) semaphore(%run_scoped3A_306 : memref<!tpu.dma_semaphore, #tpu.memory_space<semaphore_mem>>) {add = true}
        %dma_wait3A_313 = arith.constant 0 : i32
        %dma_wait3A_314 = tpu.memref_slice %arg10[%add3A_299, %dma_wait3A_313] : memref<32x80xi32, #tpu.memory_space<vmem>> -> memref<1x80xi32, #tpu.memory_space<vmem>>
        %dma_wait3A_315 = tpu.memref_squeeze %dma_wait3A_314 : memref<1x80xi32, #tpu.memory_space<vmem>> -> memref<80xi32, #tpu.memory_space<vmem>>
        %dma_wait3A_316 = arith.constant 0 : i32
        %dma_wait3A_317 = arith.constant 0 : i32
        %dma_wait3A_318 = tpu.memref_slice %arg14[%dma_wait3A_316, %dma_wait3A_317] : memref<10240x128xf32, #tpu.memory_space<vmem_shared>> -> memref<10240x128xf32, #tpu.memory_space<vmem_shared>>
        tpu.wait_indirect_dma semaphore(%run_scoped3A_306 : memref<!tpu.dma_semaphore, #tpu.memory_space<semaphore_mem>>) src(%arg12 : memref<80x128xf32, #tpu.memory_space<vmem>>) dst(%dma_wait3A_318 : memref<10240x128xf32, #tpu.memory_space<vmem_shared>>)
        tpu.yield
      }) : () -> ()
    }
    %scan3A_104 = arith.constant 10 : i32
    %dma_wait3A_105 = arith.constant 64 : i32
    %dma_wait3A_106 = arith.constant 0 : i32
    %dma_wait3A_107 = tpu.memref_slice %arg3[%add3A, %dma_wait3A_105, %dma_wait3A_106] : memref<32x128x80xi32, #tpu.memory_space<hbm>> -> memref<1x32x80xi32, #tpu.memory_space<hbm>>
    %dma_wait3A_108 = tpu.memref_squeeze %dma_wait3A_107 : memref<1x32x80xi32, #tpu.memory_space<hbm>> -> memref<32x80xi32, #tpu.memory_space<hbm>>
    %dma_wait3A_109 = arith.constant 64 : i32
    %dma_wait3A_110 = arith.constant 0 : i32
    %dma_wait3A_111 = tpu.memref_slice %arg3[%add3A, %dma_wait3A_109, %dma_wait3A_110] : memref<32x128x80xi32, #tpu.memory_space<hbm>> -> memref<1x32x80xi32, #tpu.memory_space<hbm>>
    %dma_wait3A_112 = tpu.memref_squeeze %dma_wait3A_111 : memref<1x32x80xi32, #tpu.memory_space<hbm>> -> memref<32x80xi32, #tpu.memory_space<hbm>>
    tpu.wait_dma2 semaphore(%arg18 : memref<!tpu.dma_semaphore, #tpu.memory_space<semaphore_mem>>) src(%dma_wait3A_112 : memref<32x80xi32, #tpu.memory_space<hbm>>) dst(%arg7 : memref<32x80xi32, #tpu.memory_space<vmem>>)
    %dma_wait3A_113 = arith.constant 64 : i32
    %dma_wait3A_114 = arith.constant 0 : i32
    %dma_wait3A_115 = tpu.memref_slice %arg4[%add3A, %dma_wait3A_113, %dma_wait3A_114] : memref<32x128x80xi32, #tpu.memory_space<hbm>> -> memref<1x32x80xi32, #tpu.memory_space<hbm>>
    %dma_wait3A_116 = tpu.memref_squeeze %dma_wait3A_115 : memref<1x32x80xi32, #tpu.memory_space<hbm>> -> memref<32x80xi32, #tpu.memory_space<hbm>>
    %dma_wait3A_117 = arith.constant 64 : i32
    %dma_wait3A_118 = arith.constant 0 : i32
    %dma_wait3A_119 = tpu.memref_slice %arg4[%add3A, %dma_wait3A_117, %dma_wait3A_118] : memref<32x128x80xi32, #tpu.memory_space<hbm>> -> memref<1x32x80xi32, #tpu.memory_space<hbm>>
    %dma_wait3A_120 = tpu.memref_squeeze %dma_wait3A_119 : memref<1x32x80xi32, #tpu.memory_space<hbm>> -> memref<32x80xi32, #tpu.memory_space<hbm>>
    tpu.wait_dma2 semaphore(%arg19 : memref<!tpu.dma_semaphore, #tpu.memory_space<semaphore_mem>>) src(%dma_wait3A_120 : memref<32x80xi32, #tpu.memory_space<hbm>>) dst(%arg9 : memref<32x80xi32, #tpu.memory_space<vmem>>)
    %dma_start3A_121 = arith.constant 0 : i32
    %dma_start3A_122 = arith.constant 0 : i32
    %dma_start3A_123 = tpu.memref_slice %arg7[%dma_start3A_121, %dma_start3A_122] : memref<32x80xi32, #tpu.memory_space<vmem>> -> memref<1x80xi32, #tpu.memory_space<vmem>>
    %dma_start3A_124 = tpu.memref_squeeze %dma_start3A_123 : memref<1x80xi32, #tpu.memory_space<vmem>> -> memref<80xi32, #tpu.memory_space<vmem>>
    %dma_start3A_125 = arith.constant 0 : i32
    %dma_start3A_126 = arith.constant 0 : i32
    %dma_start3A_127 = tpu.memref_slice %arg2[%dma_start3A_125, %dma_start3A_126] : memref<10000x128xf32, #tpu.memory_space<hbm>> -> memref<10000x128xf32, #tpu.memory_space<hbm>>
    tpu.enqueue_indirect_dma source(%dma_start3A_127 : memref<10000x128xf32, #tpu.memory_space<hbm>>) target(%arg12 : memref<80x128xf32, #tpu.memory_space<vmem>>) offsets(%dma_start3A_124 : memref<80xi32, #tpu.memory_space<vmem>>) semaphore(%arg16 : memref<!tpu.dma_semaphore, #tpu.memory_space<semaphore_mem>>)
    %dma_wait3A_128 = arith.constant 30 : i32
    %dma_wait3A_129 = arith.constant 0 : i32
    %dma_wait3A_130 = tpu.memref_slice %arg8[%dma_wait3A_128, %dma_wait3A_129] : memref<32x80xi32, #tpu.memory_space<vmem>> -> memref<1x80xi32, #tpu.memory_space<vmem>>
    %dma_wait3A_131 = tpu.memref_squeeze %dma_wait3A_130 : memref<1x80xi32, #tpu.memory_space<vmem>> -> memref<80xi32, #tpu.memory_space<vmem>>
    %dma_wait3A_132 = arith.constant 0 : i32
    %dma_wait3A_133 = arith.constant 0 : i32
    %dma_wait3A_134 = tpu.memref_slice %arg2[%dma_wait3A_132, %dma_wait3A_133] : memref<10000x128xf32, #tpu.memory_space<hbm>> -> memref<10000x128xf32, #tpu.memory_space<hbm>>
    tpu.wait_indirect_dma semaphore(%arg17 : memref<!tpu.dma_semaphore, #tpu.memory_space<semaphore_mem>>) src(%dma_wait3A_134 : memref<10000x128xf32, #tpu.memory_space<hbm>>) dst(%arg13 : memref<80x128xf32, #tpu.memory_space<vmem>>)
    %run_scoped3A_135 = arith.constant 30 : i32
    "tpu.region"() ({
      %run_scoped3A_249 = tpu.sem_alloc : memref<!tpu.dma_semaphore, #tpu.memory_space<semaphore_mem>>
      %dma_start3A_250 = arith.constant 0 : i32
      %dma_start3A_251 = tpu.memref_slice %arg10[%run_scoped3A_135, %dma_start3A_250] : memref<32x80xi32, #tpu.memory_space<vmem>> -> memref<1x80xi32, #tpu.memory_space<vmem>>
      %dma_start3A_252 = tpu.memref_squeeze %dma_start3A_251 : memref<1x80xi32, #tpu.memory_space<vmem>> -> memref<80xi32, #tpu.memory_space<vmem>>
      %dma_start3A_253 = arith.constant 0 : i32
      %dma_start3A_254 = arith.constant 0 : i32
      %dma_start3A_255 = tpu.memref_slice %arg14[%dma_start3A_253, %dma_start3A_254] : memref<10240x128xf32, #tpu.memory_space<vmem_shared>> -> memref<10240x128xf32, #tpu.memory_space<vmem_shared>>
      tpu.enqueue_indirect_dma source(%arg13 : memref<80x128xf32, #tpu.memory_space<vmem>>) target(%dma_start3A_255 : memref<10240x128xf32, #tpu.memory_space<vmem_shared>>) offsets(%dma_start3A_252 : memref<80xi32, #tpu.memory_space<vmem>>) semaphore(%run_scoped3A_249 : memref<!tpu.dma_semaphore, #tpu.memory_space<semaphore_mem>>) {add = true}
      %dma_wait3A_256 = arith.constant 0 : i32
      %dma_wait3A_257 = tpu.memref_slice %arg10[%run_scoped3A_135, %dma_wait3A_256] : memref<32x80xi32, #tpu.memory_space<vmem>> -> memref<1x80xi32, #tpu.memory_space<vmem>>
      %dma_wait3A_258 = tpu.memref_squeeze %dma_wait3A_257 : memref<1x80xi32, #tpu.memory_space<vmem>> -> memref<80xi32, #tpu.memory_space<vmem>>
      %dma_wait3A_259 = arith.constant 0 : i32
      %dma_wait3A_260 = arith.constant 0 : i32
      %dma_wait3A_261 = tpu.memref_slice %arg14[%dma_wait3A_259, %dma_wait3A_260] : memref<10240x128xf32, #tpu.memory_space<vmem_shared>> -> memref<10240x128xf32, #tpu.memory_space<vmem_shared>>
      tpu.wait_indirect_dma semaphore(%run_scoped3A_249 : memref<!tpu.dma_semaphore, #tpu.memory_space<semaphore_mem>>) src(%arg13 : memref<80x128xf32, #tpu.memory_space<vmem>>) dst(%dma_wait3A_261 : memref<10240x128xf32, #tpu.memory_space<vmem_shared>>)
      tpu.yield
    }) : () -> ()
    %dma_start3A_136 = arith.constant 1 : i32
    %dma_start3A_137 = arith.constant 0 : i32
    %dma_start3A_138 = tpu.memref_slice %arg7[%dma_start3A_136, %dma_start3A_137] : memref<32x80xi32, #tpu.memory_space<vmem>> -> memref<1x80xi32, #tpu.memory_space<vmem>>
    %dma_start3A_139 = tpu.memref_squeeze %dma_start3A_138 : memref<1x80xi32, #tpu.memory_space<vmem>> -> memref<80xi32, #tpu.memory_space<vmem>>
    %dma_start3A_140 = arith.constant 0 : i32
    %dma_start3A_141 = arith.constant 0 : i32
    %dma_start3A_142 = tpu.memref_slice %arg2[%dma_start3A_140, %dma_start3A_141] : memref<10000x128xf32, #tpu.memory_space<hbm>> -> memref<10000x128xf32, #tpu.memory_space<hbm>>
    tpu.enqueue_indirect_dma source(%dma_start3A_142 : memref<10000x128xf32, #tpu.memory_space<hbm>>) target(%arg13 : memref<80x128xf32, #tpu.memory_space<vmem>>) offsets(%dma_start3A_139 : memref<80xi32, #tpu.memory_space<vmem>>) semaphore(%arg17 : memref<!tpu.dma_semaphore, #tpu.memory_space<semaphore_mem>>)
    %dma_wait3A_143 = arith.constant 31 : i32
    %dma_wait3A_144 = arith.constant 0 : i32
    %dma_wait3A_145 = tpu.memref_slice %arg8[%dma_wait3A_143, %dma_wait3A_144] : memref<32x80xi32, #tpu.memory_space<vmem>> -> memref<1x80xi32, #tpu.memory_space<vmem>>
    %dma_wait3A_146 = tpu.memref_squeeze %dma_wait3A_145 : memref<1x80xi32, #tpu.memory_space<vmem>> -> memref<80xi32, #tpu.memory_space<vmem>>
    %dma_wait3A_147 = arith.constant 0 : i32
    %dma_wait3A_148 = arith.constant 0 : i32
    %dma_wait3A_149 = tpu.memref_slice %arg2[%dma_wait3A_147, %dma_wait3A_148] : memref<10000x128xf32, #tpu.memory_space<hbm>> -> memref<10000x128xf32, #tpu.memory_space<hbm>>
    tpu.wait_indirect_dma semaphore(%arg15 : memref<!tpu.dma_semaphore, #tpu.memory_space<semaphore_mem>>) src(%dma_wait3A_149 : memref<10000x128xf32, #tpu.memory_space<hbm>>) dst(%arg11 : memref<80x128xf32, #tpu.memory_space<vmem>>)
    %run_scoped3A_150 = arith.constant 31 : i32
    "tpu.region"() ({
      %run_scoped3A_249 = tpu.sem_alloc : memref<!tpu.dma_semaphore, #tpu.memory_space<semaphore_mem>>
      %dma_start3A_250 = arith.constant 0 : i32
      %dma_start3A_251 = tpu.memref_slice %arg10[%run_scoped3A_150, %dma_start3A_250] : memref<32x80xi32, #tpu.memory_space<vmem>> -> memref<1x80xi32, #tpu.memory_space<vmem>>
      %dma_start3A_252 = tpu.memref_squeeze %dma_start3A_251 : memref<1x80xi32, #tpu.memory_space<vmem>> -> memref<80xi32, #tpu.memory_space<vmem>>
      %dma_start3A_253 = arith.constant 0 : i32
      %dma_start3A_254 = arith.constant 0 : i32
      %dma_start3A_255 = tpu.memref_slice %arg14[%dma_start3A_253, %dma_start3A_254] : memref<10240x128xf32, #tpu.memory_space<vmem_shared>> -> memref<10240x128xf32, #tpu.memory_space<vmem_shared>>
      tpu.enqueue_indirect_dma source(%arg11 : memref<80x128xf32, #tpu.memory_space<vmem>>) target(%dma_start3A_255 : memref<10240x128xf32, #tpu.memory_space<vmem_shared>>) offsets(%dma_start3A_252 : memref<80xi32, #tpu.memory_space<vmem>>) semaphore(%run_scoped3A_249 : memref<!tpu.dma_semaphore, #tpu.memory_space<semaphore_mem>>) {add = true}
      %dma_wait3A_256 = arith.constant 0 : i32
      %dma_wait3A_257 = tpu.memref_slice %arg10[%run_scoped3A_150, %dma_wait3A_256] : memref<32x80xi32, #tpu.memory_space<vmem>> -> memref<1x80xi32, #tpu.memory_space<vmem>>
      %dma_wait3A_258 = tpu.memref_squeeze %dma_wait3A_257 : memref<1x80xi32, #tpu.memory_space<vmem>> -> memref<80xi32, #tpu.memory_space<vmem>>
      %dma_wait3A_259 = arith.constant 0 : i32
      %dma_wait3A_260 = arith.constant 0 : i32
      %dma_wait3A_261 = tpu.memref_slice %arg14[%dma_wait3A_259, %dma_wait3A_260] : memref<10240x128xf32, #tpu.memory_space<vmem_shared>> -> memref<10240x128xf32, #tpu.memory_space<vmem_shared>>
      tpu.wait_indirect_dma semaphore(%run_scoped3A_249 : memref<!tpu.dma_semaphore, #tpu.memory_space<semaphore_mem>>) src(%arg11 : memref<80x128xf32, #tpu.memory_space<vmem>>) dst(%dma_wait3A_261 : memref<10240x128xf32, #tpu.memory_space<vmem_shared>>)
      tpu.yield
    }) : () -> ()
    %dma_start3A_151 = arith.constant 96 : i32
    %dma_start3A_152 = arith.constant 0 : i32
    %dma_start3A_153 = tpu.memref_slice %arg3[%add3A, %dma_start3A_151, %dma_start3A_152] : memref<32x128x80xi32, #tpu.memory_space<hbm>> -> memref<1x32x80xi32, #tpu.memory_space<hbm>>
    %dma_start3A_154 = tpu.memref_squeeze %dma_start3A_153 : memref<1x32x80xi32, #tpu.memory_space<hbm>> -> memref<32x80xi32, #tpu.memory_space<hbm>>
    %dma_start3A_155 = arith.constant 96 : i32
    %dma_start3A_156 = arith.constant 0 : i32
    %dma_start3A_157 = tpu.memref_slice %arg3[%add3A, %dma_start3A_155, %dma_start3A_156] : memref<32x128x80xi32, #tpu.memory_space<hbm>> -> memref<1x32x80xi32, #tpu.memory_space<hbm>>
    %dma_start3A_158 = tpu.memref_squeeze %dma_start3A_157 : memref<1x32x80xi32, #tpu.memory_space<hbm>> -> memref<32x80xi32, #tpu.memory_space<hbm>>
    tpu.enqueue_dma source(%dma_start3A_158 : memref<32x80xi32, #tpu.memory_space<hbm>>) target(%arg8 : memref<32x80xi32, #tpu.memory_space<vmem>>) target_semaphore(%arg18 : memref<!tpu.dma_semaphore, #tpu.memory_space<semaphore_mem>>)
    %dma_start3A_159 = arith.constant 96 : i32
    %dma_start3A_160 = arith.constant 0 : i32
    %dma_start3A_161 = tpu.memref_slice %arg4[%add3A, %dma_start3A_159, %dma_start3A_160] : memref<32x128x80xi32, #tpu.memory_space<hbm>> -> memref<1x32x80xi32, #tpu.memory_space<hbm>>
    %dma_start3A_162 = tpu.memref_squeeze %dma_start3A_161 : memref<1x32x80xi32, #tpu.memory_space<hbm>> -> memref<32x80xi32, #tpu.memory_space<hbm>>
    %dma_start3A_163 = arith.constant 96 : i32
    %dma_start3A_164 = arith.constant 0 : i32
    %dma_start3A_165 = tpu.memref_slice %arg4[%add3A, %dma_start3A_163, %dma_start3A_164] : memref<32x128x80xi32, #tpu.memory_space<hbm>> -> memref<1x32x80xi32, #tpu.memory_space<hbm>>
    %dma_start3A_166 = tpu.memref_squeeze %dma_start3A_165 : memref<1x32x80xi32, #tpu.memory_space<hbm>> -> memref<32x80xi32, #tpu.memory_space<hbm>>
    tpu.enqueue_dma source(%dma_start3A_166 : memref<32x80xi32, #tpu.memory_space<hbm>>) target(%arg10 : memref<32x80xi32, #tpu.memory_space<vmem>>) target_semaphore(%arg19 : memref<!tpu.dma_semaphore, #tpu.memory_space<semaphore_mem>>)
    %scan3A_167 = arith.constant 0 : i32
    %scan3A_168 = arith.constant 0 : i32
    %scan3A_169 = arith.constant 10 : i32
    %scan3A_170 = arith.addi %scan3A_168, %scan3A_169 : i32
    %scan3A_171 = arith.constant 1 : i32
    scf.for %scan3A_249 = %scan3A_168 to %scan3A_170 step %scan3A_171  : i32 {
      %mul3A_250 = arith.constant 3 : i32
      %mul3A_251 = arith.muli %mul3A_250, %scan3A_249 : i32
      %add3A_252 = arith.constant 0 : i32
      %add3A_253 = arith.addi %mul3A_251, %add3A_252 : i32
      %add3A_254 = arith.constant 2 : i32
      %add3A_255 = arith.addi %add3A_253, %add3A_254 : i32
      %dma_start3A_256 = arith.constant 0 : i32
      %dma_start3A_257 = tpu.memref_slice %arg7[%add3A_255, %dma_start3A_256] : memref<32x80xi32, #tpu.memory_space<vmem>> -> memref<1x80xi32, #tpu.memory_space<vmem>>
      %dma_start3A_258 = tpu.memref_squeeze %dma_start3A_257 : memref<1x80xi32, #tpu.memory_space<vmem>> -> memref<80xi32, #tpu.memory_space<vmem>>
      %dma_start3A_259 = arith.constant 0 : i32
      %dma_start3A_260 = arith.constant 0 : i32
      %dma_start3A_261 = tpu.memref_slice %arg2[%dma_start3A_259, %dma_start3A_260] : memref<10000x128xf32, #tpu.memory_space<hbm>> -> memref<10000x128xf32, #tpu.memory_space<hbm>>
      tpu.enqueue_indirect_dma source(%dma_start3A_261 : memref<10000x128xf32, #tpu.memory_space<hbm>>) target(%arg11 : memref<80x128xf32, #tpu.memory_space<vmem>>) offsets(%dma_start3A_258 : memref<80xi32, #tpu.memory_space<vmem>>) semaphore(%arg15 : memref<!tpu.dma_semaphore, #tpu.memory_space<semaphore_mem>>)
      %add3A_262 = arith.constant 0 : i32
      %add3A_263 = arith.addi %mul3A_251, %add3A_262 : i32
      %dma_wait3A_264 = arith.constant 0 : i32
      %dma_wait3A_265 = tpu.memref_slice %arg7[%add3A_263, %dma_wait3A_264] : memref<32x80xi32, #tpu.memory_space<vmem>> -> memref<1x80xi32, #tpu.memory_space<vmem>>
      %dma_wait3A_266 = tpu.memref_squeeze %dma_wait3A_265 : memref<1x80xi32, #tpu.memory_space<vmem>> -> memref<80xi32, #tpu.memory_space<vmem>>
      %dma_wait3A_267 = arith.constant 0 : i32
      %dma_wait3A_268 = arith.constant 0 : i32
      %dma_wait3A_269 = tpu.memref_slice %arg2[%dma_wait3A_267, %dma_wait3A_268] : memref<10000x128xf32, #tpu.memory_space<hbm>> -> memref<10000x128xf32, #tpu.memory_space<hbm>>
      tpu.wait_indirect_dma semaphore(%arg16 : memref<!tpu.dma_semaphore, #tpu.memory_space<semaphore_mem>>) src(%dma_wait3A_269 : memref<10000x128xf32, #tpu.memory_space<hbm>>) dst(%arg12 : memref<80x128xf32, #tpu.memory_space<vmem>>)
      "tpu.region"() ({
        %run_scoped3A_306 = tpu.sem_alloc : memref<!tpu.dma_semaphore, #tpu.memory_space<semaphore_mem>>
        %dma_start3A_307 = arith.constant 0 : i32
        %dma_start3A_308 = tpu.memref_slice %arg9[%add3A_263, %dma_start3A_307] : memref<32x80xi32, #tpu.memory_space<vmem>> -> memref<1x80xi32, #tpu.memory_space<vmem>>
        %dma_start3A_309 = tpu.memref_squeeze %dma_start3A_308 : memref<1x80xi32, #tpu.memory_space<vmem>> -> memref<80xi32, #tpu.memory_space<vmem>>
        %dma_start3A_310 = arith.constant 0 : i32
        %dma_start3A_311 = arith.constant 0 : i32
        %dma_start3A_312 = tpu.memref_slice %arg14[%dma_start3A_310, %dma_start3A_311] : memref<10240x128xf32, #tpu.memory_space<vmem_shared>> -> memref<10240x128xf32, #tpu.memory_space<vmem_shared>>
        tpu.enqueue_indirect_dma source(%arg12 : memref<80x128xf32, #tpu.memory_space<vmem>>) target(%dma_start3A_312 : memref<10240x128xf32, #tpu.memory_space<vmem_shared>>) offsets(%dma_start3A_309 : memref<80xi32, #tpu.memory_space<vmem>>) semaphore(%run_scoped3A_306 : memref<!tpu.dma_semaphore, #tpu.memory_space<semaphore_mem>>) {add = true}
        %dma_wait3A_313 = arith.constant 0 : i32
        %dma_wait3A_314 = tpu.memref_slice %arg9[%add3A_263, %dma_wait3A_313] : memref<32x80xi32, #tpu.memory_space<vmem>> -> memref<1x80xi32, #tpu.memory_space<vmem>>
        %dma_wait3A_315 = tpu.memref_squeeze %dma_wait3A_314 : memref<1x80xi32, #tpu.memory_space<vmem>> -> memref<80xi32, #tpu.memory_space<vmem>>
        %dma_wait3A_316 = arith.constant 0 : i32
        %dma_wait3A_317 = arith.constant 0 : i32
        %dma_wait3A_318 = tpu.memref_slice %arg14[%dma_wait3A_316, %dma_wait3A_317] : memref<10240x128xf32, #tpu.memory_space<vmem_shared>> -> memref<10240x128xf32, #tpu.memory_space<vmem_shared>>
        tpu.wait_indirect_dma semaphore(%run_scoped3A_306 : memref<!tpu.dma_semaphore, #tpu.memory_space<semaphore_mem>>) src(%arg12 : memref<80x128xf32, #tpu.memory_space<vmem>>) dst(%dma_wait3A_318 : memref<10240x128xf32, #tpu.memory_space<vmem_shared>>)
        tpu.yield
      }) : () -> ()
      %add3A_270 = arith.constant 1 : i32
      %add3A_271 = arith.addi %mul3A_251, %add3A_270 : i32
      %add3A_272 = arith.constant 2 : i32
      %add3A_273 = arith.addi %add3A_271, %add3A_272 : i32
      %dma_start3A_274 = arith.constant 0 : i32
      %dma_start3A_275 = tpu.memref_slice %arg7[%add3A_273, %dma_start3A_274] : memref<32x80xi32, #tpu.memory_space<vmem>> -> memref<1x80xi32, #tpu.memory_space<vmem>>
      %dma_start3A_276 = tpu.memref_squeeze %dma_start3A_275 : memref<1x80xi32, #tpu.memory_space<vmem>> -> memref<80xi32, #tpu.memory_space<vmem>>
      %dma_start3A_277 = arith.constant 0 : i32
      %dma_start3A_278 = arith.constant 0 : i32
      %dma_start3A_279 = tpu.memref_slice %arg2[%dma_start3A_277, %dma_start3A_278] : memref<10000x128xf32, #tpu.memory_space<hbm>> -> memref<10000x128xf32, #tpu.memory_space<hbm>>
      tpu.enqueue_indirect_dma source(%dma_start3A_279 : memref<10000x128xf32, #tpu.memory_space<hbm>>) target(%arg12 : memref<80x128xf32, #tpu.memory_space<vmem>>) offsets(%dma_start3A_276 : memref<80xi32, #tpu.memory_space<vmem>>) semaphore(%arg16 : memref<!tpu.dma_semaphore, #tpu.memory_space<semaphore_mem>>)
      %add3A_280 = arith.constant 1 : i32
      %add3A_281 = arith.addi %mul3A_251, %add3A_280 : i32
      %dma_wait3A_282 = arith.constant 0 : i32
      %dma_wait3A_283 = tpu.memref_slice %arg7[%add3A_281, %dma_wait3A_282] : memref<32x80xi32, #tpu.memory_space<vmem>> -> memref<1x80xi32, #tpu.memory_space<vmem>>
      %dma_wait3A_284 = tpu.memref_squeeze %dma_wait3A_283 : memref<1x80xi32, #tpu.memory_space<vmem>> -> memref<80xi32, #tpu.memory_space<vmem>>
      %dma_wait3A_285 = arith.constant 0 : i32
      %dma_wait3A_286 = arith.constant 0 : i32
      %dma_wait3A_287 = tpu.memref_slice %arg2[%dma_wait3A_285, %dma_wait3A_286] : memref<10000x128xf32, #tpu.memory_space<hbm>> -> memref<10000x128xf32, #tpu.memory_space<hbm>>
      tpu.wait_indirect_dma semaphore(%arg17 : memref<!tpu.dma_semaphore, #tpu.memory_space<semaphore_mem>>) src(%dma_wait3A_287 : memref<10000x128xf32, #tpu.memory_space<hbm>>) dst(%arg13 : memref<80x128xf32, #tpu.memory_space<vmem>>)
      "tpu.region"() ({
        %run_scoped3A_306 = tpu.sem_alloc : memref<!tpu.dma_semaphore, #tpu.memory_space<semaphore_mem>>
        %dma_start3A_307 = arith.constant 0 : i32
        %dma_start3A_308 = tpu.memref_slice %arg9[%add3A_281, %dma_start3A_307] : memref<32x80xi32, #tpu.memory_space<vmem>> -> memref<1x80xi32, #tpu.memory_space<vmem>>
        %dma_start3A_309 = tpu.memref_squeeze %dma_start3A_308 : memref<1x80xi32, #tpu.memory_space<vmem>> -> memref<80xi32, #tpu.memory_space<vmem>>
        %dma_start3A_310 = arith.constant 0 : i32
        %dma_start3A_311 = arith.constant 0 : i32
        %dma_start3A_312 = tpu.memref_slice %arg14[%dma_start3A_310, %dma_start3A_311] : memref<10240x128xf32, #tpu.memory_space<vmem_shared>> -> memref<10240x128xf32, #tpu.memory_space<vmem_shared>>
        tpu.enqueue_indirect_dma source(%arg13 : memref<80x128xf32, #tpu.memory_space<vmem>>) target(%dma_start3A_312 : memref<10240x128xf32, #tpu.memory_space<vmem_shared>>) offsets(%dma_start3A_309 : memref<80xi32, #tpu.memory_space<vmem>>) semaphore(%run_scoped3A_306 : memref<!tpu.dma_semaphore, #tpu.memory_space<semaphore_mem>>) {add = true}
        %dma_wait3A_313 = arith.constant 0 : i32
        %dma_wait3A_314 = tpu.memref_slice %arg9[%add3A_281, %dma_wait3A_313] : memref<32x80xi32, #tpu.memory_space<vmem>> -> memref<1x80xi32, #tpu.memory_space<vmem>>
        %dma_wait3A_315 = tpu.memref_squeeze %dma_wait3A_314 : memref<1x80xi32, #tpu.memory_space<vmem>> -> memref<80xi32, #tpu.memory_space<vmem>>
        %dma_wait3A_316 = arith.constant 0 : i32
        %dma_wait3A_317 = arith.constant 0 : i32
        %dma_wait3A_318 = tpu.memref_slice %arg14[%dma_wait3A_316, %dma_wait3A_317] : memref<10240x128xf32, #tpu.memory_space<vmem_shared>> -> memref<10240x128xf32, #tpu.memory_space<vmem_shared>>
        tpu.wait_indirect_dma semaphore(%run_scoped3A_306 : memref<!tpu.dma_semaphore, #tpu.memory_space<semaphore_mem>>) src(%arg13 : memref<80x128xf32, #tpu.memory_space<vmem>>) dst(%dma_wait3A_318 : memref<10240x128xf32, #tpu.memory_space<vmem_shared>>)
        tpu.yield
      }) : () -> ()
      %add3A_288 = arith.constant 2 : i32
      %add3A_289 = arith.addi %mul3A_251, %add3A_288 : i32
      %add3A_290 = arith.constant 2 : i32
      %add3A_291 = arith.addi %add3A_289, %add3A_290 : i32
      %dma_start3A_292 = arith.constant 0 : i32
      %dma_start3A_293 = tpu.memref_slice %arg7[%add3A_291, %dma_start3A_292] : memref<32x80xi32, #tpu.memory_space<vmem>> -> memref<1x80xi32, #tpu.memory_space<vmem>>
      %dma_start3A_294 = tpu.memref_squeeze %dma_start3A_293 : memref<1x80xi32, #tpu.memory_space<vmem>> -> memref<80xi32, #tpu.memory_space<vmem>>
      %dma_start3A_295 = arith.constant 0 : i32
      %dma_start3A_296 = arith.constant 0 : i32
      %dma_start3A_297 = tpu.memref_slice %arg2[%dma_start3A_295, %dma_start3A_296] : memref<10000x128xf32, #tpu.memory_space<hbm>> -> memref<10000x128xf32, #tpu.memory_space<hbm>>
      tpu.enqueue_indirect_dma source(%dma_start3A_297 : memref<10000x128xf32, #tpu.memory_space<hbm>>) target(%arg13 : memref<80x128xf32, #tpu.memory_space<vmem>>) offsets(%dma_start3A_294 : memref<80xi32, #tpu.memory_space<vmem>>) semaphore(%arg17 : memref<!tpu.dma_semaphore, #tpu.memory_space<semaphore_mem>>)
      %add3A_298 = arith.constant 2 : i32
      %add3A_299 = arith.addi %mul3A_251, %add3A_298 : i32
      %dma_wait3A_300 = arith.constant 0 : i32
      %dma_wait3A_301 = tpu.memref_slice %arg7[%add3A_299, %dma_wait3A_300] : memref<32x80xi32, #tpu.memory_space<vmem>> -> memref<1x80xi32, #tpu.memory_space<vmem>>
      %dma_wait3A_302 = tpu.memref_squeeze %dma_wait3A_301 : memref<1x80xi32, #tpu.memory_space<vmem>> -> memref<80xi32, #tpu.memory_space<vmem>>
      %dma_wait3A_303 = arith.constant 0 : i32
      %dma_wait3A_304 = arith.constant 0 : i32
      %dma_wait3A_305 = tpu.memref_slice %arg2[%dma_wait3A_303, %dma_wait3A_304] : memref<10000x128xf32, #tpu.memory_space<hbm>> -> memref<10000x128xf32, #tpu.memory_space<hbm>>
      tpu.wait_indirect_dma semaphore(%arg15 : memref<!tpu.dma_semaphore, #tpu.memory_space<semaphore_mem>>) src(%dma_wait3A_305 : memref<10000x128xf32, #tpu.memory_space<hbm>>) dst(%arg11 : memref<80x128xf32, #tpu.memory_space<vmem>>)
      "tpu.region"() ({
        %run_scoped3A_306 = tpu.sem_alloc : memref<!tpu.dma_semaphore, #tpu.memory_space<semaphore_mem>>
        %dma_start3A_307 = arith.constant 0 : i32
        %dma_start3A_308 = tpu.memref_slice %arg9[%add3A_299, %dma_start3A_307] : memref<32x80xi32, #tpu.memory_space<vmem>> -> memref<1x80xi32, #tpu.memory_space<vmem>>
        %dma_start3A_309 = tpu.memref_squeeze %dma_start3A_308 : memref<1x80xi32, #tpu.memory_space<vmem>> -> memref<80xi32, #tpu.memory_space<vmem>>
        %dma_start3A_310 = arith.constant 0 : i32
        %dma_start3A_311 = arith.constant 0 : i32
        %dma_start3A_312 = tpu.memref_slice %arg14[%dma_start3A_310, %dma_start3A_311] : memref<10240x128xf32, #tpu.memory_space<vmem_shared>> -> memref<10240x128xf32, #tpu.memory_space<vmem_shared>>
        tpu.enqueue_indirect_dma source(%arg11 : memref<80x128xf32, #tpu.memory_space<vmem>>) target(%dma_start3A_312 : memref<10240x128xf32, #tpu.memory_space<vmem_shared>>) offsets(%dma_start3A_309 : memref<80xi32, #tpu.memory_space<vmem>>) semaphore(%run_scoped3A_306 : memref<!tpu.dma_semaphore, #tpu.memory_space<semaphore_mem>>) {add = true}
        %dma_wait3A_313 = arith.constant 0 : i32
        %dma_wait3A_314 = tpu.memref_slice %arg9[%add3A_299, %dma_wait3A_313] : memref<32x80xi32, #tpu.memory_space<vmem>> -> memref<1x80xi32, #tpu.memory_space<vmem>>
        %dma_wait3A_315 = tpu.memref_squeeze %dma_wait3A_314 : memref<1x80xi32, #tpu.memory_space<vmem>> -> memref<80xi32, #tpu.memory_space<vmem>>
        %dma_wait3A_316 = arith.constant 0 : i32
        %dma_wait3A_317 = arith.constant 0 : i32
        %dma_wait3A_318 = tpu.memref_slice %arg14[%dma_wait3A_316, %dma_wait3A_317] : memref<10240x128xf32, #tpu.memory_space<vmem_shared>> -> memref<10240x128xf32, #tpu.memory_space<vmem_shared>>
        tpu.wait_indirect_dma semaphore(%run_scoped3A_306 : memref<!tpu.dma_semaphore, #tpu.memory_space<semaphore_mem>>) src(%arg11 : memref<80x128xf32, #tpu.memory_space<vmem>>) dst(%dma_wait3A_318 : memref<10240x128xf32, #tpu.memory_space<vmem_shared>>)
        tpu.yield
      }) : () -> ()
    }
    %scan3A_172 = arith.constant 10 : i32
    %dma_wait3A_173 = arith.constant 96 : i32
    %dma_wait3A_174 = arith.constant 0 : i32
    %dma_wait3A_175 = tpu.memref_slice %arg3[%add3A, %dma_wait3A_173, %dma_wait3A_174] : memref<32x128x80xi32, #tpu.memory_space<hbm>> -> memref<1x32x80xi32, #tpu.memory_space<hbm>>
    %dma_wait3A_176 = tpu.memref_squeeze %dma_wait3A_175 : memref<1x32x80xi32, #tpu.memory_space<hbm>> -> memref<32x80xi32, #tpu.memory_space<hbm>>
    %dma_wait3A_177 = arith.constant 96 : i32
    %dma_wait3A_178 = arith.constant 0 : i32
    %dma_wait3A_179 = tpu.memref_slice %arg3[%add3A, %dma_wait3A_177, %dma_wait3A_178] : memref<32x128x80xi32, #tpu.memory_space<hbm>> -> memref<1x32x80xi32, #tpu.memory_space<hbm>>
    %dma_wait3A_180 = tpu.memref_squeeze %dma_wait3A_179 : memref<1x32x80xi32, #tpu.memory_space<hbm>> -> memref<32x80xi32, #tpu.memory_space<hbm>>
    tpu.wait_dma2 semaphore(%arg18 : memref<!tpu.dma_semaphore, #tpu.memory_space<semaphore_mem>>) src(%dma_wait3A_180 : memref<32x80xi32, #tpu.memory_space<hbm>>) dst(%arg8 : memref<32x80xi32, #tpu.memory_space<vmem>>)
    %dma_wait3A_181 = arith.constant 96 : i32
    %dma_wait3A_182 = arith.constant 0 : i32
    %dma_wait3A_183 = tpu.memref_slice %arg4[%add3A, %dma_wait3A_181, %dma_wait3A_182] : memref<32x128x80xi32, #tpu.memory_space<hbm>> -> memref<1x32x80xi32, #tpu.memory_space<hbm>>
    %dma_wait3A_184 = tpu.memref_squeeze %dma_wait3A_183 : memref<1x32x80xi32, #tpu.memory_space<hbm>> -> memref<32x80xi32, #tpu.memory_space<hbm>>
    %dma_wait3A_185 = arith.constant 96 : i32
    %dma_wait3A_186 = arith.constant 0 : i32
    %dma_wait3A_187 = tpu.memref_slice %arg4[%add3A, %dma_wait3A_185, %dma_wait3A_186] : memref<32x128x80xi32, #tpu.memory_space<hbm>> -> memref<1x32x80xi32, #tpu.memory_space<hbm>>
    %dma_wait3A_188 = tpu.memref_squeeze %dma_wait3A_187 : memref<1x32x80xi32, #tpu.memory_space<hbm>> -> memref<32x80xi32, #tpu.memory_space<hbm>>
    tpu.wait_dma2 semaphore(%arg19 : memref<!tpu.dma_semaphore, #tpu.memory_space<semaphore_mem>>) src(%dma_wait3A_188 : memref<32x80xi32, #tpu.memory_space<hbm>>) dst(%arg10 : memref<32x80xi32, #tpu.memory_space<vmem>>)
    %dma_start3A_189 = arith.constant 0 : i32
    %dma_start3A_190 = arith.constant 0 : i32
    %dma_start3A_191 = tpu.memref_slice %arg8[%dma_start3A_189, %dma_start3A_190] : memref<32x80xi32, #tpu.memory_space<vmem>> -> memref<1x80xi32, #tpu.memory_space<vmem>>
    %dma_start3A_192 = tpu.memref_squeeze %dma_start3A_191 : memref<1x80xi32, #tpu.memory_space<vmem>> -> memref<80xi32, #tpu.memory_space<vmem>>
    %dma_start3A_193 = arith.constant 0 : i32
    %dma_start3A_194 = arith.constant 0 : i32
    %dma_start3A_195 = tpu.memref_slice %arg2[%dma_start3A_193, %dma_start3A_194] : memref<10000x128xf32, #tpu.memory_space<hbm>> -> memref<10000x128xf32, #tpu.memory_space<hbm>>
    tpu.enqueue_indirect_dma source(%dma_start3A_195 : memref<10000x128xf32, #tpu.memory_space<hbm>>) target(%arg11 : memref<80x128xf32, #tpu.memory_space<vmem>>) offsets(%dma_start3A_192 : memref<80xi32, #tpu.memory_space<vmem>>) semaphore(%arg15 : memref<!tpu.dma_semaphore, #tpu.memory_space<semaphore_mem>>)
    %dma_wait3A_196 = arith.constant 30 : i32
    %dma_wait3A_197 = arith.constant 0 : i32
    %dma_wait3A_198 = tpu.memref_slice %arg7[%dma_wait3A_196, %dma_wait3A_197] : memref<32x80xi32, #tpu.memory_space<vmem>> -> memref<1x80xi32, #tpu.memory_space<vmem>>
    %dma_wait3A_199 = tpu.memref_squeeze %dma_wait3A_198 : memref<1x80xi32, #tpu.memory_space<vmem>> -> memref<80xi32, #tpu.memory_space<vmem>>
    %dma_wait3A_200 = arith.constant 0 : i32
    %dma_wait3A_201 = arith.constant 0 : i32
    %dma_wait3A_202 = tpu.memref_slice %arg2[%dma_wait3A_200, %dma_wait3A_201] : memref<10000x128xf32, #tpu.memory_space<hbm>> -> memref<10000x128xf32, #tpu.memory_space<hbm>>
    tpu.wait_indirect_dma semaphore(%arg16 : memref<!tpu.dma_semaphore, #tpu.memory_space<semaphore_mem>>) src(%dma_wait3A_202 : memref<10000x128xf32, #tpu.memory_space<hbm>>) dst(%arg12 : memref<80x128xf32, #tpu.memory_space<vmem>>)
    %run_scoped3A_203 = arith.constant 30 : i32
    "tpu.region"() ({
      %run_scoped3A_249 = tpu.sem_alloc : memref<!tpu.dma_semaphore, #tpu.memory_space<semaphore_mem>>
      %dma_start3A_250 = arith.constant 0 : i32
      %dma_start3A_251 = tpu.memref_slice %arg9[%run_scoped3A_203, %dma_start3A_250] : memref<32x80xi32, #tpu.memory_space<vmem>> -> memref<1x80xi32, #tpu.memory_space<vmem>>
      %dma_start3A_252 = tpu.memref_squeeze %dma_start3A_251 : memref<1x80xi32, #tpu.memory_space<vmem>> -> memref<80xi32, #tpu.memory_space<vmem>>
      %dma_start3A_253 = arith.constant 0 : i32
      %dma_start3A_254 = arith.constant 0 : i32
      %dma_start3A_255 = tpu.memref_slice %arg14[%dma_start3A_253, %dma_start3A_254] : memref<10240x128xf32, #tpu.memory_space<vmem_shared>> -> memref<10240x128xf32, #tpu.memory_space<vmem_shared>>
      tpu.enqueue_indirect_dma source(%arg12 : memref<80x128xf32, #tpu.memory_space<vmem>>) target(%dma_start3A_255 : memref<10240x128xf32, #tpu.memory_space<vmem_shared>>) offsets(%dma_start3A_252 : memref<80xi32, #tpu.memory_space<vmem>>) semaphore(%run_scoped3A_249 : memref<!tpu.dma_semaphore, #tpu.memory_space<semaphore_mem>>) {add = true}
      %dma_wait3A_256 = arith.constant 0 : i32
      %dma_wait3A_257 = tpu.memref_slice %arg9[%run_scoped3A_203, %dma_wait3A_256] : memref<32x80xi32, #tpu.memory_space<vmem>> -> memref<1x80xi32, #tpu.memory_space<vmem>>
      %dma_wait3A_258 = tpu.memref_squeeze %dma_wait3A_257 : memref<1x80xi32, #tpu.memory_space<vmem>> -> memref<80xi32, #tpu.memory_space<vmem>>
      %dma_wait3A_259 = arith.constant 0 : i32
      %dma_wait3A_260 = arith.constant 0 : i32
      %dma_wait3A_261 = tpu.memref_slice %arg14[%dma_wait3A_259, %dma_wait3A_260] : memref<10240x128xf32, #tpu.memory_space<vmem_shared>> -> memref<10240x128xf32, #tpu.memory_space<vmem_shared>>
      tpu.wait_indirect_dma semaphore(%run_scoped3A_249 : memref<!tpu.dma_semaphore, #tpu.memory_space<semaphore_mem>>) src(%arg12 : memref<80x128xf32, #tpu.memory_space<vmem>>) dst(%dma_wait3A_261 : memref<10240x128xf32, #tpu.memory_space<vmem_shared>>)
      tpu.yield
    }) : () -> ()
    %dma_start3A_204 = arith.constant 1 : i32
    %dma_start3A_205 = arith.constant 0 : i32
    %dma_start3A_206 = tpu.memref_slice %arg8[%dma_start3A_204, %dma_start3A_205] : memref<32x80xi32, #tpu.memory_space<vmem>> -> memref<1x80xi32, #tpu.memory_space<vmem>>
    %dma_start3A_207 = tpu.memref_squeeze %dma_start3A_206 : memref<1x80xi32, #tpu.memory_space<vmem>> -> memref<80xi32, #tpu.memory_space<vmem>>
    %dma_start3A_208 = arith.constant 0 : i32
    %dma_start3A_209 = arith.constant 0 : i32
    %dma_start3A_210 = tpu.memref_slice %arg2[%dma_start3A_208, %dma_start3A_209] : memref<10000x128xf32, #tpu.memory_space<hbm>> -> memref<10000x128xf32, #tpu.memory_space<hbm>>
    tpu.enqueue_indirect_dma source(%dma_start3A_210 : memref<10000x128xf32, #tpu.memory_space<hbm>>) target(%arg12 : memref<80x128xf32, #tpu.memory_space<vmem>>) offsets(%dma_start3A_207 : memref<80xi32, #tpu.memory_space<vmem>>) semaphore(%arg16 : memref<!tpu.dma_semaphore, #tpu.memory_space<semaphore_mem>>)
    %dma_wait3A_211 = arith.constant 31 : i32
    %dma_wait3A_212 = arith.constant 0 : i32
    %dma_wait3A_213 = tpu.memref_slice %arg7[%dma_wait3A_211, %dma_wait3A_212] : memref<32x80xi32, #tpu.memory_space<vmem>> -> memref<1x80xi32, #tpu.memory_space<vmem>>
    %dma_wait3A_214 = tpu.memref_squeeze %dma_wait3A_213 : memref<1x80xi32, #tpu.memory_space<vmem>> -> memref<80xi32, #tpu.memory_space<vmem>>
    %dma_wait3A_215 = arith.constant 0 : i32
    %dma_wait3A_216 = arith.constant 0 : i32
    %dma_wait3A_217 = tpu.memref_slice %arg2[%dma_wait3A_215, %dma_wait3A_216] : memref<10000x128xf32, #tpu.memory_space<hbm>> -> memref<10000x128xf32, #tpu.memory_space<hbm>>
    tpu.wait_indirect_dma semaphore(%arg17 : memref<!tpu.dma_semaphore, #tpu.memory_space<semaphore_mem>>) src(%dma_wait3A_217 : memref<10000x128xf32, #tpu.memory_space<hbm>>) dst(%arg13 : memref<80x128xf32, #tpu.memory_space<vmem>>)
    %run_scoped3A_218 = arith.constant 31 : i32
    "tpu.region"() ({
      %run_scoped3A_249 = tpu.sem_alloc : memref<!tpu.dma_semaphore, #tpu.memory_space<semaphore_mem>>
      %dma_start3A_250 = arith.constant 0 : i32
      %dma_start3A_251 = tpu.memref_slice %arg9[%run_scoped3A_218, %dma_start3A_250] : memref<32x80xi32, #tpu.memory_space<vmem>> -> memref<1x80xi32, #tpu.memory_space<vmem>>
      %dma_start3A_252 = tpu.memref_squeeze %dma_start3A_251 : memref<1x80xi32, #tpu.memory_space<vmem>> -> memref<80xi32, #tpu.memory_space<vmem>>
      %dma_start3A_253 = arith.constant 0 : i32
      %dma_start3A_254 = arith.constant 0 : i32
      %dma_start3A_255 = tpu.memref_slice %arg14[%dma_start3A_253, %dma_start3A_254] : memref<10240x128xf32, #tpu.memory_space<vmem_shared>> -> memref<10240x128xf32, #tpu.memory_space<vmem_shared>>
      tpu.enqueue_indirect_dma source(%arg13 : memref<80x128xf32, #tpu.memory_space<vmem>>) target(%dma_start3A_255 : memref<10240x128xf32, #tpu.memory_space<vmem_shared>>) offsets(%dma_start3A_252 : memref<80xi32, #tpu.memory_space<vmem>>) semaphore(%run_scoped3A_249 : memref<!tpu.dma_semaphore, #tpu.memory_space<semaphore_mem>>) {add = true}
      %dma_wait3A_256 = arith.constant 0 : i32
      %dma_wait3A_257 = tpu.memref_slice %arg9[%run_scoped3A_218, %dma_wait3A_256] : memref<32x80xi32, #tpu.memory_space<vmem>> -> memref<1x80xi32, #tpu.memory_space<vmem>>
      %dma_wait3A_258 = tpu.memref_squeeze %dma_wait3A_257 : memref<1x80xi32, #tpu.memory_space<vmem>> -> memref<80xi32, #tpu.memory_space<vmem>>
      %dma_wait3A_259 = arith.constant 0 : i32
      %dma_wait3A_260 = arith.constant 0 : i32
      %dma_wait3A_261 = tpu.memref_slice %arg14[%dma_wait3A_259, %dma_wait3A_260] : memref<10240x128xf32, #tpu.memory_space<vmem_shared>> -> memref<10240x128xf32, #tpu.memory_space<vmem_shared>>
      tpu.wait_indirect_dma semaphore(%run_scoped3A_249 : memref<!tpu.dma_semaphore, #tpu.memory_space<semaphore_mem>>) src(%arg13 : memref<80x128xf32, #tpu.memory_space<vmem>>) dst(%dma_wait3A_261 : memref<10240x128xf32, #tpu.memory_space<vmem_shared>>)
      tpu.yield
    }) : () -> ()
    %scan3A_219 = arith.constant 0 : i32
    %scan3A_220 = arith.constant 0 : i32
    %scan3A_221 = arith.constant 10 : i32
    %scan3A_222 = arith.addi %scan3A_220, %scan3A_221 : i32
    %scan3A_223 = arith.constant 1 : i32
    scf.for %scan3A_249 = %scan3A_220 to %scan3A_222 step %scan3A_223  : i32 {
      %mul3A_250 = arith.constant 3 : i32
      %mul3A_251 = arith.muli %mul3A_250, %scan3A_249 : i32
      %add3A_252 = arith.constant 0 : i32
      %add3A_253 = arith.addi %mul3A_251, %add3A_252 : i32
      %add3A_254 = arith.constant 2 : i32
      %add3A_255 = arith.addi %add3A_253, %add3A_254 : i32
      %dma_start3A_256 = arith.constant 0 : i32
      %dma_start3A_257 = tpu.memref_slice %arg8[%add3A_255, %dma_start3A_256] : memref<32x80xi32, #tpu.memory_space<vmem>> -> memref<1x80xi32, #tpu.memory_space<vmem>>
      %dma_start3A_258 = tpu.memref_squeeze %dma_start3A_257 : memref<1x80xi32, #tpu.memory_space<vmem>> -> memref<80xi32, #tpu.memory_space<vmem>>
      %dma_start3A_259 = arith.constant 0 : i32
      %dma_start3A_260 = arith.constant 0 : i32
      %dma_start3A_261 = tpu.memref_slice %arg2[%dma_start3A_259, %dma_start3A_260] : memref<10000x128xf32, #tpu.memory_space<hbm>> -> memref<10000x128xf32, #tpu.memory_space<hbm>>
      tpu.enqueue_indirect_dma source(%dma_start3A_261 : memref<10000x128xf32, #tpu.memory_space<hbm>>) target(%arg13 : memref<80x128xf32, #tpu.memory_space<vmem>>) offsets(%dma_start3A_258 : memref<80xi32, #tpu.memory_space<vmem>>) semaphore(%arg17 : memref<!tpu.dma_semaphore, #tpu.memory_space<semaphore_mem>>)
      %add3A_262 = arith.constant 0 : i32
      %add3A_263 = arith.addi %mul3A_251, %add3A_262 : i32
      %dma_wait3A_264 = arith.constant 0 : i32
      %dma_wait3A_265 = tpu.memref_slice %arg8[%add3A_263, %dma_wait3A_264] : memref<32x80xi32, #tpu.memory_space<vmem>> -> memref<1x80xi32, #tpu.memory_space<vmem>>
      %dma_wait3A_266 = tpu.memref_squeeze %dma_wait3A_265 : memref<1x80xi32, #tpu.memory_space<vmem>> -> memref<80xi32, #tpu.memory_space<vmem>>
      %dma_wait3A_267 = arith.constant 0 : i32
      %dma_wait3A_268 = arith.constant 0 : i32
      %dma_wait3A_269 = tpu.memref_slice %arg2[%dma_wait3A_267, %dma_wait3A_268] : memref<10000x128xf32, #tpu.memory_space<hbm>> -> memref<10000x128xf32, #tpu.memory_space<hbm>>
      tpu.wait_indirect_dma semaphore(%arg15 : memref<!tpu.dma_semaphore, #tpu.memory_space<semaphore_mem>>) src(%dma_wait3A_269 : memref<10000x128xf32, #tpu.memory_space<hbm>>) dst(%arg11 : memref<80x128xf32, #tpu.memory_space<vmem>>)
      "tpu.region"() ({
        %run_scoped3A_306 = tpu.sem_alloc : memref<!tpu.dma_semaphore, #tpu.memory_space<semaphore_mem>>
        %dma_start3A_307 = arith.constant 0 : i32
        %dma_start3A_308 = tpu.memref_slice %arg10[%add3A_263, %dma_start3A_307] : memref<32x80xi32, #tpu.memory_space<vmem>> -> memref<1x80xi32, #tpu.memory_space<vmem>>
        %dma_start3A_309 = tpu.memref_squeeze %dma_start3A_308 : memref<1x80xi32, #tpu.memory_space<vmem>> -> memref<80xi32, #tpu.memory_space<vmem>>
        %dma_start3A_310 = arith.constant 0 : i32
        %dma_start3A_311 = arith.constant 0 : i32
        %dma_start3A_312 = tpu.memref_slice %arg14[%dma_start3A_310, %dma_start3A_311] : memref<10240x128xf32, #tpu.memory_space<vmem_shared>> -> memref<10240x128xf32, #tpu.memory_space<vmem_shared>>
        tpu.enqueue_indirect_dma source(%arg11 : memref<80x128xf32, #tpu.memory_space<vmem>>) target(%dma_start3A_312 : memref<10240x128xf32, #tpu.memory_space<vmem_shared>>) offsets(%dma_start3A_309 : memref<80xi32, #tpu.memory_space<vmem>>) semaphore(%run_scoped3A_306 : memref<!tpu.dma_semaphore, #tpu.memory_space<semaphore_mem>>) {add = true}
        %dma_wait3A_313 = arith.constant 0 : i32
        %dma_wait3A_314 = tpu.memref_slice %arg10[%add3A_263, %dma_wait3A_313] : memref<32x80xi32, #tpu.memory_space<vmem>> -> memref<1x80xi32, #tpu.memory_space<vmem>>
        %dma_wait3A_315 = tpu.memref_squeeze %dma_wait3A_314 : memref<1x80xi32, #tpu.memory_space<vmem>> -> memref<80xi32, #tpu.memory_space<vmem>>
        %dma_wait3A_316 = arith.constant 0 : i32
        %dma_wait3A_317 = arith.constant 0 : i32
        %dma_wait3A_318 = tpu.memref_slice %arg14[%dma_wait3A_316, %dma_wait3A_317] : memref<10240x128xf32, #tpu.memory_space<vmem_shared>> -> memref<10240x128xf32, #tpu.memory_space<vmem_shared>>
        tpu.wait_indirect_dma semaphore(%run_scoped3A_306 : memref<!tpu.dma_semaphore, #tpu.memory_space<semaphore_mem>>) src(%arg11 : memref<80x128xf32, #tpu.memory_space<vmem>>) dst(%dma_wait3A_318 : memref<10240x128xf32, #tpu.memory_space<vmem_shared>>)
        tpu.yield
      }) : () -> ()
      %add3A_270 = arith.constant 1 : i32
      %add3A_271 = arith.addi %mul3A_251, %add3A_270 : i32
      %add3A_272 = arith.constant 2 : i32
      %add3A_273 = arith.addi %add3A_271, %add3A_272 : i32
      %dma_start3A_274 = arith.constant 0 : i32
      %dma_start3A_275 = tpu.memref_slice %arg8[%add3A_273, %dma_start3A_274] : memref<32x80xi32, #tpu.memory_space<vmem>> -> memref<1x80xi32, #tpu.memory_space<vmem>>
      %dma_start3A_276 = tpu.memref_squeeze %dma_start3A_275 : memref<1x80xi32, #tpu.memory_space<vmem>> -> memref<80xi32, #tpu.memory_space<vmem>>
      %dma_start3A_277 = arith.constant 0 : i32
      %dma_start3A_278 = arith.constant 0 : i32
      %dma_start3A_279 = tpu.memref_slice %arg2[%dma_start3A_277, %dma_start3A_278] : memref<10000x128xf32, #tpu.memory_space<hbm>> -> memref<10000x128xf32, #tpu.memory_space<hbm>>
      tpu.enqueue_indirect_dma source(%dma_start3A_279 : memref<10000x128xf32, #tpu.memory_space<hbm>>) target(%arg11 : memref<80x128xf32, #tpu.memory_space<vmem>>) offsets(%dma_start3A_276 : memref<80xi32, #tpu.memory_space<vmem>>) semaphore(%arg15 : memref<!tpu.dma_semaphore, #tpu.memory_space<semaphore_mem>>)
      %add3A_280 = arith.constant 1 : i32
      %add3A_281 = arith.addi %mul3A_251, %add3A_280 : i32
      %dma_wait3A_282 = arith.constant 0 : i32
      %dma_wait3A_283 = tpu.memref_slice %arg8[%add3A_281, %dma_wait3A_282] : memref<32x80xi32, #tpu.memory_space<vmem>> -> memref<1x80xi32, #tpu.memory_space<vmem>>
      %dma_wait3A_284 = tpu.memref_squeeze %dma_wait3A_283 : memref<1x80xi32, #tpu.memory_space<vmem>> -> memref<80xi32, #tpu.memory_space<vmem>>
      %dma_wait3A_285 = arith.constant 0 : i32
      %dma_wait3A_286 = arith.constant 0 : i32
      %dma_wait3A_287 = tpu.memref_slice %arg2[%dma_wait3A_285, %dma_wait3A_286] : memref<10000x128xf32, #tpu.memory_space<hbm>> -> memref<10000x128xf32, #tpu.memory_space<hbm>>
      tpu.wait_indirect_dma semaphore(%arg16 : memref<!tpu.dma_semaphore, #tpu.memory_space<semaphore_mem>>) src(%dma_wait3A_287 : memref<10000x128xf32, #tpu.memory_space<hbm>>) dst(%arg12 : memref<80x128xf32, #tpu.memory_space<vmem>>)
      "tpu.region"() ({
        %run_scoped3A_306 = tpu.sem_alloc : memref<!tpu.dma_semaphore, #tpu.memory_space<semaphore_mem>>
        %dma_start3A_307 = arith.constant 0 : i32
        %dma_start3A_308 = tpu.memref_slice %arg10[%add3A_281, %dma_start3A_307] : memref<32x80xi32, #tpu.memory_space<vmem>> -> memref<1x80xi32, #tpu.memory_space<vmem>>
        %dma_start3A_309 = tpu.memref_squeeze %dma_start3A_308 : memref<1x80xi32, #tpu.memory_space<vmem>> -> memref<80xi32, #tpu.memory_space<vmem>>
        %dma_start3A_310 = arith.constant 0 : i32
        %dma_start3A_311 = arith.constant 0 : i32
        %dma_start3A_312 = tpu.memref_slice %arg14[%dma_start3A_310, %dma_start3A_311] : memref<10240x128xf32, #tpu.memory_space<vmem_shared>> -> memref<10240x128xf32, #tpu.memory_space<vmem_shared>>
        tpu.enqueue_indirect_dma source(%arg12 : memref<80x128xf32, #tpu.memory_space<vmem>>) target(%dma_start3A_312 : memref<10240x128xf32, #tpu.memory_space<vmem_shared>>) offsets(%dma_start3A_309 : memref<80xi32, #tpu.memory_space<vmem>>) semaphore(%run_scoped3A_306 : memref<!tpu.dma_semaphore, #tpu.memory_space<semaphore_mem>>) {add = true}
        %dma_wait3A_313 = arith.constant 0 : i32
        %dma_wait3A_314 = tpu.memref_slice %arg10[%add3A_281, %dma_wait3A_313] : memref<32x80xi32, #tpu.memory_space<vmem>> -> memref<1x80xi32, #tpu.memory_space<vmem>>
        %dma_wait3A_315 = tpu.memref_squeeze %dma_wait3A_314 : memref<1x80xi32, #tpu.memory_space<vmem>> -> memref<80xi32, #tpu.memory_space<vmem>>
        %dma_wait3A_316 = arith.constant 0 : i32
        %dma_wait3A_317 = arith.constant 0 : i32
        %dma_wait3A_318 = tpu.memref_slice %arg14[%dma_wait3A_316, %dma_wait3A_317] : memref<10240x128xf32, #tpu.memory_space<vmem_shared>> -> memref<10240x128xf32, #tpu.memory_space<vmem_shared>>
        tpu.wait_indirect_dma semaphore(%run_scoped3A_306 : memref<!tpu.dma_semaphore, #tpu.memory_space<semaphore_mem>>) src(%arg12 : memref<80x128xf32, #tpu.memory_space<vmem>>) dst(%dma_wait3A_318 : memref<10240x128xf32, #tpu.memory_space<vmem_shared>>)
        tpu.yield
      }) : () -> ()
      %add3A_288 = arith.constant 2 : i32
      %add3A_289 = arith.addi %mul3A_251, %add3A_288 : i32
      %add3A_290 = arith.constant 2 : i32
      %add3A_291 = arith.addi %add3A_289, %add3A_290 : i32
      %dma_start3A_292 = arith.constant 0 : i32
      %dma_start3A_293 = tpu.memref_slice %arg8[%add3A_291, %dma_start3A_292] : memref<32x80xi32, #tpu.memory_space<vmem>> -> memref<1x80xi32, #tpu.memory_space<vmem>>
      %dma_start3A_294 = tpu.memref_squeeze %dma_start3A_293 : memref<1x80xi32, #tpu.memory_space<vmem>> -> memref<80xi32, #tpu.memory_space<vmem>>
      %dma_start3A_295 = arith.constant 0 : i32
      %dma_start3A_296 = arith.constant 0 : i32
      %dma_start3A_297 = tpu.memref_slice %arg2[%dma_start3A_295, %dma_start3A_296] : memref<10000x128xf32, #tpu.memory_space<hbm>> -> memref<10000x128xf32, #tpu.memory_space<hbm>>
      tpu.enqueue_indirect_dma source(%dma_start3A_297 : memref<10000x128xf32, #tpu.memory_space<hbm>>) target(%arg12 : memref<80x128xf32, #tpu.memory_space<vmem>>) offsets(%dma_start3A_294 : memref<80xi32, #tpu.memory_space<vmem>>) semaphore(%arg16 : memref<!tpu.dma_semaphore, #tpu.memory_space<semaphore_mem>>)
      %add3A_298 = arith.constant 2 : i32
      %add3A_299 = arith.addi %mul3A_251, %add3A_298 : i32
      %dma_wait3A_300 = arith.constant 0 : i32
      %dma_wait3A_301 = tpu.memref_slice %arg8[%add3A_299, %dma_wait3A_300] : memref<32x80xi32, #tpu.memory_space<vmem>> -> memref<1x80xi32, #tpu.memory_space<vmem>>
      %dma_wait3A_302 = tpu.memref_squeeze %dma_wait3A_301 : memref<1x80xi32, #tpu.memory_space<vmem>> -> memref<80xi32, #tpu.memory_space<vmem>>
      %dma_wait3A_303 = arith.constant 0 : i32
      %dma_wait3A_304 = arith.constant 0 : i32
      %dma_wait3A_305 = tpu.memref_slice %arg2[%dma_wait3A_303, %dma_wait3A_304] : memref<10000x128xf32, #tpu.memory_space<hbm>> -> memref<10000x128xf32, #tpu.memory_space<hbm>>
      tpu.wait_indirect_dma semaphore(%arg17 : memref<!tpu.dma_semaphore, #tpu.memory_space<semaphore_mem>>) src(%dma_wait3A_305 : memref<10000x128xf32, #tpu.memory_space<hbm>>) dst(%arg13 : memref<80x128xf32, #tpu.memory_space<vmem>>)
      "tpu.region"() ({
        %run_scoped3A_306 = tpu.sem_alloc : memref<!tpu.dma_semaphore, #tpu.memory_space<semaphore_mem>>
        %dma_start3A_307 = arith.constant 0 : i32
        %dma_start3A_308 = tpu.memref_slice %arg10[%add3A_299, %dma_start3A_307] : memref<32x80xi32, #tpu.memory_space<vmem>> -> memref<1x80xi32, #tpu.memory_space<vmem>>
        %dma_start3A_309 = tpu.memref_squeeze %dma_start3A_308 : memref<1x80xi32, #tpu.memory_space<vmem>> -> memref<80xi32, #tpu.memory_space<vmem>>
        %dma_start3A_310 = arith.constant 0 : i32
        %dma_start3A_311 = arith.constant 0 : i32
        %dma_start3A_312 = tpu.memref_slice %arg14[%dma_start3A_310, %dma_start3A_311] : memref<10240x128xf32, #tpu.memory_space<vmem_shared>> -> memref<10240x128xf32, #tpu.memory_space<vmem_shared>>
        tpu.enqueue_indirect_dma source(%arg13 : memref<80x128xf32, #tpu.memory_space<vmem>>) target(%dma_start3A_312 : memref<10240x128xf32, #tpu.memory_space<vmem_shared>>) offsets(%dma_start3A_309 : memref<80xi32, #tpu.memory_space<vmem>>) semaphore(%run_scoped3A_306 : memref<!tpu.dma_semaphore, #tpu.memory_space<semaphore_mem>>) {add = true}
        %dma_wait3A_313 = arith.constant 0 : i32
        %dma_wait3A_314 = tpu.memref_slice %arg10[%add3A_299, %dma_wait3A_313] : memref<32x80xi32, #tpu.memory_space<vmem>> -> memref<1x80xi32, #tpu.memory_space<vmem>>
        %dma_wait3A_315 = tpu.memref_squeeze %dma_wait3A_314 : memref<1x80xi32, #tpu.memory_space<vmem>> -> memref<80xi32, #tpu.memory_space<vmem>>
        %dma_wait3A_316 = arith.constant 0 : i32
        %dma_wait3A_317 = arith.constant 0 : i32
        %dma_wait3A_318 = tpu.memref_slice %arg14[%dma_wait3A_316, %dma_wait3A_317] : memref<10240x128xf32, #tpu.memory_space<vmem_shared>> -> memref<10240x128xf32, #tpu.memory_space<vmem_shared>>
        tpu.wait_indirect_dma semaphore(%run_scoped3A_306 : memref<!tpu.dma_semaphore, #tpu.memory_space<semaphore_mem>>) src(%arg13 : memref<80x128xf32, #tpu.memory_space<vmem>>) dst(%dma_wait3A_318 : memref<10240x128xf32, #tpu.memory_space<vmem_shared>>)
        tpu.yield
      }) : () -> ()
    }
    %scan3A_224 = arith.constant 10 : i32
    %dma_wait3A_225 = arith.constant 30 : i32
    %dma_wait3A_226 = arith.constant 0 : i32
    %dma_wait3A_227 = tpu.memref_slice %arg8[%dma_wait3A_225, %dma_wait3A_226] : memref<32x80xi32, #tpu.memory_space<vmem>> -> memref<1x80xi32, #tpu.memory_space<vmem>>
    %dma_wait3A_228 = tpu.memref_squeeze %dma_wait3A_227 : memref<1x80xi32, #tpu.memory_space<vmem>> -> memref<80xi32, #tpu.memory_space<vmem>>
    %dma_wait3A_229 = arith.constant 0 : i32
    %dma_wait3A_230 = arith.constant 0 : i32
    %dma_wait3A_231 = tpu.memref_slice %arg2[%dma_wait3A_229, %dma_wait3A_230] : memref<10000x128xf32, #tpu.memory_space<hbm>> -> memref<10000x128xf32, #tpu.memory_space<hbm>>
    tpu.wait_indirect_dma semaphore(%arg15 : memref<!tpu.dma_semaphore, #tpu.memory_space<semaphore_mem>>) src(%dma_wait3A_231 : memref<10000x128xf32, #tpu.memory_space<hbm>>) dst(%arg11 : memref<80x128xf32, #tpu.memory_space<vmem>>)
    %run_scoped3A_232 = arith.constant 30 : i32
    "tpu.region"() ({
      %run_scoped3A_249 = tpu.sem_alloc : memref<!tpu.dma_semaphore, #tpu.memory_space<semaphore_mem>>
      %dma_start3A_250 = arith.constant 0 : i32
      %dma_start3A_251 = tpu.memref_slice %arg10[%run_scoped3A_232, %dma_start3A_250] : memref<32x80xi32, #tpu.memory_space<vmem>> -> memref<1x80xi32, #tpu.memory_space<vmem>>
      %dma_start3A_252 = tpu.memref_squeeze %dma_start3A_251 : memref<1x80xi32, #tpu.memory_space<vmem>> -> memref<80xi32, #tpu.memory_space<vmem>>
      %dma_start3A_253 = arith.constant 0 : i32
      %dma_start3A_254 = arith.constant 0 : i32
      %dma_start3A_255 = tpu.memref_slice %arg14[%dma_start3A_253, %dma_start3A_254] : memref<10240x128xf32, #tpu.memory_space<vmem_shared>> -> memref<10240x128xf32, #tpu.memory_space<vmem_shared>>
      tpu.enqueue_indirect_dma source(%arg11 : memref<80x128xf32, #tpu.memory_space<vmem>>) target(%dma_start3A_255 : memref<10240x128xf32, #tpu.memory_space<vmem_shared>>) offsets(%dma_start3A_252 : memref<80xi32, #tpu.memory_space<vmem>>) semaphore(%run_scoped3A_249 : memref<!tpu.dma_semaphore, #tpu.memory_space<semaphore_mem>>) {add = true}
      %dma_wait3A_256 = arith.constant 0 : i32
      %dma_wait3A_257 = tpu.memref_slice %arg10[%run_scoped3A_232, %dma_wait3A_256] : memref<32x80xi32, #tpu.memory_space<vmem>> -> memref<1x80xi32, #tpu.memory_space<vmem>>
      %dma_wait3A_258 = tpu.memref_squeeze %dma_wait3A_257 : memref<1x80xi32, #tpu.memory_space<vmem>> -> memref<80xi32, #tpu.memory_space<vmem>>
      %dma_wait3A_259 = arith.constant 0 : i32
      %dma_wait3A_260 = arith.constant 0 : i32
      %dma_wait3A_261 = tpu.memref_slice %arg14[%dma_wait3A_259, %dma_wait3A_260] : memref<10240x128xf32, #tpu.memory_space<vmem_shared>> -> memref<10240x128xf32, #tpu.memory_space<vmem_shared>>
      tpu.wait_indirect_dma semaphore(%run_scoped3A_249 : memref<!tpu.dma_semaphore, #tpu.memory_space<semaphore_mem>>) src(%arg11 : memref<80x128xf32, #tpu.memory_space<vmem>>) dst(%dma_wait3A_261 : memref<10240x128xf32, #tpu.memory_space<vmem_shared>>)
      tpu.yield
    }) : () -> ()
    %dma_wait3A_233 = arith.constant 31 : i32
    %dma_wait3A_234 = arith.constant 0 : i32
    %dma_wait3A_235 = tpu.memref_slice %arg8[%dma_wait3A_233, %dma_wait3A_234] : memref<32x80xi32, #tpu.memory_space<vmem>> -> memref<1x80xi32, #tpu.memory_space<vmem>>
    %dma_wait3A_236 = tpu.memref_squeeze %dma_wait3A_235 : memref<1x80xi32, #tpu.memory_space<vmem>> -> memref<80xi32, #tpu.memory_space<vmem>>
    %dma_wait3A_237 = arith.constant 0 : i32
    %dma_wait3A_238 = arith.constant 0 : i32
    %dma_wait3A_239 = tpu.memref_slice %arg2[%dma_wait3A_237, %dma_wait3A_238] : memref<10000x128xf32, #tpu.memory_space<hbm>> -> memref<10000x128xf32, #tpu.memory_space<hbm>>
    tpu.wait_indirect_dma semaphore(%arg16 : memref<!tpu.dma_semaphore, #tpu.memory_space<semaphore_mem>>) src(%dma_wait3A_239 : memref<10000x128xf32, #tpu.memory_space<hbm>>) dst(%arg12 : memref<80x128xf32, #tpu.memory_space<vmem>>)
    %run_scoped3A_240 = arith.constant 31 : i32
    "tpu.region"() ({
      %run_scoped3A_249 = tpu.sem_alloc : memref<!tpu.dma_semaphore, #tpu.memory_space<semaphore_mem>>
      %dma_start3A_250 = arith.constant 0 : i32
      %dma_start3A_251 = tpu.memref_slice %arg10[%run_scoped3A_240, %dma_start3A_250] : memref<32x80xi32, #tpu.memory_space<vmem>> -> memref<1x80xi32, #tpu.memory_space<vmem>>
      %dma_start3A_252 = tpu.memref_squeeze %dma_start3A_251 : memref<1x80xi32, #tpu.memory_space<vmem>> -> memref<80xi32, #tpu.memory_space<vmem>>
      %dma_start3A_253 = arith.constant 0 : i32
      %dma_start3A_254 = arith.constant 0 : i32
      %dma_start3A_255 = tpu.memref_slice %arg14[%dma_start3A_253, %dma_start3A_254] : memref<10240x128xf32, #tpu.memory_space<vmem_shared>> -> memref<10240x128xf32, #tpu.memory_space<vmem_shared>>
      tpu.enqueue_indirect_dma source(%arg12 : memref<80x128xf32, #tpu.memory_space<vmem>>) target(%dma_start3A_255 : memref<10240x128xf32, #tpu.memory_space<vmem_shared>>) offsets(%dma_start3A_252 : memref<80xi32, #tpu.memory_space<vmem>>) semaphore(%run_scoped3A_249 : memref<!tpu.dma_semaphore, #tpu.memory_space<semaphore_mem>>) {add = true}
      %dma_wait3A_256 = arith.constant 0 : i32
      %dma_wait3A_257 = tpu.memref_slice %arg10[%run_scoped3A_240, %dma_wait3A_256] : memref<32x80xi32, #tpu.memory_space<vmem>> -> memref<1x80xi32, #tpu.memory_space<vmem>>
      %dma_wait3A_258 = tpu.memref_squeeze %dma_wait3A_257 : memref<1x80xi32, #tpu.memory_space<vmem>> -> memref<80xi32, #tpu.memory_space<vmem>>
      %dma_wait3A_259 = arith.constant 0 : i32
      %dma_wait3A_260 = arith.constant 0 : i32
      %dma_wait3A_261 = tpu.memref_slice %arg14[%dma_wait3A_259, %dma_wait3A_260] : memref<10240x128xf32, #tpu.memory_space<vmem_shared>> -> memref<10240x128xf32, #tpu.memory_space<vmem_shared>>
      tpu.wait_indirect_dma semaphore(%run_scoped3A_249 : memref<!tpu.dma_semaphore, #tpu.memory_space<semaphore_mem>>) src(%arg12 : memref<80x128xf32, #tpu.memory_space<vmem>>) dst(%dma_wait3A_261 : memref<10240x128xf32, #tpu.memory_space<vmem_shared>>)
      tpu.yield
    }) : () -> ()
    %barrier3A_241 = arith.constant 0 : index
    tpu.barrier barrier_id(%barrier3A_241)
    %mul3A_242 = arith.constant 640 : i32
    %mul3A_243 = arith.muli %arg1, %mul3A_242 : i32
    %add3A_244 = arith.constant 0 : i32
    %add3A_245 = arith.addi %mul3A_243, %add3A_244 : i32
    %mul3A_246 = arith.constant 10240 : i32
    %mul3A_247 = arith.muli %arg0, %mul3A_246 : i32
    %add3A_248 = arith.addi %mul3A_247, %add3A_245 : i32
    "tpu.region"() ({
      %run_scoped3A_249 = tpu.sem_alloc : memref<!tpu.dma_semaphore, #tpu.memory_space<semaphore_mem>>
      %dma_start3A_250 = arith.constant 0 : i32
      %dma_start3A_251 = tpu.memref_slice %arg6[%add3A_248, %dma_start3A_250] : memref<20480x128xf32, #tpu.memory_space<hbm>> -> memref<640x128xf32, #tpu.memory_space<hbm>>
      %dma_start3A_252 = arith.constant 0 : i32
      %dma_start3A_253 = tpu.memref_slice %arg14[%add3A_245, %dma_start3A_252] : memref<10240x128xf32, #tpu.memory_space<vmem_shared>> -> memref<640x128xf32, #tpu.memory_space<vmem_shared>>
      tpu.enqueue_dma source(%dma_start3A_253 : memref<640x128xf32, #tpu.memory_space<vmem_shared>>) target(%dma_start3A_251 : memref<640x128xf32, #tpu.memory_space<hbm>>) target_semaphore(%run_scoped3A_249 : memref<!tpu.dma_semaphore, #tpu.memory_space<semaphore_mem>>)
      %dma_wait3A_254 = arith.constant 0 : i32
      %dma_wait3A_255 = tpu.memref_slice %arg6[%add3A_248, %dma_wait3A_254] : memref<20480x128xf32, #tpu.memory_space<hbm>> -> memref<640x128xf32, #tpu.memory_space<hbm>>
      %dma_wait3A_256 = arith.constant 0 : i32
      %dma_wait3A_257 = tpu.memref_slice %arg14[%add3A_245, %dma_wait3A_256] : memref<10240x128xf32, #tpu.memory_space<vmem_shared>> -> memref<640x128xf32, #tpu.memory_space<vmem_shared>>
      tpu.wait_dma2 semaphore(%run_scoped3A_249 : memref<!tpu.dma_semaphore, #tpu.memory_space<semaphore_mem>>) src(%dma_wait3A_257 : memref<640x128xf32, #tpu.memory_space<vmem_shared>>) dst(%dma_wait3A_255 : memref<640x128xf32, #tpu.memory_space<hbm>>)
      tpu.yield
    }) : () -> ()
    return
  }
}

#map = affine_map<(d0, d1) -> (0, 0)>
#map1 = affine_map<(d0, d1) -> (0, 0, 0)>
module attributes {stable_mosaic.version = 14 : i64} {
  func.func @_sc_agg(%arg0: i32, %arg1: i32, %arg2: memref<10000x128xf32, #tpu.memory_space<hbm>>, %arg3: memref<32x128x80xi32, #tpu.memory_space<hbm>>, %arg4: memref<32x128x80xi32, #tpu.memory_space<hbm>>, %arg5: memref<640x128xf32, #tpu.memory_space<hbm>>, %arg6: memref<20480x128xf32, #tpu.memory_space<hbm>>, %arg7: memref<32x80xi32, #tpu.memory_space<vmem>>, %arg8: memref<32x80xi32, #tpu.memory_space<vmem>>, %arg9: memref<32x80xi32, #tpu.memory_space<vmem>>, %arg10: memref<32x80xi32, #tpu.memory_space<vmem>>, %arg11: memref<80x128xf32, #tpu.memory_space<vmem>>, %arg12: memref<80x128xf32, #tpu.memory_space<vmem>>, %arg13: memref<80x128xf32, #tpu.memory_space<vmem>>, %arg14: memref<10240x128xf32, #tpu.memory_space<vmem_shared>>, %arg15: memref<!tpu.dma_semaphore, #tpu.memory_space<semaphore_mem>>, %arg16: memref<!tpu.dma_semaphore, #tpu.memory_space<semaphore_mem>>, %arg17: memref<!tpu.dma_semaphore, #tpu.memory_space<semaphore_mem>>, %arg18: memref<!tpu.dma_semaphore, #tpu.memory_space<semaphore_mem>>, %arg19: memref<!tpu.dma_semaphore, #tpu.memory_space<semaphore_mem>>) attributes {dimension_semantics = [#tpu.dimension_semantics<core_parallel>, #tpu.dimension_semantics<subcore_parallel>], iteration_bounds = array<i64: 2, 16>, scalar_prefetch = 0 : i64, scratch_operands = 13 : i64, tpu.core_type = #tpu.core_type<sc_vector_subcore>, window_params = [{transform_indices = #map}, {transform_indices = #map1}, {transform_indices = #map1}, {transform_indices = #map}, {transform_indices = #map}]} {
    %mul3A = arith.constant 2 : i32
    %mul3A_0 = arith.muli %arg1, %mul3A : i32
    %add3A = arith.addi %mul3A_0, %arg0 : i32
    %mul3A_1 = arith.constant 640 : i32
    %mul3A_2 = arith.muli %arg1, %mul3A_1 : i32
    %add3A_3 = arith.constant 0 : i32
    %add3A_4 = arith.addi %mul3A_2, %add3A_3 : i32
    "tpu.region"() ({
      %run_scoped3A_249 = tpu.sem_alloc : memref<!tpu.dma_semaphore, #tpu.memory_space<semaphore_mem>>
      %dma_start3A_250 = arith.constant 0 : i32
      %dma_start3A_251 = tpu.memref_slice %arg14[%add3A_4, %dma_start3A_250] : memref<10240x128xf32, #tpu.memory_space<vmem_shared>> -> memref<640x128xf32, #tpu.memory_space<vmem_shared>>
      tpu.enqueue_dma source(%arg5 : memref<640x128xf32, #tpu.memory_space<hbm>>) target(%dma_start3A_251 : memref<640x128xf32, #tpu.memory_space<vmem_shared>>) target_semaphore(%run_scoped3A_249 : memref<!tpu.dma_semaphore, #tpu.memory_space<semaphore_mem>>)
      %dma_wait3A_252 = arith.constant 0 : i32
      %dma_wait3A_253 = tpu.memref_slice %arg14[%add3A_4, %dma_wait3A_252] : memref<10240x128xf32, #tpu.memory_space<vmem_shared>> -> memref<640x128xf32, #tpu.memory_space<vmem_shared>>
      tpu.wait_dma2 semaphore(%run_scoped3A_249 : memref<!tpu.dma_semaphore, #tpu.memory_space<semaphore_mem>>) src(%arg5 : memref<640x128xf32, #tpu.memory_space<hbm>>) dst(%dma_wait3A_253 : memref<640x128xf32, #tpu.memory_space<vmem_shared>>)
      tpu.yield
    }) : () -> ()
    %barrier3A = arith.constant 0 : index
    tpu.barrier barrier_id(%barrier3A)
    "tpu.region"() ({
      %run_scoped3A_249 = tpu.sem_alloc : memref<!tpu.dma_semaphore, #tpu.memory_space<semaphore_mem>>
      %dma_start3A_250 = arith.constant 0 : i32
      %dma_start3A_251 = arith.constant 0 : i32
      %dma_start3A_252 = tpu.memref_slice %arg3[%add3A, %dma_start3A_250, %dma_start3A_251] : memref<32x128x80xi32, #tpu.memory_space<hbm>> -> memref<1x32x80xi32, #tpu.memory_space<hbm>>
      %dma_start3A_253 = tpu.memref_squeeze %dma_start3A_252 : memref<1x32x80xi32, #tpu.memory_space<hbm>> -> memref<32x80xi32, #tpu.memory_space<hbm>>
      %dma_start3A_254 = arith.constant 0 : i32
      %dma_start3A_255 = arith.constant 0 : i32
      %dma_start3A_256 = tpu.memref_slice %arg3[%add3A, %dma_start3A_254, %dma_start3A_255] : memref<32x128x80xi32, #tpu.memory_space<hbm>> -> memref<1x32x80xi32, #tpu.memory_space<hbm>>
      %dma_start3A_257 = tpu.memref_squeeze %dma_start3A_256 : memref<1x32x80xi32, #tpu.memory_space<hbm>> -> memref<32x80xi32, #tpu.memory_space<hbm>>
      tpu.enqueue_dma source(%dma_start3A_257 : memref<32x80xi32, #tpu.memory_space<hbm>>) target(%arg7 : memref<32x80xi32, #tpu.memory_space<vmem>>) target_semaphore(%run_scoped3A_249 : memref<!tpu.dma_semaphore, #tpu.memory_space<semaphore_mem>>)
      %dma_wait3A_258 = arith.constant 0 : i32
      %dma_wait3A_259 = arith.constant 0 : i32
      %dma_wait3A_260 = tpu.memref_slice %arg3[%add3A, %dma_wait3A_258, %dma_wait3A_259] : memref<32x128x80xi32, #tpu.memory_space<hbm>> -> memref<1x32x80xi32, #tpu.memory_space<hbm>>
      %dma_wait3A_261 = tpu.memref_squeeze %dma_wait3A_260 : memref<1x32x80xi32, #tpu.memory_space<hbm>> -> memref<32x80xi32, #tpu.memory_space<hbm>>
      %dma_wait3A_262 = arith.constant 0 : i32
      %dma_wait3A_263 = arith.constant 0 : i32
      %dma_wait3A_264 = tpu.memref_slice %arg3[%add3A, %dma_wait3A_262, %dma_wait3A_263] : memref<32x128x80xi32, #tpu.memory_space<hbm>> -> memref<1x32x80xi32, #tpu.memory_space<hbm>>
      %dma_wait3A_265 = tpu.memref_squeeze %dma_wait3A_264 : memref<1x32x80xi32, #tpu.memory_space<hbm>> -> memref<32x80xi32, #tpu.memory_space<hbm>>
      tpu.wait_dma2 semaphore(%run_scoped3A_249 : memref<!tpu.dma_semaphore, #tpu.memory_space<semaphore_mem>>) src(%dma_wait3A_265 : memref<32x80xi32, #tpu.memory_space<hbm>>) dst(%arg7 : memref<32x80xi32, #tpu.memory_space<vmem>>)
      tpu.yield
    }) : () -> ()
    "tpu.region"() ({
      %run_scoped3A_249 = tpu.sem_alloc : memref<!tpu.dma_semaphore, #tpu.memory_space<semaphore_mem>>
      %dma_start3A_250 = arith.constant 0 : i32
      %dma_start3A_251 = arith.constant 0 : i32
      %dma_start3A_252 = tpu.memref_slice %arg4[%add3A, %dma_start3A_250, %dma_start3A_251] : memref<32x128x80xi32, #tpu.memory_space<hbm>> -> memref<1x32x80xi32, #tpu.memory_space<hbm>>
      %dma_start3A_253 = tpu.memref_squeeze %dma_start3A_252 : memref<1x32x80xi32, #tpu.memory_space<hbm>> -> memref<32x80xi32, #tpu.memory_space<hbm>>
      %dma_start3A_254 = arith.constant 0 : i32
      %dma_start3A_255 = arith.constant 0 : i32
      %dma_start3A_256 = tpu.memref_slice %arg4[%add3A, %dma_start3A_254, %dma_start3A_255] : memref<32x128x80xi32, #tpu.memory_space<hbm>> -> memref<1x32x80xi32, #tpu.memory_space<hbm>>
      %dma_start3A_257 = tpu.memref_squeeze %dma_start3A_256 : memref<1x32x80xi32, #tpu.memory_space<hbm>> -> memref<32x80xi32, #tpu.memory_space<hbm>>
      tpu.enqueue_dma source(%dma_start3A_257 : memref<32x80xi32, #tpu.memory_space<hbm>>) target(%arg9 : memref<32x80xi32, #tpu.memory_space<vmem>>) target_semaphore(%run_scoped3A_249 : memref<!tpu.dma_semaphore, #tpu.memory_space<semaphore_mem>>)
      %dma_wait3A_258 = arith.constant 0 : i32
      %dma_wait3A_259 = arith.constant 0 : i32
      %dma_wait3A_260 = tpu.memref_slice %arg4[%add3A, %dma_wait3A_258, %dma_wait3A_259] : memref<32x128x80xi32, #tpu.memory_space<hbm>> -> memref<1x32x80xi32, #tpu.memory_space<hbm>>
      %dma_wait3A_261 = tpu.memref_squeeze %dma_wait3A_260 : memref<1x32x80xi32, #tpu.memory_space<hbm>> -> memref<32x80xi32, #tpu.memory_space<hbm>>
      %dma_wait3A_262 = arith.constant 0 : i32
      %dma_wait3A_263 = arith.constant 0 : i32
      %dma_wait3A_264 = tpu.memref_slice %arg4[%add3A, %dma_wait3A_262, %dma_wait3A_263] : memref<32x128x80xi32, #tpu.memory_space<hbm>> -> memref<1x32x80xi32, #tpu.memory_space<hbm>>
      %dma_wait3A_265 = tpu.memref_squeeze %dma_wait3A_264 : memref<1x32x80xi32, #tpu.memory_space<hbm>> -> memref<32x80xi32, #tpu.memory_space<hbm>>
      tpu.wait_dma2 semaphore(%run_scoped3A_249 : memref<!tpu.dma_semaphore, #tpu.memory_space<semaphore_mem>>) src(%dma_wait3A_265 : memref<32x80xi32, #tpu.memory_space<hbm>>) dst(%arg9 : memref<32x80xi32, #tpu.memory_space<vmem>>)
      tpu.yield
    }) : () -> ()
    %dma_start3A = arith.constant 32 : i32
    %dma_start3A_5 = arith.constant 0 : i32
    %dma_start3A_6 = tpu.memref_slice %arg3[%add3A, %dma_start3A, %dma_start3A_5] : memref<32x128x80xi32, #tpu.memory_space<hbm>> -> memref<1x32x80xi32, #tpu.memory_space<hbm>>
    %dma_start3A_7 = tpu.memref_squeeze %dma_start3A_6 : memref<1x32x80xi32, #tpu.memory_space<hbm>> -> memref<32x80xi32, #tpu.memory_space<hbm>>
    %dma_start3A_8 = arith.constant 32 : i32
    %dma_start3A_9 = arith.constant 0 : i32
    %dma_start3A_10 = tpu.memref_slice %arg3[%add3A, %dma_start3A_8, %dma_start3A_9] : memref<32x128x80xi32, #tpu.memory_space<hbm>> -> memref<1x32x80xi32, #tpu.memory_space<hbm>>
    %dma_start3A_11 = tpu.memref_squeeze %dma_start3A_10 : memref<1x32x80xi32, #tpu.memory_space<hbm>> -> memref<32x80xi32, #tpu.memory_space<hbm>>
    tpu.enqueue_dma source(%dma_start3A_11 : memref<32x80xi32, #tpu.memory_space<hbm>>) target(%arg8 : memref<32x80xi32, #tpu.memory_space<vmem>>) target_semaphore(%arg18 : memref<!tpu.dma_semaphore, #tpu.memory_space<semaphore_mem>>)
    %dma_start3A_12 = arith.constant 32 : i32
    %dma_start3A_13 = arith.constant 0 : i32
    %dma_start3A_14 = tpu.memref_slice %arg4[%add3A, %dma_start3A_12, %dma_start3A_13] : memref<32x128x80xi32, #tpu.memory_space<hbm>> -> memref<1x32x80xi32, #tpu.memory_space<hbm>>
    %dma_start3A_15 = tpu.memref_squeeze %dma_start3A_14 : memref<1x32x80xi32, #tpu.memory_space<hbm>> -> memref<32x80xi32, #tpu.memory_space<hbm>>
    %dma_start3A_16 = arith.constant 32 : i32
    %dma_start3A_17 = arith.constant 0 : i32
    %dma_start3A_18 = tpu.memref_slice %arg4[%add3A, %dma_start3A_16, %dma_start3A_17] : memref<32x128x80xi32, #tpu.memory_space<hbm>> -> memref<1x32x80xi32, #tpu.memory_space<hbm>>
    %dma_start3A_19 = tpu.memref_squeeze %dma_start3A_18 : memref<1x32x80xi32, #tpu.memory_space<hbm>> -> memref<32x80xi32, #tpu.memory_space<hbm>>
    tpu.enqueue_dma source(%dma_start3A_19 : memref<32x80xi32, #tpu.memory_space<hbm>>) target(%arg10 : memref<32x80xi32, #tpu.memory_space<vmem>>) target_semaphore(%arg19 : memref<!tpu.dma_semaphore, #tpu.memory_space<semaphore_mem>>)
    %dma_start3A_20 = arith.constant 0 : i32
    %dma_start3A_21 = arith.constant 0 : i32
    %dma_start3A_22 = tpu.memref_slice %arg7[%dma_start3A_20, %dma_start3A_21] : memref<32x80xi32, #tpu.memory_space<vmem>> -> memref<1x80xi32, #tpu.memory_space<vmem>>
    %dma_start3A_23 = tpu.memref_squeeze %dma_start3A_22 : memref<1x80xi32, #tpu.memory_space<vmem>> -> memref<80xi32, #tpu.memory_space<vmem>>
    %dma_start3A_24 = arith.constant 0 : i32
    %dma_start3A_25 = arith.constant 0 : i32
    %dma_start3A_26 = tpu.memref_slice %arg2[%dma_start3A_24, %dma_start3A_25] : memref<10000x128xf32, #tpu.memory_space<hbm>> -> memref<10000x128xf32, #tpu.memory_space<hbm>>
    tpu.enqueue_indirect_dma source(%dma_start3A_26 : memref<10000x128xf32, #tpu.memory_space<hbm>>) target(%arg11 : memref<80x128xf32, #tpu.memory_space<vmem>>) offsets(%dma_start3A_23 : memref<80xi32, #tpu.memory_space<vmem>>) semaphore(%arg15 : memref<!tpu.dma_semaphore, #tpu.memory_space<semaphore_mem>>)
    %dma_start3A_27 = arith.constant 1 : i32
    %dma_start3A_28 = arith.constant 0 : i32
    %dma_start3A_29 = tpu.memref_slice %arg7[%dma_start3A_27, %dma_start3A_28] : memref<32x80xi32, #tpu.memory_space<vmem>> -> memref<1x80xi32, #tpu.memory_space<vmem>>
    %dma_start3A_30 = tpu.memref_squeeze %dma_start3A_29 : memref<1x80xi32, #tpu.memory_space<vmem>> -> memref<80xi32, #tpu.memory_space<vmem>>
    %dma_start3A_31 = arith.constant 0 : i32
    %dma_start3A_32 = arith.constant 0 : i32
    %dma_start3A_33 = tpu.memref_slice %arg2[%dma_start3A_31, %dma_start3A_32] : memref<10000x128xf32, #tpu.memory_space<hbm>> -> memref<10000x128xf32, #tpu.memory_space<hbm>>
    tpu.enqueue_indirect_dma source(%dma_start3A_33 : memref<10000x128xf32, #tpu.memory_space<hbm>>) target(%arg12 : memref<80x128xf32, #tpu.memory_space<vmem>>) offsets(%dma_start3A_30 : memref<80xi32, #tpu.memory_space<vmem>>) semaphore(%arg16 : memref<!tpu.dma_semaphore, #tpu.memory_space<semaphore_mem>>)
    %scan3A = arith.constant 0 : i32
    %scan3A_34 = arith.constant 0 : i32
    %scan3A_35 = arith.constant 10 : i32
    %scan3A_36 = arith.addi %scan3A_34, %scan3A_35 : i32
    %scan3A_37 = arith.constant 1 : i32
    scf.for %scan3A_249 = %scan3A_34 to %scan3A_36 step %scan3A_37  : i32 {
      %mul3A_250 = arith.constant 3 : i32
      %mul3A_251 = arith.muli %mul3A_250, %scan3A_249 : i32
      %add3A_252 = arith.constant 0 : i32
      %add3A_253 = arith.addi %mul3A_251, %add3A_252 : i32
      %add3A_254 = arith.constant 2 : i32
      %add3A_255 = arith.addi %add3A_253, %add3A_254 : i32
      %dma_start3A_256 = arith.constant 0 : i32
      %dma_start3A_257 = tpu.memref_slice %arg7[%add3A_255, %dma_start3A_256] : memref<32x80xi32, #tpu.memory_space<vmem>> -> memref<1x80xi32, #tpu.memory_space<vmem>>
      %dma_start3A_258 = tpu.memref_squeeze %dma_start3A_257 : memref<1x80xi32, #tpu.memory_space<vmem>> -> memref<80xi32, #tpu.memory_space<vmem>>
      %dma_start3A_259 = arith.constant 0 : i32
      %dma_start3A_260 = arith.constant 0 : i32
      %dma_start3A_261 = tpu.memref_slice %arg2[%dma_start3A_259, %dma_start3A_260] : memref<10000x128xf32, #tpu.memory_space<hbm>> -> memref<10000x128xf32, #tpu.memory_space<hbm>>
      tpu.enqueue_indirect_dma source(%dma_start3A_261 : memref<10000x128xf32, #tpu.memory_space<hbm>>) target(%arg13 : memref<80x128xf32, #tpu.memory_space<vmem>>) offsets(%dma_start3A_258 : memref<80xi32, #tpu.memory_space<vmem>>) semaphore(%arg17 : memref<!tpu.dma_semaphore, #tpu.memory_space<semaphore_mem>>)
      %add3A_262 = arith.constant 0 : i32
      %add3A_263 = arith.addi %mul3A_251, %add3A_262 : i32
      %dma_wait3A_264 = arith.constant 0 : i32
      %dma_wait3A_265 = tpu.memref_slice %arg7[%add3A_263, %dma_wait3A_264] : memref<32x80xi32, #tpu.memory_space<vmem>> -> memref<1x80xi32, #tpu.memory_space<vmem>>
      %dma_wait3A_266 = tpu.memref_squeeze %dma_wait3A_265 : memref<1x80xi32, #tpu.memory_space<vmem>> -> memref<80xi32, #tpu.memory_space<vmem>>
      %dma_wait3A_267 = arith.constant 0 : i32
      %dma_wait3A_268 = arith.constant 0 : i32
      %dma_wait3A_269 = tpu.memref_slice %arg2[%dma_wait3A_267, %dma_wait3A_268] : memref<10000x128xf32, #tpu.memory_space<hbm>> -> memref<10000x128xf32, #tpu.memory_space<hbm>>
      tpu.wait_indirect_dma semaphore(%arg15 : memref<!tpu.dma_semaphore, #tpu.memory_space<semaphore_mem>>) src(%dma_wait3A_269 : memref<10000x128xf32, #tpu.memory_space<hbm>>) dst(%arg11 : memref<80x128xf32, #tpu.memory_space<vmem>>)
      "tpu.region"() ({
        %run_scoped3A_306 = tpu.sem_alloc : memref<!tpu.dma_semaphore, #tpu.memory_space<semaphore_mem>>
        %dma_start3A_307 = arith.constant 0 : i32
        %dma_start3A_308 = tpu.memref_slice %arg9[%add3A_263, %dma_start3A_307] : memref<32x80xi32, #tpu.memory_space<vmem>> -> memref<1x80xi32, #tpu.memory_space<vmem>>
        %dma_start3A_309 = tpu.memref_squeeze %dma_start3A_308 : memref<1x80xi32, #tpu.memory_space<vmem>> -> memref<80xi32, #tpu.memory_space<vmem>>
        %dma_start3A_310 = arith.constant 0 : i32
        %dma_start3A_311 = arith.constant 0 : i32
        %dma_start3A_312 = tpu.memref_slice %arg14[%dma_start3A_310, %dma_start3A_311] : memref<10240x128xf32, #tpu.memory_space<vmem_shared>> -> memref<10240x128xf32, #tpu.memory_space<vmem_shared>>
        tpu.enqueue_indirect_dma source(%arg11 : memref<80x128xf32, #tpu.memory_space<vmem>>) target(%dma_start3A_312 : memref<10240x128xf32, #tpu.memory_space<vmem_shared>>) offsets(%dma_start3A_309 : memref<80xi32, #tpu.memory_space<vmem>>) semaphore(%run_scoped3A_306 : memref<!tpu.dma_semaphore, #tpu.memory_space<semaphore_mem>>) {add = true}
        %dma_wait3A_313 = arith.constant 0 : i32
        %dma_wait3A_314 = tpu.memref_slice %arg9[%add3A_263, %dma_wait3A_313] : memref<32x80xi32, #tpu.memory_space<vmem>> -> memref<1x80xi32, #tpu.memory_space<vmem>>
        %dma_wait3A_315 = tpu.memref_squeeze %dma_wait3A_314 : memref<1x80xi32, #tpu.memory_space<vmem>> -> memref<80xi32, #tpu.memory_space<vmem>>
        %dma_wait3A_316 = arith.constant 0 : i32
        %dma_wait3A_317 = arith.constant 0 : i32
        %dma_wait3A_318 = tpu.memref_slice %arg14[%dma_wait3A_316, %dma_wait3A_317] : memref<10240x128xf32, #tpu.memory_space<vmem_shared>> -> memref<10240x128xf32, #tpu.memory_space<vmem_shared>>
        tpu.wait_indirect_dma semaphore(%run_scoped3A_306 : memref<!tpu.dma_semaphore, #tpu.memory_space<semaphore_mem>>) src(%arg11 : memref<80x128xf32, #tpu.memory_space<vmem>>) dst(%dma_wait3A_318 : memref<10240x128xf32, #tpu.memory_space<vmem_shared>>)
        tpu.yield
      }) : () -> ()
      %add3A_270 = arith.constant 1 : i32
      %add3A_271 = arith.addi %mul3A_251, %add3A_270 : i32
      %add3A_272 = arith.constant 2 : i32
      %add3A_273 = arith.addi %add3A_271, %add3A_272 : i32
      %dma_start3A_274 = arith.constant 0 : i32
      %dma_start3A_275 = tpu.memref_slice %arg7[%add3A_273, %dma_start3A_274] : memref<32x80xi32, #tpu.memory_space<vmem>> -> memref<1x80xi32, #tpu.memory_space<vmem>>
      %dma_start3A_276 = tpu.memref_squeeze %dma_start3A_275 : memref<1x80xi32, #tpu.memory_space<vmem>> -> memref<80xi32, #tpu.memory_space<vmem>>
      %dma_start3A_277 = arith.constant 0 : i32
      %dma_start3A_278 = arith.constant 0 : i32
      %dma_start3A_279 = tpu.memref_slice %arg2[%dma_start3A_277, %dma_start3A_278] : memref<10000x128xf32, #tpu.memory_space<hbm>> -> memref<10000x128xf32, #tpu.memory_space<hbm>>
      tpu.enqueue_indirect_dma source(%dma_start3A_279 : memref<10000x128xf32, #tpu.memory_space<hbm>>) target(%arg11 : memref<80x128xf32, #tpu.memory_space<vmem>>) offsets(%dma_start3A_276 : memref<80xi32, #tpu.memory_space<vmem>>) semaphore(%arg15 : memref<!tpu.dma_semaphore, #tpu.memory_space<semaphore_mem>>)
      %add3A_280 = arith.constant 1 : i32
      %add3A_281 = arith.addi %mul3A_251, %add3A_280 : i32
      %dma_wait3A_282 = arith.constant 0 : i32
      %dma_wait3A_283 = tpu.memref_slice %arg7[%add3A_281, %dma_wait3A_282] : memref<32x80xi32, #tpu.memory_space<vmem>> -> memref<1x80xi32, #tpu.memory_space<vmem>>
      %dma_wait3A_284 = tpu.memref_squeeze %dma_wait3A_283 : memref<1x80xi32, #tpu.memory_space<vmem>> -> memref<80xi32, #tpu.memory_space<vmem>>
      %dma_wait3A_285 = arith.constant 0 : i32
      %dma_wait3A_286 = arith.constant 0 : i32
      %dma_wait3A_287 = tpu.memref_slice %arg2[%dma_wait3A_285, %dma_wait3A_286] : memref<10000x128xf32, #tpu.memory_space<hbm>> -> memref<10000x128xf32, #tpu.memory_space<hbm>>
      tpu.wait_indirect_dma semaphore(%arg16 : memref<!tpu.dma_semaphore, #tpu.memory_space<semaphore_mem>>) src(%dma_wait3A_287 : memref<10000x128xf32, #tpu.memory_space<hbm>>) dst(%arg12 : memref<80x128xf32, #tpu.memory_space<vmem>>)
      "tpu.region"() ({
        %run_scoped3A_306 = tpu.sem_alloc : memref<!tpu.dma_semaphore, #tpu.memory_space<semaphore_mem>>
        %dma_start3A_307 = arith.constant 0 : i32
        %dma_start3A_308 = tpu.memref_slice %arg9[%add3A_281, %dma_start3A_307] : memref<32x80xi32, #tpu.memory_space<vmem>> -> memref<1x80xi32, #tpu.memory_space<vmem>>
        %dma_start3A_309 = tpu.memref_squeeze %dma_start3A_308 : memref<1x80xi32, #tpu.memory_space<vmem>> -> memref<80xi32, #tpu.memory_space<vmem>>
        %dma_start3A_310 = arith.constant 0 : i32
        %dma_start3A_311 = arith.constant 0 : i32
        %dma_start3A_312 = tpu.memref_slice %arg14[%dma_start3A_310, %dma_start3A_311] : memref<10240x128xf32, #tpu.memory_space<vmem_shared>> -> memref<10240x128xf32, #tpu.memory_space<vmem_shared>>
        tpu.enqueue_indirect_dma source(%arg12 : memref<80x128xf32, #tpu.memory_space<vmem>>) target(%dma_start3A_312 : memref<10240x128xf32, #tpu.memory_space<vmem_shared>>) offsets(%dma_start3A_309 : memref<80xi32, #tpu.memory_space<vmem>>) semaphore(%run_scoped3A_306 : memref<!tpu.dma_semaphore, #tpu.memory_space<semaphore_mem>>) {add = true}
        %dma_wait3A_313 = arith.constant 0 : i32
        %dma_wait3A_314 = tpu.memref_slice %arg9[%add3A_281, %dma_wait3A_313] : memref<32x80xi32, #tpu.memory_space<vmem>> -> memref<1x80xi32, #tpu.memory_space<vmem>>
        %dma_wait3A_315 = tpu.memref_squeeze %dma_wait3A_314 : memref<1x80xi32, #tpu.memory_space<vmem>> -> memref<80xi32, #tpu.memory_space<vmem>>
        %dma_wait3A_316 = arith.constant 0 : i32
        %dma_wait3A_317 = arith.constant 0 : i32
        %dma_wait3A_318 = tpu.memref_slice %arg14[%dma_wait3A_316, %dma_wait3A_317] : memref<10240x128xf32, #tpu.memory_space<vmem_shared>> -> memref<10240x128xf32, #tpu.memory_space<vmem_shared>>
        tpu.wait_indirect_dma semaphore(%run_scoped3A_306 : memref<!tpu.dma_semaphore, #tpu.memory_space<semaphore_mem>>) src(%arg12 : memref<80x128xf32, #tpu.memory_space<vmem>>) dst(%dma_wait3A_318 : memref<10240x128xf32, #tpu.memory_space<vmem_shared>>)
        tpu.yield
      }) : () -> ()
      %add3A_288 = arith.constant 2 : i32
      %add3A_289 = arith.addi %mul3A_251, %add3A_288 : i32
      %add3A_290 = arith.constant 2 : i32
      %add3A_291 = arith.addi %add3A_289, %add3A_290 : i32
      %dma_start3A_292 = arith.constant 0 : i32
      %dma_start3A_293 = tpu.memref_slice %arg7[%add3A_291, %dma_start3A_292] : memref<32x80xi32, #tpu.memory_space<vmem>> -> memref<1x80xi32, #tpu.memory_space<vmem>>
      %dma_start3A_294 = tpu.memref_squeeze %dma_start3A_293 : memref<1x80xi32, #tpu.memory_space<vmem>> -> memref<80xi32, #tpu.memory_space<vmem>>
      %dma_start3A_295 = arith.constant 0 : i32
      %dma_start3A_296 = arith.constant 0 : i32
      %dma_start3A_297 = tpu.memref_slice %arg2[%dma_start3A_295, %dma_start3A_296] : memref<10000x128xf32, #tpu.memory_space<hbm>> -> memref<10000x128xf32, #tpu.memory_space<hbm>>
      tpu.enqueue_indirect_dma source(%dma_start3A_297 : memref<10000x128xf32, #tpu.memory_space<hbm>>) target(%arg12 : memref<80x128xf32, #tpu.memory_space<vmem>>) offsets(%dma_start3A_294 : memref<80xi32, #tpu.memory_space<vmem>>) semaphore(%arg16 : memref<!tpu.dma_semaphore, #tpu.memory_space<semaphore_mem>>)
      %add3A_298 = arith.constant 2 : i32
      %add3A_299 = arith.addi %mul3A_251, %add3A_298 : i32
      %dma_wait3A_300 = arith.constant 0 : i32
      %dma_wait3A_301 = tpu.memref_slice %arg7[%add3A_299, %dma_wait3A_300] : memref<32x80xi32, #tpu.memory_space<vmem>> -> memref<1x80xi32, #tpu.memory_space<vmem>>
      %dma_wait3A_302 = tpu.memref_squeeze %dma_wait3A_301 : memref<1x80xi32, #tpu.memory_space<vmem>> -> memref<80xi32, #tpu.memory_space<vmem>>
      %dma_wait3A_303 = arith.constant 0 : i32
      %dma_wait3A_304 = arith.constant 0 : i32
      %dma_wait3A_305 = tpu.memref_slice %arg2[%dma_wait3A_303, %dma_wait3A_304] : memref<10000x128xf32, #tpu.memory_space<hbm>> -> memref<10000x128xf32, #tpu.memory_space<hbm>>
      tpu.wait_indirect_dma semaphore(%arg17 : memref<!tpu.dma_semaphore, #tpu.memory_space<semaphore_mem>>) src(%dma_wait3A_305 : memref<10000x128xf32, #tpu.memory_space<hbm>>) dst(%arg13 : memref<80x128xf32, #tpu.memory_space<vmem>>)
      "tpu.region"() ({
        %run_scoped3A_306 = tpu.sem_alloc : memref<!tpu.dma_semaphore, #tpu.memory_space<semaphore_mem>>
        %dma_start3A_307 = arith.constant 0 : i32
        %dma_start3A_308 = tpu.memref_slice %arg9[%add3A_299, %dma_start3A_307] : memref<32x80xi32, #tpu.memory_space<vmem>> -> memref<1x80xi32, #tpu.memory_space<vmem>>
        %dma_start3A_309 = tpu.memref_squeeze %dma_start3A_308 : memref<1x80xi32, #tpu.memory_space<vmem>> -> memref<80xi32, #tpu.memory_space<vmem>>
        %dma_start3A_310 = arith.constant 0 : i32
        %dma_start3A_311 = arith.constant 0 : i32
        %dma_start3A_312 = tpu.memref_slice %arg14[%dma_start3A_310, %dma_start3A_311] : memref<10240x128xf32, #tpu.memory_space<vmem_shared>> -> memref<10240x128xf32, #tpu.memory_space<vmem_shared>>
        tpu.enqueue_indirect_dma source(%arg13 : memref<80x128xf32, #tpu.memory_space<vmem>>) target(%dma_start3A_312 : memref<10240x128xf32, #tpu.memory_space<vmem_shared>>) offsets(%dma_start3A_309 : memref<80xi32, #tpu.memory_space<vmem>>) semaphore(%run_scoped3A_306 : memref<!tpu.dma_semaphore, #tpu.memory_space<semaphore_mem>>) {add = true}
        %dma_wait3A_313 = arith.constant 0 : i32
        %dma_wait3A_314 = tpu.memref_slice %arg9[%add3A_299, %dma_wait3A_313] : memref<32x80xi32, #tpu.memory_space<vmem>> -> memref<1x80xi32, #tpu.memory_space<vmem>>
        %dma_wait3A_315 = tpu.memref_squeeze %dma_wait3A_314 : memref<1x80xi32, #tpu.memory_space<vmem>> -> memref<80xi32, #tpu.memory_space<vmem>>
        %dma_wait3A_316 = arith.constant 0 : i32
        %dma_wait3A_317 = arith.constant 0 : i32
        %dma_wait3A_318 = tpu.memref_slice %arg14[%dma_wait3A_316, %dma_wait3A_317] : memref<10240x128xf32, #tpu.memory_space<vmem_shared>> -> memref<10240x128xf32, #tpu.memory_space<vmem_shared>>
        tpu.wait_indirect_dma semaphore(%run_scoped3A_306 : memref<!tpu.dma_semaphore, #tpu.memory_space<semaphore_mem>>) src(%arg13 : memref<80x128xf32, #tpu.memory_space<vmem>>) dst(%dma_wait3A_318 : memref<10240x128xf32, #tpu.memory_space<vmem_shared>>)
        tpu.yield
      }) : () -> ()
    }
    %scan3A_38 = arith.constant 10 : i32
    %dma_wait3A = arith.constant 32 : i32
    %dma_wait3A_39 = arith.constant 0 : i32
    %dma_wait3A_40 = tpu.memref_slice %arg3[%add3A, %dma_wait3A, %dma_wait3A_39] : memref<32x128x80xi32, #tpu.memory_space<hbm>> -> memref<1x32x80xi32, #tpu.memory_space<hbm>>
    %dma_wait3A_41 = tpu.memref_squeeze %dma_wait3A_40 : memref<1x32x80xi32, #tpu.memory_space<hbm>> -> memref<32x80xi32, #tpu.memory_space<hbm>>
    %dma_wait3A_42 = arith.constant 32 : i32
    %dma_wait3A_43 = arith.constant 0 : i32
    %dma_wait3A_44 = tpu.memref_slice %arg3[%add3A, %dma_wait3A_42, %dma_wait3A_43] : memref<32x128x80xi32, #tpu.memory_space<hbm>> -> memref<1x32x80xi32, #tpu.memory_space<hbm>>
    %dma_wait3A_45 = tpu.memref_squeeze %dma_wait3A_44 : memref<1x32x80xi32, #tpu.memory_space<hbm>> -> memref<32x80xi32, #tpu.memory_space<hbm>>
    tpu.wait_dma2 semaphore(%arg18 : memref<!tpu.dma_semaphore, #tpu.memory_space<semaphore_mem>>) src(%dma_wait3A_45 : memref<32x80xi32, #tpu.memory_space<hbm>>) dst(%arg8 : memref<32x80xi32, #tpu.memory_space<vmem>>)
    %dma_wait3A_46 = arith.constant 32 : i32
    %dma_wait3A_47 = arith.constant 0 : i32
    %dma_wait3A_48 = tpu.memref_slice %arg4[%add3A, %dma_wait3A_46, %dma_wait3A_47] : memref<32x128x80xi32, #tpu.memory_space<hbm>> -> memref<1x32x80xi32, #tpu.memory_space<hbm>>
    %dma_wait3A_49 = tpu.memref_squeeze %dma_wait3A_48 : memref<1x32x80xi32, #tpu.memory_space<hbm>> -> memref<32x80xi32, #tpu.memory_space<hbm>>
    %dma_wait3A_50 = arith.constant 32 : i32
    %dma_wait3A_51 = arith.constant 0 : i32
    %dma_wait3A_52 = tpu.memref_slice %arg4[%add3A, %dma_wait3A_50, %dma_wait3A_51] : memref<32x128x80xi32, #tpu.memory_space<hbm>> -> memref<1x32x80xi32, #tpu.memory_space<hbm>>
    %dma_wait3A_53 = tpu.memref_squeeze %dma_wait3A_52 : memref<1x32x80xi32, #tpu.memory_space<hbm>> -> memref<32x80xi32, #tpu.memory_space<hbm>>
    tpu.wait_dma2 semaphore(%arg19 : memref<!tpu.dma_semaphore, #tpu.memory_space<semaphore_mem>>) src(%dma_wait3A_53 : memref<32x80xi32, #tpu.memory_space<hbm>>) dst(%arg10 : memref<32x80xi32, #tpu.memory_space<vmem>>)
    %dma_start3A_54 = arith.constant 0 : i32
    %dma_start3A_55 = arith.constant 0 : i32
    %dma_start3A_56 = tpu.memref_slice %arg8[%dma_start3A_54, %dma_start3A_55] : memref<32x80xi32, #tpu.memory_space<vmem>> -> memref<1x80xi32, #tpu.memory_space<vmem>>
    %dma_start3A_57 = tpu.memref_squeeze %dma_start3A_56 : memref<1x80xi32, #tpu.memory_space<vmem>> -> memref<80xi32, #tpu.memory_space<vmem>>
    %dma_start3A_58 = arith.constant 0 : i32
    %dma_start3A_59 = arith.constant 0 : i32
    %dma_start3A_60 = tpu.memref_slice %arg2[%dma_start3A_58, %dma_start3A_59] : memref<10000x128xf32, #tpu.memory_space<hbm>> -> memref<10000x128xf32, #tpu.memory_space<hbm>>
    tpu.enqueue_indirect_dma source(%dma_start3A_60 : memref<10000x128xf32, #tpu.memory_space<hbm>>) target(%arg13 : memref<80x128xf32, #tpu.memory_space<vmem>>) offsets(%dma_start3A_57 : memref<80xi32, #tpu.memory_space<vmem>>) semaphore(%arg17 : memref<!tpu.dma_semaphore, #tpu.memory_space<semaphore_mem>>)
    %dma_wait3A_61 = arith.constant 30 : i32
    %dma_wait3A_62 = arith.constant 0 : i32
    %dma_wait3A_63 = tpu.memref_slice %arg7[%dma_wait3A_61, %dma_wait3A_62] : memref<32x80xi32, #tpu.memory_space<vmem>> -> memref<1x80xi32, #tpu.memory_space<vmem>>
    %dma_wait3A_64 = tpu.memref_squeeze %dma_wait3A_63 : memref<1x80xi32, #tpu.memory_space<vmem>> -> memref<80xi32, #tpu.memory_space<vmem>>
    %dma_wait3A_65 = arith.constant 0 : i32
    %dma_wait3A_66 = arith.constant 0 : i32
    %dma_wait3A_67 = tpu.memref_slice %arg2[%dma_wait3A_65, %dma_wait3A_66] : memref<10000x128xf32, #tpu.memory_space<hbm>> -> memref<10000x128xf32, #tpu.memory_space<hbm>>
    tpu.wait_indirect_dma semaphore(%arg15 : memref<!tpu.dma_semaphore, #tpu.memory_space<semaphore_mem>>) src(%dma_wait3A_67 : memref<10000x128xf32, #tpu.memory_space<hbm>>) dst(%arg11 : memref<80x128xf32, #tpu.memory_space<vmem>>)
    %run_scoped3A = arith.constant 30 : i32
    "tpu.region"() ({
      %run_scoped3A_249 = tpu.sem_alloc : memref<!tpu.dma_semaphore, #tpu.memory_space<semaphore_mem>>
      %dma_start3A_250 = arith.constant 0 : i32
      %dma_start3A_251 = tpu.memref_slice %arg9[%run_scoped3A, %dma_start3A_250] : memref<32x80xi32, #tpu.memory_space<vmem>> -> memref<1x80xi32, #tpu.memory_space<vmem>>
      %dma_start3A_252 = tpu.memref_squeeze %dma_start3A_251 : memref<1x80xi32, #tpu.memory_space<vmem>> -> memref<80xi32, #tpu.memory_space<vmem>>
      %dma_start3A_253 = arith.constant 0 : i32
      %dma_start3A_254 = arith.constant 0 : i32
      %dma_start3A_255 = tpu.memref_slice %arg14[%dma_start3A_253, %dma_start3A_254] : memref<10240x128xf32, #tpu.memory_space<vmem_shared>> -> memref<10240x128xf32, #tpu.memory_space<vmem_shared>>
      tpu.enqueue_indirect_dma source(%arg11 : memref<80x128xf32, #tpu.memory_space<vmem>>) target(%dma_start3A_255 : memref<10240x128xf32, #tpu.memory_space<vmem_shared>>) offsets(%dma_start3A_252 : memref<80xi32, #tpu.memory_space<vmem>>) semaphore(%run_scoped3A_249 : memref<!tpu.dma_semaphore, #tpu.memory_space<semaphore_mem>>) {add = true}
      %dma_wait3A_256 = arith.constant 0 : i32
      %dma_wait3A_257 = tpu.memref_slice %arg9[%run_scoped3A, %dma_wait3A_256] : memref<32x80xi32, #tpu.memory_space<vmem>> -> memref<1x80xi32, #tpu.memory_space<vmem>>
      %dma_wait3A_258 = tpu.memref_squeeze %dma_wait3A_257 : memref<1x80xi32, #tpu.memory_space<vmem>> -> memref<80xi32, #tpu.memory_space<vmem>>
      %dma_wait3A_259 = arith.constant 0 : i32
      %dma_wait3A_260 = arith.constant 0 : i32
      %dma_wait3A_261 = tpu.memref_slice %arg14[%dma_wait3A_259, %dma_wait3A_260] : memref<10240x128xf32, #tpu.memory_space<vmem_shared>> -> memref<10240x128xf32, #tpu.memory_space<vmem_shared>>
      tpu.wait_indirect_dma semaphore(%run_scoped3A_249 : memref<!tpu.dma_semaphore, #tpu.memory_space<semaphore_mem>>) src(%arg11 : memref<80x128xf32, #tpu.memory_space<vmem>>) dst(%dma_wait3A_261 : memref<10240x128xf32, #tpu.memory_space<vmem_shared>>)
      tpu.yield
    }) : () -> ()
    %dma_start3A_68 = arith.constant 1 : i32
    %dma_start3A_69 = arith.constant 0 : i32
    %dma_start3A_70 = tpu.memref_slice %arg8[%dma_start3A_68, %dma_start3A_69] : memref<32x80xi32, #tpu.memory_space<vmem>> -> memref<1x80xi32, #tpu.memory_space<vmem>>
    %dma_start3A_71 = tpu.memref_squeeze %dma_start3A_70 : memref<1x80xi32, #tpu.memory_space<vmem>> -> memref<80xi32, #tpu.memory_space<vmem>>
    %dma_start3A_72 = arith.constant 0 : i32
    %dma_start3A_73 = arith.constant 0 : i32
    %dma_start3A_74 = tpu.memref_slice %arg2[%dma_start3A_72, %dma_start3A_73] : memref<10000x128xf32, #tpu.memory_space<hbm>> -> memref<10000x128xf32, #tpu.memory_space<hbm>>
    tpu.enqueue_indirect_dma source(%dma_start3A_74 : memref<10000x128xf32, #tpu.memory_space<hbm>>) target(%arg11 : memref<80x128xf32, #tpu.memory_space<vmem>>) offsets(%dma_start3A_71 : memref<80xi32, #tpu.memory_space<vmem>>) semaphore(%arg15 : memref<!tpu.dma_semaphore, #tpu.memory_space<semaphore_mem>>)
    %dma_wait3A_75 = arith.constant 31 : i32
    %dma_wait3A_76 = arith.constant 0 : i32
    %dma_wait3A_77 = tpu.memref_slice %arg7[%dma_wait3A_75, %dma_wait3A_76] : memref<32x80xi32, #tpu.memory_space<vmem>> -> memref<1x80xi32, #tpu.memory_space<vmem>>
    %dma_wait3A_78 = tpu.memref_squeeze %dma_wait3A_77 : memref<1x80xi32, #tpu.memory_space<vmem>> -> memref<80xi32, #tpu.memory_space<vmem>>
    %dma_wait3A_79 = arith.constant 0 : i32
    %dma_wait3A_80 = arith.constant 0 : i32
    %dma_wait3A_81 = tpu.memref_slice %arg2[%dma_wait3A_79, %dma_wait3A_80] : memref<10000x128xf32, #tpu.memory_space<hbm>> -> memref<10000x128xf32, #tpu.memory_space<hbm>>
    tpu.wait_indirect_dma semaphore(%arg16 : memref<!tpu.dma_semaphore, #tpu.memory_space<semaphore_mem>>) src(%dma_wait3A_81 : memref<10000x128xf32, #tpu.memory_space<hbm>>) dst(%arg12 : memref<80x128xf32, #tpu.memory_space<vmem>>)
    %run_scoped3A_82 = arith.constant 31 : i32
    "tpu.region"() ({
      %run_scoped3A_249 = tpu.sem_alloc : memref<!tpu.dma_semaphore, #tpu.memory_space<semaphore_mem>>
      %dma_start3A_250 = arith.constant 0 : i32
      %dma_start3A_251 = tpu.memref_slice %arg9[%run_scoped3A_82, %dma_start3A_250] : memref<32x80xi32, #tpu.memory_space<vmem>> -> memref<1x80xi32, #tpu.memory_space<vmem>>
      %dma_start3A_252 = tpu.memref_squeeze %dma_start3A_251 : memref<1x80xi32, #tpu.memory_space<vmem>> -> memref<80xi32, #tpu.memory_space<vmem>>
      %dma_start3A_253 = arith.constant 0 : i32
      %dma_start3A_254 = arith.constant 0 : i32
      %dma_start3A_255 = tpu.memref_slice %arg14[%dma_start3A_253, %dma_start3A_254] : memref<10240x128xf32, #tpu.memory_space<vmem_shared>> -> memref<10240x128xf32, #tpu.memory_space<vmem_shared>>
      tpu.enqueue_indirect_dma source(%arg12 : memref<80x128xf32, #tpu.memory_space<vmem>>) target(%dma_start3A_255 : memref<10240x128xf32, #tpu.memory_space<vmem_shared>>) offsets(%dma_start3A_252 : memref<80xi32, #tpu.memory_space<vmem>>) semaphore(%run_scoped3A_249 : memref<!tpu.dma_semaphore, #tpu.memory_space<semaphore_mem>>) {add = true}
      %dma_wait3A_256 = arith.constant 0 : i32
      %dma_wait3A_257 = tpu.memref_slice %arg9[%run_scoped3A_82, %dma_wait3A_256] : memref<32x80xi32, #tpu.memory_space<vmem>> -> memref<1x80xi32, #tpu.memory_space<vmem>>
      %dma_wait3A_258 = tpu.memref_squeeze %dma_wait3A_257 : memref<1x80xi32, #tpu.memory_space<vmem>> -> memref<80xi32, #tpu.memory_space<vmem>>
      %dma_wait3A_259 = arith.constant 0 : i32
      %dma_wait3A_260 = arith.constant 0 : i32
      %dma_wait3A_261 = tpu.memref_slice %arg14[%dma_wait3A_259, %dma_wait3A_260] : memref<10240x128xf32, #tpu.memory_space<vmem_shared>> -> memref<10240x128xf32, #tpu.memory_space<vmem_shared>>
      tpu.wait_indirect_dma semaphore(%run_scoped3A_249 : memref<!tpu.dma_semaphore, #tpu.memory_space<semaphore_mem>>) src(%arg12 : memref<80x128xf32, #tpu.memory_space<vmem>>) dst(%dma_wait3A_261 : memref<10240x128xf32, #tpu.memory_space<vmem_shared>>)
      tpu.yield
    }) : () -> ()
    %dma_start3A_83 = arith.constant 64 : i32
    %dma_start3A_84 = arith.constant 0 : i32
    %dma_start3A_85 = tpu.memref_slice %arg3[%add3A, %dma_start3A_83, %dma_start3A_84] : memref<32x128x80xi32, #tpu.memory_space<hbm>> -> memref<1x32x80xi32, #tpu.memory_space<hbm>>
    %dma_start3A_86 = tpu.memref_squeeze %dma_start3A_85 : memref<1x32x80xi32, #tpu.memory_space<hbm>> -> memref<32x80xi32, #tpu.memory_space<hbm>>
    %dma_start3A_87 = arith.constant 64 : i32
    %dma_start3A_88 = arith.constant 0 : i32
    %dma_start3A_89 = tpu.memref_slice %arg3[%add3A, %dma_start3A_87, %dma_start3A_88] : memref<32x128x80xi32, #tpu.memory_space<hbm>> -> memref<1x32x80xi32, #tpu.memory_space<hbm>>
    %dma_start3A_90 = tpu.memref_squeeze %dma_start3A_89 : memref<1x32x80xi32, #tpu.memory_space<hbm>> -> memref<32x80xi32, #tpu.memory_space<hbm>>
    tpu.enqueue_dma source(%dma_start3A_90 : memref<32x80xi32, #tpu.memory_space<hbm>>) target(%arg7 : memref<32x80xi32, #tpu.memory_space<vmem>>) target_semaphore(%arg18 : memref<!tpu.dma_semaphore, #tpu.memory_space<semaphore_mem>>)
    %dma_start3A_91 = arith.constant 64 : i32
    %dma_start3A_92 = arith.constant 0 : i32
    %dma_start3A_93 = tpu.memref_slice %arg4[%add3A, %dma_start3A_91, %dma_start3A_92] : memref<32x128x80xi32, #tpu.memory_space<hbm>> -> memref<1x32x80xi32, #tpu.memory_space<hbm>>
    %dma_start3A_94 = tpu.memref_squeeze %dma_start3A_93 : memref<1x32x80xi32, #tpu.memory_space<hbm>> -> memref<32x80xi32, #tpu.memory_space<hbm>>
    %dma_start3A_95 = arith.constant 64 : i32
    %dma_start3A_96 = arith.constant 0 : i32
    %dma_start3A_97 = tpu.memref_slice %arg4[%add3A, %dma_start3A_95, %dma_start3A_96] : memref<32x128x80xi32, #tpu.memory_space<hbm>> -> memref<1x32x80xi32, #tpu.memory_space<hbm>>
    %dma_start3A_98 = tpu.memref_squeeze %dma_start3A_97 : memref<1x32x80xi32, #tpu.memory_space<hbm>> -> memref<32x80xi32, #tpu.memory_space<hbm>>
    tpu.enqueue_dma source(%dma_start3A_98 : memref<32x80xi32, #tpu.memory_space<hbm>>) target(%arg9 : memref<32x80xi32, #tpu.memory_space<vmem>>) target_semaphore(%arg19 : memref<!tpu.dma_semaphore, #tpu.memory_space<semaphore_mem>>)
    %scan3A_99 = arith.constant 0 : i32
    %scan3A_100 = arith.constant 0 : i32
    %scan3A_101 = arith.constant 10 : i32
    %scan3A_102 = arith.addi %scan3A_100, %scan3A_101 : i32
    %scan3A_103 = arith.constant 1 : i32
    scf.for %scan3A_249 = %scan3A_100 to %scan3A_102 step %scan3A_103  : i32 {
      %mul3A_250 = arith.constant 3 : i32
      %mul3A_251 = arith.muli %mul3A_250, %scan3A_249 : i32
      %add3A_252 = arith.constant 0 : i32
      %add3A_253 = arith.addi %mul3A_251, %add3A_252 : i32
      %add3A_254 = arith.constant 2 : i32
      %add3A_255 = arith.addi %add3A_253, %add3A_254 : i32
      %dma_start3A_256 = arith.constant 0 : i32
      %dma_start3A_257 = tpu.memref_slice %arg8[%add3A_255, %dma_start3A_256] : memref<32x80xi32, #tpu.memory_space<vmem>> -> memref<1x80xi32, #tpu.memory_space<vmem>>
      %dma_start3A_258 = tpu.memref_squeeze %dma_start3A_257 : memref<1x80xi32, #tpu.memory_space<vmem>> -> memref<80xi32, #tpu.memory_space<vmem>>
      %dma_start3A_259 = arith.constant 0 : i32
      %dma_start3A_260 = arith.constant 0 : i32
      %dma_start3A_261 = tpu.memref_slice %arg2[%dma_start3A_259, %dma_start3A_260] : memref<10000x128xf32, #tpu.memory_space<hbm>> -> memref<10000x128xf32, #tpu.memory_space<hbm>>
      tpu.enqueue_indirect_dma source(%dma_start3A_261 : memref<10000x128xf32, #tpu.memory_space<hbm>>) target(%arg12 : memref<80x128xf32, #tpu.memory_space<vmem>>) offsets(%dma_start3A_258 : memref<80xi32, #tpu.memory_space<vmem>>) semaphore(%arg16 : memref<!tpu.dma_semaphore, #tpu.memory_space<semaphore_mem>>)
      %add3A_262 = arith.constant 0 : i32
      %add3A_263 = arith.addi %mul3A_251, %add3A_262 : i32
      %dma_wait3A_264 = arith.constant 0 : i32
      %dma_wait3A_265 = tpu.memref_slice %arg8[%add3A_263, %dma_wait3A_264] : memref<32x80xi32, #tpu.memory_space<vmem>> -> memref<1x80xi32, #tpu.memory_space<vmem>>
      %dma_wait3A_266 = tpu.memref_squeeze %dma_wait3A_265 : memref<1x80xi32, #tpu.memory_space<vmem>> -> memref<80xi32, #tpu.memory_space<vmem>>
      %dma_wait3A_267 = arith.constant 0 : i32
      %dma_wait3A_268 = arith.constant 0 : i32
      %dma_wait3A_269 = tpu.memref_slice %arg2[%dma_wait3A_267, %dma_wait3A_268] : memref<10000x128xf32, #tpu.memory_space<hbm>> -> memref<10000x128xf32, #tpu.memory_space<hbm>>
      tpu.wait_indirect_dma semaphore(%arg17 : memref<!tpu.dma_semaphore, #tpu.memory_space<semaphore_mem>>) src(%dma_wait3A_269 : memref<10000x128xf32, #tpu.memory_space<hbm>>) dst(%arg13 : memref<80x128xf32, #tpu.memory_space<vmem>>)
      "tpu.region"() ({
        %run_scoped3A_306 = tpu.sem_alloc : memref<!tpu.dma_semaphore, #tpu.memory_space<semaphore_mem>>
        %dma_start3A_307 = arith.constant 0 : i32
        %dma_start3A_308 = tpu.memref_slice %arg10[%add3A_263, %dma_start3A_307] : memref<32x80xi32, #tpu.memory_space<vmem>> -> memref<1x80xi32, #tpu.memory_space<vmem>>
        %dma_start3A_309 = tpu.memref_squeeze %dma_start3A_308 : memref<1x80xi32, #tpu.memory_space<vmem>> -> memref<80xi32, #tpu.memory_space<vmem>>
        %dma_start3A_310 = arith.constant 0 : i32
        %dma_start3A_311 = arith.constant 0 : i32
        %dma_start3A_312 = tpu.memref_slice %arg14[%dma_start3A_310, %dma_start3A_311] : memref<10240x128xf32, #tpu.memory_space<vmem_shared>> -> memref<10240x128xf32, #tpu.memory_space<vmem_shared>>
        tpu.enqueue_indirect_dma source(%arg13 : memref<80x128xf32, #tpu.memory_space<vmem>>) target(%dma_start3A_312 : memref<10240x128xf32, #tpu.memory_space<vmem_shared>>) offsets(%dma_start3A_309 : memref<80xi32, #tpu.memory_space<vmem>>) semaphore(%run_scoped3A_306 : memref<!tpu.dma_semaphore, #tpu.memory_space<semaphore_mem>>) {add = true}
        %dma_wait3A_313 = arith.constant 0 : i32
        %dma_wait3A_314 = tpu.memref_slice %arg10[%add3A_263, %dma_wait3A_313] : memref<32x80xi32, #tpu.memory_space<vmem>> -> memref<1x80xi32, #tpu.memory_space<vmem>>
        %dma_wait3A_315 = tpu.memref_squeeze %dma_wait3A_314 : memref<1x80xi32, #tpu.memory_space<vmem>> -> memref<80xi32, #tpu.memory_space<vmem>>
        %dma_wait3A_316 = arith.constant 0 : i32
        %dma_wait3A_317 = arith.constant 0 : i32
        %dma_wait3A_318 = tpu.memref_slice %arg14[%dma_wait3A_316, %dma_wait3A_317] : memref<10240x128xf32, #tpu.memory_space<vmem_shared>> -> memref<10240x128xf32, #tpu.memory_space<vmem_shared>>
        tpu.wait_indirect_dma semaphore(%run_scoped3A_306 : memref<!tpu.dma_semaphore, #tpu.memory_space<semaphore_mem>>) src(%arg13 : memref<80x128xf32, #tpu.memory_space<vmem>>) dst(%dma_wait3A_318 : memref<10240x128xf32, #tpu.memory_space<vmem_shared>>)
        tpu.yield
      }) : () -> ()
      %add3A_270 = arith.constant 1 : i32
      %add3A_271 = arith.addi %mul3A_251, %add3A_270 : i32
      %add3A_272 = arith.constant 2 : i32
      %add3A_273 = arith.addi %add3A_271, %add3A_272 : i32
      %dma_start3A_274 = arith.constant 0 : i32
      %dma_start3A_275 = tpu.memref_slice %arg8[%add3A_273, %dma_start3A_274] : memref<32x80xi32, #tpu.memory_space<vmem>> -> memref<1x80xi32, #tpu.memory_space<vmem>>
      %dma_start3A_276 = tpu.memref_squeeze %dma_start3A_275 : memref<1x80xi32, #tpu.memory_space<vmem>> -> memref<80xi32, #tpu.memory_space<vmem>>
      %dma_start3A_277 = arith.constant 0 : i32
      %dma_start3A_278 = arith.constant 0 : i32
      %dma_start3A_279 = tpu.memref_slice %arg2[%dma_start3A_277, %dma_start3A_278] : memref<10000x128xf32, #tpu.memory_space<hbm>> -> memref<10000x128xf32, #tpu.memory_space<hbm>>
      tpu.enqueue_indirect_dma source(%dma_start3A_279 : memref<10000x128xf32, #tpu.memory_space<hbm>>) target(%arg13 : memref<80x128xf32, #tpu.memory_space<vmem>>) offsets(%dma_start3A_276 : memref<80xi32, #tpu.memory_space<vmem>>) semaphore(%arg17 : memref<!tpu.dma_semaphore, #tpu.memory_space<semaphore_mem>>)
      %add3A_280 = arith.constant 1 : i32
      %add3A_281 = arith.addi %mul3A_251, %add3A_280 : i32
      %dma_wait3A_282 = arith.constant 0 : i32
      %dma_wait3A_283 = tpu.memref_slice %arg8[%add3A_281, %dma_wait3A_282] : memref<32x80xi32, #tpu.memory_space<vmem>> -> memref<1x80xi32, #tpu.memory_space<vmem>>
      %dma_wait3A_284 = tpu.memref_squeeze %dma_wait3A_283 : memref<1x80xi32, #tpu.memory_space<vmem>> -> memref<80xi32, #tpu.memory_space<vmem>>
      %dma_wait3A_285 = arith.constant 0 : i32
      %dma_wait3A_286 = arith.constant 0 : i32
      %dma_wait3A_287 = tpu.memref_slice %arg2[%dma_wait3A_285, %dma_wait3A_286] : memref<10000x128xf32, #tpu.memory_space<hbm>> -> memref<10000x128xf32, #tpu.memory_space<hbm>>
      tpu.wait_indirect_dma semaphore(%arg15 : memref<!tpu.dma_semaphore, #tpu.memory_space<semaphore_mem>>) src(%dma_wait3A_287 : memref<10000x128xf32, #tpu.memory_space<hbm>>) dst(%arg11 : memref<80x128xf32, #tpu.memory_space<vmem>>)
      "tpu.region"() ({
        %run_scoped3A_306 = tpu.sem_alloc : memref<!tpu.dma_semaphore, #tpu.memory_space<semaphore_mem>>
        %dma_start3A_307 = arith.constant 0 : i32
        %dma_start3A_308 = tpu.memref_slice %arg10[%add3A_281, %dma_start3A_307] : memref<32x80xi32, #tpu.memory_space<vmem>> -> memref<1x80xi32, #tpu.memory_space<vmem>>
        %dma_start3A_309 = tpu.memref_squeeze %dma_start3A_308 : memref<1x80xi32, #tpu.memory_space<vmem>> -> memref<80xi32, #tpu.memory_space<vmem>>
        %dma_start3A_310 = arith.constant 0 : i32
        %dma_start3A_311 = arith.constant 0 : i32
        %dma_start3A_312 = tpu.memref_slice %arg14[%dma_start3A_310, %dma_start3A_311] : memref<10240x128xf32, #tpu.memory_space<vmem_shared>> -> memref<10240x128xf32, #tpu.memory_space<vmem_shared>>
        tpu.enqueue_indirect_dma source(%arg11 : memref<80x128xf32, #tpu.memory_space<vmem>>) target(%dma_start3A_312 : memref<10240x128xf32, #tpu.memory_space<vmem_shared>>) offsets(%dma_start3A_309 : memref<80xi32, #tpu.memory_space<vmem>>) semaphore(%run_scoped3A_306 : memref<!tpu.dma_semaphore, #tpu.memory_space<semaphore_mem>>) {add = true}
        %dma_wait3A_313 = arith.constant 0 : i32
        %dma_wait3A_314 = tpu.memref_slice %arg10[%add3A_281, %dma_wait3A_313] : memref<32x80xi32, #tpu.memory_space<vmem>> -> memref<1x80xi32, #tpu.memory_space<vmem>>
        %dma_wait3A_315 = tpu.memref_squeeze %dma_wait3A_314 : memref<1x80xi32, #tpu.memory_space<vmem>> -> memref<80xi32, #tpu.memory_space<vmem>>
        %dma_wait3A_316 = arith.constant 0 : i32
        %dma_wait3A_317 = arith.constant 0 : i32
        %dma_wait3A_318 = tpu.memref_slice %arg14[%dma_wait3A_316, %dma_wait3A_317] : memref<10240x128xf32, #tpu.memory_space<vmem_shared>> -> memref<10240x128xf32, #tpu.memory_space<vmem_shared>>
        tpu.wait_indirect_dma semaphore(%run_scoped3A_306 : memref<!tpu.dma_semaphore, #tpu.memory_space<semaphore_mem>>) src(%arg11 : memref<80x128xf32, #tpu.memory_space<vmem>>) dst(%dma_wait3A_318 : memref<10240x128xf32, #tpu.memory_space<vmem_shared>>)
        tpu.yield
      }) : () -> ()
      %add3A_288 = arith.constant 2 : i32
      %add3A_289 = arith.addi %mul3A_251, %add3A_288 : i32
      %add3A_290 = arith.constant 2 : i32
      %add3A_291 = arith.addi %add3A_289, %add3A_290 : i32
      %dma_start3A_292 = arith.constant 0 : i32
      %dma_start3A_293 = tpu.memref_slice %arg8[%add3A_291, %dma_start3A_292] : memref<32x80xi32, #tpu.memory_space<vmem>> -> memref<1x80xi32, #tpu.memory_space<vmem>>
      %dma_start3A_294 = tpu.memref_squeeze %dma_start3A_293 : memref<1x80xi32, #tpu.memory_space<vmem>> -> memref<80xi32, #tpu.memory_space<vmem>>
      %dma_start3A_295 = arith.constant 0 : i32
      %dma_start3A_296 = arith.constant 0 : i32
      %dma_start3A_297 = tpu.memref_slice %arg2[%dma_start3A_295, %dma_start3A_296] : memref<10000x128xf32, #tpu.memory_space<hbm>> -> memref<10000x128xf32, #tpu.memory_space<hbm>>
      tpu.enqueue_indirect_dma source(%dma_start3A_297 : memref<10000x128xf32, #tpu.memory_space<hbm>>) target(%arg11 : memref<80x128xf32, #tpu.memory_space<vmem>>) offsets(%dma_start3A_294 : memref<80xi32, #tpu.memory_space<vmem>>) semaphore(%arg15 : memref<!tpu.dma_semaphore, #tpu.memory_space<semaphore_mem>>)
      %add3A_298 = arith.constant 2 : i32
      %add3A_299 = arith.addi %mul3A_251, %add3A_298 : i32
      %dma_wait3A_300 = arith.constant 0 : i32
      %dma_wait3A_301 = tpu.memref_slice %arg8[%add3A_299, %dma_wait3A_300] : memref<32x80xi32, #tpu.memory_space<vmem>> -> memref<1x80xi32, #tpu.memory_space<vmem>>
      %dma_wait3A_302 = tpu.memref_squeeze %dma_wait3A_301 : memref<1x80xi32, #tpu.memory_space<vmem>> -> memref<80xi32, #tpu.memory_space<vmem>>
      %dma_wait3A_303 = arith.constant 0 : i32
      %dma_wait3A_304 = arith.constant 0 : i32
      %dma_wait3A_305 = tpu.memref_slice %arg2[%dma_wait3A_303, %dma_wait3A_304] : memref<10000x128xf32, #tpu.memory_space<hbm>> -> memref<10000x128xf32, #tpu.memory_space<hbm>>
      tpu.wait_indirect_dma semaphore(%arg16 : memref<!tpu.dma_semaphore, #tpu.memory_space<semaphore_mem>>) src(%dma_wait3A_305 : memref<10000x128xf32, #tpu.memory_space<hbm>>) dst(%arg12 : memref<80x128xf32, #tpu.memory_space<vmem>>)
      "tpu.region"() ({
        %run_scoped3A_306 = tpu.sem_alloc : memref<!tpu.dma_semaphore, #tpu.memory_space<semaphore_mem>>
        %dma_start3A_307 = arith.constant 0 : i32
        %dma_start3A_308 = tpu.memref_slice %arg10[%add3A_299, %dma_start3A_307] : memref<32x80xi32, #tpu.memory_space<vmem>> -> memref<1x80xi32, #tpu.memory_space<vmem>>
        %dma_start3A_309 = tpu.memref_squeeze %dma_start3A_308 : memref<1x80xi32, #tpu.memory_space<vmem>> -> memref<80xi32, #tpu.memory_space<vmem>>
        %dma_start3A_310 = arith.constant 0 : i32
        %dma_start3A_311 = arith.constant 0 : i32
        %dma_start3A_312 = tpu.memref_slice %arg14[%dma_start3A_310, %dma_start3A_311] : memref<10240x128xf32, #tpu.memory_space<vmem_shared>> -> memref<10240x128xf32, #tpu.memory_space<vmem_shared>>
        tpu.enqueue_indirect_dma source(%arg12 : memref<80x128xf32, #tpu.memory_space<vmem>>) target(%dma_start3A_312 : memref<10240x128xf32, #tpu.memory_space<vmem_shared>>) offsets(%dma_start3A_309 : memref<80xi32, #tpu.memory_space<vmem>>) semaphore(%run_scoped3A_306 : memref<!tpu.dma_semaphore, #tpu.memory_space<semaphore_mem>>) {add = true}
        %dma_wait3A_313 = arith.constant 0 : i32
        %dma_wait3A_314 = tpu.memref_slice %arg10[%add3A_299, %dma_wait3A_313] : memref<32x80xi32, #tpu.memory_space<vmem>> -> memref<1x80xi32, #tpu.memory_space<vmem>>
        %dma_wait3A_315 = tpu.memref_squeeze %dma_wait3A_314 : memref<1x80xi32, #tpu.memory_space<vmem>> -> memref<80xi32, #tpu.memory_space<vmem>>
        %dma_wait3A_316 = arith.constant 0 : i32
        %dma_wait3A_317 = arith.constant 0 : i32
        %dma_wait3A_318 = tpu.memref_slice %arg14[%dma_wait3A_316, %dma_wait3A_317] : memref<10240x128xf32, #tpu.memory_space<vmem_shared>> -> memref<10240x128xf32, #tpu.memory_space<vmem_shared>>
        tpu.wait_indirect_dma semaphore(%run_scoped3A_306 : memref<!tpu.dma_semaphore, #tpu.memory_space<semaphore_mem>>) src(%arg12 : memref<80x128xf32, #tpu.memory_space<vmem>>) dst(%dma_wait3A_318 : memref<10240x128xf32, #tpu.memory_space<vmem_shared>>)
        tpu.yield
      }) : () -> ()
    }
    %scan3A_104 = arith.constant 10 : i32
    %dma_wait3A_105 = arith.constant 64 : i32
    %dma_wait3A_106 = arith.constant 0 : i32
    %dma_wait3A_107 = tpu.memref_slice %arg3[%add3A, %dma_wait3A_105, %dma_wait3A_106] : memref<32x128x80xi32, #tpu.memory_space<hbm>> -> memref<1x32x80xi32, #tpu.memory_space<hbm>>
    %dma_wait3A_108 = tpu.memref_squeeze %dma_wait3A_107 : memref<1x32x80xi32, #tpu.memory_space<hbm>> -> memref<32x80xi32, #tpu.memory_space<hbm>>
    %dma_wait3A_109 = arith.constant 64 : i32
    %dma_wait3A_110 = arith.constant 0 : i32
    %dma_wait3A_111 = tpu.memref_slice %arg3[%add3A, %dma_wait3A_109, %dma_wait3A_110] : memref<32x128x80xi32, #tpu.memory_space<hbm>> -> memref<1x32x80xi32, #tpu.memory_space<hbm>>
    %dma_wait3A_112 = tpu.memref_squeeze %dma_wait3A_111 : memref<1x32x80xi32, #tpu.memory_space<hbm>> -> memref<32x80xi32, #tpu.memory_space<hbm>>
    tpu.wait_dma2 semaphore(%arg18 : memref<!tpu.dma_semaphore, #tpu.memory_space<semaphore_mem>>) src(%dma_wait3A_112 : memref<32x80xi32, #tpu.memory_space<hbm>>) dst(%arg7 : memref<32x80xi32, #tpu.memory_space<vmem>>)
    %dma_wait3A_113 = arith.constant 64 : i32
    %dma_wait3A_114 = arith.constant 0 : i32
    %dma_wait3A_115 = tpu.memref_slice %arg4[%add3A, %dma_wait3A_113, %dma_wait3A_114] : memref<32x128x80xi32, #tpu.memory_space<hbm>> -> memref<1x32x80xi32, #tpu.memory_space<hbm>>
    %dma_wait3A_116 = tpu.memref_squeeze %dma_wait3A_115 : memref<1x32x80xi32, #tpu.memory_space<hbm>> -> memref<32x80xi32, #tpu.memory_space<hbm>>
    %dma_wait3A_117 = arith.constant 64 : i32
    %dma_wait3A_118 = arith.constant 0 : i32
    %dma_wait3A_119 = tpu.memref_slice %arg4[%add3A, %dma_wait3A_117, %dma_wait3A_118] : memref<32x128x80xi32, #tpu.memory_space<hbm>> -> memref<1x32x80xi32, #tpu.memory_space<hbm>>
    %dma_wait3A_120 = tpu.memref_squeeze %dma_wait3A_119 : memref<1x32x80xi32, #tpu.memory_space<hbm>> -> memref<32x80xi32, #tpu.memory_space<hbm>>
    tpu.wait_dma2 semaphore(%arg19 : memref<!tpu.dma_semaphore, #tpu.memory_space<semaphore_mem>>) src(%dma_wait3A_120 : memref<32x80xi32, #tpu.memory_space<hbm>>) dst(%arg9 : memref<32x80xi32, #tpu.memory_space<vmem>>)
    %dma_start3A_121 = arith.constant 0 : i32
    %dma_start3A_122 = arith.constant 0 : i32
    %dma_start3A_123 = tpu.memref_slice %arg7[%dma_start3A_121, %dma_start3A_122] : memref<32x80xi32, #tpu.memory_space<vmem>> -> memref<1x80xi32, #tpu.memory_space<vmem>>
    %dma_start3A_124 = tpu.memref_squeeze %dma_start3A_123 : memref<1x80xi32, #tpu.memory_space<vmem>> -> memref<80xi32, #tpu.memory_space<vmem>>
    %dma_start3A_125 = arith.constant 0 : i32
    %dma_start3A_126 = arith.constant 0 : i32
    %dma_start3A_127 = tpu.memref_slice %arg2[%dma_start3A_125, %dma_start3A_126] : memref<10000x128xf32, #tpu.memory_space<hbm>> -> memref<10000x128xf32, #tpu.memory_space<hbm>>
    tpu.enqueue_indirect_dma source(%dma_start3A_127 : memref<10000x128xf32, #tpu.memory_space<hbm>>) target(%arg12 : memref<80x128xf32, #tpu.memory_space<vmem>>) offsets(%dma_start3A_124 : memref<80xi32, #tpu.memory_space<vmem>>) semaphore(%arg16 : memref<!tpu.dma_semaphore, #tpu.memory_space<semaphore_mem>>)
    %dma_wait3A_128 = arith.constant 30 : i32
    %dma_wait3A_129 = arith.constant 0 : i32
    %dma_wait3A_130 = tpu.memref_slice %arg8[%dma_wait3A_128, %dma_wait3A_129] : memref<32x80xi32, #tpu.memory_space<vmem>> -> memref<1x80xi32, #tpu.memory_space<vmem>>
    %dma_wait3A_131 = tpu.memref_squeeze %dma_wait3A_130 : memref<1x80xi32, #tpu.memory_space<vmem>> -> memref<80xi32, #tpu.memory_space<vmem>>
    %dma_wait3A_132 = arith.constant 0 : i32
    %dma_wait3A_133 = arith.constant 0 : i32
    %dma_wait3A_134 = tpu.memref_slice %arg2[%dma_wait3A_132, %dma_wait3A_133] : memref<10000x128xf32, #tpu.memory_space<hbm>> -> memref<10000x128xf32, #tpu.memory_space<hbm>>
    tpu.wait_indirect_dma semaphore(%arg17 : memref<!tpu.dma_semaphore, #tpu.memory_space<semaphore_mem>>) src(%dma_wait3A_134 : memref<10000x128xf32, #tpu.memory_space<hbm>>) dst(%arg13 : memref<80x128xf32, #tpu.memory_space<vmem>>)
    %run_scoped3A_135 = arith.constant 30 : i32
    "tpu.region"() ({
      %run_scoped3A_249 = tpu.sem_alloc : memref<!tpu.dma_semaphore, #tpu.memory_space<semaphore_mem>>
      %dma_start3A_250 = arith.constant 0 : i32
      %dma_start3A_251 = tpu.memref_slice %arg10[%run_scoped3A_135, %dma_start3A_250] : memref<32x80xi32, #tpu.memory_space<vmem>> -> memref<1x80xi32, #tpu.memory_space<vmem>>
      %dma_start3A_252 = tpu.memref_squeeze %dma_start3A_251 : memref<1x80xi32, #tpu.memory_space<vmem>> -> memref<80xi32, #tpu.memory_space<vmem>>
      %dma_start3A_253 = arith.constant 0 : i32
      %dma_start3A_254 = arith.constant 0 : i32
      %dma_start3A_255 = tpu.memref_slice %arg14[%dma_start3A_253, %dma_start3A_254] : memref<10240x128xf32, #tpu.memory_space<vmem_shared>> -> memref<10240x128xf32, #tpu.memory_space<vmem_shared>>
      tpu.enqueue_indirect_dma source(%arg13 : memref<80x128xf32, #tpu.memory_space<vmem>>) target(%dma_start3A_255 : memref<10240x128xf32, #tpu.memory_space<vmem_shared>>) offsets(%dma_start3A_252 : memref<80xi32, #tpu.memory_space<vmem>>) semaphore(%run_scoped3A_249 : memref<!tpu.dma_semaphore, #tpu.memory_space<semaphore_mem>>) {add = true}
      %dma_wait3A_256 = arith.constant 0 : i32
      %dma_wait3A_257 = tpu.memref_slice %arg10[%run_scoped3A_135, %dma_wait3A_256] : memref<32x80xi32, #tpu.memory_space<vmem>> -> memref<1x80xi32, #tpu.memory_space<vmem>>
      %dma_wait3A_258 = tpu.memref_squeeze %dma_wait3A_257 : memref<1x80xi32, #tpu.memory_space<vmem>> -> memref<80xi32, #tpu.memory_space<vmem>>
      %dma_wait3A_259 = arith.constant 0 : i32
      %dma_wait3A_260 = arith.constant 0 : i32
      %dma_wait3A_261 = tpu.memref_slice %arg14[%dma_wait3A_259, %dma_wait3A_260] : memref<10240x128xf32, #tpu.memory_space<vmem_shared>> -> memref<10240x128xf32, #tpu.memory_space<vmem_shared>>
      tpu.wait_indirect_dma semaphore(%run_scoped3A_249 : memref<!tpu.dma_semaphore, #tpu.memory_space<semaphore_mem>>) src(%arg13 : memref<80x128xf32, #tpu.memory_space<vmem>>) dst(%dma_wait3A_261 : memref<10240x128xf32, #tpu.memory_space<vmem_shared>>)
      tpu.yield
    }) : () -> ()
    %dma_start3A_136 = arith.constant 1 : i32
    %dma_start3A_137 = arith.constant 0 : i32
    %dma_start3A_138 = tpu.memref_slice %arg7[%dma_start3A_136, %dma_start3A_137] : memref<32x80xi32, #tpu.memory_space<vmem>> -> memref<1x80xi32, #tpu.memory_space<vmem>>
    %dma_start3A_139 = tpu.memref_squeeze %dma_start3A_138 : memref<1x80xi32, #tpu.memory_space<vmem>> -> memref<80xi32, #tpu.memory_space<vmem>>
    %dma_start3A_140 = arith.constant 0 : i32
    %dma_start3A_141 = arith.constant 0 : i32
    %dma_start3A_142 = tpu.memref_slice %arg2[%dma_start3A_140, %dma_start3A_141] : memref<10000x128xf32, #tpu.memory_space<hbm>> -> memref<10000x128xf32, #tpu.memory_space<hbm>>
    tpu.enqueue_indirect_dma source(%dma_start3A_142 : memref<10000x128xf32, #tpu.memory_space<hbm>>) target(%arg13 : memref<80x128xf32, #tpu.memory_space<vmem>>) offsets(%dma_start3A_139 : memref<80xi32, #tpu.memory_space<vmem>>) semaphore(%arg17 : memref<!tpu.dma_semaphore, #tpu.memory_space<semaphore_mem>>)
    %dma_wait3A_143 = arith.constant 31 : i32
    %dma_wait3A_144 = arith.constant 0 : i32
    %dma_wait3A_145 = tpu.memref_slice %arg8[%dma_wait3A_143, %dma_wait3A_144] : memref<32x80xi32, #tpu.memory_space<vmem>> -> memref<1x80xi32, #tpu.memory_space<vmem>>
    %dma_wait3A_146 = tpu.memref_squeeze %dma_wait3A_145 : memref<1x80xi32, #tpu.memory_space<vmem>> -> memref<80xi32, #tpu.memory_space<vmem>>
    %dma_wait3A_147 = arith.constant 0 : i32
    %dma_wait3A_148 = arith.constant 0 : i32
    %dma_wait3A_149 = tpu.memref_slice %arg2[%dma_wait3A_147, %dma_wait3A_148] : memref<10000x128xf32, #tpu.memory_space<hbm>> -> memref<10000x128xf32, #tpu.memory_space<hbm>>
    tpu.wait_indirect_dma semaphore(%arg15 : memref<!tpu.dma_semaphore, #tpu.memory_space<semaphore_mem>>) src(%dma_wait3A_149 : memref<10000x128xf32, #tpu.memory_space<hbm>>) dst(%arg11 : memref<80x128xf32, #tpu.memory_space<vmem>>)
    %run_scoped3A_150 = arith.constant 31 : i32
    "tpu.region"() ({
      %run_scoped3A_249 = tpu.sem_alloc : memref<!tpu.dma_semaphore, #tpu.memory_space<semaphore_mem>>
      %dma_start3A_250 = arith.constant 0 : i32
      %dma_start3A_251 = tpu.memref_slice %arg10[%run_scoped3A_150, %dma_start3A_250] : memref<32x80xi32, #tpu.memory_space<vmem>> -> memref<1x80xi32, #tpu.memory_space<vmem>>
      %dma_start3A_252 = tpu.memref_squeeze %dma_start3A_251 : memref<1x80xi32, #tpu.memory_space<vmem>> -> memref<80xi32, #tpu.memory_space<vmem>>
      %dma_start3A_253 = arith.constant 0 : i32
      %dma_start3A_254 = arith.constant 0 : i32
      %dma_start3A_255 = tpu.memref_slice %arg14[%dma_start3A_253, %dma_start3A_254] : memref<10240x128xf32, #tpu.memory_space<vmem_shared>> -> memref<10240x128xf32, #tpu.memory_space<vmem_shared>>
      tpu.enqueue_indirect_dma source(%arg11 : memref<80x128xf32, #tpu.memory_space<vmem>>) target(%dma_start3A_255 : memref<10240x128xf32, #tpu.memory_space<vmem_shared>>) offsets(%dma_start3A_252 : memref<80xi32, #tpu.memory_space<vmem>>) semaphore(%run_scoped3A_249 : memref<!tpu.dma_semaphore, #tpu.memory_space<semaphore_mem>>) {add = true}
      %dma_wait3A_256 = arith.constant 0 : i32
      %dma_wait3A_257 = tpu.memref_slice %arg10[%run_scoped3A_150, %dma_wait3A_256] : memref<32x80xi32, #tpu.memory_space<vmem>> -> memref<1x80xi32, #tpu.memory_space<vmem>>
      %dma_wait3A_258 = tpu.memref_squeeze %dma_wait3A_257 : memref<1x80xi32, #tpu.memory_space<vmem>> -> memref<80xi32, #tpu.memory_space<vmem>>
      %dma_wait3A_259 = arith.constant 0 : i32
      %dma_wait3A_260 = arith.constant 0 : i32
      %dma_wait3A_261 = tpu.memref_slice %arg14[%dma_wait3A_259, %dma_wait3A_260] : memref<10240x128xf32, #tpu.memory_space<vmem_shared>> -> memref<10240x128xf32, #tpu.memory_space<vmem_shared>>
      tpu.wait_indirect_dma semaphore(%run_scoped3A_249 : memref<!tpu.dma_semaphore, #tpu.memory_space<semaphore_mem>>) src(%arg11 : memref<80x128xf32, #tpu.memory_space<vmem>>) dst(%dma_wait3A_261 : memref<10240x128xf32, #tpu.memory_space<vmem_shared>>)
      tpu.yield
    }) : () -> ()
    %dma_start3A_151 = arith.constant 96 : i32
    %dma_start3A_152 = arith.constant 0 : i32
    %dma_start3A_153 = tpu.memref_slice %arg3[%add3A, %dma_start3A_151, %dma_start3A_152] : memref<32x128x80xi32, #tpu.memory_space<hbm>> -> memref<1x32x80xi32, #tpu.memory_space<hbm>>
    %dma_start3A_154 = tpu.memref_squeeze %dma_start3A_153 : memref<1x32x80xi32, #tpu.memory_space<hbm>> -> memref<32x80xi32, #tpu.memory_space<hbm>>
    %dma_start3A_155 = arith.constant 96 : i32
    %dma_start3A_156 = arith.constant 0 : i32
    %dma_start3A_157 = tpu.memref_slice %arg3[%add3A, %dma_start3A_155, %dma_start3A_156] : memref<32x128x80xi32, #tpu.memory_space<hbm>> -> memref<1x32x80xi32, #tpu.memory_space<hbm>>
    %dma_start3A_158 = tpu.memref_squeeze %dma_start3A_157 : memref<1x32x80xi32, #tpu.memory_space<hbm>> -> memref<32x80xi32, #tpu.memory_space<hbm>>
    tpu.enqueue_dma source(%dma_start3A_158 : memref<32x80xi32, #tpu.memory_space<hbm>>) target(%arg8 : memref<32x80xi32, #tpu.memory_space<vmem>>) target_semaphore(%arg18 : memref<!tpu.dma_semaphore, #tpu.memory_space<semaphore_mem>>)
    %dma_start3A_159 = arith.constant 96 : i32
    %dma_start3A_160 = arith.constant 0 : i32
    %dma_start3A_161 = tpu.memref_slice %arg4[%add3A, %dma_start3A_159, %dma_start3A_160] : memref<32x128x80xi32, #tpu.memory_space<hbm>> -> memref<1x32x80xi32, #tpu.memory_space<hbm>>
    %dma_start3A_162 = tpu.memref_squeeze %dma_start3A_161 : memref<1x32x80xi32, #tpu.memory_space<hbm>> -> memref<32x80xi32, #tpu.memory_space<hbm>>
    %dma_start3A_163 = arith.constant 96 : i32
    %dma_start3A_164 = arith.constant 0 : i32
    %dma_start3A_165 = tpu.memref_slice %arg4[%add3A, %dma_start3A_163, %dma_start3A_164] : memref<32x128x80xi32, #tpu.memory_space<hbm>> -> memref<1x32x80xi32, #tpu.memory_space<hbm>>
    %dma_start3A_166 = tpu.memref_squeeze %dma_start3A_165 : memref<1x32x80xi32, #tpu.memory_space<hbm>> -> memref<32x80xi32, #tpu.memory_space<hbm>>
    tpu.enqueue_dma source(%dma_start3A_166 : memref<32x80xi32, #tpu.memory_space<hbm>>) target(%arg10 : memref<32x80xi32, #tpu.memory_space<vmem>>) target_semaphore(%arg19 : memref<!tpu.dma_semaphore, #tpu.memory_space<semaphore_mem>>)
    %scan3A_167 = arith.constant 0 : i32
    %scan3A_168 = arith.constant 0 : i32
    %scan3A_169 = arith.constant 10 : i32
    %scan3A_170 = arith.addi %scan3A_168, %scan3A_169 : i32
    %scan3A_171 = arith.constant 1 : i32
    scf.for %scan3A_249 = %scan3A_168 to %scan3A_170 step %scan3A_171  : i32 {
      %mul3A_250 = arith.constant 3 : i32
      %mul3A_251 = arith.muli %mul3A_250, %scan3A_249 : i32
      %add3A_252 = arith.constant 0 : i32
      %add3A_253 = arith.addi %mul3A_251, %add3A_252 : i32
      %add3A_254 = arith.constant 2 : i32
      %add3A_255 = arith.addi %add3A_253, %add3A_254 : i32
      %dma_start3A_256 = arith.constant 0 : i32
      %dma_start3A_257 = tpu.memref_slice %arg7[%add3A_255, %dma_start3A_256] : memref<32x80xi32, #tpu.memory_space<vmem>> -> memref<1x80xi32, #tpu.memory_space<vmem>>
      %dma_start3A_258 = tpu.memref_squeeze %dma_start3A_257 : memref<1x80xi32, #tpu.memory_space<vmem>> -> memref<80xi32, #tpu.memory_space<vmem>>
      %dma_start3A_259 = arith.constant 0 : i32
      %dma_start3A_260 = arith.constant 0 : i32
      %dma_start3A_261 = tpu.memref_slice %arg2[%dma_start3A_259, %dma_start3A_260] : memref<10000x128xf32, #tpu.memory_space<hbm>> -> memref<10000x128xf32, #tpu.memory_space<hbm>>
      tpu.enqueue_indirect_dma source(%dma_start3A_261 : memref<10000x128xf32, #tpu.memory_space<hbm>>) target(%arg11 : memref<80x128xf32, #tpu.memory_space<vmem>>) offsets(%dma_start3A_258 : memref<80xi32, #tpu.memory_space<vmem>>) semaphore(%arg15 : memref<!tpu.dma_semaphore, #tpu.memory_space<semaphore_mem>>)
      %add3A_262 = arith.constant 0 : i32
      %add3A_263 = arith.addi %mul3A_251, %add3A_262 : i32
      %dma_wait3A_264 = arith.constant 0 : i32
      %dma_wait3A_265 = tpu.memref_slice %arg7[%add3A_263, %dma_wait3A_264] : memref<32x80xi32, #tpu.memory_space<vmem>> -> memref<1x80xi32, #tpu.memory_space<vmem>>
      %dma_wait3A_266 = tpu.memref_squeeze %dma_wait3A_265 : memref<1x80xi32, #tpu.memory_space<vmem>> -> memref<80xi32, #tpu.memory_space<vmem>>
      %dma_wait3A_267 = arith.constant 0 : i32
      %dma_wait3A_268 = arith.constant 0 : i32
      %dma_wait3A_269 = tpu.memref_slice %arg2[%dma_wait3A_267, %dma_wait3A_268] : memref<10000x128xf32, #tpu.memory_space<hbm>> -> memref<10000x128xf32, #tpu.memory_space<hbm>>
      tpu.wait_indirect_dma semaphore(%arg16 : memref<!tpu.dma_semaphore, #tpu.memory_space<semaphore_mem>>) src(%dma_wait3A_269 : memref<10000x128xf32, #tpu.memory_space<hbm>>) dst(%arg12 : memref<80x128xf32, #tpu.memory_space<vmem>>)
      "tpu.region"() ({
        %run_scoped3A_306 = tpu.sem_alloc : memref<!tpu.dma_semaphore, #tpu.memory_space<semaphore_mem>>
        %dma_start3A_307 = arith.constant 0 : i32
        %dma_start3A_308 = tpu.memref_slice %arg9[%add3A_263, %dma_start3A_307] : memref<32x80xi32, #tpu.memory_space<vmem>> -> memref<1x80xi32, #tpu.memory_space<vmem>>
        %dma_start3A_309 = tpu.memref_squeeze %dma_start3A_308 : memref<1x80xi32, #tpu.memory_space<vmem>> -> memref<80xi32, #tpu.memory_space<vmem>>
        %dma_start3A_310 = arith.constant 0 : i32
        %dma_start3A_311 = arith.constant 0 : i32
        %dma_start3A_312 = tpu.memref_slice %arg14[%dma_start3A_310, %dma_start3A_311] : memref<10240x128xf32, #tpu.memory_space<vmem_shared>> -> memref<10240x128xf32, #tpu.memory_space<vmem_shared>>
        tpu.enqueue_indirect_dma source(%arg12 : memref<80x128xf32, #tpu.memory_space<vmem>>) target(%dma_start3A_312 : memref<10240x128xf32, #tpu.memory_space<vmem_shared>>) offsets(%dma_start3A_309 : memref<80xi32, #tpu.memory_space<vmem>>) semaphore(%run_scoped3A_306 : memref<!tpu.dma_semaphore, #tpu.memory_space<semaphore_mem>>) {add = true}
        %dma_wait3A_313 = arith.constant 0 : i32
        %dma_wait3A_314 = tpu.memref_slice %arg9[%add3A_263, %dma_wait3A_313] : memref<32x80xi32, #tpu.memory_space<vmem>> -> memref<1x80xi32, #tpu.memory_space<vmem>>
        %dma_wait3A_315 = tpu.memref_squeeze %dma_wait3A_314 : memref<1x80xi32, #tpu.memory_space<vmem>> -> memref<80xi32, #tpu.memory_space<vmem>>
        %dma_wait3A_316 = arith.constant 0 : i32
        %dma_wait3A_317 = arith.constant 0 : i32
        %dma_wait3A_318 = tpu.memref_slice %arg14[%dma_wait3A_316, %dma_wait3A_317] : memref<10240x128xf32, #tpu.memory_space<vmem_shared>> -> memref<10240x128xf32, #tpu.memory_space<vmem_shared>>
        tpu.wait_indirect_dma semaphore(%run_scoped3A_306 : memref<!tpu.dma_semaphore, #tpu.memory_space<semaphore_mem>>) src(%arg12 : memref<80x128xf32, #tpu.memory_space<vmem>>) dst(%dma_wait3A_318 : memref<10240x128xf32, #tpu.memory_space<vmem_shared>>)
        tpu.yield
      }) : () -> ()
      %add3A_270 = arith.constant 1 : i32
      %add3A_271 = arith.addi %mul3A_251, %add3A_270 : i32
      %add3A_272 = arith.constant 2 : i32
      %add3A_273 = arith.addi %add3A_271, %add3A_272 : i32
      %dma_start3A_274 = arith.constant 0 : i32
      %dma_start3A_275 = tpu.memref_slice %arg7[%add3A_273, %dma_start3A_274] : memref<32x80xi32, #tpu.memory_space<vmem>> -> memref<1x80xi32, #tpu.memory_space<vmem>>
      %dma_start3A_276 = tpu.memref_squeeze %dma_start3A_275 : memref<1x80xi32, #tpu.memory_space<vmem>> -> memref<80xi32, #tpu.memory_space<vmem>>
      %dma_start3A_277 = arith.constant 0 : i32
      %dma_start3A_278 = arith.constant 0 : i32
      %dma_start3A_279 = tpu.memref_slice %arg2[%dma_start3A_277, %dma_start3A_278] : memref<10000x128xf32, #tpu.memory_space<hbm>> -> memref<10000x128xf32, #tpu.memory_space<hbm>>
      tpu.enqueue_indirect_dma source(%dma_start3A_279 : memref<10000x128xf32, #tpu.memory_space<hbm>>) target(%arg12 : memref<80x128xf32, #tpu.memory_space<vmem>>) offsets(%dma_start3A_276 : memref<80xi32, #tpu.memory_space<vmem>>) semaphore(%arg16 : memref<!tpu.dma_semaphore, #tpu.memory_space<semaphore_mem>>)
      %add3A_280 = arith.constant 1 : i32
      %add3A_281 = arith.addi %mul3A_251, %add3A_280 : i32
      %dma_wait3A_282 = arith.constant 0 : i32
      %dma_wait3A_283 = tpu.memref_slice %arg7[%add3A_281, %dma_wait3A_282] : memref<32x80xi32, #tpu.memory_space<vmem>> -> memref<1x80xi32, #tpu.memory_space<vmem>>
      %dma_wait3A_284 = tpu.memref_squeeze %dma_wait3A_283 : memref<1x80xi32, #tpu.memory_space<vmem>> -> memref<80xi32, #tpu.memory_space<vmem>>
      %dma_wait3A_285 = arith.constant 0 : i32
      %dma_wait3A_286 = arith.constant 0 : i32
      %dma_wait3A_287 = tpu.memref_slice %arg2[%dma_wait3A_285, %dma_wait3A_286] : memref<10000x128xf32, #tpu.memory_space<hbm>> -> memref<10000x128xf32, #tpu.memory_space<hbm>>
      tpu.wait_indirect_dma semaphore(%arg17 : memref<!tpu.dma_semaphore, #tpu.memory_space<semaphore_mem>>) src(%dma_wait3A_287 : memref<10000x128xf32, #tpu.memory_space<hbm>>) dst(%arg13 : memref<80x128xf32, #tpu.memory_space<vmem>>)
      "tpu.region"() ({
        %run_scoped3A_306 = tpu.sem_alloc : memref<!tpu.dma_semaphore, #tpu.memory_space<semaphore_mem>>
        %dma_start3A_307 = arith.constant 0 : i32
        %dma_start3A_308 = tpu.memref_slice %arg9[%add3A_281, %dma_start3A_307] : memref<32x80xi32, #tpu.memory_space<vmem>> -> memref<1x80xi32, #tpu.memory_space<vmem>>
        %dma_start3A_309 = tpu.memref_squeeze %dma_start3A_308 : memref<1x80xi32, #tpu.memory_space<vmem>> -> memref<80xi32, #tpu.memory_space<vmem>>
        %dma_start3A_310 = arith.constant 0 : i32
        %dma_start3A_311 = arith.constant 0 : i32
        %dma_start3A_312 = tpu.memref_slice %arg14[%dma_start3A_310, %dma_start3A_311] : memref<10240x128xf32, #tpu.memory_space<vmem_shared>> -> memref<10240x128xf32, #tpu.memory_space<vmem_shared>>
        tpu.enqueue_indirect_dma source(%arg13 : memref<80x128xf32, #tpu.memory_space<vmem>>) target(%dma_start3A_312 : memref<10240x128xf32, #tpu.memory_space<vmem_shared>>) offsets(%dma_start3A_309 : memref<80xi32, #tpu.memory_space<vmem>>) semaphore(%run_scoped3A_306 : memref<!tpu.dma_semaphore, #tpu.memory_space<semaphore_mem>>) {add = true}
        %dma_wait3A_313 = arith.constant 0 : i32
        %dma_wait3A_314 = tpu.memref_slice %arg9[%add3A_281, %dma_wait3A_313] : memref<32x80xi32, #tpu.memory_space<vmem>> -> memref<1x80xi32, #tpu.memory_space<vmem>>
        %dma_wait3A_315 = tpu.memref_squeeze %dma_wait3A_314 : memref<1x80xi32, #tpu.memory_space<vmem>> -> memref<80xi32, #tpu.memory_space<vmem>>
        %dma_wait3A_316 = arith.constant 0 : i32
        %dma_wait3A_317 = arith.constant 0 : i32
        %dma_wait3A_318 = tpu.memref_slice %arg14[%dma_wait3A_316, %dma_wait3A_317] : memref<10240x128xf32, #tpu.memory_space<vmem_shared>> -> memref<10240x128xf32, #tpu.memory_space<vmem_shared>>
        tpu.wait_indirect_dma semaphore(%run_scoped3A_306 : memref<!tpu.dma_semaphore, #tpu.memory_space<semaphore_mem>>) src(%arg13 : memref<80x128xf32, #tpu.memory_space<vmem>>) dst(%dma_wait3A_318 : memref<10240x128xf32, #tpu.memory_space<vmem_shared>>)
        tpu.yield
      }) : () -> ()
      %add3A_288 = arith.constant 2 : i32
      %add3A_289 = arith.addi %mul3A_251, %add3A_288 : i32
      %add3A_290 = arith.constant 2 : i32
      %add3A_291 = arith.addi %add3A_289, %add3A_290 : i32
      %dma_start3A_292 = arith.constant 0 : i32
      %dma_start3A_293 = tpu.memref_slice %arg7[%add3A_291, %dma_start3A_292] : memref<32x80xi32, #tpu.memory_space<vmem>> -> memref<1x80xi32, #tpu.memory_space<vmem>>
      %dma_start3A_294 = tpu.memref_squeeze %dma_start3A_293 : memref<1x80xi32, #tpu.memory_space<vmem>> -> memref<80xi32, #tpu.memory_space<vmem>>
      %dma_start3A_295 = arith.constant 0 : i32
      %dma_start3A_296 = arith.constant 0 : i32
      %dma_start3A_297 = tpu.memref_slice %arg2[%dma_start3A_295, %dma_start3A_296] : memref<10000x128xf32, #tpu.memory_space<hbm>> -> memref<10000x128xf32, #tpu.memory_space<hbm>>
      tpu.enqueue_indirect_dma source(%dma_start3A_297 : memref<10000x128xf32, #tpu.memory_space<hbm>>) target(%arg13 : memref<80x128xf32, #tpu.memory_space<vmem>>) offsets(%dma_start3A_294 : memref<80xi32, #tpu.memory_space<vmem>>) semaphore(%arg17 : memref<!tpu.dma_semaphore, #tpu.memory_space<semaphore_mem>>)
      %add3A_298 = arith.constant 2 : i32
      %add3A_299 = arith.addi %mul3A_251, %add3A_298 : i32
      %dma_wait3A_300 = arith.constant 0 : i32
      %dma_wait3A_301 = tpu.memref_slice %arg7[%add3A_299, %dma_wait3A_300] : memref<32x80xi32, #tpu.memory_space<vmem>> -> memref<1x80xi32, #tpu.memory_space<vmem>>
      %dma_wait3A_302 = tpu.memref_squeeze %dma_wait3A_301 : memref<1x80xi32, #tpu.memory_space<vmem>> -> memref<80xi32, #tpu.memory_space<vmem>>
      %dma_wait3A_303 = arith.constant 0 : i32
      %dma_wait3A_304 = arith.constant 0 : i32
      %dma_wait3A_305 = tpu.memref_slice %arg2[%dma_wait3A_303, %dma_wait3A_304] : memref<10000x128xf32, #tpu.memory_space<hbm>> -> memref<10000x128xf32, #tpu.memory_space<hbm>>
      tpu.wait_indirect_dma semaphore(%arg15 : memref<!tpu.dma_semaphore, #tpu.memory_space<semaphore_mem>>) src(%dma_wait3A_305 : memref<10000x128xf32, #tpu.memory_space<hbm>>) dst(%arg11 : memref<80x128xf32, #tpu.memory_space<vmem>>)
      "tpu.region"() ({
        %run_scoped3A_306 = tpu.sem_alloc : memref<!tpu.dma_semaphore, #tpu.memory_space<semaphore_mem>>
        %dma_start3A_307 = arith.constant 0 : i32
        %dma_start3A_308 = tpu.memref_slice %arg9[%add3A_299, %dma_start3A_307] : memref<32x80xi32, #tpu.memory_space<vmem>> -> memref<1x80xi32, #tpu.memory_space<vmem>>
        %dma_start3A_309 = tpu.memref_squeeze %dma_start3A_308 : memref<1x80xi32, #tpu.memory_space<vmem>> -> memref<80xi32, #tpu.memory_space<vmem>>
        %dma_start3A_310 = arith.constant 0 : i32
        %dma_start3A_311 = arith.constant 0 : i32
        %dma_start3A_312 = tpu.memref_slice %arg14[%dma_start3A_310, %dma_start3A_311] : memref<10240x128xf32, #tpu.memory_space<vmem_shared>> -> memref<10240x128xf32, #tpu.memory_space<vmem_shared>>
        tpu.enqueue_indirect_dma source(%arg11 : memref<80x128xf32, #tpu.memory_space<vmem>>) target(%dma_start3A_312 : memref<10240x128xf32, #tpu.memory_space<vmem_shared>>) offsets(%dma_start3A_309 : memref<80xi32, #tpu.memory_space<vmem>>) semaphore(%run_scoped3A_306 : memref<!tpu.dma_semaphore, #tpu.memory_space<semaphore_mem>>) {add = true}
        %dma_wait3A_313 = arith.constant 0 : i32
        %dma_wait3A_314 = tpu.memref_slice %arg9[%add3A_299, %dma_wait3A_313] : memref<32x80xi32, #tpu.memory_space<vmem>> -> memref<1x80xi32, #tpu.memory_space<vmem>>
        %dma_wait3A_315 = tpu.memref_squeeze %dma_wait3A_314 : memref<1x80xi32, #tpu.memory_space<vmem>> -> memref<80xi32, #tpu.memory_space<vmem>>
        %dma_wait3A_316 = arith.constant 0 : i32
        %dma_wait3A_317 = arith.constant 0 : i32
        %dma_wait3A_318 = tpu.memref_slice %arg14[%dma_wait3A_316, %dma_wait3A_317] : memref<10240x128xf32, #tpu.memory_space<vmem_shared>> -> memref<10240x128xf32, #tpu.memory_space<vmem_shared>>
        tpu.wait_indirect_dma semaphore(%run_scoped3A_306 : memref<!tpu.dma_semaphore, #tpu.memory_space<semaphore_mem>>) src(%arg11 : memref<80x128xf32, #tpu.memory_space<vmem>>) dst(%dma_wait3A_318 : memref<10240x128xf32, #tpu.memory_space<vmem_shared>>)
        tpu.yield
      }) : () -> ()
    }
    %scan3A_172 = arith.constant 10 : i32
    %dma_wait3A_173 = arith.constant 96 : i32
    %dma_wait3A_174 = arith.constant 0 : i32
    %dma_wait3A_175 = tpu.memref_slice %arg3[%add3A, %dma_wait3A_173, %dma_wait3A_174] : memref<32x128x80xi32, #tpu.memory_space<hbm>> -> memref<1x32x80xi32, #tpu.memory_space<hbm>>
    %dma_wait3A_176 = tpu.memref_squeeze %dma_wait3A_175 : memref<1x32x80xi32, #tpu.memory_space<hbm>> -> memref<32x80xi32, #tpu.memory_space<hbm>>
    %dma_wait3A_177 = arith.constant 96 : i32
    %dma_wait3A_178 = arith.constant 0 : i32
    %dma_wait3A_179 = tpu.memref_slice %arg3[%add3A, %dma_wait3A_177, %dma_wait3A_178] : memref<32x128x80xi32, #tpu.memory_space<hbm>> -> memref<1x32x80xi32, #tpu.memory_space<hbm>>
    %dma_wait3A_180 = tpu.memref_squeeze %dma_wait3A_179 : memref<1x32x80xi32, #tpu.memory_space<hbm>> -> memref<32x80xi32, #tpu.memory_space<hbm>>
    tpu.wait_dma2 semaphore(%arg18 : memref<!tpu.dma_semaphore, #tpu.memory_space<semaphore_mem>>) src(%dma_wait3A_180 : memref<32x80xi32, #tpu.memory_space<hbm>>) dst(%arg8 : memref<32x80xi32, #tpu.memory_space<vmem>>)
    %dma_wait3A_181 = arith.constant 96 : i32
    %dma_wait3A_182 = arith.constant 0 : i32
    %dma_wait3A_183 = tpu.memref_slice %arg4[%add3A, %dma_wait3A_181, %dma_wait3A_182] : memref<32x128x80xi32, #tpu.memory_space<hbm>> -> memref<1x32x80xi32, #tpu.memory_space<hbm>>
    %dma_wait3A_184 = tpu.memref_squeeze %dma_wait3A_183 : memref<1x32x80xi32, #tpu.memory_space<hbm>> -> memref<32x80xi32, #tpu.memory_space<hbm>>
    %dma_wait3A_185 = arith.constant 96 : i32
    %dma_wait3A_186 = arith.constant 0 : i32
    %dma_wait3A_187 = tpu.memref_slice %arg4[%add3A, %dma_wait3A_185, %dma_wait3A_186] : memref<32x128x80xi32, #tpu.memory_space<hbm>> -> memref<1x32x80xi32, #tpu.memory_space<hbm>>
    %dma_wait3A_188 = tpu.memref_squeeze %dma_wait3A_187 : memref<1x32x80xi32, #tpu.memory_space<hbm>> -> memref<32x80xi32, #tpu.memory_space<hbm>>
    tpu.wait_dma2 semaphore(%arg19 : memref<!tpu.dma_semaphore, #tpu.memory_space<semaphore_mem>>) src(%dma_wait3A_188 : memref<32x80xi32, #tpu.memory_space<hbm>>) dst(%arg10 : memref<32x80xi32, #tpu.memory_space<vmem>>)
    %dma_start3A_189 = arith.constant 0 : i32
    %dma_start3A_190 = arith.constant 0 : i32
    %dma_start3A_191 = tpu.memref_slice %arg8[%dma_start3A_189, %dma_start3A_190] : memref<32x80xi32, #tpu.memory_space<vmem>> -> memref<1x80xi32, #tpu.memory_space<vmem>>
    %dma_start3A_192 = tpu.memref_squeeze %dma_start3A_191 : memref<1x80xi32, #tpu.memory_space<vmem>> -> memref<80xi32, #tpu.memory_space<vmem>>
    %dma_start3A_193 = arith.constant 0 : i32
    %dma_start3A_194 = arith.constant 0 : i32
    %dma_start3A_195 = tpu.memref_slice %arg2[%dma_start3A_193, %dma_start3A_194] : memref<10000x128xf32, #tpu.memory_space<hbm>> -> memref<10000x128xf32, #tpu.memory_space<hbm>>
    tpu.enqueue_indirect_dma source(%dma_start3A_195 : memref<10000x128xf32, #tpu.memory_space<hbm>>) target(%arg11 : memref<80x128xf32, #tpu.memory_space<vmem>>) offsets(%dma_start3A_192 : memref<80xi32, #tpu.memory_space<vmem>>) semaphore(%arg15 : memref<!tpu.dma_semaphore, #tpu.memory_space<semaphore_mem>>)
    %dma_wait3A_196 = arith.constant 30 : i32
    %dma_wait3A_197 = arith.constant 0 : i32
    %dma_wait3A_198 = tpu.memref_slice %arg7[%dma_wait3A_196, %dma_wait3A_197] : memref<32x80xi32, #tpu.memory_space<vmem>> -> memref<1x80xi32, #tpu.memory_space<vmem>>
    %dma_wait3A_199 = tpu.memref_squeeze %dma_wait3A_198 : memref<1x80xi32, #tpu.memory_space<vmem>> -> memref<80xi32, #tpu.memory_space<vmem>>
    %dma_wait3A_200 = arith.constant 0 : i32
    %dma_wait3A_201 = arith.constant 0 : i32
    %dma_wait3A_202 = tpu.memref_slice %arg2[%dma_wait3A_200, %dma_wait3A_201] : memref<10000x128xf32, #tpu.memory_space<hbm>> -> memref<10000x128xf32, #tpu.memory_space<hbm>>
    tpu.wait_indirect_dma semaphore(%arg16 : memref<!tpu.dma_semaphore, #tpu.memory_space<semaphore_mem>>) src(%dma_wait3A_202 : memref<10000x128xf32, #tpu.memory_space<hbm>>) dst(%arg12 : memref<80x128xf32, #tpu.memory_space<vmem>>)
    %run_scoped3A_203 = arith.constant 30 : i32
    "tpu.region"() ({
      %run_scoped3A_249 = tpu.sem_alloc : memref<!tpu.dma_semaphore, #tpu.memory_space<semaphore_mem>>
      %dma_start3A_250 = arith.constant 0 : i32
      %dma_start3A_251 = tpu.memref_slice %arg9[%run_scoped3A_203, %dma_start3A_250] : memref<32x80xi32, #tpu.memory_space<vmem>> -> memref<1x80xi32, #tpu.memory_space<vmem>>
      %dma_start3A_252 = tpu.memref_squeeze %dma_start3A_251 : memref<1x80xi32, #tpu.memory_space<vmem>> -> memref<80xi32, #tpu.memory_space<vmem>>
      %dma_start3A_253 = arith.constant 0 : i32
      %dma_start3A_254 = arith.constant 0 : i32
      %dma_start3A_255 = tpu.memref_slice %arg14[%dma_start3A_253, %dma_start3A_254] : memref<10240x128xf32, #tpu.memory_space<vmem_shared>> -> memref<10240x128xf32, #tpu.memory_space<vmem_shared>>
      tpu.enqueue_indirect_dma source(%arg12 : memref<80x128xf32, #tpu.memory_space<vmem>>) target(%dma_start3A_255 : memref<10240x128xf32, #tpu.memory_space<vmem_shared>>) offsets(%dma_start3A_252 : memref<80xi32, #tpu.memory_space<vmem>>) semaphore(%run_scoped3A_249 : memref<!tpu.dma_semaphore, #tpu.memory_space<semaphore_mem>>) {add = true}
      %dma_wait3A_256 = arith.constant 0 : i32
      %dma_wait3A_257 = tpu.memref_slice %arg9[%run_scoped3A_203, %dma_wait3A_256] : memref<32x80xi32, #tpu.memory_space<vmem>> -> memref<1x80xi32, #tpu.memory_space<vmem>>
      %dma_wait3A_258 = tpu.memref_squeeze %dma_wait3A_257 : memref<1x80xi32, #tpu.memory_space<vmem>> -> memref<80xi32, #tpu.memory_space<vmem>>
      %dma_wait3A_259 = arith.constant 0 : i32
      %dma_wait3A_260 = arith.constant 0 : i32
      %dma_wait3A_261 = tpu.memref_slice %arg14[%dma_wait3A_259, %dma_wait3A_260] : memref<10240x128xf32, #tpu.memory_space<vmem_shared>> -> memref<10240x128xf32, #tpu.memory_space<vmem_shared>>
      tpu.wait_indirect_dma semaphore(%run_scoped3A_249 : memref<!tpu.dma_semaphore, #tpu.memory_space<semaphore_mem>>) src(%arg12 : memref<80x128xf32, #tpu.memory_space<vmem>>) dst(%dma_wait3A_261 : memref<10240x128xf32, #tpu.memory_space<vmem_shared>>)
      tpu.yield
    }) : () -> ()
    %dma_start3A_204 = arith.constant 1 : i32
    %dma_start3A_205 = arith.constant 0 : i32
    %dma_start3A_206 = tpu.memref_slice %arg8[%dma_start3A_204, %dma_start3A_205] : memref<32x80xi32, #tpu.memory_space<vmem>> -> memref<1x80xi32, #tpu.memory_space<vmem>>
    %dma_start3A_207 = tpu.memref_squeeze %dma_start3A_206 : memref<1x80xi32, #tpu.memory_space<vmem>> -> memref<80xi32, #tpu.memory_space<vmem>>
    %dma_start3A_208 = arith.constant 0 : i32
    %dma_start3A_209 = arith.constant 0 : i32
    %dma_start3A_210 = tpu.memref_slice %arg2[%dma_start3A_208, %dma_start3A_209] : memref<10000x128xf32, #tpu.memory_space<hbm>> -> memref<10000x128xf32, #tpu.memory_space<hbm>>
    tpu.enqueue_indirect_dma source(%dma_start3A_210 : memref<10000x128xf32, #tpu.memory_space<hbm>>) target(%arg12 : memref<80x128xf32, #tpu.memory_space<vmem>>) offsets(%dma_start3A_207 : memref<80xi32, #tpu.memory_space<vmem>>) semaphore(%arg16 : memref<!tpu.dma_semaphore, #tpu.memory_space<semaphore_mem>>)
    %dma_wait3A_211 = arith.constant 31 : i32
    %dma_wait3A_212 = arith.constant 0 : i32
    %dma_wait3A_213 = tpu.memref_slice %arg7[%dma_wait3A_211, %dma_wait3A_212] : memref<32x80xi32, #tpu.memory_space<vmem>> -> memref<1x80xi32, #tpu.memory_space<vmem>>
    %dma_wait3A_214 = tpu.memref_squeeze %dma_wait3A_213 : memref<1x80xi32, #tpu.memory_space<vmem>> -> memref<80xi32, #tpu.memory_space<vmem>>
    %dma_wait3A_215 = arith.constant 0 : i32
    %dma_wait3A_216 = arith.constant 0 : i32
    %dma_wait3A_217 = tpu.memref_slice %arg2[%dma_wait3A_215, %dma_wait3A_216] : memref<10000x128xf32, #tpu.memory_space<hbm>> -> memref<10000x128xf32, #tpu.memory_space<hbm>>
    tpu.wait_indirect_dma semaphore(%arg17 : memref<!tpu.dma_semaphore, #tpu.memory_space<semaphore_mem>>) src(%dma_wait3A_217 : memref<10000x128xf32, #tpu.memory_space<hbm>>) dst(%arg13 : memref<80x128xf32, #tpu.memory_space<vmem>>)
    %run_scoped3A_218 = arith.constant 31 : i32
    "tpu.region"() ({
      %run_scoped3A_249 = tpu.sem_alloc : memref<!tpu.dma_semaphore, #tpu.memory_space<semaphore_mem>>
      %dma_start3A_250 = arith.constant 0 : i32
      %dma_start3A_251 = tpu.memref_slice %arg9[%run_scoped3A_218, %dma_start3A_250] : memref<32x80xi32, #tpu.memory_space<vmem>> -> memref<1x80xi32, #tpu.memory_space<vmem>>
      %dma_start3A_252 = tpu.memref_squeeze %dma_start3A_251 : memref<1x80xi32, #tpu.memory_space<vmem>> -> memref<80xi32, #tpu.memory_space<vmem>>
      %dma_start3A_253 = arith.constant 0 : i32
      %dma_start3A_254 = arith.constant 0 : i32
      %dma_start3A_255 = tpu.memref_slice %arg14[%dma_start3A_253, %dma_start3A_254] : memref<10240x128xf32, #tpu.memory_space<vmem_shared>> -> memref<10240x128xf32, #tpu.memory_space<vmem_shared>>
      tpu.enqueue_indirect_dma source(%arg13 : memref<80x128xf32, #tpu.memory_space<vmem>>) target(%dma_start3A_255 : memref<10240x128xf32, #tpu.memory_space<vmem_shared>>) offsets(%dma_start3A_252 : memref<80xi32, #tpu.memory_space<vmem>>) semaphore(%run_scoped3A_249 : memref<!tpu.dma_semaphore, #tpu.memory_space<semaphore_mem>>) {add = true}
      %dma_wait3A_256 = arith.constant 0 : i32
      %dma_wait3A_257 = tpu.memref_slice %arg9[%run_scoped3A_218, %dma_wait3A_256] : memref<32x80xi32, #tpu.memory_space<vmem>> -> memref<1x80xi32, #tpu.memory_space<vmem>>
      %dma_wait3A_258 = tpu.memref_squeeze %dma_wait3A_257 : memref<1x80xi32, #tpu.memory_space<vmem>> -> memref<80xi32, #tpu.memory_space<vmem>>
      %dma_wait3A_259 = arith.constant 0 : i32
      %dma_wait3A_260 = arith.constant 0 : i32
      %dma_wait3A_261 = tpu.memref_slice %arg14[%dma_wait3A_259, %dma_wait3A_260] : memref<10240x128xf32, #tpu.memory_space<vmem_shared>> -> memref<10240x128xf32, #tpu.memory_space<vmem_shared>>
      tpu.wait_indirect_dma semaphore(%run_scoped3A_249 : memref<!tpu.dma_semaphore, #tpu.memory_space<semaphore_mem>>) src(%arg13 : memref<80x128xf32, #tpu.memory_space<vmem>>) dst(%dma_wait3A_261 : memref<10240x128xf32, #tpu.memory_space<vmem_shared>>)
      tpu.yield
    }) : () -> ()
    %scan3A_219 = arith.constant 0 : i32
    %scan3A_220 = arith.constant 0 : i32
    %scan3A_221 = arith.constant 10 : i32
    %scan3A_222 = arith.addi %scan3A_220, %scan3A_221 : i32
    %scan3A_223 = arith.constant 1 : i32
    scf.for %scan3A_249 = %scan3A_220 to %scan3A_222 step %scan3A_223  : i32 {
      %mul3A_250 = arith.constant 3 : i32
      %mul3A_251 = arith.muli %mul3A_250, %scan3A_249 : i32
      %add3A_252 = arith.constant 0 : i32
      %add3A_253 = arith.addi %mul3A_251, %add3A_252 : i32
      %add3A_254 = arith.constant 2 : i32
      %add3A_255 = arith.addi %add3A_253, %add3A_254 : i32
      %dma_start3A_256 = arith.constant 0 : i32
      %dma_start3A_257 = tpu.memref_slice %arg8[%add3A_255, %dma_start3A_256] : memref<32x80xi32, #tpu.memory_space<vmem>> -> memref<1x80xi32, #tpu.memory_space<vmem>>
      %dma_start3A_258 = tpu.memref_squeeze %dma_start3A_257 : memref<1x80xi32, #tpu.memory_space<vmem>> -> memref<80xi32, #tpu.memory_space<vmem>>
      %dma_start3A_259 = arith.constant 0 : i32
      %dma_start3A_260 = arith.constant 0 : i32
      %dma_start3A_261 = tpu.memref_slice %arg2[%dma_start3A_259, %dma_start3A_260] : memref<10000x128xf32, #tpu.memory_space<hbm>> -> memref<10000x128xf32, #tpu.memory_space<hbm>>
      tpu.enqueue_indirect_dma source(%dma_start3A_261 : memref<10000x128xf32, #tpu.memory_space<hbm>>) target(%arg13 : memref<80x128xf32, #tpu.memory_space<vmem>>) offsets(%dma_start3A_258 : memref<80xi32, #tpu.memory_space<vmem>>) semaphore(%arg17 : memref<!tpu.dma_semaphore, #tpu.memory_space<semaphore_mem>>)
      %add3A_262 = arith.constant 0 : i32
      %add3A_263 = arith.addi %mul3A_251, %add3A_262 : i32
      %dma_wait3A_264 = arith.constant 0 : i32
      %dma_wait3A_265 = tpu.memref_slice %arg8[%add3A_263, %dma_wait3A_264] : memref<32x80xi32, #tpu.memory_space<vmem>> -> memref<1x80xi32, #tpu.memory_space<vmem>>
      %dma_wait3A_266 = tpu.memref_squeeze %dma_wait3A_265 : memref<1x80xi32, #tpu.memory_space<vmem>> -> memref<80xi32, #tpu.memory_space<vmem>>
      %dma_wait3A_267 = arith.constant 0 : i32
      %dma_wait3A_268 = arith.constant 0 : i32
      %dma_wait3A_269 = tpu.memref_slice %arg2[%dma_wait3A_267, %dma_wait3A_268] : memref<10000x128xf32, #tpu.memory_space<hbm>> -> memref<10000x128xf32, #tpu.memory_space<hbm>>
      tpu.wait_indirect_dma semaphore(%arg15 : memref<!tpu.dma_semaphore, #tpu.memory_space<semaphore_mem>>) src(%dma_wait3A_269 : memref<10000x128xf32, #tpu.memory_space<hbm>>) dst(%arg11 : memref<80x128xf32, #tpu.memory_space<vmem>>)
      "tpu.region"() ({
        %run_scoped3A_306 = tpu.sem_alloc : memref<!tpu.dma_semaphore, #tpu.memory_space<semaphore_mem>>
        %dma_start3A_307 = arith.constant 0 : i32
        %dma_start3A_308 = tpu.memref_slice %arg10[%add3A_263, %dma_start3A_307] : memref<32x80xi32, #tpu.memory_space<vmem>> -> memref<1x80xi32, #tpu.memory_space<vmem>>
        %dma_start3A_309 = tpu.memref_squeeze %dma_start3A_308 : memref<1x80xi32, #tpu.memory_space<vmem>> -> memref<80xi32, #tpu.memory_space<vmem>>
        %dma_start3A_310 = arith.constant 0 : i32
        %dma_start3A_311 = arith.constant 0 : i32
        %dma_start3A_312 = tpu.memref_slice %arg14[%dma_start3A_310, %dma_start3A_311] : memref<10240x128xf32, #tpu.memory_space<vmem_shared>> -> memref<10240x128xf32, #tpu.memory_space<vmem_shared>>
        tpu.enqueue_indirect_dma source(%arg11 : memref<80x128xf32, #tpu.memory_space<vmem>>) target(%dma_start3A_312 : memref<10240x128xf32, #tpu.memory_space<vmem_shared>>) offsets(%dma_start3A_309 : memref<80xi32, #tpu.memory_space<vmem>>) semaphore(%run_scoped3A_306 : memref<!tpu.dma_semaphore, #tpu.memory_space<semaphore_mem>>) {add = true}
        %dma_wait3A_313 = arith.constant 0 : i32
        %dma_wait3A_314 = tpu.memref_slice %arg10[%add3A_263, %dma_wait3A_313] : memref<32x80xi32, #tpu.memory_space<vmem>> -> memref<1x80xi32, #tpu.memory_space<vmem>>
        %dma_wait3A_315 = tpu.memref_squeeze %dma_wait3A_314 : memref<1x80xi32, #tpu.memory_space<vmem>> -> memref<80xi32, #tpu.memory_space<vmem>>
        %dma_wait3A_316 = arith.constant 0 : i32
        %dma_wait3A_317 = arith.constant 0 : i32
        %dma_wait3A_318 = tpu.memref_slice %arg14[%dma_wait3A_316, %dma_wait3A_317] : memref<10240x128xf32, #tpu.memory_space<vmem_shared>> -> memref<10240x128xf32, #tpu.memory_space<vmem_shared>>
        tpu.wait_indirect_dma semaphore(%run_scoped3A_306 : memref<!tpu.dma_semaphore, #tpu.memory_space<semaphore_mem>>) src(%arg11 : memref<80x128xf32, #tpu.memory_space<vmem>>) dst(%dma_wait3A_318 : memref<10240x128xf32, #tpu.memory_space<vmem_shared>>)
        tpu.yield
      }) : () -> ()
      %add3A_270 = arith.constant 1 : i32
      %add3A_271 = arith.addi %mul3A_251, %add3A_270 : i32
      %add3A_272 = arith.constant 2 : i32
      %add3A_273 = arith.addi %add3A_271, %add3A_272 : i32
      %dma_start3A_274 = arith.constant 0 : i32
      %dma_start3A_275 = tpu.memref_slice %arg8[%add3A_273, %dma_start3A_274] : memref<32x80xi32, #tpu.memory_space<vmem>> -> memref<1x80xi32, #tpu.memory_space<vmem>>
      %dma_start3A_276 = tpu.memref_squeeze %dma_start3A_275 : memref<1x80xi32, #tpu.memory_space<vmem>> -> memref<80xi32, #tpu.memory_space<vmem>>
      %dma_start3A_277 = arith.constant 0 : i32
      %dma_start3A_278 = arith.constant 0 : i32
      %dma_start3A_279 = tpu.memref_slice %arg2[%dma_start3A_277, %dma_start3A_278] : memref<10000x128xf32, #tpu.memory_space<hbm>> -> memref<10000x128xf32, #tpu.memory_space<hbm>>
      tpu.enqueue_indirect_dma source(%dma_start3A_279 : memref<10000x128xf32, #tpu.memory_space<hbm>>) target(%arg11 : memref<80x128xf32, #tpu.memory_space<vmem>>) offsets(%dma_start3A_276 : memref<80xi32, #tpu.memory_space<vmem>>) semaphore(%arg15 : memref<!tpu.dma_semaphore, #tpu.memory_space<semaphore_mem>>)
      %add3A_280 = arith.constant 1 : i32
      %add3A_281 = arith.addi %mul3A_251, %add3A_280 : i32
      %dma_wait3A_282 = arith.constant 0 : i32
      %dma_wait3A_283 = tpu.memref_slice %arg8[%add3A_281, %dma_wait3A_282] : memref<32x80xi32, #tpu.memory_space<vmem>> -> memref<1x80xi32, #tpu.memory_space<vmem>>
      %dma_wait3A_284 = tpu.memref_squeeze %dma_wait3A_283 : memref<1x80xi32, #tpu.memory_space<vmem>> -> memref<80xi32, #tpu.memory_space<vmem>>
      %dma_wait3A_285 = arith.constant 0 : i32
      %dma_wait3A_286 = arith.constant 0 : i32
      %dma_wait3A_287 = tpu.memref_slice %arg2[%dma_wait3A_285, %dma_wait3A_286] : memref<10000x128xf32, #tpu.memory_space<hbm>> -> memref<10000x128xf32, #tpu.memory_space<hbm>>
      tpu.wait_indirect_dma semaphore(%arg16 : memref<!tpu.dma_semaphore, #tpu.memory_space<semaphore_mem>>) src(%dma_wait3A_287 : memref<10000x128xf32, #tpu.memory_space<hbm>>) dst(%arg12 : memref<80x128xf32, #tpu.memory_space<vmem>>)
      "tpu.region"() ({
        %run_scoped3A_306 = tpu.sem_alloc : memref<!tpu.dma_semaphore, #tpu.memory_space<semaphore_mem>>
        %dma_start3A_307 = arith.constant 0 : i32
        %dma_start3A_308 = tpu.memref_slice %arg10[%add3A_281, %dma_start3A_307] : memref<32x80xi32, #tpu.memory_space<vmem>> -> memref<1x80xi32, #tpu.memory_space<vmem>>
        %dma_start3A_309 = tpu.memref_squeeze %dma_start3A_308 : memref<1x80xi32, #tpu.memory_space<vmem>> -> memref<80xi32, #tpu.memory_space<vmem>>
        %dma_start3A_310 = arith.constant 0 : i32
        %dma_start3A_311 = arith.constant 0 : i32
        %dma_start3A_312 = tpu.memref_slice %arg14[%dma_start3A_310, %dma_start3A_311] : memref<10240x128xf32, #tpu.memory_space<vmem_shared>> -> memref<10240x128xf32, #tpu.memory_space<vmem_shared>>
        tpu.enqueue_indirect_dma source(%arg12 : memref<80x128xf32, #tpu.memory_space<vmem>>) target(%dma_start3A_312 : memref<10240x128xf32, #tpu.memory_space<vmem_shared>>) offsets(%dma_start3A_309 : memref<80xi32, #tpu.memory_space<vmem>>) semaphore(%run_scoped3A_306 : memref<!tpu.dma_semaphore, #tpu.memory_space<semaphore_mem>>) {add = true}
        %dma_wait3A_313 = arith.constant 0 : i32
        %dma_wait3A_314 = tpu.memref_slice %arg10[%add3A_281, %dma_wait3A_313] : memref<32x80xi32, #tpu.memory_space<vmem>> -> memref<1x80xi32, #tpu.memory_space<vmem>>
        %dma_wait3A_315 = tpu.memref_squeeze %dma_wait3A_314 : memref<1x80xi32, #tpu.memory_space<vmem>> -> memref<80xi32, #tpu.memory_space<vmem>>
        %dma_wait3A_316 = arith.constant 0 : i32
        %dma_wait3A_317 = arith.constant 0 : i32
        %dma_wait3A_318 = tpu.memref_slice %arg14[%dma_wait3A_316, %dma_wait3A_317] : memref<10240x128xf32, #tpu.memory_space<vmem_shared>> -> memref<10240x128xf32, #tpu.memory_space<vmem_shared>>
        tpu.wait_indirect_dma semaphore(%run_scoped3A_306 : memref<!tpu.dma_semaphore, #tpu.memory_space<semaphore_mem>>) src(%arg12 : memref<80x128xf32, #tpu.memory_space<vmem>>) dst(%dma_wait3A_318 : memref<10240x128xf32, #tpu.memory_space<vmem_shared>>)
        tpu.yield
      }) : () -> ()
      %add3A_288 = arith.constant 2 : i32
      %add3A_289 = arith.addi %mul3A_251, %add3A_288 : i32
      %add3A_290 = arith.constant 2 : i32
      %add3A_291 = arith.addi %add3A_289, %add3A_290 : i32
      %dma_start3A_292 = arith.constant 0 : i32
      %dma_start3A_293 = tpu.memref_slice %arg8[%add3A_291, %dma_start3A_292] : memref<32x80xi32, #tpu.memory_space<vmem>> -> memref<1x80xi32, #tpu.memory_space<vmem>>
      %dma_start3A_294 = tpu.memref_squeeze %dma_start3A_293 : memref<1x80xi32, #tpu.memory_space<vmem>> -> memref<80xi32, #tpu.memory_space<vmem>>
      %dma_start3A_295 = arith.constant 0 : i32
      %dma_start3A_296 = arith.constant 0 : i32
      %dma_start3A_297 = tpu.memref_slice %arg2[%dma_start3A_295, %dma_start3A_296] : memref<10000x128xf32, #tpu.memory_space<hbm>> -> memref<10000x128xf32, #tpu.memory_space<hbm>>
      tpu.enqueue_indirect_dma source(%dma_start3A_297 : memref<10000x128xf32, #tpu.memory_space<hbm>>) target(%arg12 : memref<80x128xf32, #tpu.memory_space<vmem>>) offsets(%dma_start3A_294 : memref<80xi32, #tpu.memory_space<vmem>>) semaphore(%arg16 : memref<!tpu.dma_semaphore, #tpu.memory_space<semaphore_mem>>)
      %add3A_298 = arith.constant 2 : i32
      %add3A_299 = arith.addi %mul3A_251, %add3A_298 : i32
      %dma_wait3A_300 = arith.constant 0 : i32
      %dma_wait3A_301 = tpu.memref_slice %arg8[%add3A_299, %dma_wait3A_300] : memref<32x80xi32, #tpu.memory_space<vmem>> -> memref<1x80xi32, #tpu.memory_space<vmem>>
      %dma_wait3A_302 = tpu.memref_squeeze %dma_wait3A_301 : memref<1x80xi32, #tpu.memory_space<vmem>> -> memref<80xi32, #tpu.memory_space<vmem>>
      %dma_wait3A_303 = arith.constant 0 : i32
      %dma_wait3A_304 = arith.constant 0 : i32
      %dma_wait3A_305 = tpu.memref_slice %arg2[%dma_wait3A_303, %dma_wait3A_304] : memref<10000x128xf32, #tpu.memory_space<hbm>> -> memref<10000x128xf32, #tpu.memory_space<hbm>>
      tpu.wait_indirect_dma semaphore(%arg17 : memref<!tpu.dma_semaphore, #tpu.memory_space<semaphore_mem>>) src(%dma_wait3A_305 : memref<10000x128xf32, #tpu.memory_space<hbm>>) dst(%arg13 : memref<80x128xf32, #tpu.memory_space<vmem>>)
      "tpu.region"() ({
        %run_scoped3A_306 = tpu.sem_alloc : memref<!tpu.dma_semaphore, #tpu.memory_space<semaphore_mem>>
        %dma_start3A_307 = arith.constant 0 : i32
        %dma_start3A_308 = tpu.memref_slice %arg10[%add3A_299, %dma_start3A_307] : memref<32x80xi32, #tpu.memory_space<vmem>> -> memref<1x80xi32, #tpu.memory_space<vmem>>
        %dma_start3A_309 = tpu.memref_squeeze %dma_start3A_308 : memref<1x80xi32, #tpu.memory_space<vmem>> -> memref<80xi32, #tpu.memory_space<vmem>>
        %dma_start3A_310 = arith.constant 0 : i32
        %dma_start3A_311 = arith.constant 0 : i32
        %dma_start3A_312 = tpu.memref_slice %arg14[%dma_start3A_310, %dma_start3A_311] : memref<10240x128xf32, #tpu.memory_space<vmem_shared>> -> memref<10240x128xf32, #tpu.memory_space<vmem_shared>>
        tpu.enqueue_indirect_dma source(%arg13 : memref<80x128xf32, #tpu.memory_space<vmem>>) target(%dma_start3A_312 : memref<10240x128xf32, #tpu.memory_space<vmem_shared>>) offsets(%dma_start3A_309 : memref<80xi32, #tpu.memory_space<vmem>>) semaphore(%run_scoped3A_306 : memref<!tpu.dma_semaphore, #tpu.memory_space<semaphore_mem>>) {add = true}
        %dma_wait3A_313 = arith.constant 0 : i32
        %dma_wait3A_314 = tpu.memref_slice %arg10[%add3A_299, %dma_wait3A_313] : memref<32x80xi32, #tpu.memory_space<vmem>> -> memref<1x80xi32, #tpu.memory_space<vmem>>
        %dma_wait3A_315 = tpu.memref_squeeze %dma_wait3A_314 : memref<1x80xi32, #tpu.memory_space<vmem>> -> memref<80xi32, #tpu.memory_space<vmem>>
        %dma_wait3A_316 = arith.constant 0 : i32
        %dma_wait3A_317 = arith.constant 0 : i32
        %dma_wait3A_318 = tpu.memref_slice %arg14[%dma_wait3A_316, %dma_wait3A_317] : memref<10240x128xf32, #tpu.memory_space<vmem_shared>> -> memref<10240x128xf32, #tpu.memory_space<vmem_shared>>
        tpu.wait_indirect_dma semaphore(%run_scoped3A_306 : memref<!tpu.dma_semaphore, #tpu.memory_space<semaphore_mem>>) src(%arg13 : memref<80x128xf32, #tpu.memory_space<vmem>>) dst(%dma_wait3A_318 : memref<10240x128xf32, #tpu.memory_space<vmem_shared>>)
        tpu.yield
      }) : () -> ()
    }
    %scan3A_224 = arith.constant 10 : i32
    %dma_wait3A_225 = arith.constant 30 : i32
    %dma_wait3A_226 = arith.constant 0 : i32
    %dma_wait3A_227 = tpu.memref_slice %arg8[%dma_wait3A_225, %dma_wait3A_226] : memref<32x80xi32, #tpu.memory_space<vmem>> -> memref<1x80xi32, #tpu.memory_space<vmem>>
    %dma_wait3A_228 = tpu.memref_squeeze %dma_wait3A_227 : memref<1x80xi32, #tpu.memory_space<vmem>> -> memref<80xi32, #tpu.memory_space<vmem>>
    %dma_wait3A_229 = arith.constant 0 : i32
    %dma_wait3A_230 = arith.constant 0 : i32
    %dma_wait3A_231 = tpu.memref_slice %arg2[%dma_wait3A_229, %dma_wait3A_230] : memref<10000x128xf32, #tpu.memory_space<hbm>> -> memref<10000x128xf32, #tpu.memory_space<hbm>>
    tpu.wait_indirect_dma semaphore(%arg15 : memref<!tpu.dma_semaphore, #tpu.memory_space<semaphore_mem>>) src(%dma_wait3A_231 : memref<10000x128xf32, #tpu.memory_space<hbm>>) dst(%arg11 : memref<80x128xf32, #tpu.memory_space<vmem>>)
    %run_scoped3A_232 = arith.constant 30 : i32
    "tpu.region"() ({
      %run_scoped3A_249 = tpu.sem_alloc : memref<!tpu.dma_semaphore, #tpu.memory_space<semaphore_mem>>
      %dma_start3A_250 = arith.constant 0 : i32
      %dma_start3A_251 = tpu.memref_slice %arg10[%run_scoped3A_232, %dma_start3A_250] : memref<32x80xi32, #tpu.memory_space<vmem>> -> memref<1x80xi32, #tpu.memory_space<vmem>>
      %dma_start3A_252 = tpu.memref_squeeze %dma_start3A_251 : memref<1x80xi32, #tpu.memory_space<vmem>> -> memref<80xi32, #tpu.memory_space<vmem>>
      %dma_start3A_253 = arith.constant 0 : i32
      %dma_start3A_254 = arith.constant 0 : i32
      %dma_start3A_255 = tpu.memref_slice %arg14[%dma_start3A_253, %dma_start3A_254] : memref<10240x128xf32, #tpu.memory_space<vmem_shared>> -> memref<10240x128xf32, #tpu.memory_space<vmem_shared>>
      tpu.enqueue_indirect_dma source(%arg11 : memref<80x128xf32, #tpu.memory_space<vmem>>) target(%dma_start3A_255 : memref<10240x128xf32, #tpu.memory_space<vmem_shared>>) offsets(%dma_start3A_252 : memref<80xi32, #tpu.memory_space<vmem>>) semaphore(%run_scoped3A_249 : memref<!tpu.dma_semaphore, #tpu.memory_space<semaphore_mem>>) {add = true}
      %dma_wait3A_256 = arith.constant 0 : i32
      %dma_wait3A_257 = tpu.memref_slice %arg10[%run_scoped3A_232, %dma_wait3A_256] : memref<32x80xi32, #tpu.memory_space<vmem>> -> memref<1x80xi32, #tpu.memory_space<vmem>>
      %dma_wait3A_258 = tpu.memref_squeeze %dma_wait3A_257 : memref<1x80xi32, #tpu.memory_space<vmem>> -> memref<80xi32, #tpu.memory_space<vmem>>
      %dma_wait3A_259 = arith.constant 0 : i32
      %dma_wait3A_260 = arith.constant 0 : i32
      %dma_wait3A_261 = tpu.memref_slice %arg14[%dma_wait3A_259, %dma_wait3A_260] : memref<10240x128xf32, #tpu.memory_space<vmem_shared>> -> memref<10240x128xf32, #tpu.memory_space<vmem_shared>>
      tpu.wait_indirect_dma semaphore(%run_scoped3A_249 : memref<!tpu.dma_semaphore, #tpu.memory_space<semaphore_mem>>) src(%arg11 : memref<80x128xf32, #tpu.memory_space<vmem>>) dst(%dma_wait3A_261 : memref<10240x128xf32, #tpu.memory_space<vmem_shared>>)
      tpu.yield
    }) : () -> ()
    %dma_wait3A_233 = arith.constant 31 : i32
    %dma_wait3A_234 = arith.constant 0 : i32
    %dma_wait3A_235 = tpu.memref_slice %arg8[%dma_wait3A_233, %dma_wait3A_234] : memref<32x80xi32, #tpu.memory_space<vmem>> -> memref<1x80xi32, #tpu.memory_space<vmem>>
    %dma_wait3A_236 = tpu.memref_squeeze %dma_wait3A_235 : memref<1x80xi32, #tpu.memory_space<vmem>> -> memref<80xi32, #tpu.memory_space<vmem>>
    %dma_wait3A_237 = arith.constant 0 : i32
    %dma_wait3A_238 = arith.constant 0 : i32
    %dma_wait3A_239 = tpu.memref_slice %arg2[%dma_wait3A_237, %dma_wait3A_238] : memref<10000x128xf32, #tpu.memory_space<hbm>> -> memref<10000x128xf32, #tpu.memory_space<hbm>>
    tpu.wait_indirect_dma semaphore(%arg16 : memref<!tpu.dma_semaphore, #tpu.memory_space<semaphore_mem>>) src(%dma_wait3A_239 : memref<10000x128xf32, #tpu.memory_space<hbm>>) dst(%arg12 : memref<80x128xf32, #tpu.memory_space<vmem>>)
    %run_scoped3A_240 = arith.constant 31 : i32
    "tpu.region"() ({
      %run_scoped3A_249 = tpu.sem_alloc : memref<!tpu.dma_semaphore, #tpu.memory_space<semaphore_mem>>
      %dma_start3A_250 = arith.constant 0 : i32
      %dma_start3A_251 = tpu.memref_slice %arg10[%run_scoped3A_240, %dma_start3A_250] : memref<32x80xi32, #tpu.memory_space<vmem>> -> memref<1x80xi32, #tpu.memory_space<vmem>>
      %dma_start3A_252 = tpu.memref_squeeze %dma_start3A_251 : memref<1x80xi32, #tpu.memory_space<vmem>> -> memref<80xi32, #tpu.memory_space<vmem>>
      %dma_start3A_253 = arith.constant 0 : i32
      %dma_start3A_254 = arith.constant 0 : i32
      %dma_start3A_255 = tpu.memref_slice %arg14[%dma_start3A_253, %dma_start3A_254] : memref<10240x128xf32, #tpu.memory_space<vmem_shared>> -> memref<10240x128xf32, #tpu.memory_space<vmem_shared>>
      tpu.enqueue_indirect_dma source(%arg12 : memref<80x128xf32, #tpu.memory_space<vmem>>) target(%dma_start3A_255 : memref<10240x128xf32, #tpu.memory_space<vmem_shared>>) offsets(%dma_start3A_252 : memref<80xi32, #tpu.memory_space<vmem>>) semaphore(%run_scoped3A_249 : memref<!tpu.dma_semaphore, #tpu.memory_space<semaphore_mem>>) {add = true}
      %dma_wait3A_256 = arith.constant 0 : i32
      %dma_wait3A_257 = tpu.memref_slice %arg10[%run_scoped3A_240, %dma_wait3A_256] : memref<32x80xi32, #tpu.memory_space<vmem>> -> memref<1x80xi32, #tpu.memory_space<vmem>>
      %dma_wait3A_258 = tpu.memref_squeeze %dma_wait3A_257 : memref<1x80xi32, #tpu.memory_space<vmem>> -> memref<80xi32, #tpu.memory_space<vmem>>
      %dma_wait3A_259 = arith.constant 0 : i32
      %dma_wait3A_260 = arith.constant 0 : i32
      %dma_wait3A_261 = tpu.memref_slice %arg14[%dma_wait3A_259, %dma_wait3A_260] : memref<10240x128xf32, #tpu.memory_space<vmem_shared>> -> memref<10240x128xf32, #tpu.memory_space<vmem_shared>>
      tpu.wait_indirect_dma semaphore(%run_scoped3A_249 : memref<!tpu.dma_semaphore, #tpu.memory_space<semaphore_mem>>) src(%arg12 : memref<80x128xf32, #tpu.memory_space<vmem>>) dst(%dma_wait3A_261 : memref<10240x128xf32, #tpu.memory_space<vmem_shared>>)
      tpu.yield
    }) : () -> ()
    %barrier3A_241 = arith.constant 0 : index
    tpu.barrier barrier_id(%barrier3A_241)
    %mul3A_242 = arith.constant 640 : i32
    %mul3A_243 = arith.muli %arg1, %mul3A_242 : i32
    %add3A_244 = arith.constant 0 : i32
    %add3A_245 = arith.addi %mul3A_243, %add3A_244 : i32
    %mul3A_246 = arith.constant 10240 : i32
    %mul3A_247 = arith.muli %arg0, %mul3A_246 : i32
    %add3A_248 = arith.addi %mul3A_247, %add3A_245 : i32
    "tpu.region"() ({
      %run_scoped3A_249 = tpu.sem_alloc : memref<!tpu.dma_semaphore, #tpu.memory_space<semaphore_mem>>
      %dma_start3A_250 = arith.constant 0 : i32
      %dma_start3A_251 = tpu.memref_slice %arg6[%add3A_248, %dma_start3A_250] : memref<20480x128xf32, #tpu.memory_space<hbm>> -> memref<640x128xf32, #tpu.memory_space<hbm>>
      %dma_start3A_252 = arith.constant 0 : i32
      %dma_start3A_253 = tpu.memref_slice %arg14[%add3A_245, %dma_start3A_252] : memref<10240x128xf32, #tpu.memory_space<vmem_shared>> -> memref<640x128xf32, #tpu.memory_space<vmem_shared>>
      tpu.enqueue_dma source(%dma_start3A_253 : memref<640x128xf32, #tpu.memory_space<vmem_shared>>) target(%dma_start3A_251 : memref<640x128xf32, #tpu.memory_space<hbm>>) target_semaphore(%run_scoped3A_249 : memref<!tpu.dma_semaphore, #tpu.memory_space<semaphore_mem>>)
      %dma_wait3A_254 = arith.constant 0 : i32
      %dma_wait3A_255 = tpu.memref_slice %arg6[%add3A_248, %dma_wait3A_254] : memref<20480x128xf32, #tpu.memory_space<hbm>> -> memref<640x128xf32, #tpu.memory_space<hbm>>
      %dma_wait3A_256 = arith.constant 0 : i32
      %dma_wait3A_257 = tpu.memref_slice %arg14[%add3A_245, %dma_wait3A_256] : memref<10240x128xf32, #tpu.memory_space<vmem_shared>> -> memref<640x128xf32, #tpu.memory_space<vmem_shared>>
      tpu.wait_dma2 semaphore(%run_scoped3A_249 : memref<!tpu.dma_semaphore, #tpu.memory_space<semaphore_mem>>) src(%dma_wait3A_257 : memref<640x128xf32, #tpu.memory_space<vmem_shared>>) dst(%dma_wait3A_255 : memref<640x128xf32, #tpu.memory_space<hbm>>)
      tpu.yield
    }) : () -> ()
    return
  }
}

module attributes {stable_mosaic.version = 14 : i64} {
  func.func @_tc_mlp_body(%arg0: memref<10000x128xf32, #tpu.memory_space<vmem>>, %arg1: memref<20480x128xf32, #tpu.memory_space<vmem>>, %arg2: memref<128x128xf32, #tpu.memory_space<vmem>>, %arg3: memref<1x128xf32, #tpu.memory_space<vmem>>, %arg4: memref<1x128xf32, #tpu.memory_space<vmem>>, %arg5: memref<1x128xf32, #tpu.memory_space<vmem>>, %arg6: memref<128x128xf32, #tpu.memory_space<vmem>>, %arg7: memref<1x128xf32, #tpu.memory_space<vmem>>, %arg8: memref<10000x128xf32, #tpu.memory_space<vmem>>) attributes {dimension_semantics = [], scalar_prefetch = 0 : i64, scratch_operands = 0 : i64, tpu.core_type = #tpu.core_type<tc>} {
    %get3A = arith.constant 0 : index
    %get3A_0 = arith.constant 0 : index
    %get3A_1 = vector.load %arg0[%get3A, %get3A_0] : memref<10000x128xf32, #tpu.memory_space<vmem>>, vector<10000x128xf32>
    %get3A_2 = arith.constant 0 : index
    %get3A_3 = arith.constant 0 : index
    %get3A_4 = vector.load %arg1[%get3A_2, %get3A_3] : memref<20480x128xf32, #tpu.memory_space<vmem>>, vector<10000x128xf32>
    %add3A = arith.addf %get3A_1, %get3A_4 : vector<10000x128xf32>
    %get3A_5 = arith.constant 10240 : index
    %get3A_6 = arith.constant 0 : index
    %get3A_7 = vector.load %arg1[%get3A_5, %get3A_6] : memref<20480x128xf32, #tpu.memory_space<vmem>>, vector<10000x128xf32>
    %add3A_8 = arith.addf %add3A, %get3A_7 : vector<10000x128xf32>
    %get3A_9 = arith.constant 0 : index
    %get3A_10 = arith.constant 0 : index
    %get3A_11 = vector.load %arg2[%get3A_9, %get3A_10] : memref<128x128xf32, #tpu.memory_space<vmem>>, vector<128x128xf32>
    %dot_general3A = arith.constant dense<0.000000e+00> : vector<10000x128xf32>
    %dot_general3A_12 = tpu.matmul %add3A_8, %get3A_11, %dot_general3A {dimension_numbers = #tpu.dot_dimension_numbers<[1], [0], [0], [1], [0, 0, 1, 1], [], []>, transpose_lhs_hint = false} : vector<10000x128xf32>, vector<128x128xf32>, vector<10000x128xf32> -> vector<10000x128xf32>
    %get3A_13 = arith.constant 0 : index
    %get3A_14 = arith.constant 0 : index
    %get3A_15 = vector.load %arg3[%get3A_13, %get3A_14] : memref<1x128xf32, #tpu.memory_space<vmem>>, vector<1x128xf32>
    %add3A_16 = vector.broadcast %get3A_15 : vector<1x128xf32> to vector<10000x128xf32>
    %add3A_17 = arith.addf %dot_general3A_12, %add3A_16 : vector<10000x128xf32>
    %reduce_sum3A = arith.constant dense<0.000000e+00> : vector<128xf32>
    %reduce_sum3A_18 = vector.multi_reduction <add>, %add3A_17, %reduce_sum3A [0] : vector<10000x128xf32> to vector<128xf32>
    %broadcast_in_dim3A = vector.shape_cast %reduce_sum3A_18 : vector<128xf32> to vector<1x128xf32>
    %div3A = arith.constant 1.000000e+04 : f32
    %div3A_19 = vector.broadcast %div3A : f32 to vector<1x128xf32>
    %div3A_20 = arith.divf %broadcast_in_dim3A, %div3A_19 : vector<1x128xf32>
    %sub3A = vector.broadcast %div3A_20 : vector<1x128xf32> to vector<10000x128xf32>
    %sub3A_21 = arith.subf %add3A_17, %sub3A : vector<10000x128xf32>
    %mul3A = arith.mulf %sub3A_21, %sub3A_21 : vector<10000x128xf32>
    %reduce_sum3A_22 = arith.constant dense<0.000000e+00> : vector<128xf32>
    %reduce_sum3A_23 = vector.multi_reduction <add>, %mul3A, %reduce_sum3A_22 [0] : vector<10000x128xf32> to vector<128xf32>
    %broadcast_in_dim3A_24 = vector.shape_cast %reduce_sum3A_23 : vector<128xf32> to vector<1x128xf32>
    %div3A_25 = arith.constant 1.000000e+04 : f32
    %div3A_26 = vector.broadcast %div3A_25 : f32 to vector<1x128xf32>
    %div3A_27 = arith.divf %broadcast_in_dim3A_24, %div3A_26 : vector<1x128xf32>
    %add3A_28 = arith.constant 9.99999974E-6 : f32
    %add3A_29 = vector.broadcast %add3A_28 : f32 to vector<1x128xf32>
    %add3A_30 = arith.addf %div3A_27, %add3A_29 : vector<1x128xf32>
    %rsqrt3A = math.rsqrt %add3A_30 : vector<1x128xf32>
    %mul3A_31 = vector.broadcast %rsqrt3A : vector<1x128xf32> to vector<10000x128xf32>
    %mul3A_32 = arith.mulf %sub3A_21, %mul3A_31 : vector<10000x128xf32>
    %get3A_33 = arith.constant 0 : index
    %get3A_34 = arith.constant 0 : index
    %get3A_35 = vector.load %arg4[%get3A_33, %get3A_34] : memref<1x128xf32, #tpu.memory_space<vmem>>, vector<1x128xf32>
    %mul3A_36 = vector.broadcast %get3A_35 : vector<1x128xf32> to vector<10000x128xf32>
    %mul3A_37 = arith.mulf %mul3A_32, %mul3A_36 : vector<10000x128xf32>
    %get3A_38 = arith.constant 0 : index
    %get3A_39 = arith.constant 0 : index
    %get3A_40 = vector.load %arg5[%get3A_38, %get3A_39] : memref<1x128xf32, #tpu.memory_space<vmem>>, vector<1x128xf32>
    %add3A_41 = vector.broadcast %get3A_40 : vector<1x128xf32> to vector<10000x128xf32>
    %add3A_42 = arith.addf %mul3A_37, %add3A_41 : vector<10000x128xf32>
    %max3A = arith.constant 0.000000e+00 : f32
    %max3A_43 = vector.broadcast %max3A : f32 to vector<10000x128xf32>
    %max3A_44 = arith.maximumf %add3A_42, %max3A_43 : vector<10000x128xf32>
    %get3A_45 = arith.constant 0 : index
    %get3A_46 = arith.constant 0 : index
    %get3A_47 = vector.load %arg6[%get3A_45, %get3A_46] : memref<128x128xf32, #tpu.memory_space<vmem>>, vector<128x128xf32>
    %dot_general3A_48 = arith.constant dense<0.000000e+00> : vector<10000x128xf32>
    %dot_general3A_49 = tpu.matmul %max3A_44, %get3A_47, %dot_general3A_48 {dimension_numbers = #tpu.dot_dimension_numbers<[1], [0], [0], [1], [0, 0, 1, 1], [], []>, transpose_lhs_hint = false} : vector<10000x128xf32>, vector<128x128xf32>, vector<10000x128xf32> -> vector<10000x128xf32>
    %get3A_50 = arith.constant 0 : index
    %get3A_51 = arith.constant 0 : index
    %get3A_52 = vector.load %arg7[%get3A_50, %get3A_51] : memref<1x128xf32, #tpu.memory_space<vmem>>, vector<1x128xf32>
    %add3A_53 = vector.broadcast %get3A_52 : vector<1x128xf32> to vector<10000x128xf32>
    %add3A_54 = arith.addf %dot_general3A_49, %add3A_53 : vector<10000x128xf32>
    %max3A_55 = arith.constant 0.000000e+00 : f32
    %max3A_56 = vector.broadcast %max3A_55 : f32 to vector<10000x128xf32>
    %max3A_57 = arith.maximumf %add3A_54, %max3A_56 : vector<10000x128xf32>
    %swap3A = arith.constant 0 : index
    %swap3A_58 = arith.constant 0 : index
    %swap3A_59 = vector.load %arg8[%swap3A, %swap3A_58] : memref<10000x128xf32, #tpu.memory_space<vmem>>, vector<10000x128xf32>
    tpu.vector_store %arg8[%swap3A, %swap3A_58], %max3A_57 {strides = array<i32>} : memref<10000x128xf32, #tpu.memory_space<vmem>>, vector<10000x128xf32>,
    return
  }
}

</mosaic_0001>

<sc_bundles>
// kernel: kernel.6.cloned.1.call-start
scs
__scs_entry_jumppad:
0x0: {  	(pc) =	sbr.rel $0x88, $3  }
0x1: {  	(tag) =	ssettag $0x0;
	lr =	simm.s32 $0x1  }
0x2: {  	[smem:$0x3F93] =	sst lr;
	_ =	strace $0xD0000000  }
0x3: {  	_ = 	snop  }
0x4: {  	_ = 	snop  }
0x5: {  	_ = 	snop  }
0x6: {  	_ = 	snop  }
0x7: {  	_ = 	snop  }
__scs_overlays_trampoline_lowered:
0x8: {  	[smem:$0x3FA2] =	sst s0  }
0x9: {  	[smem:$0x3FA3] =	sst s1  }
0xa: {  	[smem:$0x3FA4] =	sst s2  }
0xb: {  	[smem:$0x3FA5] =	sst s3  }
0xc: {  	[smem:$0x3FA6] =	sst s4  }
0xd: {  	[smem:$0x3FA7] =	sst s5  }
0xe: {  	[smem:$0x3FA8] =	sst s6  }
0xf: {  	[smem:$0x3FA9] =	sst s7  }
0x10: {  	[smem:$0x3FAA] =	sst s8  }
0x11: {  	[smem:$0x3FAB] =	sst s9;
	s0 =	simm.s32 @!p0 $0x0  }
0x12: {  	s1 =	sld [smem:$0x3F91];
	s0 =	simm.s32 @p0 $0x1  }
0x13: {  	[smem:$0x3FAC] =	sst s0;
	s0 =	simm.s32 @!p1 $0x0  }
0x14: {  	s2 =	sld [smem:$0x3F90];
	s0 =	simm.s32 @p1 $0x1  }
0x15: {  	[smem:$0x3FAD] =	sst s0;
	s0 =	simm.s32 @!p2 $0x0  }
0x16: {  	s3 =	sld [smem:$0x3FDB];
	s0 =	simm.s32 @p2 $0x1  }
0x17: {  	s4 =	simm.s32 $0x1BF5;
	[smem:$0x3FAF] =	sst s0  }
0x18: {  	s0 =	sld [smem:$0x3F92];
	_ =	swait.ge [sflag:s4], $0x0  }
0x19: {  	s7 =	sld [smem:$0x3F93]  }
0x1a: {  	s8 =	sadd.s32 $0xFFFFE003, lr  }
0x1b: {  	s9 =	sadd.s32 $0xFFFFFEF7, lr;
	s5 =	simm.s32 $0xFFFFFFFF;
	p2 =	slt.u32 s8, $0xFFFFF086  }
0x1c: {  	p1 =	slt.u32 s9, $0xF7A;
	s5 =	simm.s32 @!p2 $0x0  }
0x1d: {  	s5 =	simm.s32 @p1 $0x1;
	p0 =	seq.s32 s7, s2  }
0x1e: {  	s7 =	smul.u32 @!p0 $0xF7A, s2;
	p2 =	seq.s32 @!p0 s5, $0x0  }
0x1f: {  	s9 =	smul.u32 $0xF7A, s1;
	s8 =	simm.s32 @!p0 $0x1BF5;
	p2 =	por !p2, p0  }
0x20: {  	[sflag:s8] =	ssyncset.s32 @!p0 $0xFFFFF086;
	s6 =	sadd.s32 @!p0 s3, s7;
	s7 =	simm.s32 @!p0 $0x108  }
0x21: {  	s3 =	sadd.s32 s3, s9;
	s6 =	sadd.s32 @!p0 $0x88, s6;
	s7 =	simm.s32 @p2 $0x1082  }
0x22: {  	[simem:s7], [sflag:s8] =	dma.local @!p0 [hbm:s6], $0xF7A  }
0x23: {  	s9 =	sor.u32 $0xD0000000, s2;
	s6 =	simm.s32 $0x108;
	_ =	swait.ge @!p0 [sflag:s8], $0x0  }
0x24: {  	s3 =	sadd.s32 $0x88, s3;
	s6 =	simm.s32 @!p1 $0x1082;
	[sflag:s4] =	ssyncset.s32 $0xFFFFF086  }
0x25: {  	[simem:s6], [sflag:s4] =	dma.local [hbm:s3], $0xF7A  }
0x26: {  	[smem:$0x3F93] =	sst s1;
	(tag) =	ssettag s2;
	_ =	strace s9  }
0x27: {  	s1 =	sld [smem:$0x3FA3]  }
0x28: {  	s2 =	sld [smem:$0x3FA4]  }
0x29: {  	s4 =	sld [smem:$0x3FA6]  }
0x2a: {  	p0 =	seq.s32 s5, $0x0;
	s5 =	sld [smem:$0x3FA7]  }
0x2b: {  	s6 =	sld [smem:$0x3FA8]  }
0x2c: {  	s7 =	sld [smem:$0x3FA9]  }
0x2d: {  	s3 =	simm.s32 $0x108;
	s8 =	sld [smem:$0x3FAA]  }
0x2e: {  	s3 =	simm.s32 @!p0 $0x1082;
	s9 =	sld [smem:$0x3FAB]  }
0x2f: {  	lr =	sadd.s32 s0, s3;
	s0 =	sld [smem:$0x3FA2]  }
0x30: {  	s3 =	sld [smem:$0x3FA5]  }
0x31: {  	[smem:$0x3FAE] =	sst s10  }
0x32: {  	s10 =	sld [smem:$0x3FAC];
	_ =	sdelay $0x3  }
0x33: {  	p0 =	seq.s32 s10, $0x1;
	s10 =	sld [smem:$0x3FAE];
	_ =	sdelay $0x3  }
0x34: {  	[smem:$0x3FAE] =	sst s10  }
0x35: {  	s10 =	sld [smem:$0x3FAD];
	_ =	sdelay $0x3  }
0x36: {  	p1 =	seq.s32 s10, $0x1;
	s10 =	sld [smem:$0x3FAE];
	_ =	sdelay $0x3  }
0x37: {  	[smem:$0x3FAE] =	sst s10  }
0x38: {  	s10 =	sld [smem:$0x3FAF]  }
0x39: {  	_ = 	snop;
	(pc) =	sbr.ind lr, $3  }
0x3a: {  	_ = 	snop  }
0x3b: {  	_ = 	snop  }
0x3c: {  	p2 =	seq.s32 s10, $0x1;
	s10 =	sld [smem:$0x3FAE]  }
0x3d: {  	_ =	shalt  }
0x3e: {  	_ =	shalt  }
0x3f: {  	_ =	shalt  }
0x40: {  	_ =	shalt  }
0x41: {  	_ =	shalt  }
0x42: {  	_ =	shalt  }
0x43: {  	_ =	shalt  }
0x44: {  	_ =	shalt  }
0x45: {  	_ =	shalt  }
0x46: {  	_ =	shalt  }
0x47: {  	_ =	shalt  }
0x48: {  	_ =	shalt  }
0x49: {  	_ =	shalt  }
0x4a: {  	_ =	shalt  }
0x4b: {  	_ =	shalt  }
0x4c: {  	_ =	shalt  }
0x4d: {  	_ =	shalt  }
0x4e: {  	_ =	shalt  }
0x4f: {  	_ =	shalt  }
0x50: {  	_ =	shalt  }
0x51: {  	_ =	shalt  }
0x52: {  	_ =	shalt  }
0x53: {  	_ =	shalt  }
0x54: {  	_ =	shalt  }
0x55: {  	_ =	shalt  }
0x56: {  	_ =	shalt  }
0x57: {  	_ =	shalt  }
0x58: {  	_ =	shalt  }
0x59: {  	_ =	shalt  }
0x5a: {  	_ =	shalt  }
0x5b: {  	_ =	shalt  }
0x5c: {  	_ =	shalt  }
0x5d: {  	_ =	shalt  }
0x5e: {  	_ =	shalt  }
0x5f: {  	_ =	shalt  }
0x60: {  	_ =	shalt  }
0x61: {  	_ =	shalt  }
0x62: {  	_ =	shalt  }
0x63: {  	_ =	shalt  }
0x64: {  	_ =	shalt  }
0x65: {  	_ =	shalt  }
0x66: {  	_ =	shalt  }
0x67: {  	_ =	shalt  }
0x68: {  	_ =	shalt  }
0x69: {  	_ =	shalt  }
0x6a: {  	_ =	shalt  }
0x6b: {  	_ =	shalt  }
0x6c: {  	_ =	shalt  }
0x6d: {  	_ =	shalt  }
0x6e: {  	_ =	shalt  }
0x6f: {  	_ =	shalt  }
0x70: {  	_ =	shalt  }
0x71: {  	_ =	shalt  }
0x72: {  	_ =	shalt  }
0x73: {  	_ =	shalt  }
0x74: {  	_ =	shalt  }
0x75: {  	_ =	shalt  }
0x76: {  	_ =	shalt  }
0x77: {  	_ =	shalt  }
0x78: {  	_ =	shalt  }
0x79: {  	_ =	shalt  }
0x7a: {  	_ =	shalt  }
0x7b: {  	_ =	shalt  }
0x7c: {  	_ =	shalt  }
0x7d: {  	_ =	shalt  }
0x7e: {  	_ =	shalt  }
0x7f: {  	_ =	shalt  }
0x80: {  	_ =	shalt  }
0x81: {  	_ =	shalt  }
0x82: {  	_ =	shalt  }
0x83: {  	_ =	shalt  }
0x84: {  	_ =	shalt  }
0x85: {  	_ =	shalt  }
0x86: {  	_ =	shalt  }
0x87: {  	_ =	shalt  }
.Lfunc_end0:
.L_simem_size_0:
called_computation_lowered:
.L_overlay_start_0:
0x88: {  	s2 =	sld [smem:$0x3FD9]  }
0x89: {  	s3 =	sld [smem:$0x3FFE];
	_ =	sdelay $0x1  }
0x8a: {  	s1 =	srdreg.scid  }
0x8b: {  	s0 =	sand.u32 $0x1, s1  }
0x8c: {  	s14 =	sshll.u32 s0, $0xA;
	s2 =	sadd.s32 s3, s2  }
0x8d: {  	s2 =	sadd.s32 s2, s14  }
0x8e: {  	[smem:$0x3FBA] =	sst s2  }
0x8f: {  	_ = 	snop  }
0x90: {  	s2 =	sld [smem:$0x3FD0];
	_ =	sdelay $0x2  }
0x91: {  	s4 =	simm.s32 $0xA;
	s5 =	simm.s32 $0x10;
	s15 =	sld [smem:$0x3FC9]  }
0x92: {  	[smem:s5], [sflag:s4] =	dma.local [hbm:s2], $0x1  }
0x93: {  	_ =	swait.eq [sflag:s4], $0x1  }
0x94: {  	[sflag:s4] =	ssyncset.done $0x0  }
0x95: {  	[sflag:s4] =	ssyncadd.s32 $0xFFFFFFFF  }
0x96: {  	s16 =	sld [smem:$0x11];
	(tm) =	ssettm $0x1  }
0x97: {  	s17 =	sld [smem:$0x3FFB];
	_ =	sdelay $0x3  }
0x98: {  	_ =	strace s17  }
0x99: {  	s4 =	sld [smem:$0x3FFC];
	_ =	sdelay $0x3  }
0x9a: {  	_ =	strace s4  }
0x9b: {  	s4 =	sld [smem:$0x3FFD];
	_ =	sdelay $0x3  }
0x9c: {  	_ =	strace s4  }
0x9d: {  	_ =	strace $0x8FFFFFFF  }
0x9e: {  	s18 =	sld [smem:$0x3FDB];
	_ =	sdelay $0x1  }
0x9f: {  	s19 =	simm.s32 $_scs_section_size  }
0xa0: {  	s6 =	simm.s32 $_size__tile_overlayer_lowered;
	s7 =	simm.s32 $_tile_overlayer_lowered  }
0xa1: {  	s22 =	simm.s32 $0x1BFF;
	s21 =	sshll.u32 s7, $0x1;
	s4 =	sadd.s32 s19, s18  }
0xa2: {  	s8 =	simm.s32 $0x0;
	s20 =	sshll.u32 s6, $0x1;
	s6 =	sadd.s32 s21, s4  }
0xa3: {  	[timem:s8], [sflag:s22] =	dma.local [hbm:s6], s20  }
0xa4: {  	_ =	swait.ge [sflag:s22], s20  }
0xa5: {  	s5 =	ssub.s32 $0x0, s20;
	[sflag:s22] =	ssyncset.done $0x0  }
0xa6: {  	[sflag:s22] =	ssyncadd.s32 s5;
	_ =	sdelay $0x1  }
0xa7: {  	s23 =	simm.s32 $0x1B8B  }
0xa8: {  	_ =	swait.ge [sflag:s23], $0x1  }
0xa9: {  	[sflag:s23] =	ssyncset.done $0x0  }
0xaa: {  	s25 =	simm.s32 $0x1B8E;
	s24 =	sld [smem:$0x3FFE];
	[sflag:s23] =	ssyncadd.s32 $0xFFFFFFFF  }
0xab: {  	s26 =	simm.s32 $execute0_lowered;
	[smem:$0x3FD2] =	sst s25  }
0xac: {  	s6 =	sshll.u32 s26, $0x1;
	_ =	strace $0x80000046;
	[dreg:$0x1] =	wrdreg $0xFFFFFFFF  }
0xad: {  	s28 =	simm.s32 $_size_execute0_lowered;
	s4 =	sadd.s32 s4, s6;
	[dreg:$0x0] =	wrdreg $0x0  }
0xae: {  	s6 =	sshll.u32 s28, $0x1;
	[dreg:$0x2] =	wrdreg s4  }
0xaf: {  	[dreg:$0x3] =	wrdreg s6  }
0xb0: {  	[dreg:$0x4] =	wrdreg $0xC0  }
0xb1: {  	_ =	task [dreg:s8], $0x5FFFF  }
0xb2: {  	[dreg:$0x1] =	wrdreg $0xFFFFFFFF  }
0xb3: {  	[dreg:$0x0] =	wrdreg $0x60  }
0xb4: {  	[dreg:$0x2] =	wrdreg s15  }
0xb5: {  	[dreg:$0x3] =	wrdreg s16  }
0xb6: {  	[dreg:$0x4] =	wrdreg s24  }
0xb7: {  	[dreg:$0x5] =	wrdreg $0xB8000  }
0xb8: {  	[dreg:$0x6] =	wrdreg $0x9  }
0xb9: {  	_ =	task.clear_ibuf [dreg:s8], $0x7FFFF;
	_ =	strace $0x90000046  }
0xba: {  	s29 =	simm.s32 $0x9;
	_ =	strace $0x80000048  }
0xbb: {  	_ =	swait.ge [sflag:s29], $0x1  }
0xbc: {  	[sflag:s29] =	ssyncadd.s32 $0xFFFFFFFF  }
0xbd: {  	_ =	strace $0x90000048  }
0xbe: {  	_ =	sfence  }
0xbf: {  	s30 =	sld [smem:$0x0];
	_ =	sdelay $0x2  }
0xc0: {  	s31 =	sshll.u32 s1, $0xD;
	s1 =	sshrl.u32 s1, $0x2  }
0xc1: {  	s3 =	sand.u32 $0x4000, s31;
	s1 =	sadd.s32 s1, s30  }
0xc2: {  	s0 =	sor.u32 s3, s0;
	s1 =	sshll.u32 s1, $0x11  }
0xc3: {  	s0 =	sor.u32 s1, s0  }
0xc4: {  	s0 =	sadd.s32 $0x8F2B, s0  }
0xc5: {  	[sflag:s0] =	ssyncadd.remote.s32 $0x1  }
0xc6: {  	_ =	sfence.sel $0xFFFF  }
0xc7: {  	[dreg:$0x0] =	wrdreg $0xFFFFFFFF;
	(pc) =	sbr.abs _section_cstart, $3  }
0xc8: {  	[dreg:$0x1] =	wrdreg $0xFFFFFFFF  }
0xc9: {  	_ =	task.clear_ibuf [dreg:s8], $0x2FFFF;
	_ =	strace $0x9FFFFFFF  }
0xca: {  	(tm) =	ssettm $0x7FFFFFFF  }
0xcb: {  	_ =	shalt  }
tec
execute0_lowered:
.L_overlay_start_1:
0x0: {  	(tag) =	ssettag $0x1  }
0x1: {  	s1 =	rddreg [dreg:$0x0]  }
0x2: {  	s0 =	rddreg [dreg:$0x1]  }
0x3: {  	s2 =	rddreg [dreg:$0x2]  }
0x4: {  	s3 =	rddreg [dreg:$0x3]  }
0x5: {  	s5 =	srdreg.scid;
	s10 =	stileid.u32;
	s4 =	simm.s32 $0x0  }
0x6: {  	s28 =	simm.s32 $0x1;
	s29 =	simm.s32 $0x2;
	s30 =	simm.s32 $0x3  }
0x7: {  	s31 =	simm.s32 $0x4;
	s5 =	sand.u32 $0x1, s5;
	s6 =	smul.u32 $0x2800, s10  }
0x8: {  	[smem:$0x7FF] =	sst s4;
	s8 =	sadd.s32 $0x2C00, s2;
	s9 =	sadd.s32 $0x12C00, s2  }
0x9: {  	s20 =	smul.u32 $0x50000, s10;
	s21 =	sshll.u32 s10, $0xC;
	s10 =	sshll.u32 s10, $0x6  }
0xa: {  	s7 =	smul.u32 $0x28000, s5;
	_ =	strace $0x80000047;
	s18 =	ssub.s32 $0x2, s5  }
0xb: {  	[dreg:$0x5] =	wrdreg s9;
	s5 =	sshll.u32 s5, $0xB;
	s19 =	sshrl.u32 s18, $0x1  }
0xc: {  	s9 =	sshrl.u32 s20, $0x2;
	s5 =	sor.u32 s5, s21;
	s20 =	simm.s32 $0x1000  }
0xd: {  	s6 =	sadd.s32 s6, s7;
	s7 =	ssub.s32 s18, s19;
	s9 =	sadd.s32 s9, s3  }
0xe: {  	s22 =	sor.u32 $0x200, s5;
	s11 =	sadd.s32 s0, s5;
	s23 =	sadd.s32 s8, s5  }
0xf: {  	s25 =	sor.u32 $0x400, s5;
	s5 =	sor.u32 $0x600, s5;
	s18 =	simm.s32 $0x6  }
0x10: {  	s2 =	sadd.s32 s6, s2;
	s6 =	sor.u32 $0x1C06, s10;
	[dreg:$0x6] =	wrdreg s11  }
0x11: {  	[dreg:$0x7] =	wrdreg s23;
	s24 =	sadd.s32 s0, s22;
	s10 =	sadd.s32 s8, s22  }
0x12: {  	s26 =	sadd.s32 s0, s25;
	s0 =	sadd.s32 s0, s5;
	s14 =	sadd.s32 s8, s5  }
0x13: {  	s16 =	smax.u32 s7, $0x1;
	s17 =	sshrl.u32 s9, $0x3;
	[dreg:$0x8] =	wrdreg s24  }
0x14: {  	s22 =	simm.s32 $0x50;
	s23 =	simm.s32 $0x4000;
	[dreg:$0x9] =	wrdreg s10  }
0x15: {  	s5 =	simm.s32 $0x1080;
	s7 =	simm.s32 $0x2F80;
	[dreg:$0xa] =	wrdreg s26  }
0x16: {  	s9 =	simm.s32 $0x3F80;
	s10 =	sadd.s32 s8, s25;
	[dreg:$0xc] =	wrdreg s0  }
0x17: {  	s15 =	sadd.s32 $0x15400, s2;
	s24 =	simm.s32 $0x80;
	s25 =	simm.s32 $0x6800  }
0x18: {  	s26 =	simm.s32 $0x9000;
	s0 =	simm.s32 $0x5;
	s2 =	simm.s32 $0x2F00  }
0x19: {  	s8 =	simm.s32 $0x3F00;
	[dreg:$0xb] =	wrdreg s10;
	s10 =	simm.s32 $0x0  }
.LBB2_1:
0x1a: {  	s11 =	rddreg [dreg:$0x5]  }
0x1b: {  	[spmem:s17], [sflag:s6] =	dma.local [hbm:s11], $0x2800  }
0x1c: {  	_ =	swait.ge [sflag:s18], $0x2800  }
0x1d: {  	[sflag:s18] =	ssyncset.done $0x0  }
0x1e: {  	[sflag:s18] =	ssyncadd.s32 $0xFFFFD800  }
0x1f: {  	[bflag:$0x0] =	sbarrier.arrive $0xFFFF  }
0x20: {  	s19 =	rddreg [dreg:$0x6]  }
0x21: {  	[tilespmem:s4], [sflag:$0x6] =	stream.linear.gather [hbm4b:s19+s4], $0x1000, $0x38;
	[tilespmem:$0x1F800] =	vst v63  }
0x22: {  	_ =	swait.ge [sflag:s18], $0x1000  }
0x23: {  	[sflag:s18] =	ssyncset.done $0x0  }
0x24: {  	s12 =	simm.s32 $0x2000;
	s21 =	rddreg [dreg:$0x7];
	[sflag:s18] =	ssyncadd.s32 $0xFFFFF000  }
0x25: {  	[tilespmem:s12], [sflag:$0x6] =	stream.linear.gather [hbm4b:s21+s4], $0x1000, $0x38;
	[tilespmem:$0x1F800] =	vst v63  }
0x26: {  	_ =	swait.ge [sflag:s18], $0x1000  }
0x27: {  	[sflag:s18] =	ssyncset.done $0x0  }
0x28: {  	s12 =	rddreg [dreg:$0x8];
	[sflag:s18] =	ssyncadd.s32 $0xFFFFF000  }
0x29: {  	[tilespmem:s20], [sflag:$0x4] =	stream.linear.gather [hbm4b:s12+s4], $0x1000, $0x38;
	[tilespmem:$0x1F800] =	vst v63  }
0x2a: {  	s19 =	simm.s32 $0x3000;
	s13 =	rddreg [dreg:$0x9]  }
0x2b: {  	[tilespmem:s19], [sflag:$0x5] =	stream.linear.gather [hbm4b:s13+s4], $0x1000, $0x38;
	[tilespmem:$0x1F800] =	vst v63  }
0x2c: {  	_ = 	snop  }
0x2d: {  	[tilespmem:s23], [sflag:$0x1] =	stream.indirect.gather [hbm4b:s1+s22], $0x80, s4, s22, $0xb8;
	[tilespmem:$0x1F800] =	vst v63  }
0x2e: {  	_ = 	snop  }
0x2f: {  	[tilespmem:s25], [sflag:$0x2] =	stream.indirect.gather [hbm4b:s1+s22], $0x80, s24, s22, $0xb8;
	[tilespmem:$0x1F800] =	vst v63  }
0x30: {  	s19 =	simm.s32 $0x100  }
0x31: {  	[tilespmem:s26], [sflag:$0x3] =	stream.indirect.gather [hbm4b:s1+s22], $0x80, s19, s22, $0xb8;
	[tilespmem:$0x1F800] =	vst v63  }
0x32: {  	_ =	swait.ge [sflag:s28], $0x2800  }
0x33: {  	[sflag:s28] =	ssyncset.done $0x0  }
0x34: {  	s21 =	simm.s32 $0x2000;
	[sflag:s28] =	ssyncadd.s32 $0xFFFFD800  }
0x35: {  	[spmem:s3] =	stream.indirect.scatter.add.f32 [tilespmem:s23], [sflag:$0x6], $0x80, s21, s22, $0xb8;
	[tilespmem:$0x1F800] =	vst v63  }
0x36: {  	_ =	swait.ge [sflag:s18], $0x2800  }
0x37: {  	[sflag:s18] =	ssyncset.done $0x0  }
0x38: {  	s11 =	simm.s32 $0x180;
	[sflag:s18] =	ssyncadd.s32 $0xFFFFD800  }
0x39: {  	[tilespmem:s23], [sflag:$0x1] =	stream.indirect.gather [hbm4b:s1+s22], $0x80, s11, s22, $0xb8;
	[tilespmem:$0x1F800] =	vst v63  }
0x3a: {  	_ =	swait.ge [sflag:s29], $0x2800  }
0x3b: {  	[sflag:s29] =	ssyncset.done $0x0  }
0x3c: {  	s12 =	simm.s32 $0x2080;
	[sflag:s29] =	ssyncadd.s32 $0xFFFFD800  }
0x3d: {  	[spmem:s3] =	stream.indirect.scatter.add.f32 [tilespmem:s25], [sflag:$0x6], $0x80, s12, s22, $0xb8;
	[tilespmem:$0x1F800] =	vst v63  }
0x3e: {  	_ =	swait.ge [sflag:s18], $0x2800  }
0x3f: {  	[sflag:s18] =	ssyncset.done $0x0  }
0x40: {  	s13 =	simm.s32 $0x200;
	[sflag:s18] =	ssyncadd.s32 $0xFFFFD800  }
0x41: {  	[tilespmem:s25], [sflag:$0x2] =	stream.indirect.gather [hbm4b:s1+s22], $0x80, s13, s22, $0xb8;
	[tilespmem:$0x1F800] =	vst v63  }
0x42: {  	_ =	swait.ge [sflag:s30], $0x2800  }
0x43: {  	[sflag:s30] =	ssyncset.done $0x0  }
0x44: {  	s21 =	simm.s32 $0x2100;
	[sflag:s30] =	ssyncadd.s32 $0xFFFFD800  }
0x45: {  	[spmem:s3] =	stream.indirect.scatter.add.f32 [tilespmem:s26], [sflag:$0x6], $0x80, s21, s22, $0xb8;
	[tilespmem:$0x1F800] =	vst v63  }
0x46: {  	_ =	swait.ge [sflag:s18], $0x2800  }
0x47: {  	s19 =	simm.s32 $0x180;
	s21 =	simm.s32 $0xC00;
	[sflag:s18] =	ssyncset.done $0x0  }
.LBB2_2:
0x48: {  	s11 =	sadd.s32 $0x100, s19  }
0x49: {  	[sflag:s18] =	ssyncadd.s32 $0xFFFFD800;
	s12 =	smov.u32 s21;
	s13 =	sadd.s32 $0x600, s21  }
0x4a: {  	[tilespmem:s26], [sflag:$0x3] =	stream.indirect.gather [hbm4b:s1+s22], $0x80, s11, s22, $0xb8;
	[tilespmem:$0x1F800] =	vst v63  }
0x4b: {  	p0 =	sne.s32 s21, $0x3600;
	_ =	swait.ge [sflag:s28], $0x2800  }
0x4c: {  	[sflag:s28] =	ssyncset.done $0x0  }
0x4d: {  	s11 =	sadd.s32 $0x2000, s19;
	[sflag:s28] =	ssyncadd.s32 $0xFFFFD800  }
0x4e: {  	[spmem:s3] =	stream.indirect.scatter.add.f32 [tilespmem:s23], [sflag:$0x6], $0x80, s11, s22, $0xb8;
	[tilespmem:$0x1F800] =	vst v63  }
0x4f: {  	_ =	swait.ge [sflag:s18], $0x2800  }
0x50: {  	[sflag:s18] =	ssyncset.done $0x0  }
0x51: {  	s11 =	sadd.s32 $0x180, s19;
	[sflag:s18] =	ssyncadd.s32 $0xFFFFD800  }
0x52: {  	[tilespmem:s23], [sflag:$0x1] =	stream.indirect.gather [hbm4b:s1+s22], $0x80, s11, s22, $0xb8;
	[tilespmem:$0x1F800] =	vst v63  }
0x53: {  	_ =	swait.ge [sflag:s29], $0x2800  }
0x54: {  	[sflag:s29] =	ssyncset.done $0x0  }
0x55: {  	s11 =	sadd.s32 $0x2080, s19;
	[sflag:s29] =	ssyncadd.s32 $0xFFFFD800  }
0x56: {  	[spmem:s3] =	stream.indirect.scatter.add.f32 [tilespmem:s25], [sflag:$0x6], $0x80, s11, s22, $0xb8;
	[tilespmem:$0x1F800] =	vst v63  }
0x57: {  	_ =	swait.ge [sflag:s18], $0x2800  }
0x58: {  	[sflag:s18] =	ssyncset.done $0x0  }
0x59: {  	s11 =	sadd.s32 $0x200, s19;
	[sflag:s18] =	ssyncadd.s32 $0xFFFFD800  }
0x5a: {  	[tilespmem:s25], [sflag:$0x2] =	stream.indirect.gather [hbm4b:s1+s22], $0x80, s11, s22, $0xb8;
	[tilespmem:$0x1F800] =	vst v63  }
0x5b: {  	_ =	swait.ge [sflag:s30], $0x2800  }
.Ltmp0:
0x5c: {  	[sflag:s30] =	ssyncset.done $0x0;
	(pc) =	sbr.rel @p0 .LBB2_2-.Ltmp0, $4  }
0x5d: {  	s11 =	sadd.s32 $0x2100, s19;
	[sflag:s30] =	ssyncadd.s32 $0xFFFFD800  }
0x5e: {  	[spmem:s3] =	stream.indirect.scatter.add.f32 [tilespmem:s26], [sflag:$0x6], $0x80, s11, s22, $0xb8;
	[tilespmem:$0x1F800] =	vst v63  }
0x5f: {  	_ =	swait.ge [sflag:s18], $0x2800  }
0x60: {  	s21 =	smov.u32 s13;
	s19 =	sshra.s32 s12, $0x2;
	[sflag:s18] =	ssyncset.done $0x0  }
0x61: {  	s11 =	sadd.s32 $0x100, s19;
	[sflag:s18] =	ssyncadd.s32 $0xFFFFD800  }
0x62: {  	[tilespmem:s26], [sflag:$0x3] =	stream.indirect.gather [hbm4b:s1+s22], $0x80, s11, s22, $0xb8;
	[tilespmem:$0x1F800] =	vst v63  }
0x63: {  	_ =	swait.ge [sflag:s28], $0x2800  }
0x64: {  	[sflag:s28] =	ssyncset.done $0x0  }
0x65: {  	s12 =	sadd.s32 $0x2000, s19;
	[sflag:s28] =	ssyncadd.s32 $0xFFFFD800  }
0x66: {  	[spmem:s3] =	stream.indirect.scatter.add.f32 [tilespmem:s23], [sflag:$0x6], $0x80, s12, s22, $0xb8;
	[tilespmem:$0x1F800] =	vst v63  }
0x67: {  	_ =	swait.ge [sflag:s18], $0x2800  }
0x68: {  	[sflag:s18] =	ssyncset.done $0x0  }
0x69: {  	s13 =	sadd.s32 $0x180, s19;
	[sflag:s18] =	ssyncadd.s32 $0xFFFFD800  }
0x6a: {  	[tilespmem:s23], [sflag:$0x1] =	stream.indirect.gather [hbm4b:s1+s22], $0x80, s13, s22, $0xb8;
	[tilespmem:$0x1F800] =	vst v63  }
0x6b: {  	_ =	swait.ge [sflag:s29], $0x2800  }
0x6c: {  	[sflag:s29] =	ssyncset.done $0x0  }
0x6d: {  	s21 =	sadd.s32 $0x2080, s19;
	[sflag:s29] =	ssyncadd.s32 $0xFFFFD800  }
0x6e: {  	[spmem:s3] =	stream.indirect.scatter.add.f32 [tilespmem:s25], [sflag:$0x6], $0x80, s21, s22, $0xb8;
	[tilespmem:$0x1F800] =	vst v63  }
0x6f: {  	_ =	swait.ge [sflag:s18], $0x2800  }
0x70: {  	[sflag:s18] =	ssyncset.done $0x0  }
0x71: {  	s12 =	sadd.s32 $0x200, s19;
	[sflag:s18] =	ssyncadd.s32 $0xFFFFD800  }
0x72: {  	[tilespmem:s25], [sflag:$0x2] =	stream.indirect.gather [hbm4b:s1+s22], $0x80, s12, s22, $0xb8;
	[tilespmem:$0x1F800] =	vst v63  }
0x73: {  	_ =	swait.ge [sflag:s30], $0x2800  }
0x74: {  	[sflag:s30] =	ssyncset.done $0x0  }
0x75: {  	s13 =	sadd.s32 $0x2100, s19;
	[sflag:s30] =	ssyncadd.s32 $0xFFFFD800  }
0x76: {  	[spmem:s3] =	stream.indirect.scatter.add.f32 [tilespmem:s26], [sflag:$0x6], $0x80, s13, s22, $0xb8;
	[tilespmem:$0x1F800] =	vst v63  }
0x77: {  	_ =	swait.ge [sflag:s18], $0x2800  }
0x78: {  	[sflag:s18] =	ssyncset.done $0x0  }
0x79: {  	[sflag:s18] =	ssyncadd.s32 $0xFFFFD800  }
0x7a: {  	_ =	swait.ge [sflag:s31], $0x1000  }
0x7b: {  	[sflag:s31] =	ssyncset.done $0x0  }
0x7c: {  	[sflag:s31] =	ssyncadd.s32 $0xFFFFF000  }
0x7d: {  	_ =	swait.ge [sflag:s0], $0x1000  }
0x7e: {  	[sflag:s0] =	ssyncset.done $0x0  }
0x7f: {  	[sflag:s0] =	ssyncadd.s32 $0xFFFFF000  }
0x80: {  	[tilespmem:s26], [sflag:$0x3] =	stream.indirect.gather [hbm4b:s1+s22], $0x80, s20, s22, $0xb8;
	[tilespmem:$0x1F800] =	vst v63  }
0x81: {  	_ =	swait.ge [sflag:s28], $0x2800  }
0x82: {  	[sflag:s28] =	ssyncset.done $0x0  }
0x83: {  	[sflag:s28] =	ssyncadd.s32 $0xFFFFD800  }
0x84: {  	[spmem:s3] =	stream.indirect.scatter.add.f32 [tilespmem:s23], [sflag:$0x6], $0x80, s2, s22, $0xb8;
	[tilespmem:$0x1F800] =	vst v63  }
0x85: {  	_ =	swait.ge [sflag:s18], $0x2800  }
0x86: {  	[sflag:s18] =	ssyncset.done $0x0  }
0x87: {  	[sflag:s18] =	ssyncadd.s32 $0xFFFFD800  }
0x88: {  	[tilespmem:s23], [sflag:$0x1] =	stream.indirect.gather [hbm4b:s1+s22], $0x80, s5, s22, $0xb8;
	[tilespmem:$0x1F800] =	vst v63  }
0x89: {  	_ =	swait.ge [sflag:s29], $0x2800  }
0x8a: {  	[sflag:s29] =	ssyncset.done $0x0  }
0x8b: {  	[sflag:s29] =	ssyncadd.s32 $0xFFFFD800  }
0x8c: {  	[spmem:s3] =	stream.indirect.scatter.add.f32 [tilespmem:s25], [sflag:$0x6], $0x80, s7, s22, $0xb8;
	[tilespmem:$0x1F800] =	vst v63  }
0x8d: {  	_ =	swait.ge [sflag:s18], $0x2800  }
0x8e: {  	[sflag:s18] =	ssyncset.done $0x0  }
0x8f: {  	s19 =	simm.s32 $0x0;
	s12 =	rddreg [dreg:$0xa];
	[sflag:s18] =	ssyncadd.s32 $0xFFFFD800  }
0x90: {  	[tilespmem:s19], [sflag:$0x4] =	stream.linear.gather [hbm4b:s12+s19], $0x1000, $0x38;
	[tilespmem:$0x1F800] =	vst v63  }
0x91: {  	s13 =	simm.s32 $0x2000;
	s21 =	rddreg [dreg:$0xb]  }
0x92: {  	[tilespmem:s13], [sflag:$0x5] =	stream.linear.gather [hbm4b:s21+s19], $0x1000, $0x38;
	[tilespmem:$0x1F800] =	vst v63  }
0x93: {  	s19 =	simm.s32 $0x1100  }
0x94: {  	[tilespmem:s25], [sflag:$0x2] =	stream.indirect.gather [hbm4b:s1+s22], $0x80, s19, s22, $0xb8;
	[tilespmem:$0x1F800] =	vst v63  }
0x95: {  	_ =	swait.ge [sflag:s30], $0x2800  }
0x96: {  	[sflag:s30] =	ssyncset.done $0x0  }
0x97: {  	s21 =	simm.s32 $0x3000;
	[sflag:s30] =	ssyncadd.s32 $0xFFFFD800  }
0x98: {  	[spmem:s3] =	stream.indirect.scatter.add.f32 [tilespmem:s26], [sflag:$0x6], $0x80, s21, s22, $0xb8;
	[tilespmem:$0x1F800] =	vst v63  }
0x99: {  	_ =	swait.ge [sflag:s18], $0x2800  }
0x9a: {  	[sflag:s18] =	ssyncset.done $0x0  }
0x9b: {  	s12 =	simm.s32 $0x1180;
	[sflag:s18] =	ssyncadd.s32 $0xFFFFD800  }
0x9c: {  	[tilespmem:s26], [sflag:$0x3] =	stream.indirect.gather [hbm4b:s1+s22], $0x80, s12, s22, $0xb8;
	[tilespmem:$0x1F800] =	vst v63  }
0x9d: {  	_ =	swait.ge [sflag:s28], $0x2800  }
0x9e: {  	[sflag:s28] =	ssyncset.done $0x0  }
0x9f: {  	s13 =	simm.s32 $0x3080;
	[sflag:s28] =	ssyncadd.s32 $0xFFFFD800  }
0xa0: {  	[spmem:s3] =	stream.indirect.scatter.add.f32 [tilespmem:s23], [sflag:$0x6], $0x80, s13, s22, $0xb8;
	[tilespmem:$0x1F800] =	vst v63  }
0xa1: {  	_ =	swait.ge [sflag:s18], $0x2800  }
0xa2: {  	[sflag:s18] =	ssyncset.done $0x0  }
0xa3: {  	s19 =	simm.s32 $0x1200;
	[sflag:s18] =	ssyncadd.s32 $0xFFFFD800  }
0xa4: {  	[tilespmem:s23], [sflag:$0x1] =	stream.indirect.gather [hbm4b:s1+s22], $0x80, s19, s22, $0xb8;
	[tilespmem:$0x1F800] =	vst v63  }
0xa5: {  	_ =	swait.ge [sflag:s29], $0x2800  }
0xa6: {  	[sflag:s29] =	ssyncset.done $0x0  }
0xa7: {  	s21 =	simm.s32 $0x3100;
	[sflag:s29] =	ssyncadd.s32 $0xFFFFD800  }
0xa8: {  	[spmem:s3] =	stream.indirect.scatter.add.f32 [tilespmem:s25], [sflag:$0x6], $0x80, s21, s22, $0xb8;
	[tilespmem:$0x1F800] =	vst v63  }
0xa9: {  	_ =	swait.ge [sflag:s18], $0x2800  }
0xaa: {  	s19 =	simm.s32 $0x180;
	s21 =	simm.s32 $0xC00;
	[sflag:s18] =	ssyncset.done $0x0  }
.LBB2_4:
0xab: {  	s11 =	sadd.s32 $0x1100, s19  }
0xac: {  	[sflag:s18] =	ssyncadd.s32 $0xFFFFD800;
	s12 =	smov.u32 s21;
	s13 =	sadd.s32 $0x600, s21  }
0xad: {  	[tilespmem:s25], [sflag:$0x2] =	stream.indirect.gather [hbm4b:s1+s22], $0x80, s11, s22, $0xb8;
	[tilespmem:$0x1F800] =	vst v63  }
0xae: {  	p0 =	sne.s32 s21, $0x3600;
	_ =	swait.ge [sflag:s30], $0x2800  }
0xaf: {  	[sflag:s30] =	ssyncset.done $0x0  }
0xb0: {  	s11 =	sadd.s32 $0x3000, s19;
	[sflag:s30] =	ssyncadd.s32 $0xFFFFD800  }
0xb1: {  	[spmem:s3] =	stream.indirect.scatter.add.f32 [tilespmem:s26], [sflag:$0x6], $0x80, s11, s22, $0xb8;
	[tilespmem:$0x1F800] =	vst v63  }
0xb2: {  	_ =	swait.ge [sflag:s18], $0x2800  }
0xb3: {  	[sflag:s18] =	ssyncset.done $0x0  }
0xb4: {  	s11 =	sadd.s32 $0x1180, s19;
	[sflag:s18] =	ssyncadd.s32 $0xFFFFD800  }
0xb5: {  	[tilespmem:s26], [sflag:$0x3] =	stream.indirect.gather [hbm4b:s1+s22], $0x80, s11, s22, $0xb8;
	[tilespmem:$0x1F800] =	vst v63  }
0xb6: {  	_ =	swait.ge [sflag:s28], $0x2800  }
0xb7: {  	[sflag:s28] =	ssyncset.done $0x0  }
0xb8: {  	s11 =	sadd.s32 $0x3080, s19;
	[sflag:s28] =	ssyncadd.s32 $0xFFFFD800  }
0xb9: {  	[spmem:s3] =	stream.indirect.scatter.add.f32 [tilespmem:s23], [sflag:$0x6], $0x80, s11, s22, $0xb8;
	[tilespmem:$0x1F800] =	vst v63  }
0xba: {  	_ =	swait.ge [sflag:s18], $0x2800  }
0xbb: {  	[sflag:s18] =	ssyncset.done $0x0  }
0xbc: {  	s11 =	sadd.s32 $0x1200, s19;
	[sflag:s18] =	ssyncadd.s32 $0xFFFFD800  }
0xbd: {  	[tilespmem:s23], [sflag:$0x1] =	stream.indirect.gather [hbm4b:s1+s22], $0x80, s11, s22, $0xb8;
	[tilespmem:$0x1F800] =	vst v63  }
0xbe: {  	_ =	swait.ge [sflag:s29], $0x2800  }
.Ltmp1:
0xbf: {  	[sflag:s29] =	ssyncset.done $0x0;
	(pc) =	sbr.rel @p0 .LBB2_4-.Ltmp1, $4  }
0xc0: {  	s11 =	sadd.s32 $0x3100, s19;
	[sflag:s29] =	ssyncadd.s32 $0xFFFFD800  }
0xc1: {  	[spmem:s3] =	stream.indirect.scatter.add.f32 [tilespmem:s25], [sflag:$0x6], $0x80, s11, s22, $0xb8;
	[tilespmem:$0x1F800] =	vst v63  }
0xc2: {  	_ =	swait.ge [sflag:s18], $0x2800  }
0xc3: {  	s21 =	smov.u32 s13;
	s19 =	sshra.s32 s12, $0x2;
	[sflag:s18] =	ssyncset.done $0x0  }
0xc4: {  	s11 =	sadd.s32 $0x1100, s19;
	[sflag:s18] =	ssyncadd.s32 $0xFFFFD800  }
0xc5: {  	[tilespmem:s25], [sflag:$0x2] =	stream.indirect.gather [hbm4b:s1+s22], $0x80, s11, s22, $0xb8;
	[tilespmem:$0x1F800] =	vst v63  }
0xc6: {  	_ =	swait.ge [sflag:s30], $0x2800  }
0xc7: {  	[sflag:s30] =	ssyncset.done $0x0  }
0xc8: {  	s13 =	sadd.s32 $0x3000, s19;
	[sflag:s30] =	ssyncadd.s32 $0xFFFFD800  }
0xc9: {  	[spmem:s3] =	stream.indirect.scatter.add.f32 [tilespmem:s26], [sflag:$0x6], $0x80, s13, s22, $0xb8;
	[tilespmem:$0x1F800] =	vst v63  }
0xca: {  	_ =	swait.ge [sflag:s18], $0x2800  }
0xcb: {  	[sflag:s18] =	ssyncset.done $0x0  }
0xcc: {  	s21 =	sadd.s32 $0x1180, s19;
	[sflag:s18] =	ssyncadd.s32 $0xFFFFD800  }
0xcd: {  	[tilespmem:s26], [sflag:$0x3] =	stream.indirect.gather [hbm4b:s1+s22], $0x80, s21, s22, $0xb8;
	[tilespmem:$0x1F800] =	vst v63  }
0xce: {  	_ =	swait.ge [sflag:s28], $0x2800  }
0xcf: {  	[sflag:s28] =	ssyncset.done $0x0  }
0xd0: {  	s12 =	sadd.s32 $0x3080, s19;
	[sflag:s28] =	ssyncadd.s32 $0xFFFFD800  }
0xd1: {  	[spmem:s3] =	stream.indirect.scatter.add.f32 [tilespmem:s23], [sflag:$0x6], $0x80, s12, s22, $0xb8;
	[tilespmem:$0x1F800] =	vst v63  }
0xd2: {  	_ =	swait.ge [sflag:s18], $0x2800  }
0xd3: {  	[sflag:s18] =	ssyncset.done $0x0  }
0xd4: {  	s13 =	sadd.s32 $0x1200, s19;
	[sflag:s18] =	ssyncadd.s32 $0xFFFFD800  }
0xd5: {  	[tilespmem:s23], [sflag:$0x1] =	stream.indirect.gather [hbm4b:s1+s22], $0x80, s13, s22, $0xb8;
	[tilespmem:$0x1F800] =	vst v63  }
0xd6: {  	_ =	swait.ge [sflag:s29], $0x2800  }
0xd7: {  	[sflag:s29] =	ssyncset.done $0x0  }
0xd8: {  	s19 =	sadd.s32 $0x3100, s19;
	[sflag:s29] =	ssyncadd.s32 $0xFFFFD800  }
0xd9: {  	[spmem:s3] =	stream.indirect.scatter.add.f32 [tilespmem:s25], [sflag:$0x6], $0x80, s19, s22, $0xb8;
	[tilespmem:$0x1F800] =	vst v63  }
0xda: {  	_ =	swait.ge [sflag:s18], $0x2800  }
0xdb: {  	[sflag:s18] =	ssyncset.done $0x0  }
0xdc: {  	[sflag:s18] =	ssyncadd.s32 $0xFFFFD800  }
0xdd: {  	_ =	swait.ge [sflag:s31], $0x1000  }
0xde: {  	[sflag:s31] =	ssyncset.done $0x0  }
0xdf: {  	[sflag:s31] =	ssyncadd.s32 $0xFFFFF000  }
0xe0: {  	_ =	swait.ge [sflag:s0], $0x1000  }
0xe1: {  	[sflag:s0] =	ssyncset.done $0x0  }
0xe2: {  	s21 =	simm.s32 $0x0;
	[sflag:s0] =	ssyncadd.s32 $0xFFFFF000  }
0xe3: {  	[tilespmem:s25], [sflag:$0x2] =	stream.indirect.gather [hbm4b:s1+s22], $0x80, s21, s22, $0xb8;
	[tilespmem:$0x1F800] =	vst v63  }
0xe4: {  	_ =	swait.ge [sflag:s30], $0x2800  }
0xe5: {  	[sflag:s30] =	ssyncset.done $0x0  }
0xe6: {  	[sflag:s30] =	ssyncadd.s32 $0xFFFFD800  }
0xe7: {  	[spmem:s3] =	stream.indirect.scatter.add.f32 [tilespmem:s26], [sflag:$0x6], $0x80, s8, s22, $0xb8;
	[tilespmem:$0x1F800] =	vst v63  }
0xe8: {  	_ =	swait.ge [sflag:s18], $0x2800  }
0xe9: {  	[sflag:s18] =	ssyncset.done $0x0  }
0xea: {  	[sflag:s18] =	ssyncadd.s32 $0xFFFFD800  }
0xeb: {  	[tilespmem:s26], [sflag:$0x3] =	stream.indirect.gather [hbm4b:s1+s22], $0x80, s24, s22, $0xb8;
	[tilespmem:$0x1F800] =	vst v63  }
0xec: {  	_ =	swait.ge [sflag:s28], $0x2800  }
0xed: {  	[sflag:s28] =	ssyncset.done $0x0  }
0xee: {  	[sflag:s28] =	ssyncadd.s32 $0xFFFFD800  }
0xef: {  	[spmem:s3] =	stream.indirect.scatter.add.f32 [tilespmem:s23], [sflag:$0x6], $0x80, s9, s22, $0xb8;
	[tilespmem:$0x1F800] =	vst v63  }
0xf0: {  	_ =	swait.ge [sflag:s18], $0x2800  }
0xf1: {  	[sflag:s18] =	ssyncset.done $0x0  }
0xf2: {  	s12 =	rddreg [dreg:$0xc];
	[sflag:s18] =	ssyncadd.s32 $0xFFFFD800  }
0xf3: {  	[tilespmem:s20], [sflag:$0x4] =	stream.linear.gather [hbm4b:s12+s21], $0x1000, $0x38;
	[tilespmem:$0x1F800] =	vst v63  }
0xf4: {  	s13 =	simm.s32 $0x3000  }
0xf5: {  	[tilespmem:s13], [sflag:$0x5] =	stream.linear.gather [hbm4b:s14+s21], $0x1000, $0x38;
	[tilespmem:$0x1F800] =	vst v63  }
0xf6: {  	s19 =	simm.s32 $0x100  }
0xf7: {  	[tilespmem:s23], [sflag:$0x1] =	stream.indirect.gather [hbm4b:s1+s22], $0x80, s19, s22, $0xb8;
	[tilespmem:$0x1F800] =	vst v63  }
0xf8: {  	_ =	swait.ge [sflag:s29], $0x2800  }
0xf9: {  	[sflag:s29] =	ssyncset.done $0x0  }
0xfa: {  	s21 =	simm.s32 $0x2000;
	[sflag:s29] =	ssyncadd.s32 $0xFFFFD800  }
0xfb: {  	[spmem:s3] =	stream.indirect.scatter.add.f32 [tilespmem:s25], [sflag:$0x6], $0x80, s21, s22, $0xb8;
	[tilespmem:$0x1F800] =	vst v63  }
0xfc: {  	_ =	swait.ge [sflag:s18], $0x2800  }
0xfd: {  	[sflag:s18] =	ssyncset.done $0x0  }
0xfe: {  	s12 =	simm.s32 $0x180;
	[sflag:s18] =	ssyncadd.s32 $0xFFFFD800  }
0xff: {  	[tilespmem:s25], [sflag:$0x2] =	stream.indirect.gather [hbm4b:s1+s22], $0x80, s12, s22, $0xb8;
	[tilespmem:$0x1F800] =	vst v63  }
0x100: {  	_ =	swait.ge [sflag:s30], $0x2800  }
0x101: {  	[sflag:s30] =	ssyncset.done $0x0  }
0x102: {  	s13 =	simm.s32 $0x2080;
	[sflag:s30] =	ssyncadd.s32 $0xFFFFD800  }
0x103: {  	[spmem:s3] =	stream.indirect.scatter.add.f32 [tilespmem:s26], [sflag:$0x6], $0x80, s13, s22, $0xb8;
	[tilespmem:$0x1F800] =	vst v63  }
0x104: {  	_ =	swait.ge [sflag:s18], $0x2800  }
0x105: {  	[sflag:s18] =	ssyncset.done $0x0  }
0x106: {  	s19 =	simm.s32 $0x200;
	[sflag:s18] =	ssyncadd.s32 $0xFFFFD800  }
0x107: {  	[tilespmem:s26], [sflag:$0x3] =	stream.indirect.gather [hbm4b:s1+s22], $0x80, s19, s22, $0xb8;
	[tilespmem:$0x1F800] =	vst v63  }
0x108: {  	_ =	swait.ge [sflag:s28], $0x2800  }
0x109: {  	[sflag:s28] =	ssyncset.done $0x0  }
0x10a: {  	s21 =	simm.s32 $0x2100;
	[sflag:s28] =	ssyncadd.s32 $0xFFFFD800  }
0x10b: {  	[spmem:s3] =	stream.indirect.scatter.add.f32 [tilespmem:s23], [sflag:$0x6], $0x80, s21, s22, $0xb8;
	[tilespmem:$0x1F800] =	vst v63  }
0x10c: {  	_ =	swait.ge [sflag:s18], $0x2800  }
0x10d: {  	s19 =	simm.s32 $0x180;
	s21 =	simm.s32 $0xC00;
	[sflag:s18] =	ssyncset.done $0x0  }
.LBB2_6:
0x10e: {  	s11 =	sadd.s32 $0x100, s19  }
0x10f: {  	[sflag:s18] =	ssyncadd.s32 $0xFFFFD800;
	s12 =	smov.u32 s21;
	s13 =	sadd.s32 $0x600, s21  }
0x110: {  	[tilespmem:s23], [sflag:$0x1] =	stream.indirect.gather [hbm4b:s1+s22], $0x80, s11, s22, $0xb8;
	[tilespmem:$0x1F800] =	vst v63  }
0x111: {  	p0 =	sne.s32 s21, $0x3600;
	_ =	swait.ge [sflag:s29], $0x2800  }
0x112: {  	[sflag:s29] =	ssyncset.done $0x0  }
0x113: {  	s11 =	sadd.s32 $0x2000, s19;
	[sflag:s29] =	ssyncadd.s32 $0xFFFFD800  }
0x114: {  	[spmem:s3] =	stream.indirect.scatter.add.f32 [tilespmem:s25], [sflag:$0x6], $0x80, s11, s22, $0xb8;
	[tilespmem:$0x1F800] =	vst v63  }
0x115: {  	_ =	swait.ge [sflag:s18], $0x2800  }
0x116: {  	[sflag:s18] =	ssyncset.done $0x0  }
0x117: {  	s11 =	sadd.s32 $0x180, s19;
	[sflag:s18] =	ssyncadd.s32 $0xFFFFD800  }
0x118: {  	[tilespmem:s25], [sflag:$0x2] =	stream.indirect.gather [hbm4b:s1+s22], $0x80, s11, s22, $0xb8;
	[tilespmem:$0x1F800] =	vst v63  }
0x119: {  	_ =	swait.ge [sflag:s30], $0x2800  }
0x11a: {  	[sflag:s30] =	ssyncset.done $0x0  }
0x11b: {  	s11 =	sadd.s32 $0x2080, s19;
	[sflag:s30] =	ssyncadd.s32 $0xFFFFD800  }
0x11c: {  	[spmem:s3] =	stream.indirect.scatter.add.f32 [tilespmem:s26], [sflag:$0x6], $0x80, s11, s22, $0xb8;
	[tilespmem:$0x1F800] =	vst v63  }
0x11d: {  	_ =	swait.ge [sflag:s18], $0x2800  }
0x11e: {  	[sflag:s18] =	ssyncset.done $0x0  }
0x11f: {  	s11 =	sadd.s32 $0x200, s19;
	[sflag:s18] =	ssyncadd.s32 $0xFFFFD800  }
0x120: {  	[tilespmem:s26], [sflag:$0x3] =	stream.indirect.gather [hbm4b:s1+s22], $0x80, s11, s22, $0xb8;
	[tilespmem:$0x1F800] =	vst v63  }
0x121: {  	_ =	swait.ge [sflag:s28], $0x2800  }
.Ltmp2:
0x122: {  	[sflag:s28] =	ssyncset.done $0x0;
	(pc) =	sbr.rel @p0 .LBB2_6-.Ltmp2, $4  }
0x123: {  	s11 =	sadd.s32 $0x2100, s19;
	[sflag:s28] =	ssyncadd.s32 $0xFFFFD800  }
0x124: {  	[spmem:s3] =	stream.indirect.scatter.add.f32 [tilespmem:s23], [sflag:$0x6], $0x80, s11, s22, $0xb8;
	[tilespmem:$0x1F800] =	vst v63  }
0x125: {  	_ =	swait.ge [sflag:s18], $0x2800  }
0x126: {  	s21 =	smov.u32 s13;
	s19 =	sshra.s32 s12, $0x2;
	[sflag:s18] =	ssyncset.done $0x0  }
0x127: {  	s11 =	sadd.s32 $0x100, s19;
	[sflag:s18] =	ssyncadd.s32 $0xFFFFD800  }
0x128: {  	[tilespmem:s23], [sflag:$0x1] =	stream.indirect.gather [hbm4b:s1+s22], $0x80, s11, s22, $0xb8;
	[tilespmem:$0x1F800] =	vst v63  }
0x129: {  	_ =	swait.ge [sflag:s29], $0x2800  }
0x12a: {  	[sflag:s29] =	ssyncset.done $0x0  }
0x12b: {  	s12 =	sadd.s32 $0x2000, s19;
	[sflag:s29] =	ssyncadd.s32 $0xFFFFD800  }
0x12c: {  	[spmem:s3] =	stream.indirect.scatter.add.f32 [tilespmem:s25], [sflag:$0x6], $0x80, s12, s22, $0xb8;
	[tilespmem:$0x1F800] =	vst v63  }
0x12d: {  	_ =	swait.ge [sflag:s18], $0x2800  }
0x12e: {  	[sflag:s18] =	ssyncset.done $0x0  }
0x12f: {  	s13 =	sadd.s32 $0x180, s19;
	[sflag:s18] =	ssyncadd.s32 $0xFFFFD800  }
0x130: {  	[tilespmem:s25], [sflag:$0x2] =	stream.indirect.gather [hbm4b:s1+s22], $0x80, s13, s22, $0xb8;
	[tilespmem:$0x1F800] =	vst v63  }
0x131: {  	_ =	swait.ge [sflag:s30], $0x2800  }
0x132: {  	[sflag:s30] =	ssyncset.done $0x0  }
0x133: {  	s21 =	sadd.s32 $0x2080, s19;
	[sflag:s30] =	ssyncadd.s32 $0xFFFFD800  }
0x134: {  	[spmem:s3] =	stream.indirect.scatter.add.f32 [tilespmem:s26], [sflag:$0x6], $0x80, s21, s22, $0xb8;
	[tilespmem:$0x1F800] =	vst v63  }
0x135: {  	_ =	swait.ge [sflag:s18], $0x2800  }
0x136: {  	[sflag:s18] =	ssyncset.done $0x0  }
0x137: {  	s12 =	sadd.s32 $0x200, s19;
	[sflag:s18] =	ssyncadd.s32 $0xFFFFD800  }
0x138: {  	[tilespmem:s26], [sflag:$0x3] =	stream.indirect.gather [hbm4b:s1+s22], $0x80, s12, s22, $0xb8;
	[tilespmem:$0x1F800] =	vst v63  }
0x139: {  	_ =	swait.ge [sflag:s28], $0x2800  }
0x13a: {  	[sflag:s28] =	ssyncset.done $0x0  }
0x13b: {  	s13 =	sadd.s32 $0x2100, s19;
	[sflag:s28] =	ssyncadd.s32 $0xFFFFD800  }
0x13c: {  	[spmem:s3] =	stream.indirect.scatter.add.f32 [tilespmem:s23], [sflag:$0x6], $0x80, s13, s22, $0xb8;
	[tilespmem:$0x1F800] =	vst v63  }
0x13d: {  	_ =	swait.ge [sflag:s18], $0x2800  }
0x13e: {  	[sflag:s18] =	ssyncset.done $0x0  }
0x13f: {  	[sflag:s18] =	ssyncadd.s32 $0xFFFFD800  }
0x140: {  	_ =	swait.ge [sflag:s31], $0x1000  }
0x141: {  	[sflag:s31] =	ssyncset.done $0x0  }
0x142: {  	[sflag:s31] =	ssyncadd.s32 $0xFFFFF000  }
0x143: {  	_ =	swait.ge [sflag:s0], $0x1000  }
0x144: {  	[sflag:s0] =	ssyncset.done $0x0  }
0x145: {  	[sflag:s0] =	ssyncadd.s32 $0xFFFFF000  }
0x146: {  	[tilespmem:s23], [sflag:$0x1] =	stream.indirect.gather [hbm4b:s1+s22], $0x80, s20, s22, $0xb8;
	[tilespmem:$0x1F800] =	vst v63  }
0x147: {  	_ =	swait.ge [sflag:s29], $0x2800  }
0x148: {  	[sflag:s29] =	ssyncset.done $0x0  }
0x149: {  	[sflag:s29] =	ssyncadd.s32 $0xFFFFD800  }
0x14a: {  	[spmem:s3] =	stream.indirect.scatter.add.f32 [tilespmem:s25], [sflag:$0x6], $0x80, s2, s22, $0xb8;
	[tilespmem:$0x1F800] =	vst v63  }
0x14b: {  	_ =	swait.ge [sflag:s18], $0x2800  }
0x14c: {  	[sflag:s18] =	ssyncset.done $0x0  }
0x14d: {  	[sflag:s18] =	ssyncadd.s32 $0xFFFFD800  }
0x14e: {  	[tilespmem:s25], [sflag:$0x2] =	stream.indirect.gather [hbm4b:s1+s22], $0x80, s5, s22, $0xb8;
	[tilespmem:$0x1F800] =	vst v63  }
0x14f: {  	_ =	swait.ge [sflag:s30], $0x2800  }
0x150: {  	[sflag:s30] =	ssyncset.done $0x0  }
0x151: {  	[sflag:s30] =	ssyncadd.s32 $0xFFFFD800  }
0x152: {  	[spmem:s3] =	stream.indirect.scatter.add.f32 [tilespmem:s26], [sflag:$0x6], $0x80, s7, s22, $0xb8;
	[tilespmem:$0x1F800] =	vst v63  }
0x153: {  	_ =	swait.ge [sflag:s18], $0x2800  }
0x154: {  	[sflag:s18] =	ssyncset.done $0x0  }
0x155: {  	s19 =	simm.s32 $0x1100;
	[sflag:s18] =	ssyncadd.s32 $0xFFFFD800  }
0x156: {  	[tilespmem:s26], [sflag:$0x3] =	stream.indirect.gather [hbm4b:s1+s22], $0x80, s19, s22, $0xb8;
	[tilespmem:$0x1F800] =	vst v63  }
0x157: {  	_ =	swait.ge [sflag:s28], $0x2800  }
0x158: {  	[sflag:s28] =	ssyncset.done $0x0  }
0x159: {  	s21 =	simm.s32 $0x3000;
	[sflag:s28] =	ssyncadd.s32 $0xFFFFD800  }
0x15a: {  	[spmem:s3] =	stream.indirect.scatter.add.f32 [tilespmem:s23], [sflag:$0x6], $0x80, s21, s22, $0xb8;
	[tilespmem:$0x1F800] =	vst v63  }
0x15b: {  	_ =	swait.ge [sflag:s18], $0x2800  }
0x15c: {  	[sflag:s18] =	ssyncset.done $0x0  }
0x15d: {  	s12 =	simm.s32 $0x1180;
	[sflag:s18] =	ssyncadd.s32 $0xFFFFD800  }
0x15e: {  	[tilespmem:s23], [sflag:$0x1] =	stream.indirect.gather [hbm4b:s1+s22], $0x80, s12, s22, $0xb8;
	[tilespmem:$0x1F800] =	vst v63  }
0x15f: {  	_ =	swait.ge [sflag:s29], $0x2800  }
0x160: {  	[sflag:s29] =	ssyncset.done $0x0  }
0x161: {  	s13 =	simm.s32 $0x3080;
	[sflag:s29] =	ssyncadd.s32 $0xFFFFD800  }
0x162: {  	[spmem:s3] =	stream.indirect.scatter.add.f32 [tilespmem:s25], [sflag:$0x6], $0x80, s13, s22, $0xb8;
	[tilespmem:$0x1F800] =	vst v63  }
0x163: {  	_ =	swait.ge [sflag:s18], $0x2800  }
0x164: {  	[sflag:s18] =	ssyncset.done $0x0  }
0x165: {  	s19 =	simm.s32 $0x1200;
	[sflag:s18] =	ssyncadd.s32 $0xFFFFD800  }
0x166: {  	[tilespmem:s25], [sflag:$0x2] =	stream.indirect.gather [hbm4b:s1+s22], $0x80, s19, s22, $0xb8;
	[tilespmem:$0x1F800] =	vst v63  }
0x167: {  	_ =	swait.ge [sflag:s30], $0x2800  }
0x168: {  	[sflag:s30] =	ssyncset.done $0x0  }
0x169: {  	s21 =	simm.s32 $0x3100;
	[sflag:s30] =	ssyncadd.s32 $0xFFFFD800  }
0x16a: {  	[spmem:s3] =	stream.indirect.scatter.add.f32 [tilespmem:s26], [sflag:$0x6], $0x80, s21, s22, $0xb8;
	[tilespmem:$0x1F800] =	vst v63  }
0x16b: {  	_ =	swait.ge [sflag:s18], $0x2800  }
0x16c: {  	s19 =	simm.s32 $0x180;
	s21 =	simm.s32 $0xC00;
	[sflag:s18] =	ssyncset.done $0x0  }
.LBB2_8:
0x16d: {  	s11 =	sadd.s32 $0x1100, s19  }
0x16e: {  	[sflag:s18] =	ssyncadd.s32 $0xFFFFD800;
	s12 =	smov.u32 s21;
	s13 =	sadd.s32 $0x600, s21  }
0x16f: {  	[tilespmem:s26], [sflag:$0x3] =	stream.indirect.gather [hbm4b:s1+s22], $0x80, s11, s22, $0xb8;
	[tilespmem:$0x1F800] =	vst v63  }
0x170: {  	p0 =	sne.s32 s21, $0x3600;
	_ =	swait.ge [sflag:s28], $0x2800  }
0x171: {  	[sflag:s28] =	ssyncset.done $0x0  }
0x172: {  	s11 =	sadd.s32 $0x3000, s19;
	[sflag:s28] =	ssyncadd.s32 $0xFFFFD800  }
0x173: {  	[spmem:s3] =	stream.indirect.scatter.add.f32 [tilespmem:s23], [sflag:$0x6], $0x80, s11, s22, $0xb8;
	[tilespmem:$0x1F800] =	vst v63  }
0x174: {  	_ =	swait.ge [sflag:s18], $0x2800  }
0x175: {  	[sflag:s18] =	ssyncset.done $0x0  }
0x176: {  	s11 =	sadd.s32 $0x1180, s19;
	[sflag:s18] =	ssyncadd.s32 $0xFFFFD800  }
0x177: {  	[tilespmem:s23], [sflag:$0x1] =	stream.indirect.gather [hbm4b:s1+s22], $0x80, s11, s22, $0xb8;
	[tilespmem:$0x1F800] =	vst v63  }
0x178: {  	_ =	swait.ge [sflag:s29], $0x2800  }
0x179: {  	[sflag:s29] =	ssyncset.done $0x0  }
0x17a: {  	s11 =	sadd.s32 $0x3080, s19;
	[sflag:s29] =	ssyncadd.s32 $0xFFFFD800  }
0x17b: {  	[spmem:s3] =	stream.indirect.scatter.add.f32 [tilespmem:s25], [sflag:$0x6], $0x80, s11, s22, $0xb8;
	[tilespmem:$0x1F800] =	vst v63  }
0x17c: {  	_ =	swait.ge [sflag:s18], $0x2800  }
0x17d: {  	[sflag:s18] =	ssyncset.done $0x0  }
0x17e: {  	s11 =	sadd.s32 $0x1200, s19;
	[sflag:s18] =	ssyncadd.s32 $0xFFFFD800  }
0x17f: {  	[tilespmem:s25], [sflag:$0x2] =	stream.indirect.gather [hbm4b:s1+s22], $0x80, s11, s22, $0xb8;
	[tilespmem:$0x1F800] =	vst v63  }
0x180: {  	_ =	swait.ge [sflag:s30], $0x2800  }
.Ltmp3:
0x181: {  	[sflag:s30] =	ssyncset.done $0x0;
	(pc) =	sbr.rel @p0 .LBB2_8-.Ltmp3, $4  }
0x182: {  	s11 =	sadd.s32 $0x3100, s19;
	[sflag:s30] =	ssyncadd.s32 $0xFFFFD800  }
0x183: {  	[spmem:s3] =	stream.indirect.scatter.add.f32 [tilespmem:s26], [sflag:$0x6], $0x80, s11, s22, $0xb8;
	[tilespmem:$0x1F800] =	vst v63  }
0x184: {  	_ =	swait.ge [sflag:s18], $0x2800  }
0x185: {  	s21 =	smov.u32 s13;
	s19 =	sshra.s32 s12, $0x2;
	[sflag:s18] =	ssyncset.done $0x0  }
0x186: {  	s11 =	sadd.s32 $0x1100, s19;
	[sflag:s18] =	ssyncadd.s32 $0xFFFFD800  }
0x187: {  	[tilespmem:s26], [sflag:$0x3] =	stream.indirect.gather [hbm4b:s1+s22], $0x80, s11, s22, $0xb8;
	[tilespmem:$0x1F800] =	vst v63  }
0x188: {  	_ =	swait.ge [sflag:s28], $0x2800  }
0x189: {  	[sflag:s28] =	ssyncset.done $0x0  }
0x18a: {  	s13 =	sadd.s32 $0x3000, s19;
	[sflag:s28] =	ssyncadd.s32 $0xFFFFD800  }
0x18b: {  	[spmem:s3] =	stream.indirect.scatter.add.f32 [tilespmem:s23], [sflag:$0x6], $0x80, s13, s22, $0xb8;
	[tilespmem:$0x1F800] =	vst v63  }
0x18c: {  	_ =	swait.ge [sflag:s18], $0x2800  }
0x18d: {  	[sflag:s18] =	ssyncset.done $0x0  }
0x18e: {  	s21 =	sadd.s32 $0x1180, s19;
	[sflag:s18] =	ssyncadd.s32 $0xFFFFD800  }
0x18f: {  	[tilespmem:s23], [sflag:$0x1] =	stream.indirect.gather [hbm4b:s1+s22], $0x80, s21, s22, $0xb8;
	[tilespmem:$0x1F800] =	vst v63  }
0x190: {  	_ =	swait.ge [sflag:s29], $0x2800  }
0x191: {  	[sflag:s29] =	ssyncset.done $0x0  }
0x192: {  	s12 =	sadd.s32 $0x3080, s19;
	[sflag:s29] =	ssyncadd.s32 $0xFFFFD800  }
0x193: {  	[spmem:s3] =	stream.indirect.scatter.add.f32 [tilespmem:s25], [sflag:$0x6], $0x80, s12, s22, $0xb8;
	[tilespmem:$0x1F800] =	vst v63  }
0x194: {  	_ =	swait.ge [sflag:s18], $0x2800  }
0x195: {  	[sflag:s18] =	ssyncset.done $0x0  }
0x196: {  	s13 =	sadd.s32 $0x1200, s19;
	[sflag:s18] =	ssyncadd.s32 $0xFFFFD800  }
0x197: {  	[tilespmem:s25], [sflag:$0x2] =	stream.indirect.gather [hbm4b:s1+s22], $0x80, s13, s22, $0xb8;
	[tilespmem:$0x1F800] =	vst v63  }
0x198: {  	_ =	swait.ge [sflag:s30], $0x2800  }
0x199: {  	[sflag:s30] =	ssyncset.done $0x0  }
0x19a: {  	s21 =	sadd.s32 $0x3100, s19;
	[sflag:s30] =	ssyncadd.s32 $0xFFFFD800  }
0x19b: {  	[spmem:s3] =	stream.indirect.scatter.add.f32 [tilespmem:s26], [sflag:$0x6], $0x80, s21, s22, $0xb8;
	[tilespmem:$0x1F800] =	vst v63  }
0x19c: {  	_ =	swait.ge [sflag:s18], $0x2800  }
0x19d: {  	[sflag:s18] =	ssyncset.done $0x0  }
0x19e: {  	[sflag:s18] =	ssyncadd.s32 $0xFFFFD800  }
0x19f: {  	_ =	swait.ge [sflag:s28], $0x2800  }
0x1a0: {  	[sflag:s28] =	ssyncset.done $0x0  }
0x1a1: {  	[sflag:s28] =	ssyncadd.s32 $0xFFFFD800  }
0x1a2: {  	[spmem:s3] =	stream.indirect.scatter.add.f32 [tilespmem:s23], [sflag:$0x6], $0x80, s8, s22, $0xb8;
	[tilespmem:$0x1F800] =	vst v63  }
0x1a3: {  	_ =	swait.ge [sflag:s18], $0x2800  }
0x1a4: {  	[sflag:s18] =	ssyncset.done $0x0  }
0x1a5: {  	[sflag:s18] =	ssyncadd.s32 $0xFFFFD800  }
0x1a6: {  	_ =	swait.ge [sflag:s29], $0x2800  }
0x1a7: {  	[sflag:s29] =	ssyncset.done $0x0  }
0x1a8: {  	[sflag:s29] =	ssyncadd.s32 $0xFFFFD800  }
0x1a9: {  	[spmem:s3] =	stream.indirect.scatter.add.f32 [tilespmem:s25], [sflag:$0x6], $0x80, s9, s22, $0xb8;
	[tilespmem:$0x1F800] =	vst v63  }
0x1aa: {  	_ =	swait.ge [sflag:s18], $0x2800  }
0x1ab: {  	s10 =	sadd.s32 $0x1, s10;
	[sflag:s18] =	ssyncset.done $0x0  }
0x1ac: {  	p0 =	sne.s32 s10, s16;
	[sflag:s18] =	ssyncadd.s32 $0xFFFFD800  }
.Ltmp4:
0x1ad: {  	[bflag:$0x0] =	sbarrier.arrive $0xFFFF;
	(pc) =	sbr.rel @p0 .LBB2_1-.Ltmp4, $4  }
0x1ae: {  	[hbm:s15], [sflag:s6] =	dma.local [spmem:s17], $0x2800  }
0x1af: {  	_ =	swait.ge [sflag:s18], $0x2800  }
0x1b0: {  	[sflag:s18] =	ssyncset.done $0x0  }
0x1b1: {  	[sflag:s18] =	ssyncadd.s32 $0xFFFFD800  }
0x1b2: {  	_ =	sfence.sel $0x180000  }
0x1b3: {  	[bflag:$0x0] =	sbarrier.arrive $0xFFFF  }
0x1b4: {  	_ =	strace $0x90000047  }
0x1b5: {  	s0 =	stileid.u32;
	[bflag:$0x2] =	sbarrier.arrive $0xFFFF  }
0x1b6: {  	p0 =	sne.s32 s0, $0x0;
	s0 =	rddreg [dreg:$0x4]  }
0x1b7: {  	s0 =	sadd.s32 @!p0 $0x100000, s0  }
0x1b8: {  	[sflag:s0] =	ssyncadd.tile.s32 @!p0 $0x1;
	_ =	shalt  }
.Lfunc_end2:
_tile_overlayer_lowered:
.L_overlay_start_2:
0x1b9: {  	(tag) =	ssettag $0x2  }
0x1ba: {  	s0 =	rddreg [dreg:$0x0];
	s2 =	stileid.u32  }
0x1bb: {  	s1 =	rddreg [dreg:$0x1];
	p0 =	sne.s32 s2, $0x0  }
0x1bc: {  	s3 =	rddreg [dreg:$0x2];
	[bflag:$0x3] =	sbarrier.arrive $0xFFFF;
	s2 =	simm.s32 @!p0 $0x1C06  }
0x1bd: {  	[timem:s3], [sflag:s2] =	dma.local @!p0 [hbm:s0], s1  }
0x1be: {  	s0 =	simm.s32 @!p0 $0x6  }
0x1bf: {  	_ =	swait.ge @!p0 [sflag:s0], s1  }
0x1c0: {  	s1 =	ssub.s32 @!p0 $0x0, s1;
	[sflag:s0] =	ssyncset.done @!p0 $0x0  }
0x1c1: {  	[sflag:s0] =	ssyncadd.s32 @!p0 s1  }
0x1c2: {  	[bflag:$0x3] =	sbarrier.arrive $0xFFFF  }
0x1c3: {  	_ =	shalt  }

// kernel: kernel.9.cloned.1.call-start
scs
__scs_entry_jumppad:
0x0: {  	(pc) =	sbr.rel $0x88, $3  }
0x1: {  	(tag) =	ssettag $0x0;
	lr =	simm.s32 $0x1  }
0x2: {  	[smem:$0x3F93] =	sst lr;
	_ =	strace $0xD0000000  }
0x3: {  	_ = 	snop  }
0x4: {  	_ = 	snop  }
0x5: {  	_ = 	snop  }
0x6: {  	_ = 	snop  }
0x7: {  	_ = 	snop  }
__scs_overlays_trampoline_lowered:
0x8: {  	[smem:$0x3FA2] =	sst s0  }
0x9: {  	[smem:$0x3FA3] =	sst s1  }
0xa: {  	[smem:$0x3FA4] =	sst s2  }
0xb: {  	[smem:$0x3FA5] =	sst s3  }
0xc: {  	[smem:$0x3FA6] =	sst s4  }
0xd: {  	[smem:$0x3FA7] =	sst s5  }
0xe: {  	[smem:$0x3FA8] =	sst s6  }
0xf: {  	[smem:$0x3FA9] =	sst s7  }
0x10: {  	[smem:$0x3FAA] =	sst s8  }
0x11: {  	[smem:$0x3FAB] =	sst s9;
	s0 =	simm.s32 @!p0 $0x0  }
0x12: {  	s1 =	sld [smem:$0x3F91];
	s0 =	simm.s32 @p0 $0x1  }
0x13: {  	[smem:$0x3FAC] =	sst s0;
	s0 =	simm.s32 @!p1 $0x0  }
0x14: {  	s2 =	sld [smem:$0x3F90];
	s0 =	simm.s32 @p1 $0x1  }
0x15: {  	[smem:$0x3FAD] =	sst s0;
	s0 =	simm.s32 @!p2 $0x0  }
0x16: {  	s3 =	sld [smem:$0x3FDB];
	s0 =	simm.s32 @p2 $0x1  }
0x17: {  	s4 =	simm.s32 $0x1BF5;
	[smem:$0x3FAF] =	sst s0  }
0x18: {  	s0 =	sld [smem:$0x3F92];
	_ =	swait.ge [sflag:s4], $0x0  }
0x19: {  	s7 =	sld [smem:$0x3F93]  }
0x1a: {  	s8 =	sadd.s32 $0xFFFFE003, lr  }
0x1b: {  	s9 =	sadd.s32 $0xFFFFFEF7, lr;
	s5 =	simm.s32 $0xFFFFFFFF;
	p2 =	slt.u32 s8, $0xFFFFF086  }
0x1c: {  	p1 =	slt.u32 s9, $0xF7A;
	s5 =	simm.s32 @!p2 $0x0  }
0x1d: {  	s5 =	simm.s32 @p1 $0x1;
	p0 =	seq.s32 s7, s2  }
0x1e: {  	s7 =	smul.u32 @!p0 $0xF7A, s2;
	p2 =	seq.s32 @!p0 s5, $0x0  }
0x1f: {  	s9 =	smul.u32 $0xF7A, s1;
	s8 =	simm.s32 @!p0 $0x1BF5;
	p2 =	por !p2, p0  }
0x20: {  	[sflag:s8] =	ssyncset.s32 @!p0 $0xFFFFF086;
	s6 =	sadd.s32 @!p0 s3, s7;
	s7 =	simm.s32 @!p0 $0x108  }
0x21: {  	s3 =	sadd.s32 s3, s9;
	s6 =	sadd.s32 @!p0 $0x88, s6;
	s7 =	simm.s32 @p2 $0x1082  }
0x22: {  	[simem:s7], [sflag:s8] =	dma.local @!p0 [hbm:s6], $0xF7A  }
0x23: {  	s9 =	sor.u32 $0xD0000000, s2;
	s6 =	simm.s32 $0x108;
	_ =	swait.ge @!p0 [sflag:s8], $0x0  }
0x24: {  	s3 =	sadd.s32 $0x88, s3;
	s6 =	simm.s32 @!p1 $0x1082;
	[sflag:s4] =	ssyncset.s32 $0xFFFFF086  }
0x25: {  	[simem:s6], [sflag:s4] =	dma.local [hbm:s3], $0xF7A  }
0x26: {  	[smem:$0x3F93] =	sst s1;
	(tag) =	ssettag s2;
	_ =	strace s9  }
0x27: {  	s1 =	sld [smem:$0x3FA3]  }
0x28: {  	s2 =	sld [smem:$0x3FA4]  }
0x29: {  	s4 =	sld [smem:$0x3FA6]  }
0x2a: {  	p0 =	seq.s32 s5, $0x0;
	s5 =	sld [smem:$0x3FA7]  }
0x2b: {  	s6 =	sld [smem:$0x3FA8]  }
0x2c: {  	s7 =	sld [smem:$0x3FA9]  }
0x2d: {  	s3 =	simm.s32 $0x108;
	s8 =	sld [smem:$0x3FAA]  }
0x2e: {  	s3 =	simm.s32 @!p0 $0x1082;
	s9 =	sld [smem:$0x3FAB]  }
0x2f: {  	lr =	sadd.s32 s0, s3;
	s0 =	sld [smem:$0x3FA2]  }
0x30: {  	s3 =	sld [smem:$0x3FA5]  }
0x31: {  	[smem:$0x3FAE] =	sst s10  }
0x32: {  	s10 =	sld [smem:$0x3FAC];
	_ =	sdelay $0x3  }
0x33: {  	p0 =	seq.s32 s10, $0x1;
	s10 =	sld [smem:$0x3FAE];
	_ =	sdelay $0x3  }
0x34: {  	[smem:$0x3FAE] =	sst s10  }
0x35: {  	s10 =	sld [smem:$0x3FAD];
	_ =	sdelay $0x3  }
0x36: {  	p1 =	seq.s32 s10, $0x1;
	s10 =	sld [smem:$0x3FAE];
	_ =	sdelay $0x3  }
0x37: {  	[smem:$0x3FAE] =	sst s10  }
0x38: {  	s10 =	sld [smem:$0x3FAF]  }
0x39: {  	_ = 	snop;
	(pc) =	sbr.ind lr, $3  }
0x3a: {  	_ = 	snop  }
0x3b: {  	_ = 	snop  }
0x3c: {  	p2 =	seq.s32 s10, $0x1;
	s10 =	sld [smem:$0x3FAE]  }
0x3d: {  	_ =	shalt  }
0x3e: {  	_ =	shalt  }
0x3f: {  	_ =	shalt  }
0x40: {  	_ =	shalt  }
0x41: {  	_ =	shalt  }
0x42: {  	_ =	shalt  }
0x43: {  	_ =	shalt  }
0x44: {  	_ =	shalt  }
0x45: {  	_ =	shalt  }
0x46: {  	_ =	shalt  }
0x47: {  	_ =	shalt  }
0x48: {  	_ =	shalt  }
0x49: {  	_ =	shalt  }
0x4a: {  	_ =	shalt  }
0x4b: {  	_ =	shalt  }
0x4c: {  	_ =	shalt  }
0x4d: {  	_ =	shalt  }
0x4e: {  	_ =	shalt  }
0x4f: {  	_ =	shalt  }
0x50: {  	_ =	shalt  }
0x51: {  	_ =	shalt  }
0x52: {  	_ =	shalt  }
0x53: {  	_ =	shalt  }
0x54: {  	_ =	shalt  }
0x55: {  	_ =	shalt  }
0x56: {  	_ =	shalt  }
0x57: {  	_ =	shalt  }
0x58: {  	_ =	shalt  }
0x59: {  	_ =	shalt  }
0x5a: {  	_ =	shalt  }
0x5b: {  	_ =	shalt  }
0x5c: {  	_ =	shalt  }
0x5d: {  	_ =	shalt  }
0x5e: {  	_ =	shalt  }
0x5f: {  	_ =	shalt  }
0x60: {  	_ =	shalt  }
0x61: {  	_ =	shalt  }
0x62: {  	_ =	shalt  }
0x63: {  	_ =	shalt  }
0x64: {  	_ =	shalt  }
0x65: {  	_ =	shalt  }
0x66: {  	_ =	shalt  }
0x67: {  	_ =	shalt  }
0x68: {  	_ =	shalt  }
0x69: {  	_ =	shalt  }
0x6a: {  	_ =	shalt  }
0x6b: {  	_ =	shalt  }
0x6c: {  	_ =	shalt  }
0x6d: {  	_ =	shalt  }
0x6e: {  	_ =	shalt  }
0x6f: {  	_ =	shalt  }
0x70: {  	_ =	shalt  }
0x71: {  	_ =	shalt  }
0x72: {  	_ =	shalt  }
0x73: {  	_ =	shalt  }
0x74: {  	_ =	shalt  }
0x75: {  	_ =	shalt  }
0x76: {  	_ =	shalt  }
0x77: {  	_ =	shalt  }
0x78: {  	_ =	shalt  }
0x79: {  	_ =	shalt  }
0x7a: {  	_ =	shalt  }
0x7b: {  	_ =	shalt  }
0x7c: {  	_ =	shalt  }
0x7d: {  	_ =	shalt  }
0x7e: {  	_ =	shalt  }
0x7f: {  	_ =	shalt  }
0x80: {  	_ =	shalt  }
0x81: {  	_ =	shalt  }
0x82: {  	_ =	shalt  }
0x83: {  	_ =	shalt  }
0x84: {  	_ =	shalt  }
0x85: {  	_ =	shalt  }
0x86: {  	_ =	shalt  }
0x87: {  	_ =	shalt  }
.Lfunc_end0:
.L_simem_size_0:
called_computation.1_lowered:
.L_overlay_start_0:
0x88: {  	s2 =	sld [smem:$0x3FD9]  }
0x89: {  	s3 =	sld [smem:$0x3FFE];
	_ =	sdelay $0x1  }
0x8a: {  	s1 =	srdreg.scid  }
0x8b: {  	s0 =	sand.u32 $0x1, s1  }
0x8c: {  	s14 =	sshll.u32 s0, $0xA;
	s2 =	sadd.s32 s3, s2  }
0x8d: {  	s2 =	sadd.s32 s2, s14  }
0x8e: {  	[smem:$0x3FBA] =	sst s2  }
0x8f: {  	_ = 	snop  }
0x90: {  	s2 =	sld [smem:$0x3FD0];
	_ =	sdelay $0x2  }
0x91: {  	s15 =	simm.s32 $0xA;
	s4 =	simm.s32 $0x10  }
0x92: {  	[smem:s4], [sflag:s15] =	dma.local [hbm:s2], $0x1  }
0x93: {  	_ =	swait.eq [sflag:s15], $0x1  }
0x94: {  	[sflag:s15] =	ssyncset.done $0x0  }
0x95: {  	s16 =	sld [smem:$0x10];
	[sflag:s15] =	ssyncadd.s32 $0xFFFFFFFF  }
0x96: {  	s17 =	sld [smem:$0x11];
	(tm) =	ssettm $0x1  }
0x97: {  	s18 =	sld [smem:$0x3FFB];
	_ =	sdelay $0x3  }
0x98: {  	_ =	strace s18  }
0x99: {  	s4 =	sld [smem:$0x3FFC];
	_ =	sdelay $0x3  }
0x9a: {  	_ =	strace s4  }
0x9b: {  	s4 =	sld [smem:$0x3FFD];
	_ =	sdelay $0x3  }
0x9c: {  	_ =	strace s4  }
0x9d: {  	_ =	strace $0x8FFFFFFF  }
0x9e: {  	s19 =	sld [smem:$0x3FDB];
	_ =	sdelay $0x1  }
0x9f: {  	s5 =	simm.s32 $_scs_section_size  }
0xa0: {  	s6 =	simm.s32 $_size__tile_overlayer_lowered;
	s7 =	simm.s32 $_tile_overlayer_lowered  }
0xa1: {  	s22 =	simm.s32 $0x1BFF;
	s21 =	sshll.u32 s7, $0x1;
	s4 =	sadd.s32 s5, s19  }
0xa2: {  	s8 =	simm.s32 $0x0;
	s20 =	sshll.u32 s6, $0x1;
	s6 =	sadd.s32 s21, s4  }
0xa3: {  	[timem:s8], [sflag:s22] =	dma.local [hbm:s6], s20  }
0xa4: {  	_ =	swait.ge [sflag:s22], s20  }
0xa5: {  	s5 =	ssub.s32 $0x0, s20;
	[sflag:s22] =	ssyncset.done $0x0  }
0xa6: {  	[sflag:s22] =	ssyncadd.s32 s5;
	_ =	sdelay $0x1  }
0xa7: {  	s23 =	simm.s32 $0x1B8B  }
0xa8: {  	_ =	swait.ge [sflag:s23], $0x1  }
0xa9: {  	[sflag:s23] =	ssyncset.done $0x0  }
0xaa: {  	s25 =	simm.s32 $0x1B8E;
	s24 =	sld [smem:$0x3FFE];
	[sflag:s23] =	ssyncadd.s32 $0xFFFFFFFF  }
0xab: {  	s26 =	simm.s32 $execute0_lowered;
	[smem:$0x3FD2] =	sst s25  }
0xac: {  	s6 =	sshll.u32 s26, $0x1;
	_ =	strace $0x80000049;
	[dreg:$0x1] =	wrdreg $0xFFFFFFFF  }
0xad: {  	s28 =	simm.s32 $_size_execute0_lowered;
	s4 =	sadd.s32 s4, s6;
	[dreg:$0x0] =	wrdreg $0x0  }
0xae: {  	s6 =	sshll.u32 s28, $0x1;
	[dreg:$0x2] =	wrdreg s4  }
0xaf: {  	[dreg:$0x3] =	wrdreg s6  }
0xb0: {  	[dreg:$0x4] =	wrdreg $0xC0  }
0xb1: {  	_ =	task [dreg:s8], $0x5FFFF  }
0xb2: {  	[dreg:$0x1] =	wrdreg $0xFFFFFFFF  }
0xb3: {  	[dreg:$0x0] =	wrdreg $0x60  }
0xb4: {  	[dreg:$0x2] =	wrdreg s16  }
0xb5: {  	[dreg:$0x3] =	wrdreg s17  }
0xb6: {  	[dreg:$0x4] =	wrdreg s24  }
0xb7: {  	[dreg:$0x5] =	wrdreg $0xB8000  }
0xb8: {  	[dreg:$0x6] =	wrdreg $0x9  }
0xb9: {  	_ =	task.clear_ibuf [dreg:s8], $0x7FFFF;
	_ =	strace $0x90000049  }
0xba: {  	s29 =	simm.s32 $0x9;
	_ =	strace $0x8000004B  }
0xbb: {  	_ =	swait.ge [sflag:s29], $0x1  }
0xbc: {  	[sflag:s29] =	ssyncadd.s32 $0xFFFFFFFF  }
0xbd: {  	_ =	strace $0x9000004B  }
0xbe: {  	_ =	sfence  }
0xbf: {  	s30 =	sld [smem:$0x0];
	_ =	sdelay $0x2  }
0xc0: {  	s31 =	sshll.u32 s1, $0xD;
	s1 =	sshrl.u32 s1, $0x2  }
0xc1: {  	s3 =	sand.u32 $0x4000, s31;
	s1 =	sadd.s32 s1, s30  }
0xc2: {  	s0 =	sor.u32 s3, s0;
	s1 =	sshll.u32 s1, $0x11  }
0xc3: {  	s0 =	sor.u32 s1, s0  }
0xc4: {  	s0 =	sadd.s32 $0x8F2B, s0  }
0xc5: {  	[sflag:s0] =	ssyncadd.remote.s32 $0x1  }
0xc6: {  	_ =	sfence.sel $0xFFFF  }
0xc7: {  	[dreg:$0x0] =	wrdreg $0xFFFFFFFF;
	(pc) =	sbr.abs _section_cstart, $3  }
0xc8: {  	[dreg:$0x1] =	wrdreg $0xFFFFFFFF  }
0xc9: {  	_ =	task.clear_ibuf [dreg:s8], $0x2FFFF;
	_ =	strace $0x9FFFFFFF  }
0xca: {  	(tm) =	ssettm $0x7FFFFFFF  }
0xcb: {  	_ =	shalt  }
tec
execute0_lowered:
.L_overlay_start_1:
0x0: {  	(tag) =	ssettag $0x1  }
0x1: {  	s1 =	rddreg [dreg:$0x0]  }
0x2: {  	s0 =	rddreg [dreg:$0x1]  }
0x3: {  	s2 =	rddreg [dreg:$0x2]  }
0x4: {  	s3 =	rddreg [dreg:$0x3]  }
0x5: {  	s5 =	srdreg.scid;
	s10 =	stileid.u32;
	s4 =	simm.s32 $0x0  }
0x6: {  	s28 =	simm.s32 $0x1;
	s29 =	simm.s32 $0x2;
	s30 =	simm.s32 $0x3  }
0x7: {  	s31 =	simm.s32 $0x4;
	s5 =	sand.u32 $0x1, s5;
	s6 =	smul.u32 $0x2800, s10  }
0x8: {  	[smem:$0x7FF] =	sst s4;
	s8 =	sadd.s32 $0x2C00, s2;
	s9 =	sadd.s32 $0x12C00, s2  }
0x9: {  	s20 =	smul.u32 $0x50000, s10;
	s21 =	sshll.u32 s10, $0xC;
	s10 =	sshll.u32 s10, $0x6  }
0xa: {  	s7 =	smul.u32 $0x28000, s5;
	_ =	strace $0x8000004A;
	s18 =	ssub.s32 $0x2, s5  }
0xb: {  	[dreg:$0x5] =	wrdreg s9;
	s5 =	sshll.u32 s5, $0xB;
	s19 =	sshrl.u32 s18, $0x1  }
0xc: {  	s9 =	sshrl.u32 s20, $0x2;
	s5 =	sor.u32 s5, s21;
	s20 =	simm.s32 $0x1000  }
0xd: {  	s6 =	sadd.s32 s6, s7;
	s7 =	ssub.s32 s18, s19;
	s9 =	sadd.s32 s9, s3  }
0xe: {  	s22 =	sor.u32 $0x200, s5;
	s11 =	sadd.s32 s0, s5;
	s23 =	sadd.s32 s8, s5  }
0xf: {  	s25 =	sor.u32 $0x400, s5;
	s5 =	sor.u32 $0x600, s5;
	s18 =	simm.s32 $0x6  }
0x10: {  	s2 =	sadd.s32 s6, s2;
	s6 =	sor.u32 $0x1C06, s10;
	[dreg:$0x6] =	wrdreg s11  }
0x11: {  	[dreg:$0x7] =	wrdreg s23;
	s24 =	sadd.s32 s0, s22;
	s10 =	sadd.s32 s8, s22  }
0x12: {  	s26 =	sadd.s32 s0, s25;
	s0 =	sadd.s32 s0, s5;
	s14 =	sadd.s32 s8, s5  }
0x13: {  	s16 =	smax.u32 s7, $0x1;
	s17 =	sshrl.u32 s9, $0x3;
	[dreg:$0x8] =	wrdreg s24  }
0x14: {  	s22 =	simm.s32 $0x50;
	s23 =	simm.s32 $0x4000;
	[dreg:$0x9] =	wrdreg s10  }
0x15: {  	s5 =	simm.s32 $0x1080;
	s7 =	simm.s32 $0x2F80;
	[dreg:$0xa] =	wrdreg s26  }
0x16: {  	s9 =	simm.s32 $0x3F80;
	s10 =	sadd.s32 s8, s25;
	[dreg:$0xc] =	wrdreg s0  }
0x17: {  	s15 =	sadd.s32 $0x15400, s2;
	s24 =	simm.s32 $0x80;
	s25 =	simm.s32 $0x6800  }
0x18: {  	s26 =	simm.s32 $0x9000;
	s0 =	simm.s32 $0x5;
	s2 =	simm.s32 $0x2F00  }
0x19: {  	s8 =	simm.s32 $0x3F00;
	[dreg:$0xb] =	wrdreg s10;
	s10 =	simm.s32 $0x0  }
.LBB2_1:
0x1a: {  	s11 =	rddreg [dreg:$0x5]  }
0x1b: {  	[spmem:s17], [sflag:s6] =	dma.local [hbm:s11], $0x2800  }
0x1c: {  	_ =	swait.ge [sflag:s18], $0x2800  }
0x1d: {  	[sflag:s18] =	ssyncset.done $0x0  }
0x1e: {  	[sflag:s18] =	ssyncadd.s32 $0xFFFFD800  }
0x1f: {  	[bflag:$0x0] =	sbarrier.arrive $0xFFFF  }
0x20: {  	s19 =	rddreg [dreg:$0x6]  }
0x21: {  	[tilespmem:s4], [sflag:$0x6] =	stream.linear.gather [hbm4b:s19+s4], $0x1000, $0x38;
	[tilespmem:$0x1F800] =	vst v63  }
0x22: {  	_ =	swait.ge [sflag:s18], $0x1000  }
0x23: {  	[sflag:s18] =	ssyncset.done $0x0  }
0x24: {  	s12 =	simm.s32 $0x2000;
	s21 =	rddreg [dreg:$0x7];
	[sflag:s18] =	ssyncadd.s32 $0xFFFFF000  }
0x25: {  	[tilespmem:s12], [sflag:$0x6] =	stream.linear.gather [hbm4b:s21+s4], $0x1000, $0x38;
	[tilespmem:$0x1F800] =	vst v63  }
0x26: {  	_ =	swait.ge [sflag:s18], $0x1000  }
0x27: {  	[sflag:s18] =	ssyncset.done $0x0  }
0x28: {  	s12 =	rddreg [dreg:$0x8];
	[sflag:s18] =	ssyncadd.s32 $0xFFFFF000  }
0x29: {  	[tilespmem:s20], [sflag:$0x4] =	stream.linear.gather [hbm4b:s12+s4], $0x1000, $0x38;
	[tilespmem:$0x1F800] =	vst v63  }
0x2a: {  	s19 =	simm.s32 $0x3000;
	s13 =	rddreg [dreg:$0x9]  }
0x2b: {  	[tilespmem:s19], [sflag:$0x5] =	stream.linear.gather [hbm4b:s13+s4], $0x1000, $0x38;
	[tilespmem:$0x1F800] =	vst v63  }
0x2c: {  	_ = 	snop  }
0x2d: {  	[tilespmem:s23], [sflag:$0x1] =	stream.indirect.gather [hbm4b:s1+s22], $0x80, s4, s22, $0xb8;
	[tilespmem:$0x1F800] =	vst v63  }
0x2e: {  	_ = 	snop  }
0x2f: {  	[tilespmem:s25], [sflag:$0x2] =	stream.indirect.gather [hbm4b:s1+s22], $0x80, s24, s22, $0xb8;
	[tilespmem:$0x1F800] =	vst v63  }
0x30: {  	s19 =	simm.s32 $0x100  }
0x31: {  	[tilespmem:s26], [sflag:$0x3] =	stream.indirect.gather [hbm4b:s1+s22], $0x80, s19, s22, $0xb8;
	[tilespmem:$0x1F800] =	vst v63  }
0x32: {  	_ =	swait.ge [sflag:s28], $0x2800  }
0x33: {  	[sflag:s28] =	ssyncset.done $0x0  }
0x34: {  	s21 =	simm.s32 $0x2000;
	[sflag:s28] =	ssyncadd.s32 $0xFFFFD800  }
0x35: {  	[spmem:s3] =	stream.indirect.scatter.add.f32 [tilespmem:s23], [sflag:$0x6], $0x80, s21, s22, $0xb8;
	[tilespmem:$0x1F800] =	vst v63  }
0x36: {  	_ =	swait.ge [sflag:s18], $0x2800  }
0x37: {  	[sflag:s18] =	ssyncset.done $0x0  }
0x38: {  	s11 =	simm.s32 $0x180;
	[sflag:s18] =	ssyncadd.s32 $0xFFFFD800  }
0x39: {  	[tilespmem:s23], [sflag:$0x1] =	stream.indirect.gather [hbm4b:s1+s22], $0x80, s11, s22, $0xb8;
	[tilespmem:$0x1F800] =	vst v63  }
0x3a: {  	_ =	swait.ge [sflag:s29], $0x2800  }
0x3b: {  	[sflag:s29] =	ssyncset.done $0x0  }
0x3c: {  	s12 =	simm.s32 $0x2080;
	[sflag:s29] =	ssyncadd.s32 $0xFFFFD800  }
0x3d: {  	[spmem:s3] =	stream.indirect.scatter.add.f32 [tilespmem:s25], [sflag:$0x6], $0x80, s12, s22, $0xb8;
	[tilespmem:$0x1F800] =	vst v63  }
0x3e: {  	_ =	swait.ge [sflag:s18], $0x2800  }
0x3f: {  	[sflag:s18] =	ssyncset.done $0x0  }
0x40: {  	s13 =	simm.s32 $0x200;
	[sflag:s18] =	ssyncadd.s32 $0xFFFFD800  }
0x41: {  	[tilespmem:s25], [sflag:$0x2] =	stream.indirect.gather [hbm4b:s1+s22], $0x80, s13, s22, $0xb8;
	[tilespmem:$0x1F800] =	vst v63  }
0x42: {  	_ =	swait.ge [sflag:s30], $0x2800  }
0x43: {  	[sflag:s30] =	ssyncset.done $0x0  }
0x44: {  	s21 =	simm.s32 $0x2100;
	[sflag:s30] =	ssyncadd.s32 $0xFFFFD800  }
0x45: {  	[spmem:s3] =	stream.indirect.scatter.add.f32 [tilespmem:s26], [sflag:$0x6], $0x80, s21, s22, $0xb8;
	[tilespmem:$0x1F800] =	vst v63  }
0x46: {  	_ =	swait.ge [sflag:s18], $0x2800  }
0x47: {  	s19 =	simm.s32 $0x180;
	s21 =	simm.s32 $0xC00;
	[sflag:s18] =	ssyncset.done $0x0  }
.LBB2_2:
0x48: {  	s11 =	sadd.s32 $0x100, s19  }
0x49: {  	[sflag:s18] =	ssyncadd.s32 $0xFFFFD800;
	s12 =	smov.u32 s21;
	s13 =	sadd.s32 $0x600, s21  }
0x4a: {  	[tilespmem:s26], [sflag:$0x3] =	stream.indirect.gather [hbm4b:s1+s22], $0x80, s11, s22, $0xb8;
	[tilespmem:$0x1F800] =	vst v63  }
0x4b: {  	p0 =	sne.s32 s21, $0x3600;
	_ =	swait.ge [sflag:s28], $0x2800  }
0x4c: {  	[sflag:s28] =	ssyncset.done $0x0  }
0x4d: {  	s11 =	sadd.s32 $0x2000, s19;
	[sflag:s28] =	ssyncadd.s32 $0xFFFFD800  }
0x4e: {  	[spmem:s3] =	stream.indirect.scatter.add.f32 [tilespmem:s23], [sflag:$0x6], $0x80, s11, s22, $0xb8;
	[tilespmem:$0x1F800] =	vst v63  }
0x4f: {  	_ =	swait.ge [sflag:s18], $0x2800  }
0x50: {  	[sflag:s18] =	ssyncset.done $0x0  }
0x51: {  	s11 =	sadd.s32 $0x180, s19;
	[sflag:s18] =	ssyncadd.s32 $0xFFFFD800  }
0x52: {  	[tilespmem:s23], [sflag:$0x1] =	stream.indirect.gather [hbm4b:s1+s22], $0x80, s11, s22, $0xb8;
	[tilespmem:$0x1F800] =	vst v63  }
0x53: {  	_ =	swait.ge [sflag:s29], $0x2800  }
0x54: {  	[sflag:s29] =	ssyncset.done $0x0  }
0x55: {  	s11 =	sadd.s32 $0x2080, s19;
	[sflag:s29] =	ssyncadd.s32 $0xFFFFD800  }
0x56: {  	[spmem:s3] =	stream.indirect.scatter.add.f32 [tilespmem:s25], [sflag:$0x6], $0x80, s11, s22, $0xb8;
	[tilespmem:$0x1F800] =	vst v63  }
0x57: {  	_ =	swait.ge [sflag:s18], $0x2800  }
0x58: {  	[sflag:s18] =	ssyncset.done $0x0  }
0x59: {  	s11 =	sadd.s32 $0x200, s19;
	[sflag:s18] =	ssyncadd.s32 $0xFFFFD800  }
0x5a: {  	[tilespmem:s25], [sflag:$0x2] =	stream.indirect.gather [hbm4b:s1+s22], $0x80, s11, s22, $0xb8;
	[tilespmem:$0x1F800] =	vst v63  }
0x5b: {  	_ =	swait.ge [sflag:s30], $0x2800  }
.Ltmp0:
0x5c: {  	[sflag:s30] =	ssyncset.done $0x0;
	(pc) =	sbr.rel @p0 .LBB2_2-.Ltmp0, $4  }
0x5d: {  	s11 =	sadd.s32 $0x2100, s19;
	[sflag:s30] =	ssyncadd.s32 $0xFFFFD800  }
0x5e: {  	[spmem:s3] =	stream.indirect.scatter.add.f32 [tilespmem:s26], [sflag:$0x6], $0x80, s11, s22, $0xb8;
	[tilespmem:$0x1F800] =	vst v63  }
0x5f: {  	_ =	swait.ge [sflag:s18], $0x2800  }
0x60: {  	s21 =	smov.u32 s13;
	s19 =	sshra.s32 s12, $0x2;
	[sflag:s18] =	ssyncset.done $0x0  }
0x61: {  	s11 =	sadd.s32 $0x100, s19;
	[sflag:s18] =	ssyncadd.s32 $0xFFFFD800  }
0x62: {  	[tilespmem:s26], [sflag:$0x3] =	stream.indirect.gather [hbm4b:s1+s22], $0x80, s11, s22, $0xb8;
	[tilespmem:$0x1F800] =	vst v63  }
0x63: {  	_ =	swait.ge [sflag:s28], $0x2800  }
0x64: {  	[sflag:s28] =	ssyncset.done $0x0  }
0x65: {  	s12 =	sadd.s32 $0x2000, s19;
	[sflag:s28] =	ssyncadd.s32 $0xFFFFD800  }
0x66: {  	[spmem:s3] =	stream.indirect.scatter.add.f32 [tilespmem:s23], [sflag:$0x6], $0x80, s12, s22, $0xb8;
	[tilespmem:$0x1F800] =	vst v63  }
0x67: {  	_ =	swait.ge [sflag:s18], $0x2800  }
0x68: {  	[sflag:s18] =	ssyncset.done $0x0  }
0x69: {  	s13 =	sadd.s32 $0x180, s19;
	[sflag:s18] =	ssyncadd.s32 $0xFFFFD800  }
0x6a: {  	[tilespmem:s23], [sflag:$0x1] =	stream.indirect.gather [hbm4b:s1+s22], $0x80, s13, s22, $0xb8;
	[tilespmem:$0x1F800] =	vst v63  }
0x6b: {  	_ =	swait.ge [sflag:s29], $0x2800  }
0x6c: {  	[sflag:s29] =	ssyncset.done $0x0  }
0x6d: {  	s21 =	sadd.s32 $0x2080, s19;
	[sflag:s29] =	ssyncadd.s32 $0xFFFFD800  }
0x6e: {  	[spmem:s3] =	stream.indirect.scatter.add.f32 [tilespmem:s25], [sflag:$0x6], $0x80, s21, s22, $0xb8;
	[tilespmem:$0x1F800] =	vst v63  }
0x6f: {  	_ =	swait.ge [sflag:s18], $0x2800  }
0x70: {  	[sflag:s18] =	ssyncset.done $0x0  }
0x71: {  	s12 =	sadd.s32 $0x200, s19;
	[sflag:s18] =	ssyncadd.s32 $0xFFFFD800  }
0x72: {  	[tilespmem:s25], [sflag:$0x2] =	stream.indirect.gather [hbm4b:s1+s22], $0x80, s12, s22, $0xb8;
	[tilespmem:$0x1F800] =	vst v63  }
0x73: {  	_ =	swait.ge [sflag:s30], $0x2800  }
0x74: {  	[sflag:s30] =	ssyncset.done $0x0  }
0x75: {  	s13 =	sadd.s32 $0x2100, s19;
	[sflag:s30] =	ssyncadd.s32 $0xFFFFD800  }
0x76: {  	[spmem:s3] =	stream.indirect.scatter.add.f32 [tilespmem:s26], [sflag:$0x6], $0x80, s13, s22, $0xb8;
	[tilespmem:$0x1F800] =	vst v63  }
0x77: {  	_ =	swait.ge [sflag:s18], $0x2800  }
0x78: {  	[sflag:s18] =	ssyncset.done $0x0  }
0x79: {  	[sflag:s18] =	ssyncadd.s32 $0xFFFFD800  }
0x7a: {  	_ =	swait.ge [sflag:s31], $0x1000  }
0x7b: {  	[sflag:s31] =	ssyncset.done $0x0  }
0x7c: {  	[sflag:s31] =	ssyncadd.s32 $0xFFFFF000  }
0x7d: {  	_ =	swait.ge [sflag:s0], $0x1000  }
0x7e: {  	[sflag:s0] =	ssyncset.done $0x0  }
0x7f: {  	[sflag:s0] =	ssyncadd.s32 $0xFFFFF000  }
0x80: {  	[tilespmem:s26], [sflag:$0x3] =	stream.indirect.gather [hbm4b:s1+s22], $0x80, s20, s22, $0xb8;
	[tilespmem:$0x1F800] =	vst v63  }
0x81: {  	_ =	swait.ge [sflag:s28], $0x2800  }
0x82: {  	[sflag:s28] =	ssyncset.done $0x0  }
0x83: {  	[sflag:s28] =	ssyncadd.s32 $0xFFFFD800  }
0x84: {  	[spmem:s3] =	stream.indirect.scatter.add.f32 [tilespmem:s23], [sflag:$0x6], $0x80, s2, s22, $0xb8;
	[tilespmem:$0x1F800] =	vst v63  }
0x85: {  	_ =	swait.ge [sflag:s18], $0x2800  }
0x86: {  	[sflag:s18] =	ssyncset.done $0x0  }
0x87: {  	[sflag:s18] =	ssyncadd.s32 $0xFFFFD800  }
0x88: {  	[tilespmem:s23], [sflag:$0x1] =	stream.indirect.gather [hbm4b:s1+s22], $0x80, s5, s22, $0xb8;
	[tilespmem:$0x1F800] =	vst v63  }
0x89: {  	_ =	swait.ge [sflag:s29], $0x2800  }
0x8a: {  	[sflag:s29] =	ssyncset.done $0x0  }
0x8b: {  	[sflag:s29] =	ssyncadd.s32 $0xFFFFD800  }
0x8c: {  	[spmem:s3] =	stream.indirect.scatter.add.f32 [tilespmem:s25], [sflag:$0x6], $0x80, s7, s22, $0xb8;
	[tilespmem:$0x1F800] =	vst v63  }
0x8d: {  	_ =	swait.ge [sflag:s18], $0x2800  }
0x8e: {  	[sflag:s18] =	ssyncset.done $0x0  }
0x8f: {  	s19 =	simm.s32 $0x0;
	s12 =	rddreg [dreg:$0xa];
	[sflag:s18] =	ssyncadd.s32 $0xFFFFD800  }
0x90: {  	[tilespmem:s19], [sflag:$0x4] =	stream.linear.gather [hbm4b:s12+s19], $0x1000, $0x38;
	[tilespmem:$0x1F800] =	vst v63  }
0x91: {  	s13 =	simm.s32 $0x2000;
	s21 =	rddreg [dreg:$0xb]  }
0x92: {  	[tilespmem:s13], [sflag:$0x5] =	stream.linear.gather [hbm4b:s21+s19], $0x1000, $0x38;
	[tilespmem:$0x1F800] =	vst v63  }
0x93: {  	s19 =	simm.s32 $0x1100  }
0x94: {  	[tilespmem:s25], [sflag:$0x2] =	stream.indirect.gather [hbm4b:s1+s22], $0x80, s19, s22, $0xb8;
	[tilespmem:$0x1F800] =	vst v63  }
0x95: {  	_ =	swait.ge [sflag:s30], $0x2800  }
0x96: {  	[sflag:s30] =	ssyncset.done $0x0  }
0x97: {  	s21 =	simm.s32 $0x3000;
	[sflag:s30] =	ssyncadd.s32 $0xFFFFD800  }
0x98: {  	[spmem:s3] =	stream.indirect.scatter.add.f32 [tilespmem:s26], [sflag:$0x6], $0x80, s21, s22, $0xb8;
	[tilespmem:$0x1F800] =	vst v63  }
0x99: {  	_ =	swait.ge [sflag:s18], $0x2800  }
0x9a: {  	[sflag:s18] =	ssyncset.done $0x0  }
0x9b: {  	s12 =	simm.s32 $0x1180;
	[sflag:s18] =	ssyncadd.s32 $0xFFFFD800  }
0x9c: {  	[tilespmem:s26], [sflag:$0x3] =	stream.indirect.gather [hbm4b:s1+s22], $0x80, s12, s22, $0xb8;
	[tilespmem:$0x1F800] =	vst v63  }
0x9d: {  	_ =	swait.ge [sflag:s28], $0x2800  }
0x9e: {  	[sflag:s28] =	ssyncset.done $0x0  }
0x9f: {  	s13 =	simm.s32 $0x3080;
	[sflag:s28] =	ssyncadd.s32 $0xFFFFD800  }
0xa0: {  	[spmem:s3] =	stream.indirect.scatter.add.f32 [tilespmem:s23], [sflag:$0x6], $0x80, s13, s22, $0xb8;
	[tilespmem:$0x1F800] =	vst v63  }
0xa1: {  	_ =	swait.ge [sflag:s18], $0x2800  }
0xa2: {  	[sflag:s18] =	ssyncset.done $0x0  }
0xa3: {  	s19 =	simm.s32 $0x1200;
	[sflag:s18] =	ssyncadd.s32 $0xFFFFD800  }
0xa4: {  	[tilespmem:s23], [sflag:$0x1] =	stream.indirect.gather [hbm4b:s1+s22], $0x80, s19, s22, $0xb8;
	[tilespmem:$0x1F800] =	vst v63  }
0xa5: {  	_ =	swait.ge [sflag:s29], $0x2800  }
0xa6: {  	[sflag:s29] =	ssyncset.done $0x0  }
0xa7: {  	s21 =	simm.s32 $0x3100;
	[sflag:s29] =	ssyncadd.s32 $0xFFFFD800  }
0xa8: {  	[spmem:s3] =	stream.indirect.scatter.add.f32 [tilespmem:s25], [sflag:$0x6], $0x80, s21, s22, $0xb8;
	[tilespmem:$0x1F800] =	vst v63  }
0xa9: {  	_ =	swait.ge [sflag:s18], $0x2800  }
0xaa: {  	s19 =	simm.s32 $0x180;
	s21 =	simm.s32 $0xC00;
	[sflag:s18] =	ssyncset.done $0x0  }
.LBB2_4:
0xab: {  	s11 =	sadd.s32 $0x1100, s19  }
0xac: {  	[sflag:s18] =	ssyncadd.s32 $0xFFFFD800;
	s12 =	smov.u32 s21;
	s13 =	sadd.s32 $0x600, s21  }
0xad: {  	[tilespmem:s25], [sflag:$0x2] =	stream.indirect.gather [hbm4b:s1+s22], $0x80, s11, s22, $0xb8;
	[tilespmem:$0x1F800] =	vst v63  }
0xae: {  	p0 =	sne.s32 s21, $0x3600;
	_ =	swait.ge [sflag:s30], $0x2800  }
0xaf: {  	[sflag:s30] =	ssyncset.done $0x0  }
0xb0: {  	s11 =	sadd.s32 $0x3000, s19;
	[sflag:s30] =	ssyncadd.s32 $0xFFFFD800  }
0xb1: {  	[spmem:s3] =	stream.indirect.scatter.add.f32 [tilespmem:s26], [sflag:$0x6], $0x80, s11, s22, $0xb8;
	[tilespmem:$0x1F800] =	vst v63  }
0xb2: {  	_ =	swait.ge [sflag:s18], $0x2800  }
0xb3: {  	[sflag:s18] =	ssyncset.done $0x0  }
0xb4: {  	s11 =	sadd.s32 $0x1180, s19;
	[sflag:s18] =	ssyncadd.s32 $0xFFFFD800  }
0xb5: {  	[tilespmem:s26], [sflag:$0x3] =	stream.indirect.gather [hbm4b:s1+s22], $0x80, s11, s22, $0xb8;
	[tilespmem:$0x1F800] =	vst v63  }
0xb6: {  	_ =	swait.ge [sflag:s28], $0x2800  }
0xb7: {  	[sflag:s28] =	ssyncset.done $0x0  }
0xb8: {  	s11 =	sadd.s32 $0x3080, s19;
	[sflag:s28] =	ssyncadd.s32 $0xFFFFD800  }
0xb9: {  	[spmem:s3] =	stream.indirect.scatter.add.f32 [tilespmem:s23], [sflag:$0x6], $0x80, s11, s22, $0xb8;
	[tilespmem:$0x1F800] =	vst v63  }
0xba: {  	_ =	swait.ge [sflag:s18], $0x2800  }
0xbb: {  	[sflag:s18] =	ssyncset.done $0x0  }
0xbc: {  	s11 =	sadd.s32 $0x1200, s19;
	[sflag:s18] =	ssyncadd.s32 $0xFFFFD800  }
0xbd: {  	[tilespmem:s23], [sflag:$0x1] =	stream.indirect.gather [hbm4b:s1+s22], $0x80, s11, s22, $0xb8;
	[tilespmem:$0x1F800] =	vst v63  }
0xbe: {  	_ =	swait.ge [sflag:s29], $0x2800  }
.Ltmp1:
0xbf: {  	[sflag:s29] =	ssyncset.done $0x0;
	(pc) =	sbr.rel @p0 .LBB2_4-.Ltmp1, $4  }
0xc0: {  	s11 =	sadd.s32 $0x3100, s19;
	[sflag:s29] =	ssyncadd.s32 $0xFFFFD800  }
0xc1: {  	[spmem:s3] =	stream.indirect.scatter.add.f32 [tilespmem:s25], [sflag:$0x6], $0x80, s11, s22, $0xb8;
	[tilespmem:$0x1F800] =	vst v63  }
0xc2: {  	_ =	swait.ge [sflag:s18], $0x2800  }
0xc3: {  	s21 =	smov.u32 s13;
	s19 =	sshra.s32 s12, $0x2;
	[sflag:s18] =	ssyncset.done $0x0  }
0xc4: {  	s11 =	sadd.s32 $0x1100, s19;
	[sflag:s18] =	ssyncadd.s32 $0xFFFFD800  }
0xc5: {  	[tilespmem:s25], [sflag:$0x2] =	stream.indirect.gather [hbm4b:s1+s22], $0x80, s11, s22, $0xb8;
	[tilespmem:$0x1F800] =	vst v63  }
0xc6: {  	_ =	swait.ge [sflag:s30], $0x2800  }
0xc7: {  	[sflag:s30] =	ssyncset.done $0x0  }
0xc8: {  	s13 =	sadd.s32 $0x3000, s19;
	[sflag:s30] =	ssyncadd.s32 $0xFFFFD800  }
0xc9: {  	[spmem:s3] =	stream.indirect.scatter.add.f32 [tilespmem:s26], [sflag:$0x6], $0x80, s13, s22, $0xb8;
	[tilespmem:$0x1F800] =	vst v63  }
0xca: {  	_ =	swait.ge [sflag:s18], $0x2800  }
0xcb: {  	[sflag:s18] =	ssyncset.done $0x0  }
0xcc: {  	s21 =	sadd.s32 $0x1180, s19;
	[sflag:s18] =	ssyncadd.s32 $0xFFFFD800  }
0xcd: {  	[tilespmem:s26], [sflag:$0x3] =	stream.indirect.gather [hbm4b:s1+s22], $0x80, s21, s22, $0xb8;
	[tilespmem:$0x1F800] =	vst v63  }
0xce: {  	_ =	swait.ge [sflag:s28], $0x2800  }
0xcf: {  	[sflag:s28] =	ssyncset.done $0x0  }
0xd0: {  	s12 =	sadd.s32 $0x3080, s19;
	[sflag:s28] =	ssyncadd.s32 $0xFFFFD800  }
0xd1: {  	[spmem:s3] =	stream.indirect.scatter.add.f32 [tilespmem:s23], [sflag:$0x6], $0x80, s12, s22, $0xb8;
	[tilespmem:$0x1F800] =	vst v63  }
0xd2: {  	_ =	swait.ge [sflag:s18], $0x2800  }
0xd3: {  	[sflag:s18] =	ssyncset.done $0x0  }
0xd4: {  	s13 =	sadd.s32 $0x1200, s19;
	[sflag:s18] =	ssyncadd.s32 $0xFFFFD800  }
0xd5: {  	[tilespmem:s23], [sflag:$0x1] =	stream.indirect.gather [hbm4b:s1+s22], $0x80, s13, s22, $0xb8;
	[tilespmem:$0x1F800] =	vst v63  }
0xd6: {  	_ =	swait.ge [sflag:s29], $0x2800  }
0xd7: {  	[sflag:s29] =	ssyncset.done $0x0  }
0xd8: {  	s19 =	sadd.s32 $0x3100, s19;
	[sflag:s29] =	ssyncadd.s32 $0xFFFFD800  }
0xd9: {  	[spmem:s3] =	stream.indirect.scatter.add.f32 [tilespmem:s25], [sflag:$0x6], $0x80, s19, s22, $0xb8;
	[tilespmem:$0x1F800] =	vst v63  }
0xda: {  	_ =	swait.ge [sflag:s18], $0x2800  }
0xdb: {  	[sflag:s18] =	ssyncset.done $0x0  }
0xdc: {  	[sflag:s18] =	ssyncadd.s32 $0xFFFFD800  }
0xdd: {  	_ =	swait.ge [sflag:s31], $0x1000  }
0xde: {  	[sflag:s31] =	ssyncset.done $0x0  }
0xdf: {  	[sflag:s31] =	ssyncadd.s32 $0xFFFFF000  }
0xe0: {  	_ =	swait.ge [sflag:s0], $0x1000  }
0xe1: {  	[sflag:s0] =	ssyncset.done $0x0  }
0xe2: {  	s21 =	simm.s32 $0x0;
	[sflag:s0] =	ssyncadd.s32 $0xFFFFF000  }
0xe3: {  	[tilespmem:s25], [sflag:$0x2] =	stream.indirect.gather [hbm4b:s1+s22], $0x80, s21, s22, $0xb8;
	[tilespmem:$0x1F800] =	vst v63  }
0xe4: {  	_ =	swait.ge [sflag:s30], $0x2800  }
0xe5: {  	[sflag:s30] =	ssyncset.done $0x0  }
0xe6: {  	[sflag:s30] =	ssyncadd.s32 $0xFFFFD800  }
0xe7: {  	[spmem:s3] =	stream.indirect.scatter.add.f32 [tilespmem:s26], [sflag:$0x6], $0x80, s8, s22, $0xb8;
	[tilespmem:$0x1F800] =	vst v63  }
0xe8: {  	_ =	swait.ge [sflag:s18], $0x2800  }
0xe9: {  	[sflag:s18] =	ssyncset.done $0x0  }
0xea: {  	[sflag:s18] =	ssyncadd.s32 $0xFFFFD800  }
0xeb: {  	[tilespmem:s26], [sflag:$0x3] =	stream.indirect.gather [hbm4b:s1+s22], $0x80, s24, s22, $0xb8;
	[tilespmem:$0x1F800] =	vst v63  }
0xec: {  	_ =	swait.ge [sflag:s28], $0x2800  }
0xed: {  	[sflag:s28] =	ssyncset.done $0x0  }
0xee: {  	[sflag:s28] =	ssyncadd.s32 $0xFFFFD800  }
0xef: {  	[spmem:s3] =	stream.indirect.scatter.add.f32 [tilespmem:s23], [sflag:$0x6], $0x80, s9, s22, $0xb8;
	[tilespmem:$0x1F800] =	vst v63  }
0xf0: {  	_ =	swait.ge [sflag:s18], $0x2800  }
0xf1: {  	[sflag:s18] =	ssyncset.done $0x0  }
0xf2: {  	s12 =	rddreg [dreg:$0xc];
	[sflag:s18] =	ssyncadd.s32 $0xFFFFD800  }
0xf3: {  	[tilespmem:s20], [sflag:$0x4] =	stream.linear.gather [hbm4b:s12+s21], $0x1000, $0x38;
	[tilespmem:$0x1F800] =	vst v63  }
0xf4: {  	s13 =	simm.s32 $0x3000  }
0xf5: {  	[tilespmem:s13], [sflag:$0x5] =	stream.linear.gather [hbm4b:s14+s21], $0x1000, $0x38;
	[tilespmem:$0x1F800] =	vst v63  }
0xf6: {  	s19 =	simm.s32 $0x100  }
0xf7: {  	[tilespmem:s23], [sflag:$0x1] =	stream.indirect.gather [hbm4b:s1+s22], $0x80, s19, s22, $0xb8;
	[tilespmem:$0x1F800] =	vst v63  }
0xf8: {  	_ =	swait.ge [sflag:s29], $0x2800  }
0xf9: {  	[sflag:s29] =	ssyncset.done $0x0  }
0xfa: {  	s21 =	simm.s32 $0x2000;
	[sflag:s29] =	ssyncadd.s32 $0xFFFFD800  }
0xfb: {  	[spmem:s3] =	stream.indirect.scatter.add.f32 [tilespmem:s25], [sflag:$0x6], $0x80, s21, s22, $0xb8;
	[tilespmem:$0x1F800] =	vst v63  }
0xfc: {  	_ =	swait.ge [sflag:s18], $0x2800  }
0xfd: {  	[sflag:s18] =	ssyncset.done $0x0  }
0xfe: {  	s12 =	simm.s32 $0x180;
	[sflag:s18] =	ssyncadd.s32 $0xFFFFD800  }
0xff: {  	[tilespmem:s25], [sflag:$0x2] =	stream.indirect.gather [hbm4b:s1+s22], $0x80, s12, s22, $0xb8;
	[tilespmem:$0x1F800] =	vst v63  }
0x100: {  	_ =	swait.ge [sflag:s30], $0x2800  }
0x101: {  	[sflag:s30] =	ssyncset.done $0x0  }
0x102: {  	s13 =	simm.s32 $0x2080;
	[sflag:s30] =	ssyncadd.s32 $0xFFFFD800  }
0x103: {  	[spmem:s3] =	stream.indirect.scatter.add.f32 [tilespmem:s26], [sflag:$0x6], $0x80, s13, s22, $0xb8;
	[tilespmem:$0x1F800] =	vst v63  }
0x104: {  	_ =	swait.ge [sflag:s18], $0x2800  }
0x105: {  	[sflag:s18] =	ssyncset.done $0x0  }
0x106: {  	s19 =	simm.s32 $0x200;
	[sflag:s18] =	ssyncadd.s32 $0xFFFFD800  }
0x107: {  	[tilespmem:s26], [sflag:$0x3] =	stream.indirect.gather [hbm4b:s1+s22], $0x80, s19, s22, $0xb8;
	[tilespmem:$0x1F800] =	vst v63  }
0x108: {  	_ =	swait.ge [sflag:s28], $0x2800  }
0x109: {  	[sflag:s28] =	ssyncset.done $0x0  }
0x10a: {  	s21 =	simm.s32 $0x2100;
	[sflag:s28] =	ssyncadd.s32 $0xFFFFD800  }
0x10b: {  	[spmem:s3] =	stream.indirect.scatter.add.f32 [tilespmem:s23], [sflag:$0x6], $0x80, s21, s22, $0xb8;
	[tilespmem:$0x1F800] =	vst v63  }
0x10c: {  	_ =	swait.ge [sflag:s18], $0x2800  }
0x10d: {  	s19 =	simm.s32 $0x180;
	s21 =	simm.s32 $0xC00;
	[sflag:s18] =	ssyncset.done $0x0  }
.LBB2_6:
0x10e: {  	s11 =	sadd.s32 $0x100, s19  }
0x10f: {  	[sflag:s18] =	ssyncadd.s32 $0xFFFFD800;
	s12 =	smov.u32 s21;
	s13 =	sadd.s32 $0x600, s21  }
0x110: {  	[tilespmem:s23], [sflag:$0x1] =	stream.indirect.gather [hbm4b:s1+s22], $0x80, s11, s22, $0xb8;
	[tilespmem:$0x1F800] =	vst v63  }
0x111: {  	p0 =	sne.s32 s21, $0x3600;
	_ =	swait.ge [sflag:s29], $0x2800  }
0x112: {  	[sflag:s29] =	ssyncset.done $0x0  }
0x113: {  	s11 =	sadd.s32 $0x2000, s19;
	[sflag:s29] =	ssyncadd.s32 $0xFFFFD800  }
0x114: {  	[spmem:s3] =	stream.indirect.scatter.add.f32 [tilespmem:s25], [sflag:$0x6], $0x80, s11, s22, $0xb8;
	[tilespmem:$0x1F800] =	vst v63  }
0x115: {  	_ =	swait.ge [sflag:s18], $0x2800  }
0x116: {  	[sflag:s18] =	ssyncset.done $0x0  }
0x117: {  	s11 =	sadd.s32 $0x180, s19;
	[sflag:s18] =	ssyncadd.s32 $0xFFFFD800  }
0x118: {  	[tilespmem:s25], [sflag:$0x2] =	stream.indirect.gather [hbm4b:s1+s22], $0x80, s11, s22, $0xb8;
	[tilespmem:$0x1F800] =	vst v63  }
0x119: {  	_ =	swait.ge [sflag:s30], $0x2800  }
0x11a: {  	[sflag:s30] =	ssyncset.done $0x0  }
0x11b: {  	s11 =	sadd.s32 $0x2080, s19;
	[sflag:s30] =	ssyncadd.s32 $0xFFFFD800  }
0x11c: {  	[spmem:s3] =	stream.indirect.scatter.add.f32 [tilespmem:s26], [sflag:$0x6], $0x80, s11, s22, $0xb8;
	[tilespmem:$0x1F800] =	vst v63  }
0x11d: {  	_ =	swait.ge [sflag:s18], $0x2800  }
0x11e: {  	[sflag:s18] =	ssyncset.done $0x0  }
0x11f: {  	s11 =	sadd.s32 $0x200, s19;
	[sflag:s18] =	ssyncadd.s32 $0xFFFFD800  }
0x120: {  	[tilespmem:s26], [sflag:$0x3] =	stream.indirect.gather [hbm4b:s1+s22], $0x80, s11, s22, $0xb8;
	[tilespmem:$0x1F800] =	vst v63  }
0x121: {  	_ =	swait.ge [sflag:s28], $0x2800  }
.Ltmp2:
0x122: {  	[sflag:s28] =	ssyncset.done $0x0;
	(pc) =	sbr.rel @p0 .LBB2_6-.Ltmp2, $4  }
0x123: {  	s11 =	sadd.s32 $0x2100, s19;
	[sflag:s28] =	ssyncadd.s32 $0xFFFFD800  }
0x124: {  	[spmem:s3] =	stream.indirect.scatter.add.f32 [tilespmem:s23], [sflag:$0x6], $0x80, s11, s22, $0xb8;
	[tilespmem:$0x1F800] =	vst v63  }
0x125: {  	_ =	swait.ge [sflag:s18], $0x2800  }
0x126: {  	s21 =	smov.u32 s13;
	s19 =	sshra.s32 s12, $0x2;
	[sflag:s18] =	ssyncset.done $0x0  }
0x127: {  	s11 =	sadd.s32 $0x100, s19;
	[sflag:s18] =	ssyncadd.s32 $0xFFFFD800  }
0x128: {  	[tilespmem:s23], [sflag:$0x1] =	stream.indirect.gather [hbm4b:s1+s22], $0x80, s11, s22, $0xb8;
	[tilespmem:$0x1F800] =	vst v63  }
0x129: {  	_ =	swait.ge [sflag:s29], $0x2800  }
0x12a: {  	[sflag:s29] =	ssyncset.done $0x0  }
0x12b: {  	s12 =	sadd.s32 $0x2000, s19;
	[sflag:s29] =	ssyncadd.s32 $0xFFFFD800  }
0x12c: {  	[spmem:s3] =	stream.indirect.scatter.add.f32 [tilespmem:s25], [sflag:$0x6], $0x80, s12, s22, $0xb8;
	[tilespmem:$0x1F800] =	vst v63  }
0x12d: {  	_ =	swait.ge [sflag:s18], $0x2800  }
0x12e: {  	[sflag:s18] =	ssyncset.done $0x0  }
0x12f: {  	s13 =	sadd.s32 $0x180, s19;
	[sflag:s18] =	ssyncadd.s32 $0xFFFFD800  }
0x130: {  	[tilespmem:s25], [sflag:$0x2] =	stream.indirect.gather [hbm4b:s1+s22], $0x80, s13, s22, $0xb8;
	[tilespmem:$0x1F800] =	vst v63  }
0x131: {  	_ =	swait.ge [sflag:s30], $0x2800  }
0x132: {  	[sflag:s30] =	ssyncset.done $0x0  }
0x133: {  	s21 =	sadd.s32 $0x2080, s19;
	[sflag:s30] =	ssyncadd.s32 $0xFFFFD800  }
0x134: {  	[spmem:s3] =	stream.indirect.scatter.add.f32 [tilespmem:s26], [sflag:$0x6], $0x80, s21, s22, $0xb8;
	[tilespmem:$0x1F800] =	vst v63  }
0x135: {  	_ =	swait.ge [sflag:s18], $0x2800  }
0x136: {  	[sflag:s18] =	ssyncset.done $0x0  }
0x137: {  	s12 =	sadd.s32 $0x200, s19;
	[sflag:s18] =	ssyncadd.s32 $0xFFFFD800  }
0x138: {  	[tilespmem:s26], [sflag:$0x3] =	stream.indirect.gather [hbm4b:s1+s22], $0x80, s12, s22, $0xb8;
	[tilespmem:$0x1F800] =	vst v63  }
0x139: {  	_ =	swait.ge [sflag:s28], $0x2800  }
0x13a: {  	[sflag:s28] =	ssyncset.done $0x0  }
0x13b: {  	s13 =	sadd.s32 $0x2100, s19;
	[sflag:s28] =	ssyncadd.s32 $0xFFFFD800  }
0x13c: {  	[spmem:s3] =	stream.indirect.scatter.add.f32 [tilespmem:s23], [sflag:$0x6], $0x80, s13, s22, $0xb8;
	[tilespmem:$0x1F800] =	vst v63  }
0x13d: {  	_ =	swait.ge [sflag:s18], $0x2800  }
0x13e: {  	[sflag:s18] =	ssyncset.done $0x0  }
0x13f: {  	[sflag:s18] =	ssyncadd.s32 $0xFFFFD800  }
0x140: {  	_ =	swait.ge [sflag:s31], $0x1000  }
0x141: {  	[sflag:s31] =	ssyncset.done $0x0  }
0x142: {  	[sflag:s31] =	ssyncadd.s32 $0xFFFFF000  }
0x143: {  	_ =	swait.ge [sflag:s0], $0x1000  }
0x144: {  	[sflag:s0] =	ssyncset.done $0x0  }
0x145: {  	[sflag:s0] =	ssyncadd.s32 $0xFFFFF000  }
0x146: {  	[tilespmem:s23], [sflag:$0x1] =	stream.indirect.gather [hbm4b:s1+s22], $0x80, s20, s22, $0xb8;
	[tilespmem:$0x1F800] =	vst v63  }
0x147: {  	_ =	swait.ge [sflag:s29], $0x2800  }
0x148: {  	[sflag:s29] =	ssyncset.done $0x0  }
0x149: {  	[sflag:s29] =	ssyncadd.s32 $0xFFFFD800  }
0x14a: {  	[spmem:s3] =	stream.indirect.scatter.add.f32 [tilespmem:s25], [sflag:$0x6], $0x80, s2, s22, $0xb8;
	[tilespmem:$0x1F800] =	vst v63  }
0x14b: {  	_ =	swait.ge [sflag:s18], $0x2800  }
0x14c: {  	[sflag:s18] =	ssyncset.done $0x0  }
0x14d: {  	[sflag:s18] =	ssyncadd.s32 $0xFFFFD800  }
0x14e: {  	[tilespmem:s25], [sflag:$0x2] =	stream.indirect.gather [hbm4b:s1+s22], $0x80, s5, s22, $0xb8;
	[tilespmem:$0x1F800] =	vst v63  }
0x14f: {  	_ =	swait.ge [sflag:s30], $0x2800  }
0x150: {  	[sflag:s30] =	ssyncset.done $0x0  }
0x151: {  	[sflag:s30] =	ssyncadd.s32 $0xFFFFD800  }
0x152: {  	[spmem:s3] =	stream.indirect.scatter.add.f32 [tilespmem:s26], [sflag:$0x6], $0x80, s7, s22, $0xb8;
	[tilespmem:$0x1F800] =	vst v63  }
0x153: {  	_ =	swait.ge [sflag:s18], $0x2800  }
0x154: {  	[sflag:s18] =	ssyncset.done $0x0  }
0x155: {  	s19 =	simm.s32 $0x1100;
	[sflag:s18] =	ssyncadd.s32 $0xFFFFD800  }
0x156: {  	[tilespmem:s26], [sflag:$0x3] =	stream.indirect.gather [hbm4b:s1+s22], $0x80, s19, s22, $0xb8;
	[tilespmem:$0x1F800] =	vst v63  }
0x157: {  	_ =	swait.ge [sflag:s28], $0x2800  }
0x158: {  	[sflag:s28] =	ssyncset.done $0x0  }
0x159: {  	s21 =	simm.s32 $0x3000;
	[sflag:s28] =	ssyncadd.s32 $0xFFFFD800  }
0x15a: {  	[spmem:s3] =	stream.indirect.scatter.add.f32 [tilespmem:s23], [sflag:$0x6], $0x80, s21, s22, $0xb8;
	[tilespmem:$0x1F800] =	vst v63  }
0x15b: {  	_ =	swait.ge [sflag:s18], $0x2800  }
0x15c: {  	[sflag:s18] =	ssyncset.done $0x0  }
0x15d: {  	s12 =	simm.s32 $0x1180;
	[sflag:s18] =	ssyncadd.s32 $0xFFFFD800  }
0x15e: {  	[tilespmem:s23], [sflag:$0x1] =	stream.indirect.gather [hbm4b:s1+s22], $0x80, s12, s22, $0xb8;
	[tilespmem:$0x1F800] =	vst v63  }
0x15f: {  	_ =	swait.ge [sflag:s29], $0x2800  }
0x160: {  	[sflag:s29] =	ssyncset.done $0x0  }
0x161: {  	s13 =	simm.s32 $0x3080;
	[sflag:s29] =	ssyncadd.s32 $0xFFFFD800  }
0x162: {  	[spmem:s3] =	stream.indirect.scatter.add.f32 [tilespmem:s25], [sflag:$0x6], $0x80, s13, s22, $0xb8;
	[tilespmem:$0x1F800] =	vst v63  }
0x163: {  	_ =	swait.ge [sflag:s18], $0x2800  }
0x164: {  	[sflag:s18] =	ssyncset.done $0x0  }
0x165: {  	s19 =	simm.s32 $0x1200;
	[sflag:s18] =	ssyncadd.s32 $0xFFFFD800  }
0x166: {  	[tilespmem:s25], [sflag:$0x2] =	stream.indirect.gather [hbm4b:s1+s22], $0x80, s19, s22, $0xb8;
	[tilespmem:$0x1F800] =	vst v63  }
0x167: {  	_ =	swait.ge [sflag:s30], $0x2800  }
0x168: {  	[sflag:s30] =	ssyncset.done $0x0  }
0x169: {  	s21 =	simm.s32 $0x3100;
	[sflag:s30] =	ssyncadd.s32 $0xFFFFD800  }
0x16a: {  	[spmem:s3] =	stream.indirect.scatter.add.f32 [tilespmem:s26], [sflag:$0x6], $0x80, s21, s22, $0xb8;
	[tilespmem:$0x1F800] =	vst v63  }
0x16b: {  	_ =	swait.ge [sflag:s18], $0x2800  }
0x16c: {  	s19 =	simm.s32 $0x180;
	s21 =	simm.s32 $0xC00;
	[sflag:s18] =	ssyncset.done $0x0  }
.LBB2_8:
0x16d: {  	s11 =	sadd.s32 $0x1100, s19  }
0x16e: {  	[sflag:s18] =	ssyncadd.s32 $0xFFFFD800;
	s12 =	smov.u32 s21;
	s13 =	sadd.s32 $0x600, s21  }
0x16f: {  	[tilespmem:s26], [sflag:$0x3] =	stream.indirect.gather [hbm4b:s1+s22], $0x80, s11, s22, $0xb8;
	[tilespmem:$0x1F800] =	vst v63  }
0x170: {  	p0 =	sne.s32 s21, $0x3600;
	_ =	swait.ge [sflag:s28], $0x2800  }
0x171: {  	[sflag:s28] =	ssyncset.done $0x0  }
0x172: {  	s11 =	sadd.s32 $0x3000, s19;
	[sflag:s28] =	ssyncadd.s32 $0xFFFFD800  }
0x173: {  	[spmem:s3] =	stream.indirect.scatter.add.f32 [tilespmem:s23], [sflag:$0x6], $0x80, s11, s22, $0xb8;
	[tilespmem:$0x1F800] =	vst v63  }
0x174: {  	_ =	swait.ge [sflag:s18], $0x2800  }
0x175: {  	[sflag:s18] =	ssyncset.done $0x0  }
0x176: {  	s11 =	sadd.s32 $0x1180, s19;
	[sflag:s18] =	ssyncadd.s32 $0xFFFFD800  }
0x177: {  	[tilespmem:s23], [sflag:$0x1] =	stream.indirect.gather [hbm4b:s1+s22], $0x80, s11, s22, $0xb8;
	[tilespmem:$0x1F800] =	vst v63  }
0x178: {  	_ =	swait.ge [sflag:s29], $0x2800  }
0x179: {  	[sflag:s29] =	ssyncset.done $0x0  }
0x17a: {  	s11 =	sadd.s32 $0x3080, s19;
	[sflag:s29] =	ssyncadd.s32 $0xFFFFD800  }
0x17b: {  	[spmem:s3] =	stream.indirect.scatter.add.f32 [tilespmem:s25], [sflag:$0x6], $0x80, s11, s22, $0xb8;
	[tilespmem:$0x1F800] =	vst v63  }
0x17c: {  	_ =	swait.ge [sflag:s18], $0x2800  }
0x17d: {  	[sflag:s18] =	ssyncset.done $0x0  }
0x17e: {  	s11 =	sadd.s32 $0x1200, s19;
	[sflag:s18] =	ssyncadd.s32 $0xFFFFD800  }
0x17f: {  	[tilespmem:s25], [sflag:$0x2] =	stream.indirect.gather [hbm4b:s1+s22], $0x80, s11, s22, $0xb8;
	[tilespmem:$0x1F800] =	vst v63  }
0x180: {  	_ =	swait.ge [sflag:s30], $0x2800  }
.Ltmp3:
0x181: {  	[sflag:s30] =	ssyncset.done $0x0;
	(pc) =	sbr.rel @p0 .LBB2_8-.Ltmp3, $4  }
0x182: {  	s11 =	sadd.s32 $0x3100, s19;
	[sflag:s30] =	ssyncadd.s32 $0xFFFFD800  }
0x183: {  	[spmem:s3] =	stream.indirect.scatter.add.f32 [tilespmem:s26], [sflag:$0x6], $0x80, s11, s22, $0xb8;
	[tilespmem:$0x1F800] =	vst v63  }
0x184: {  	_ =	swait.ge [sflag:s18], $0x2800  }
0x185: {  	s21 =	smov.u32 s13;
	s19 =	sshra.s32 s12, $0x2;
	[sflag:s18] =	ssyncset.done $0x0  }
0x186: {  	s11 =	sadd.s32 $0x1100, s19;
	[sflag:s18] =	ssyncadd.s32 $0xFFFFD800  }
0x187: {  	[tilespmem:s26], [sflag:$0x3] =	stream.indirect.gather [hbm4b:s1+s22], $0x80, s11, s22, $0xb8;
	[tilespmem:$0x1F800] =	vst v63  }
0x188: {  	_ =	swait.ge [sflag:s28], $0x2800  }
0x189: {  	[sflag:s28] =	ssyncset.done $0x0  }
0x18a: {  	s13 =	sadd.s32 $0x3000, s19;
	[sflag:s28] =	ssyncadd.s32 $0xFFFFD800  }
0x18b: {  	[spmem:s3] =	stream.indirect.scatter.add.f32 [tilespmem:s23], [sflag:$0x6], $0x80, s13, s22, $0xb8;
	[tilespmem:$0x1F800] =	vst v63  }
0x18c: {  	_ =	swait.ge [sflag:s18], $0x2800  }
0x18d: {  	[sflag:s18] =	ssyncset.done $0x0  }
0x18e: {  	s21 =	sadd.s32 $0x1180, s19;
	[sflag:s18] =	ssyncadd.s32 $0xFFFFD800  }
0x18f: {  	[tilespmem:s23], [sflag:$0x1] =	stream.indirect.gather [hbm4b:s1+s22], $0x80, s21, s22, $0xb8;
	[tilespmem:$0x1F800] =	vst v63  }
0x190: {  	_ =	swait.ge [sflag:s29], $0x2800  }
0x191: {  	[sflag:s29] =	ssyncset.done $0x0  }
0x192: {  	s12 =	sadd.s32 $0x3080, s19;
	[sflag:s29] =	ssyncadd.s32 $0xFFFFD800  }
0x193: {  	[spmem:s3] =	stream.indirect.scatter.add.f32 [tilespmem:s25], [sflag:$0x6], $0x80, s12, s22, $0xb8;
	[tilespmem:$0x1F800] =	vst v63  }
0x194: {  	_ =	swait.ge [sflag:s18], $0x2800  }
0x195: {  	[sflag:s18] =	ssyncset.done $0x0  }
0x196: {  	s13 =	sadd.s32 $0x1200, s19;
	[sflag:s18] =	ssyncadd.s32 $0xFFFFD800  }
0x197: {  	[tilespmem:s25], [sflag:$0x2] =	stream.indirect.gather [hbm4b:s1+s22], $0x80, s13, s22, $0xb8;
	[tilespmem:$0x1F800] =	vst v63  }
0x198: {  	_ =	swait.ge [sflag:s30], $0x2800  }
0x199: {  	[sflag:s30] =	ssyncset.done $0x0  }
0x19a: {  	s21 =	sadd.s32 $0x3100, s19;
	[sflag:s30] =	ssyncadd.s32 $0xFFFFD800  }
0x19b: {  	[spmem:s3] =	stream.indirect.scatter.add.f32 [tilespmem:s26], [sflag:$0x6], $0x80, s21, s22, $0xb8;
	[tilespmem:$0x1F800] =	vst v63  }
0x19c: {  	_ =	swait.ge [sflag:s18], $0x2800  }
0x19d: {  	[sflag:s18] =	ssyncset.done $0x0  }
0x19e: {  	[sflag:s18] =	ssyncadd.s32 $0xFFFFD800  }
0x19f: {  	_ =	swait.ge [sflag:s28], $0x2800  }
0x1a0: {  	[sflag:s28] =	ssyncset.done $0x0  }
0x1a1: {  	[sflag:s28] =	ssyncadd.s32 $0xFFFFD800  }
0x1a2: {  	[spmem:s3] =	stream.indirect.scatter.add.f32 [tilespmem:s23], [sflag:$0x6], $0x80, s8, s22, $0xb8;
	[tilespmem:$0x1F800] =	vst v63  }
0x1a3: {  	_ =	swait.ge [sflag:s18], $0x2800  }
0x1a4: {  	[sflag:s18] =	ssyncset.done $0x0  }
0x1a5: {  	[sflag:s18] =	ssyncadd.s32 $0xFFFFD800  }
0x1a6: {  	_ =	swait.ge [sflag:s29], $0x2800  }
0x1a7: {  	[sflag:s29] =	ssyncset.done $0x0  }
0x1a8: {  	[sflag:s29] =	ssyncadd.s32 $0xFFFFD800  }
0x1a9: {  	[spmem:s3] =	stream.indirect.scatter.add.f32 [tilespmem:s25], [sflag:$0x6], $0x80, s9, s22, $0xb8;
	[tilespmem:$0x1F800] =	vst v63  }
0x1aa: {  	_ =	swait.ge [sflag:s18], $0x2800  }
0x1ab: {  	s10 =	sadd.s32 $0x1, s10;
	[sflag:s18] =	ssyncset.done $0x0  }
0x1ac: {  	p0 =	sne.s32 s10, s16;
	[sflag:s18] =	ssyncadd.s32 $0xFFFFD800  }
.Ltmp4:
0x1ad: {  	[bflag:$0x0] =	sbarrier.arrive $0xFFFF;
	(pc) =	sbr.rel @p0 .LBB2_1-.Ltmp4, $4  }
0x1ae: {  	[hbm:s15], [sflag:s6] =	dma.local [spmem:s17], $0x2800  }
0x1af: {  	_ =	swait.ge [sflag:s18], $0x2800  }
0x1b0: {  	[sflag:s18] =	ssyncset.done $0x0  }
0x1b1: {  	[sflag:s18] =	ssyncadd.s32 $0xFFFFD800  }
0x1b2: {  	_ =	sfence.sel $0x180000  }
0x1b3: {  	[bflag:$0x0] =	sbarrier.arrive $0xFFFF  }
0x1b4: {  	_ =	strace $0x9000004A  }
0x1b5: {  	s0 =	stileid.u32;
	[bflag:$0x2] =	sbarrier.arrive $0xFFFF  }
0x1b6: {  	p0 =	sne.s32 s0, $0x0;
	s0 =	rddreg [dreg:$0x4]  }
0x1b7: {  	s0 =	sadd.s32 @!p0 $0x100000, s0  }
0x1b8: {  	[sflag:s0] =	ssyncadd.tile.s32 @!p0 $0x1;
	_ =	shalt  }
.Lfunc_end2:
_tile_overlayer_lowered:
.L_overlay_start_2:
0x1b9: {  	(tag) =	ssettag $0x2  }
0x1ba: {  	s0 =	rddreg [dreg:$0x0];
	s2 =	stileid.u32  }
0x1bb: {  	s1 =	rddreg [dreg:$0x1];
	p0 =	sne.s32 s2, $0x0  }
0x1bc: {  	s3 =	rddreg [dreg:$0x2];
	[bflag:$0x3] =	sbarrier.arrive $0xFFFF;
	s2 =	simm.s32 @!p0 $0x1C06  }
0x1bd: {  	[timem:s3], [sflag:s2] =	dma.local @!p0 [hbm:s0], s1  }
0x1be: {  	s0 =	simm.s32 @!p0 $0x6  }
0x1bf: {  	_ =	swait.ge @!p0 [sflag:s0], s1  }
0x1c0: {  	s1 =	ssub.s32 @!p0 $0x0, s1;
	[sflag:s0] =	ssyncset.done @!p0 $0x0  }
0x1c1: {  	[sflag:s0] =	ssyncadd.s32 @!p0 s1  }
0x1c2: {  	[bflag:$0x3] =	sbarrier.arrive $0xFFFF  }
0x1c3: {  	_ =	shalt  }

</sc_bundles>
